<compile_context>
chip_gen: v7x
topology: tpu7x:2x2x1
jax: 0.10.2.dev20260603
libtpu: 0.0.44.dev20260713+nightly
codegen_flags: <defaults>
</compile_context>

<pallas_src>
import functools

import jax
import jax.numpy as jnp
import numpy as np
from jax.experimental import pallas as pl
from jax.experimental.pallas import tpu as pltpu
from jax.experimental.pallas import tpu_sc as plsc

NB = 4
N0 = 4096
IN_CH = 6
M1, M1P = 819, 1024
M2, M2P = 204, 256
KNB = 64
PADV = 1e9
NEGINF = float('-inf')
POSINF = float('inf')



def _fps_kern(pos_ref, out_ref, *, n, m, mp):
    c8 = pos_ref.shape[3]
    px = pos_ref[0, 0]
    py = pos_ref[0, 1]
    pz = pos_ref[0, 2]
    li = (jax.lax.broadcasted_iota(jnp.int32, (8, c8), 0) * c8
          + jax.lax.broadcasted_iota(jnp.int32, (8, c8), 1))
    mind0 = jnp.where(li < n, POSINF, NEGINF)
    acc0 = jnp.zeros((1, mp), jnp.int32)
    ji = jax.lax.broadcasted_iota(jnp.int32, (1, mp), 1)
    bigi = jnp.int32(2 ** 30)

    def body(i, st):
        mind, acc = st
        mx = jnp.max(mind)
        far = jnp.min(jnp.where(mind == mx, li, bigi))
        sel = li == far
        qx = jnp.sum(jnp.where(sel, px, 0.0))
        qy = jnp.sum(jnp.where(sel, py, 0.0))
        qz = jnp.sum(jnp.where(sel, pz, 0.0))
        dx = px - qx
        dy = py - qy
        dz = pz - qz
        d = (dx * dx + dy * dy) + dz * dz
        mind = jnp.minimum(mind, d)
        acc = jnp.where(ji == i, far, acc)
        return mind, acc

    _, acc = jax.lax.fori_loop(0, m, body, (mind0, acc0))
    out_ref[0] = acc


def _fps(pos4, n, m, mp):
    c8 = pos4.shape[3]
    out = pl.pallas_call(
        functools.partial(_fps_kern, n=n, m=m, mp=mp),
        grid=(NB,),
        in_specs=[pl.BlockSpec((1, 3, 8, c8), lambda b: (b, 0, 0, 0))],
        out_specs=pl.BlockSpec((1, 1, mp), lambda b: (b, 0, 0)),
        out_shape=jax.ShapeDtypeStruct((NB, 1, mp), jnp.int32),
    )(pos4)
    return out[:, 0, :m]




def _nbr_kern(ps_ref, pd_ref, nbr_ref, vm_ref, *, r2, kk):
    ns = ps_ref.shape[2]
    bd = pd_ref.shape[1]
    sx = ps_ref[0, 0:1, :]
    sy = ps_ref[0, 1:2, :]
    sz = ps_ref[0, 2:3, :]
    pd = pd_ref[0]
    ddx = pd[:, 0:1] - sx
    ddy = pd[:, 1:2] - sy
    ddz = pd[:, 2:3] - sz
    d2 = (ddx * ddx + ddy * ddy) + ddz * ddz
    ci = jax.lax.broadcasted_iota(jnp.int32, (bd, ns), 1)
    cj = jax.lax.broadcasted_iota(jnp.int32, (bd, kk), 1)
    bigi = jnp.int32(2 ** 30)
    work0 = jnp.where(d2 <= r2, d2, POSINF)
    nbr0 = jnp.zeros((bd, kk), jnp.int32)
    dv0 = jnp.full((bd, kk), POSINF, jnp.float32)

    def body(j, st):
        work, nbr, dv = st
        v = jnp.min(work, axis=1, keepdims=True)
        a = jnp.min(jnp.where(work == v, ci, bigi), axis=1, keepdims=True)
        nbr = jnp.where(cj == j, a, nbr)
        dv = jnp.where(cj == j, v, dv)
        work = jnp.where(ci == a, POSINF, work)
        return work, nbr, dv

    _, nbr, dv = jax.lax.fori_loop(0, kk, body, (work0, nbr0, dv0))
    valid = dv <= r2
    nbr_ref[0] = jnp.where(valid, nbr, 0)
    vm_ref[0] = jnp.where(valid, 0.0, NEGINF)


def _nbr(ps, pd, r2, bd):
    mp = pd.shape[1]
    ns = ps.shape[2]
    grid = (NB, mp // bd)
    return pl.pallas_call(
        functools.partial(_nbr_kern, r2=r2, kk=KNB),
        grid=grid,
        in_specs=[pl.BlockSpec((1, 3, ns), lambda b, i: (b, 0, 0)),
                  pl.BlockSpec((1, bd, 3), lambda b, i: (b, i, 0))],
        out_specs=[pl.BlockSpec((1, bd, KNB), lambda b, i: (b, i, 0)),
                   pl.BlockSpec((1, bd, KNB), lambda b, i: (b, i, 0))],
        out_shape=[jax.ShapeDtypeStruct((NB, mp, KNB), jnp.int32),
                   jax.ShapeDtypeStruct((NB, mp, KNB), jnp.float32)],
    )(ps, pd)




def _sc_gather(table, idx, chunk, nch):
    vv, dd = table.shape
    bi = idx.shape[0]
    mesh = plsc.VectorSubcoreMesh(core_axis_name="c", subcore_axis_name="s")

    @functools.partial(
        pl.kernel, mesh=mesh,
        out_type=jax.ShapeDtypeStruct((bi, dd), jnp.float32),
        scratch_types=[pltpu.VMEM((chunk,), jnp.int32),
                       pltpu.VMEM((chunk, dd), jnp.float32),
                       pltpu.SemaphoreType.DMA],
    )
    def k(table_hbm, idx_hbm, out_hbm, idx_v, rows_v, sem):
        wid = jax.lax.axis_index("s") * 2 + jax.lax.axis_index("c")
        base = wid * (chunk * nch)
        for c in range(nch):
            off = base + c * chunk
            pltpu.sync_copy(idx_hbm.at[pl.ds(off, chunk)], idx_v)
            pltpu.async_copy(table_hbm.at[idx_v], rows_v, sem).wait()
            pltpu.sync_copy(rows_v, out_hbm.at[pl.ds(off, chunk)])

    return k(table, idx)




def _sa_mlp_kern(g_ref, pd_ref, vm_ref, w1_ref, w1r_ref, b1_ref, w2_ref,
                 b2_ref, w3_ref, b3_ref, out_ref, *, kk):
    bd = pd_ref.shape[1]
    g = g_ref[0]
    corr = jnp.dot(pd_ref[0], w1r_ref[...],
                   preferred_element_type=jnp.float32)
    h = jnp.dot(g, w1_ref[...], preferred_element_type=jnp.float32)
    h1 = h.reshape(bd, kk, -1) - corr[:, None, :] + b1_ref[...][None]
    h1 = jnp.maximum(h1, 0.0).reshape(bd * kk, -1)
    h2 = jnp.maximum(
        jnp.dot(h1, w2_ref[...], preferred_element_type=jnp.float32)
        + b2_ref[...], 0.0)
    h3 = jnp.maximum(
        jnp.dot(h2, w3_ref[...], preferred_element_type=jnp.float32)
        + b3_ref[...], 0.0)
    h3 = h3 + vm_ref[0]
    out_ref[0] = jnp.max(h3.reshape(bd, kk, -1), axis=1)


def _sa_mlp(g, pdp, vmf, prm, cin, dp, bd):
    (w1, b1), (w2, b2), (w3, b3) = prm
    h1 = w1.shape[1]
    h3 = w3.shape[1]
    mp = pdp.shape[1]
    w1p = jnp.zeros((dp, h1), jnp.float32).at[: cin + 3].set(w1)
    w1r = w1[cin: cin + 3]
    grid = (NB, mp // bd)
    return pl.pallas_call(
        functools.partial(_sa_mlp_kern, kk=KNB),
        grid=grid,
        in_specs=[
            pl.BlockSpec((1, bd * KNB, dp), lambda b, i: (b, i, 0)),
            pl.BlockSpec((1, bd, 3), lambda b, i: (b, i, 0)),
            pl.BlockSpec((1, bd * KNB, 1), lambda b, i: (b, i, 0)),
            pl.BlockSpec(w1p.shape, lambda b, i: (0, 0)),
            pl.BlockSpec(w1r.shape, lambda b, i: (0, 0)),
            pl.BlockSpec((1, h1), lambda b, i: (0, 0)),
            pl.BlockSpec(w2.shape, lambda b, i: (0, 0)),
            pl.BlockSpec((1, w2.shape[1]), lambda b, i: (0, 0)),
            pl.BlockSpec(w3.shape, lambda b, i: (0, 0)),
            pl.BlockSpec((1, h3), lambda b, i: (0, 0)),
        ],
        out_specs=pl.BlockSpec((1, bd, h3), lambda b, i: (b, i, 0)),
        out_shape=jax.ShapeDtypeStruct((NB, mp, h3), jnp.float32),
    )(g, pdp, vmf, w1p, w1r, b1[None], w2, b2[None], w3, b3[None])




def _knn3_kern(ps_ref, pd_ref, nbr_ref, wn_ref):
    ns = ps_ref.shape[2]
    md = pd_ref.shape[1]
    pd = pd_ref[0]
    ddx = pd[:, 0:1] - ps_ref[0, 0:1, :]
    ddy = pd[:, 1:2] - ps_ref[0, 1:2, :]
    ddz = pd[:, 2:3] - ps_ref[0, 2:3, :]
    work = (ddx * ddx + ddy * ddy) + ddz * ddz
    ci = jax.lax.broadcasted_iota(jnp.int32, (md, ns), 1)
    bigi = jnp.int32(2 ** 30)
    avals = []
    wvals = []
    for _ in range(3):
        v = jnp.min(work, axis=1, keepdims=True)
        a = jnp.min(jnp.where(work == v, ci, bigi), axis=1, keepdims=True)
        work = jnp.where(ci == a, POSINF, work)
        avals.append(a)
        wvals.append(1.0 / jnp.maximum(v, 1e-16))
    tot = (wvals[0] + wvals[1]) + wvals[2]
    for s in range(3):
        nbr_ref[0, :, s: s + 1] = avals[s]
        wn_ref[0, :, s: s + 1] = wvals[s] / tot


def _knn3(ps, pdp):
    ns = ps.shape[2]
    md = pdp.shape[1]
    return pl.pallas_call(
        _knn3_kern,
        grid=(NB,),
        in_specs=[pl.BlockSpec((1, 3, ns), lambda b: (b, 0, 0)),
                  pl.BlockSpec((1, md, 3), lambda b: (b, 0, 0))],
        out_specs=[pl.BlockSpec((1, md, 3), lambda b: (b, 0, 0)),
                   pl.BlockSpec((1, md, 3), lambda b: (b, 0, 0))],
        out_shape=[jax.ShapeDtypeStruct((NB, md, 3), jnp.int32),
                   jax.ShapeDtypeStruct((NB, md, 3), jnp.float32)],
    )(ps, pdp)




def _mlp_chain(h, wb_refs, relu_flags):
    nl = len(relu_flags)
    for i in range(nl):
        w = wb_refs[2 * i][...]
        b = wb_refs[2 * i + 1][...]
        h = jnp.dot(h, w, preferred_element_type=jnp.float32) + b
        if relu_flags[i]:
            h = jnp.maximum(h, 0.0)
    return h


def _mlp_rows_kern(x_ref, *args, relu_flags):
    out_ref = args[-1]
    out_ref[0] = _mlp_chain(x_ref[0], args[:-1], relu_flags)


def _mlp_rows(x, prm, bd, relu_flags=None):
    nl = len(prm)
    if relu_flags is None:
        relu_flags = [True] * nl
    mp = x.shape[1]
    cin = x.shape[2]
    hout = prm[-1][0].shape[1]
    wb = []
    specs = [pl.BlockSpec((1, bd, cin), lambda b, i: (b, i, 0))]
    for (w, b) in prm:
        wb += [w, b[None]]
        specs.append(pl.BlockSpec(w.shape, lambda b, i: (0, 0)))
        specs.append(pl.BlockSpec((1, w.shape[1]), lambda b, i: (0, 0)))
    return pl.pallas_call(
        functools.partial(_mlp_rows_kern, relu_flags=tuple(relu_flags)),
        grid=(NB, mp // bd),
        in_specs=specs,
        out_specs=pl.BlockSpec((1, bd, hout), lambda b, i: (b, i, 0)),
        out_shape=jax.ShapeDtypeStruct((NB, mp, hout), jnp.float32),
    )(x, *wb)


def _mlp_max_kern(x_ref, *args, relu_flags, nvalid):
    out_ref = args[-1]
    h = _mlp_chain(x_ref[0], args[:-1], relu_flags)
    ri = jax.lax.broadcasted_iota(jnp.int32, h.shape, 0)
    h = jnp.where(ri < nvalid, h, NEGINF)
    out_ref[0] = jnp.max(h, axis=0, keepdims=True)


def _mlp_max(x, prm, nvalid):
    nl = len(prm)
    mp = x.shape[1]
    cin = x.shape[2]
    hout = prm[-1][0].shape[1]
    wb = []
    specs = [pl.BlockSpec((1, mp, cin), lambda b: (b, 0, 0))]
    for (w, b) in prm:
        wb += [w, b[None]]
        specs.append(pl.BlockSpec(w.shape, lambda b: (0, 0)))
        specs.append(pl.BlockSpec((1, w.shape[1]), lambda b: (0, 0)))
    return pl.pallas_call(
        functools.partial(_mlp_max_kern, relu_flags=(True,) * nl,
                          nvalid=nvalid),
        grid=(NB,),
        in_specs=specs,
        out_specs=pl.BlockSpec((1, 1, hout), lambda b: (b, 0, 0)),
        out_shape=jax.ShapeDtypeStruct((NB, 1, hout), jnp.float32),
    )(x, *wb)


def _interp_mlp_kern(xg_ref, wn_ref, skip_ref, *args, relu_flags):
    out_ref = args[-1]
    bd = wn_ref.shape[1]
    cc = xg_ref.shape[2]
    xg = xg_ref[0].reshape(bd, 3, cc)
    wn = wn_ref[0]
    y = (xg[:, 0, :] * wn[:, 0:1] + xg[:, 1, :] * wn[:, 1:2]) \
        + xg[:, 2, :] * wn[:, 2:3]
    h = jnp.concatenate([y, skip_ref[0]], axis=1)
    out_ref[0] = _mlp_chain(h, args[:-1], relu_flags)


def _interp_mlp(xg, wn, skip, prm, bd, relu_flags=None):
    nl = len(prm)
    if relu_flags is None:
        relu_flags = [True] * nl
    mp = wn.shape[1]
    cc = xg.shape[2]
    cs = skip.shape[2]
    hout = prm[-1][0].shape[1]
    wb = []
    specs = [pl.BlockSpec((1, bd * 3, cc), lambda b, i: (b, i, 0)),
             pl.BlockSpec((1, bd, 3), lambda b, i: (b, i, 0)),
             pl.BlockSpec((1, bd, cs), lambda b, i: (b, i, 0))]
    for (w, b) in prm:
        wb += [w, b[None]]
        specs.append(pl.BlockSpec(w.shape, lambda b, i: (0, 0)))
        specs.append(pl.BlockSpec((1, w.shape[1]), lambda b, i: (0, 0)))
    return pl.pallas_call(
        functools.partial(_interp_mlp_kern, relu_flags=tuple(relu_flags)),
        grid=(NB, mp // bd),
        in_specs=specs,
        out_specs=pl.BlockSpec((1, bd, hout), lambda b, i: (b, i, 0)),
        out_shape=jax.ShapeDtypeStruct((NB, mp, hout), jnp.float32),
    )(xg, wn, skip, *wb)




def _pad_rows(a, mp, val):
    b, m, c = a.shape
    if m == mp:
        return a
    return jnp.concatenate(
        [a, jnp.full((b, mp - m, c), val, a.dtype)], axis=1)


def kernel(x, pos, batch, params):
    r2_1 = 0.2 * 0.2
    r2_2 = 0.4 * 0.4
    boff = jnp.arange(NB, dtype=jnp.int32)[:, None, None]

    x0 = x.reshape(NB, N0, IN_CH)
    p0 = pos.reshape(NB, N0, 3)
    p0t = jnp.transpose(p0, (0, 2, 1))

    idx1 = _fps(p0t.reshape(NB, 3, 8, N0 // 8), N0, M1, M1P)
    p1 = jnp.take_along_axis(p0, idx1[:, :, None], axis=1)
    p1p = _pad_rows(p1, M1P, PADV)
    nbr1, vm1 = _nbr(p0t, p1p, r2_1, bd=256)
    t1 = jnp.concatenate(
        [x0, p0, jnp.zeros((NB, N0, 119), jnp.float32)], axis=2)
    g1 = _sc_gather(t1.reshape(NB * N0, 128),
                    (nbr1 + boff * N0).reshape(-1), 512, 16)
    x1 = _sa_mlp(g1.reshape(NB, M1P * KNB, 128), p1p,
                 vm1.reshape(NB, M1P * KNB, 1),
                 params['sa1'], cin=IN_CH, dp=128, bd=128)

    p1pt = jnp.transpose(p1p, (0, 2, 1))
    idx2 = _fps(p1pt.reshape(NB, 3, 8, M1P // 8), M1, M2, M2P)
    p2 = jnp.take_along_axis(p1, idx2[:, :, None], axis=1)
    p2p = _pad_rows(p2, M2P, PADV)
    nbr2, vm2 = _nbr(p1pt, p2p, r2_2, bd=256)
    t2 = jnp.concatenate(
        [x1, p1p, jnp.zeros((NB, M1P, 125), jnp.float32)], axis=2)
    g2 = _sc_gather(t2.reshape(NB * M1P, 256),
                    (nbr2 + boff * M1P).reshape(-1), 256, 8)
    x2 = _sa_mlp(g2.reshape(NB, M2P * KNB, 256), p2p,
                 vm2.reshape(NB, M2P * KNB, 1),
                 params['sa2'], cin=128, dp=256, bd=128)

    x3 = _mlp_max(jnp.concatenate([x2, p2p], axis=2), params['sa3'],
                  nvalid=M2)
    y2 = _mlp_rows(
        jnp.concatenate([jnp.broadcast_to(x3, (NB, M2P, x3.shape[2])), x2],
                        axis=2),
        params['fp3'], bd=M2P)

    p2pt = jnp.transpose(p2p, (0, 2, 1))
    nbr3a, wn3a = _knn3(p2pt, p1p)
    xka = _sc_gather(y2.reshape(NB * M2P, 256),
                     (nbr3a + boff * M2P).reshape(-1), 128, 3)
    y1 = _interp_mlp(xka.reshape(NB, M1P * 3, 256), wn3a, x1,
                     params['fp2'], bd=256)

    nbr3b, wn3b = _knn3(p1pt, p0)
    xkb = _sc_gather(y1.reshape(NB * M1P, 128),
                     (nbr3b + boff * M1P).reshape(-1), 512, 3)
    out = _interp_mlp(xkb.reshape(NB, N0 * 3, 128), wn3b, x0,
                      params['fp1'] + params['head'], bd=512,
                      relu_flags=[True] * 5 + [False])
    return out.reshape(NB * N0, 13)

# --- scband reference (transcript-rebuilt; emitter-appended) ---
"""Pipeline reference for scband-point-net2-segmentation-34239479284301 (READ-ONLY COPY).

The authoritative reference and input builder live on the scoring server;
editing this copy changes nothing except your own understanding.
"""

import jax, jax.numpy as jnp
import numpy as np

B = 4
N_PER = 4096
IN_CH = 6
OUT_CH = 13

def _init_mlp(key, dims):
    params = []
    for i in range(len(dims) - 1):
        key, k1 = jax.random.split(key)
        W = jax.random.normal(k1, (dims[i], dims[i + 1]), dtype=jnp.float32) * np.sqrt(2.0 / dims[i])
        b = jnp.zeros((dims[i + 1],), dtype=jnp.float32)
        params.append((W, b))
    return params

def _mlp(params, h, plain_last=False):
    n = len(params)
    for i, (W, b) in enumerate(params):
        h = h @ W + b
        if not (plain_last and i == n - 1):
            h = jax.nn.relu(h)
    return h

def _fps_single(pos, m):
    mind0 = jnp.sum((pos - pos[0]) ** 2, axis=-1)
    idxs0 = jnp.zeros((m,), dtype=jnp.int32)
    def body(i, state):
        idxs, mind = state
        far = jnp.argmax(mind).astype(jnp.int32)
        idxs = idxs.at[i].set(far)
        d = jnp.sum((pos - pos[far]) ** 2, axis=-1)
        return (idxs, jnp.minimum(mind, d))
    idxs, _ = jax.lax.fori_loop(1, m, body, (idxs0, mind0))
    return idxs

def _sa_module(x, pos, ratio, r, nn_params, max_nb=64):
    n = pos.shape[1]
    m = max(1, int(ratio * n))
    idx = jax.vmap(lambda p: _fps_single(jax.lax.stop_gradient(p), m))(pos)
    pos_dst = jax.vmap(lambda pb, ib: pb[ib])(pos, idx)
    d2 = jnp.sum((pos_dst[:, :, None, :] - pos[:, None, :, :]) ** 2, axis=-1)
    k = min(max_nb, n)
    neg = jnp.where(d2 <= r * r, -d2, -jnp.inf)
    vals, nbr = jax.lax.top_k(neg, k)
    valid = vals > -jnp.inf
    nbr = jnp.where(valid, nbr, 0)
    x_src = jax.vmap(lambda xb, nb: xb[nb])(x, nbr)
    pos_src = jax.vmap(lambda pb, nb: pb[nb])(pos, nbr)
    rel = pos_src - pos_dst[:, :, None, :]
    h = _mlp(nn_params, jnp.concatenate([x_src, rel], axis=-1))
    h = jnp.where(valid[..., None], h, -jnp.inf)
    return jnp.max(h, axis=2), pos_dst

def _knn_interpolate(x_src, pos_src, pos_dst, k):
    d2 = jnp.sum((pos_dst[:, :, None, :] - pos_src[:, None, :, :]) ** 2, axis=-1)
    kk = min(k, pos_src.shape[1])
    vals, ind = jax.lax.top_k(-d2, kk)
    w = 1.0 / jnp.maximum(-vals, 1e-16)
    xk = jax.vmap(lambda xb, ib: xb[ib])(x_src, ind)
    return jnp.sum(w[..., None] * xk, axis=2) / jnp.sum(w, axis=-1, keepdims=True)

def _forward(x, pos, params):
    x0 = x.reshape(B, N_PER, IN_CH)
    p0 = pos.reshape(B, N_PER, 3)
    x1, p1 = _sa_module(x0, p0, 0.2, 0.2, params['sa1'])
    x2, p2 = _sa_module(x1, p1, 0.25, 0.4, params['sa2'])
    h3 = _mlp(params['sa3'], jnp.concatenate([x2, p2], axis=-1))
    x3 = jnp.max(h3, axis=1, keepdims=True)
    p3 = jnp.zeros((B, 1, 3), dtype=pos.dtype)
    y = _knn_interpolate(x3, p3, p2, 1)
    y = _mlp(params['fp3'], jnp.concatenate([y, x2], axis=-1))
    y = _knn_interpolate(y, p2, p1, 3)
    y = _mlp(params['fp2'], jnp.concatenate([y, x1], axis=-1))
    y = _knn_interpolate(y, p1, p0, 3)
    y = _mlp(params['fp1'], jnp.concatenate([y, x0], axis=-1))
    out = _mlp(params['head'], y, plain_last=True)
    return out.reshape(B * N_PER, OUT_CH)

def setup_inputs(seed: int = 0):
    key = jax.random.key(seed)
    k1, k2, kp = jax.random.split(key, 3)
    x = jax.random.normal(k1, (B * N_PER, IN_CH), dtype=jnp.float32)
    pos = jax.random.uniform(k2, (B * N_PER, 3), dtype=jnp.float32)
    batch = jnp.repeat(jnp.arange(B, dtype=jnp.int32), N_PER)
    ks = jax.random.split(kp, 7)
    params = {
        'sa1': _init_mlp(ks[0], [IN_CH + 3, 64, 64, 128]),
        'sa2': _init_mlp(ks[1], [128 + 3, 128, 128, 256]),
        'sa3': _init_mlp(ks[2], [256 + 3, 256, 512, 1024]),
        'fp3': _init_mlp(ks[3], [1024 + 256, 256, 256]),
        'fp2': _init_mlp(ks[4], [256 + 128, 256, 128]),
        'fp1': _init_mlp(ks[5], [128 + IN_CH, 128, 128, 128]),
        'head': _init_mlp(ks[6], [128, 128, 128, OUT_CH]),
    }
    return {'x': x, 'pos': pos, 'batch': batch, 'params': params}

def reference(x, pos, batch, params):
    return _forward(x, pos, params)

if __name__ == "__main__":
    import jax
    _d = setup_inputs()
    print(jax.jit(kernel)(*tuple(_d.values())))

</pallas_src>

<mosaic_0001>
#map = affine_map<(d0, d1) -> (0, 0)>
#map1 = affine_map<(d0, d1) -> (0)>
module attributes {stable_mosaic.version = 14 : i64} {
  func.func @k(%arg0: i32, %arg1: i32, %arg2: memref<16384x128xf32, #tpu.memory_space<hbm>>, %arg3: memref<262144xi32, #tpu.memory_space<hbm>>, %arg4: memref<262144x128xf32, #tpu.memory_space<hbm>>, %arg5: memref<512xi32, #tpu.memory_space<vmem>>, %arg6: memref<512x128xf32, #tpu.memory_space<vmem>>, %arg7: memref<!tpu.dma_semaphore, #tpu.memory_space<semaphore_mem>>) attributes {dimension_semantics = [#tpu.dimension_semantics<core_parallel>, #tpu.dimension_semantics<subcore_parallel>], iteration_bounds = array<i64: 2, 16>, scalar_prefetch = 0 : i64, scratch_operands = 3 : i64, tpu.core_type = #tpu.core_type<sc_vector_subcore>, window_params = [{transform_indices = #map}, {transform_indices = #map1}, {transform_indices = #map}]} {
    %mul3A = arith.constant 2 : i32
    %mul3A_0 = arith.muli %arg1, %mul3A : i32
    %add3A = arith.addi %mul3A_0, %arg0 : i32
    %mul3A_1 = arith.constant 8192 : i32
    %mul3A_2 = arith.muli %add3A, %mul3A_1 : i32
    %add3A_3 = arith.constant 0 : i32
    %add3A_4 = arith.addi %mul3A_2, %add3A_3 : i32
    "tpu.region"() ({
      %run_scoped3A = tpu.sem_alloc : memref<!tpu.dma_semaphore, #tpu.memory_space<semaphore_mem>>
      %dma_start3A_129 = tpu.memref_slice %arg3[%add3A_4] : memref<262144xi32, #tpu.memory_space<hbm>> -> memref<512xi32, #tpu.memory_space<hbm>>
      %dma_start3A_130 = tpu.memref_slice %arg3[%add3A_4] : memref<262144xi32, #tpu.memory_space<hbm>> -> memref<512xi32, #tpu.memory_space<hbm>>
      tpu.enqueue_dma source(%dma_start3A_130 : memref<512xi32, #tpu.memory_space<hbm>>) target(%arg5 : memref<512xi32, #tpu.memory_space<vmem>>) target_semaphore(%run_scoped3A : memref<!tpu.dma_semaphore, #tpu.memory_space<semaphore_mem>>)
      %dma_wait3A_131 = tpu.memref_slice %arg3[%add3A_4] : memref<262144xi32, #tpu.memory_space<hbm>> -> memref<512xi32, #tpu.memory_space<hbm>>
      %dma_wait3A_132 = tpu.memref_slice %arg3[%add3A_4] : memref<262144xi32, #tpu.memory_space<hbm>> -> memref<512xi32, #tpu.memory_space<hbm>>
      tpu.wait_dma2 semaphore(%run_scoped3A : memref<!tpu.dma_semaphore, #tpu.memory_space<semaphore_mem>>) src(%dma_wait3A_132 : memref<512xi32, #tpu.memory_space<hbm>>) dst(%arg5 : memref<512xi32, #tpu.memory_space<vmem>>)
      tpu.yield
    }) : () -> ()
    %dma_start3A = arith.constant 0 : i32
    %dma_start3A_5 = arith.constant 0 : i32
    %dma_start3A_6 = tpu.memref_slice %arg2[%dma_start3A, %dma_start3A_5] : memref<16384x128xf32, #tpu.memory_space<hbm>> -> memref<16384x128xf32, #tpu.memory_space<hbm>>
    tpu.enqueue_indirect_dma source(%dma_start3A_6 : memref<16384x128xf32, #tpu.memory_space<hbm>>) target(%arg6 : memref<512x128xf32, #tpu.memory_space<vmem>>) offsets(%arg5 : memref<512xi32, #tpu.memory_space<vmem>>) semaphore(%arg7 : memref<!tpu.dma_semaphore, #tpu.memory_space<semaphore_mem>>)
    %dma_wait3A = arith.constant 0 : i32
    %dma_wait3A_7 = arith.constant 0 : i32
    %dma_wait3A_8 = tpu.memref_slice %arg2[%dma_wait3A, %dma_wait3A_7] : memref<16384x128xf32, #tpu.memory_space<hbm>> -> memref<16384x128xf32, #tpu.memory_space<hbm>>
    tpu.wait_indirect_dma semaphore(%arg7 : memref<!tpu.dma_semaphore, #tpu.memory_space<semaphore_mem>>) src(%dma_wait3A_8 : memref<16384x128xf32, #tpu.memory_space<hbm>>) dst(%arg6 : memref<512x128xf32, #tpu.memory_space<vmem>>)
    "tpu.region"() ({
      %run_scoped3A = tpu.sem_alloc : memref<!tpu.dma_semaphore, #tpu.memory_space<semaphore_mem>>
      %dma_start3A_129 = arith.constant 0 : i32
      %dma_start3A_130 = tpu.memref_slice %arg4[%add3A_4, %dma_start3A_129] : memref<262144x128xf32, #tpu.memory_space<hbm>> -> memref<512x128xf32, #tpu.memory_space<hbm>>
      %dma_start3A_131 = arith.constant 0 : i32
      %dma_start3A_132 = tpu.memref_slice %arg4[%add3A_4, %dma_start3A_131] : memref<262144x128xf32, #tpu.memory_space<hbm>> -> memref<512x128xf32, #tpu.memory_space<hbm>>
      tpu.enqueue_dma source(%arg6 : memref<512x128xf32, #tpu.memory_space<vmem>>) target(%dma_start3A_132 : memref<512x128xf32, #tpu.memory_space<hbm>>) target_semaphore(%run_scoped3A : memref<!tpu.dma_semaphore, #tpu.memory_space<semaphore_mem>>)
      %dma_wait3A_133 = arith.constant 0 : i32
      %dma_wait3A_134 = tpu.memref_slice %arg4[%add3A_4, %dma_wait3A_133] : memref<262144x128xf32, #tpu.memory_space<hbm>> -> memref<512x128xf32, #tpu.memory_space<hbm>>
      %dma_wait3A_135 = arith.constant 0 : i32
      %dma_wait3A_136 = tpu.memref_slice %arg4[%add3A_4, %dma_wait3A_135] : memref<262144x128xf32, #tpu.memory_space<hbm>> -> memref<512x128xf32, #tpu.memory_space<hbm>>
      tpu.wait_dma2 semaphore(%run_scoped3A : memref<!tpu.dma_semaphore, #tpu.memory_space<semaphore_mem>>) src(%arg6 : memref<512x128xf32, #tpu.memory_space<vmem>>) dst(%dma_wait3A_136 : memref<512x128xf32, #tpu.memory_space<hbm>>)
      tpu.yield
    }) : () -> ()
    %add3A_9 = arith.constant 512 : i32
    %add3A_10 = arith.addi %mul3A_2, %add3A_9 : i32
    "tpu.region"() ({
      %run_scoped3A = tpu.sem_alloc : memref<!tpu.dma_semaphore, #tpu.memory_space<semaphore_mem>>
      %dma_start3A_129 = tpu.memref_slice %arg3[%add3A_10] : memref<262144xi32, #tpu.memory_space<hbm>> -> memref<512xi32, #tpu.memory_space<hbm>>
      %dma_start3A_130 = tpu.memref_slice %arg3[%add3A_10] : memref<262144xi32, #tpu.memory_space<hbm>> -> memref<512xi32, #tpu.memory_space<hbm>>
      tpu.enqueue_dma source(%dma_start3A_130 : memref<512xi32, #tpu.memory_space<hbm>>) target(%arg5 : memref<512xi32, #tpu.memory_space<vmem>>) target_semaphore(%run_scoped3A : memref<!tpu.dma_semaphore, #tpu.memory_space<semaphore_mem>>)
      %dma_wait3A_131 = tpu.memref_slice %arg3[%add3A_10] : memref<262144xi32, #tpu.memory_space<hbm>> -> memref<512xi32, #tpu.memory_space<hbm>>
      %dma_wait3A_132 = tpu.memref_slice %arg3[%add3A_10] : memref<262144xi32, #tpu.memory_space<hbm>> -> memref<512xi32, #tpu.memory_space<hbm>>
      tpu.wait_dma2 semaphore(%run_scoped3A : memref<!tpu.dma_semaphore, #tpu.memory_space<semaphore_mem>>) src(%dma_wait3A_132 : memref<512xi32, #tpu.memory_space<hbm>>) dst(%arg5 : memref<512xi32, #tpu.memory_space<vmem>>)
      tpu.yield
    }) : () -> ()
    %dma_start3A_11 = arith.constant 0 : i32
    %dma_start3A_12 = arith.constant 0 : i32
    %dma_start3A_13 = tpu.memref_slice %arg2[%dma_start3A_11, %dma_start3A_12] : memref<16384x128xf32, #tpu.memory_space<hbm>> -> memref<16384x128xf32, #tpu.memory_space<hbm>>
    tpu.enqueue_indirect_dma source(%dma_start3A_13 : memref<16384x128xf32, #tpu.memory_space<hbm>>) target(%arg6 : memref<512x128xf32, #tpu.memory_space<vmem>>) offsets(%arg5 : memref<512xi32, #tpu.memory_space<vmem>>) semaphore(%arg7 : memref<!tpu.dma_semaphore, #tpu.memory_space<semaphore_mem>>)
    %dma_wait3A_14 = arith.constant 0 : i32
    %dma_wait3A_15 = arith.constant 0 : i32
    %dma_wait3A_16 = tpu.memref_slice %arg2[%dma_wait3A_14, %dma_wait3A_15] : memref<16384x128xf32, #tpu.memory_space<hbm>> -> memref<16384x128xf32, #tpu.memory_space<hbm>>
    tpu.wait_indirect_dma semaphore(%arg7 : memref<!tpu.dma_semaphore, #tpu.memory_space<semaphore_mem>>) src(%dma_wait3A_16 : memref<16384x128xf32, #tpu.memory_space<hbm>>) dst(%arg6 : memref<512x128xf32, #tpu.memory_space<vmem>>)
    "tpu.region"() ({
      %run_scoped3A = tpu.sem_alloc : memref<!tpu.dma_semaphore, #tpu.memory_space<semaphore_mem>>
      %dma_start3A_129 = arith.constant 0 : i32
      %dma_start3A_130 = tpu.memref_slice %arg4[%add3A_10, %dma_start3A_129] : memref<262144x128xf32, #tpu.memory_space<hbm>> -> memref<512x128xf32, #tpu.memory_space<hbm>>
      %dma_start3A_131 = arith.constant 0 : i32
      %dma_start3A_132 = tpu.memref_slice %arg4[%add3A_10, %dma_start3A_131] : memref<262144x128xf32, #tpu.memory_space<hbm>> -> memref<512x128xf32, #tpu.memory_space<hbm>>
      tpu.enqueue_dma source(%arg6 : memref<512x128xf32, #tpu.memory_space<vmem>>) target(%dma_start3A_132 : memref<512x128xf32, #tpu.memory_space<hbm>>) target_semaphore(%run_scoped3A : memref<!tpu.dma_semaphore, #tpu.memory_space<semaphore_mem>>)
      %dma_wait3A_133 = arith.constant 0 : i32
      %dma_wait3A_134 = tpu.memref_slice %arg4[%add3A_10, %dma_wait3A_133] : memref<262144x128xf32, #tpu.memory_space<hbm>> -> memref<512x128xf32, #tpu.memory_space<hbm>>
      %dma_wait3A_135 = arith.constant 0 : i32
      %dma_wait3A_136 = tpu.memref_slice %arg4[%add3A_10, %dma_wait3A_135] : memref<262144x128xf32, #tpu.memory_space<hbm>> -> memref<512x128xf32, #tpu.memory_space<hbm>>
      tpu.wait_dma2 semaphore(%run_scoped3A : memref<!tpu.dma_semaphore, #tpu.memory_space<semaphore_mem>>) src(%arg6 : memref<512x128xf32, #tpu.memory_space<vmem>>) dst(%dma_wait3A_136 : memref<512x128xf32, #tpu.memory_space<hbm>>)
      tpu.yield
    }) : () -> ()
    %add3A_17 = arith.constant 1024 : i32
    %add3A_18 = arith.addi %mul3A_2, %add3A_17 : i32
    "tpu.region"() ({
      %run_scoped3A = tpu.sem_alloc : memref<!tpu.dma_semaphore, #tpu.memory_space<semaphore_mem>>
      %dma_start3A_129 = tpu.memref_slice %arg3[%add3A_18] : memref<262144xi32, #tpu.memory_space<hbm>> -> memref<512xi32, #tpu.memory_space<hbm>>
      %dma_start3A_130 = tpu.memref_slice %arg3[%add3A_18] : memref<262144xi32, #tpu.memory_space<hbm>> -> memref<512xi32, #tpu.memory_space<hbm>>
      tpu.enqueue_dma source(%dma_start3A_130 : memref<512xi32, #tpu.memory_space<hbm>>) target(%arg5 : memref<512xi32, #tpu.memory_space<vmem>>) target_semaphore(%run_scoped3A : memref<!tpu.dma_semaphore, #tpu.memory_space<semaphore_mem>>)
      %dma_wait3A_131 = tpu.memref_slice %arg3[%add3A_18] : memref<262144xi32, #tpu.memory_space<hbm>> -> memref<512xi32, #tpu.memory_space<hbm>>
      %dma_wait3A_132 = tpu.memref_slice %arg3[%add3A_18] : memref<262144xi32, #tpu.memory_space<hbm>> -> memref<512xi32, #tpu.memory_space<hbm>>
      tpu.wait_dma2 semaphore(%run_scoped3A : memref<!tpu.dma_semaphore, #tpu.memory_space<semaphore_mem>>) src(%dma_wait3A_132 : memref<512xi32, #tpu.memory_space<hbm>>) dst(%arg5 : memref<512xi32, #tpu.memory_space<vmem>>)
      tpu.yield
    }) : () -> ()
    %dma_start3A_19 = arith.constant 0 : i32
    %dma_start3A_20 = arith.constant 0 : i32
    %dma_start3A_21 = tpu.memref_slice %arg2[%dma_start3A_19, %dma_start3A_20] : memref<16384x128xf32, #tpu.memory_space<hbm>> -> memref<16384x128xf32, #tpu.memory_space<hbm>>
    tpu.enqueue_indirect_dma source(%dma_start3A_21 : memref<16384x128xf32, #tpu.memory_space<hbm>>) target(%arg6 : memref<512x128xf32, #tpu.memory_space<vmem>>) offsets(%arg5 : memref<512xi32, #tpu.memory_space<vmem>>) semaphore(%arg7 : memref<!tpu.dma_semaphore, #tpu.memory_space<semaphore_mem>>)
    %dma_wait3A_22 = arith.constant 0 : i32
    %dma_wait3A_23 = arith.constant 0 : i32
    %dma_wait3A_24 = tpu.memref_slice %arg2[%dma_wait3A_22, %dma_wait3A_23] : memref<16384x128xf32, #tpu.memory_space<hbm>> -> memref<16384x128xf32, #tpu.memory_space<hbm>>
    tpu.wait_indirect_dma semaphore(%arg7 : memref<!tpu.dma_semaphore, #tpu.memory_space<semaphore_mem>>) src(%dma_wait3A_24 : memref<16384x128xf32, #tpu.memory_space<hbm>>) dst(%arg6 : memref<512x128xf32, #tpu.memory_space<vmem>>)
    "tpu.region"() ({
      %run_scoped3A = tpu.sem_alloc : memref<!tpu.dma_semaphore, #tpu.memory_space<semaphore_mem>>
      %dma_start3A_129 = arith.constant 0 : i32
      %dma_start3A_130 = tpu.memref_slice %arg4[%add3A_18, %dma_start3A_129] : memref<262144x128xf32, #tpu.memory_space<hbm>> -> memref<512x128xf32, #tpu.memory_space<hbm>>
      %dma_start3A_131 = arith.constant 0 : i32
      %dma_start3A_132 = tpu.memref_slice %arg4[%add3A_18, %dma_start3A_131] : memref<262144x128xf32, #tpu.memory_space<hbm>> -> memref<512x128xf32, #tpu.memory_space<hbm>>
      tpu.enqueue_dma source(%arg6 : memref<512x128xf32, #tpu.memory_space<vmem>>) target(%dma_start3A_132 : memref<512x128xf32, #tpu.memory_space<hbm>>) target_semaphore(%run_scoped3A : memref<!tpu.dma_semaphore, #tpu.memory_space<semaphore_mem>>)
      %dma_wait3A_133 = arith.constant 0 : i32
      %dma_wait3A_134 = tpu.memref_slice %arg4[%add3A_18, %dma_wait3A_133] : memref<262144x128xf32, #tpu.memory_space<hbm>> -> memref<512x128xf32, #tpu.memory_space<hbm>>
      %dma_wait3A_135 = arith.constant 0 : i32
      %dma_wait3A_136 = tpu.memref_slice %arg4[%add3A_18, %dma_wait3A_135] : memref<262144x128xf32, #tpu.memory_space<hbm>> -> memref<512x128xf32, #tpu.memory_space<hbm>>
      tpu.wait_dma2 semaphore(%run_scoped3A : memref<!tpu.dma_semaphore, #tpu.memory_space<semaphore_mem>>) src(%arg6 : memref<512x128xf32, #tpu.memory_space<vmem>>) dst(%dma_wait3A_136 : memref<512x128xf32, #tpu.memory_space<hbm>>)
      tpu.yield
    }) : () -> ()
    %add3A_25 = arith.constant 1536 : i32
    %add3A_26 = arith.addi %mul3A_2, %add3A_25 : i32
    "tpu.region"() ({
      %run_scoped3A = tpu.sem_alloc : memref<!tpu.dma_semaphore, #tpu.memory_space<semaphore_mem>>
      %dma_start3A_129 = tpu.memref_slice %arg3[%add3A_26] : memref<262144xi32, #tpu.memory_space<hbm>> -> memref<512xi32, #tpu.memory_space<hbm>>
      %dma_start3A_130 = tpu.memref_slice %arg3[%add3A_26] : memref<262144xi32, #tpu.memory_space<hbm>> -> memref<512xi32, #tpu.memory_space<hbm>>
      tpu.enqueue_dma source(%dma_start3A_130 : memref<512xi32, #tpu.memory_space<hbm>>) target(%arg5 : memref<512xi32, #tpu.memory_space<vmem>>) target_semaphore(%run_scoped3A : memref<!tpu.dma_semaphore, #tpu.memory_space<semaphore_mem>>)
      %dma_wait3A_131 = tpu.memref_slice %arg3[%add3A_26] : memref<262144xi32, #tpu.memory_space<hbm>> -> memref<512xi32, #tpu.memory_space<hbm>>
      %dma_wait3A_132 = tpu.memref_slice %arg3[%add3A_26] : memref<262144xi32, #tpu.memory_space<hbm>> -> memref<512xi32, #tpu.memory_space<hbm>>
      tpu.wait_dma2 semaphore(%run_scoped3A : memref<!tpu.dma_semaphore, #tpu.memory_space<semaphore_mem>>) src(%dma_wait3A_132 : memref<512xi32, #tpu.memory_space<hbm>>) dst(%arg5 : memref<512xi32, #tpu.memory_space<vmem>>)
      tpu.yield
    }) : () -> ()
    %dma_start3A_27 = arith.constant 0 : i32
    %dma_start3A_28 = arith.constant 0 : i32
    %dma_start3A_29 = tpu.memref_slice %arg2[%dma_start3A_27, %dma_start3A_28] : memref<16384x128xf32, #tpu.memory_space<hbm>> -> memref<16384x128xf32, #tpu.memory_space<hbm>>
    tpu.enqueue_indirect_dma source(%dma_start3A_29 : memref<16384x128xf32, #tpu.memory_space<hbm>>) target(%arg6 : memref<512x128xf32, #tpu.memory_space<vmem>>) offsets(%arg5 : memref<512xi32, #tpu.memory_space<vmem>>) semaphore(%arg7 : memref<!tpu.dma_semaphore, #tpu.memory_space<semaphore_mem>>)
    %dma_wait3A_30 = arith.constant 0 : i32
    %dma_wait3A_31 = arith.constant 0 : i32
    %dma_wait3A_32 = tpu.memref_slice %arg2[%dma_wait3A_30, %dma_wait3A_31] : memref<16384x128xf32, #tpu.memory_space<hbm>> -> memref<16384x128xf32, #tpu.memory_space<hbm>>
    tpu.wait_indirect_dma semaphore(%arg7 : memref<!tpu.dma_semaphore, #tpu.memory_space<semaphore_mem>>) src(%dma_wait3A_32 : memref<16384x128xf32, #tpu.memory_space<hbm>>) dst(%arg6 : memref<512x128xf32, #tpu.memory_space<vmem>>)
    "tpu.region"() ({
      %run_scoped3A = tpu.sem_alloc : memref<!tpu.dma_semaphore, #tpu.memory_space<semaphore_mem>>
      %dma_start3A_129 = arith.constant 0 : i32
      %dma_start3A_130 = tpu.memref_slice %arg4[%add3A_26, %dma_start3A_129] : memref<262144x128xf32, #tpu.memory_space<hbm>> -> memref<512x128xf32, #tpu.memory_space<hbm>>
      %dma_start3A_131 = arith.constant 0 : i32
      %dma_start3A_132 = tpu.memref_slice %arg4[%add3A_26, %dma_start3A_131] : memref<262144x128xf32, #tpu.memory_space<hbm>> -> memref<512x128xf32, #tpu.memory_space<hbm>>
      tpu.enqueue_dma source(%arg6 : memref<512x128xf32, #tpu.memory_space<vmem>>) target(%dma_start3A_132 : memref<512x128xf32, #tpu.memory_space<hbm>>) target_semaphore(%run_scoped3A : memref<!tpu.dma_semaphore, #tpu.memory_space<semaphore_mem>>)
      %dma_wait3A_133 = arith.constant 0 : i32
      %dma_wait3A_134 = tpu.memref_slice %arg4[%add3A_26, %dma_wait3A_133] : memref<262144x128xf32, #tpu.memory_space<hbm>> -> memref<512x128xf32, #tpu.memory_space<hbm>>
      %dma_wait3A_135 = arith.constant 0 : i32
      %dma_wait3A_136 = tpu.memref_slice %arg4[%add3A_26, %dma_wait3A_135] : memref<262144x128xf32, #tpu.memory_space<hbm>> -> memref<512x128xf32, #tpu.memory_space<hbm>>
      tpu.wait_dma2 semaphore(%run_scoped3A : memref<!tpu.dma_semaphore, #tpu.memory_space<semaphore_mem>>) src(%arg6 : memref<512x128xf32, #tpu.memory_space<vmem>>) dst(%dma_wait3A_136 : memref<512x128xf32, #tpu.memory_space<hbm>>)
      tpu.yield
    }) : () -> ()
    %add3A_33 = arith.constant 2048 : i32
    %add3A_34 = arith.addi %mul3A_2, %add3A_33 : i32
    "tpu.region"() ({
      %run_scoped3A = tpu.sem_alloc : memref<!tpu.dma_semaphore, #tpu.memory_space<semaphore_mem>>
      %dma_start3A_129 = tpu.memref_slice %arg3[%add3A_34] : memref<262144xi32, #tpu.memory_space<hbm>> -> memref<512xi32, #tpu.memory_space<hbm>>
      %dma_start3A_130 = tpu.memref_slice %arg3[%add3A_34] : memref<262144xi32, #tpu.memory_space<hbm>> -> memref<512xi32, #tpu.memory_space<hbm>>
      tpu.enqueue_dma source(%dma_start3A_130 : memref<512xi32, #tpu.memory_space<hbm>>) target(%arg5 : memref<512xi32, #tpu.memory_space<vmem>>) target_semaphore(%run_scoped3A : memref<!tpu.dma_semaphore, #tpu.memory_space<semaphore_mem>>)
      %dma_wait3A_131 = tpu.memref_slice %arg3[%add3A_34] : memref<262144xi32, #tpu.memory_space<hbm>> -> memref<512xi32, #tpu.memory_space<hbm>>
      %dma_wait3A_132 = tpu.memref_slice %arg3[%add3A_34] : memref<262144xi32, #tpu.memory_space<hbm>> -> memref<512xi32, #tpu.memory_space<hbm>>
      tpu.wait_dma2 semaphore(%run_scoped3A : memref<!tpu.dma_semaphore, #tpu.memory_space<semaphore_mem>>) src(%dma_wait3A_132 : memref<512xi32, #tpu.memory_space<hbm>>) dst(%arg5 : memref<512xi32, #tpu.memory_space<vmem>>)
      tpu.yield
    }) : () -> ()
    %dma_start3A_35 = arith.constant 0 : i32
    %dma_start3A_36 = arith.constant 0 : i32
    %dma_start3A_37 = tpu.memref_slice %arg2[%dma_start3A_35, %dma_start3A_36] : memref<16384x128xf32, #tpu.memory_space<hbm>> -> memref<16384x128xf32, #tpu.memory_space<hbm>>
    tpu.enqueue_indirect_dma source(%dma_start3A_37 : memref<16384x128xf32, #tpu.memory_space<hbm>>) target(%arg6 : memref<512x128xf32, #tpu.memory_space<vmem>>) offsets(%arg5 : memref<512xi32, #tpu.memory_space<vmem>>) semaphore(%arg7 : memref<!tpu.dma_semaphore, #tpu.memory_space<semaphore_mem>>)
    %dma_wait3A_38 = arith.constant 0 : i32
    %dma_wait3A_39 = arith.constant 0 : i32
    %dma_wait3A_40 = tpu.memref_slice %arg2[%dma_wait3A_38, %dma_wait3A_39] : memref<16384x128xf32, #tpu.memory_space<hbm>> -> memref<16384x128xf32, #tpu.memory_space<hbm>>
    tpu.wait_indirect_dma semaphore(%arg7 : memref<!tpu.dma_semaphore, #tpu.memory_space<semaphore_mem>>) src(%dma_wait3A_40 : memref<16384x128xf32, #tpu.memory_space<hbm>>) dst(%arg6 : memref<512x128xf32, #tpu.memory_space<vmem>>)
    "tpu.region"() ({
      %run_scoped3A = tpu.sem_alloc : memref<!tpu.dma_semaphore, #tpu.memory_space<semaphore_mem>>
      %dma_start3A_129 = arith.constant 0 : i32
      %dma_start3A_130 = tpu.memref_slice %arg4[%add3A_34, %dma_start3A_129] : memref<262144x128xf32, #tpu.memory_space<hbm>> -> memref<512x128xf32, #tpu.memory_space<hbm>>
      %dma_start3A_131 = arith.constant 0 : i32
      %dma_start3A_132 = tpu.memref_slice %arg4[%add3A_34, %dma_start3A_131] : memref<262144x128xf32, #tpu.memory_space<hbm>> -> memref<512x128xf32, #tpu.memory_space<hbm>>
      tpu.enqueue_dma source(%arg6 : memref<512x128xf32, #tpu.memory_space<vmem>>) target(%dma_start3A_132 : memref<512x128xf32, #tpu.memory_space<hbm>>) target_semaphore(%run_scoped3A : memref<!tpu.dma_semaphore, #tpu.memory_space<semaphore_mem>>)
      %dma_wait3A_133 = arith.constant 0 : i32
      %dma_wait3A_134 = tpu.memref_slice %arg4[%add3A_34, %dma_wait3A_133] : memref<262144x128xf32, #tpu.memory_space<hbm>> -> memref<512x128xf32, #tpu.memory_space<hbm>>
      %dma_wait3A_135 = arith.constant 0 : i32
      %dma_wait3A_136 = tpu.memref_slice %arg4[%add3A_34, %dma_wait3A_135] : memref<262144x128xf32, #tpu.memory_space<hbm>> -> memref<512x128xf32, #tpu.memory_space<hbm>>
      tpu.wait_dma2 semaphore(%run_scoped3A : memref<!tpu.dma_semaphore, #tpu.memory_space<semaphore_mem>>) src(%arg6 : memref<512x128xf32, #tpu.memory_space<vmem>>) dst(%dma_wait3A_136 : memref<512x128xf32, #tpu.memory_space<hbm>>)
      tpu.yield
    }) : () -> ()
    %add3A_41 = arith.constant 2560 : i32
    %add3A_42 = arith.addi %mul3A_2, %add3A_41 : i32
    "tpu.region"() ({
      %run_scoped3A = tpu.sem_alloc : memref<!tpu.dma_semaphore, #tpu.memory_space<semaphore_mem>>
      %dma_start3A_129 = tpu.memref_slice %arg3[%add3A_42] : memref<262144xi32, #tpu.memory_space<hbm>> -> memref<512xi32, #tpu.memory_space<hbm>>
      %dma_start3A_130 = tpu.memref_slice %arg3[%add3A_42] : memref<262144xi32, #tpu.memory_space<hbm>> -> memref<512xi32, #tpu.memory_space<hbm>>
      tpu.enqueue_dma source(%dma_start3A_130 : memref<512xi32, #tpu.memory_space<hbm>>) target(%arg5 : memref<512xi32, #tpu.memory_space<vmem>>) target_semaphore(%run_scoped3A : memref<!tpu.dma_semaphore, #tpu.memory_space<semaphore_mem>>)
      %dma_wait3A_131 = tpu.memref_slice %arg3[%add3A_42] : memref<262144xi32, #tpu.memory_space<hbm>> -> memref<512xi32, #tpu.memory_space<hbm>>
      %dma_wait3A_132 = tpu.memref_slice %arg3[%add3A_42] : memref<262144xi32, #tpu.memory_space<hbm>> -> memref<512xi32, #tpu.memory_space<hbm>>
      tpu.wait_dma2 semaphore(%run_scoped3A : memref<!tpu.dma_semaphore, #tpu.memory_space<semaphore_mem>>) src(%dma_wait3A_132 : memref<512xi32, #tpu.memory_space<hbm>>) dst(%arg5 : memref<512xi32, #tpu.memory_space<vmem>>)
      tpu.yield
    }) : () -> ()
    %dma_start3A_43 = arith.constant 0 : i32
    %dma_start3A_44 = arith.constant 0 : i32
    %dma_start3A_45 = tpu.memref_slice %arg2[%dma_start3A_43, %dma_start3A_44] : memref<16384x128xf32, #tpu.memory_space<hbm>> -> memref<16384x128xf32, #tpu.memory_space<hbm>>
    tpu.enqueue_indirect_dma source(%dma_start3A_45 : memref<16384x128xf32, #tpu.memory_space<hbm>>) target(%arg6 : memref<512x128xf32, #tpu.memory_space<vmem>>) offsets(%arg5 : memref<512xi32, #tpu.memory_space<vmem>>) semaphore(%arg7 : memref<!tpu.dma_semaphore, #tpu.memory_space<semaphore_mem>>)
    %dma_wait3A_46 = arith.constant 0 : i32
    %dma_wait3A_47 = arith.constant 0 : i32
    %dma_wait3A_48 = tpu.memref_slice %arg2[%dma_wait3A_46, %dma_wait3A_47] : memref<16384x128xf32, #tpu.memory_space<hbm>> -> memref<16384x128xf32, #tpu.memory_space<hbm>>
    tpu.wait_indirect_dma semaphore(%arg7 : memref<!tpu.dma_semaphore, #tpu.memory_space<semaphore_mem>>) src(%dma_wait3A_48 : memref<16384x128xf32, #tpu.memory_space<hbm>>) dst(%arg6 : memref<512x128xf32, #tpu.memory_space<vmem>>)
    "tpu.region"() ({
      %run_scoped3A = tpu.sem_alloc : memref<!tpu.dma_semaphore, #tpu.memory_space<semaphore_mem>>
      %dma_start3A_129 = arith.constant 0 : i32
      %dma_start3A_130 = tpu.memref_slice %arg4[%add3A_42, %dma_start3A_129] : memref<262144x128xf32, #tpu.memory_space<hbm>> -> memref<512x128xf32, #tpu.memory_space<hbm>>
      %dma_start3A_131 = arith.constant 0 : i32
      %dma_start3A_132 = tpu.memref_slice %arg4[%add3A_42, %dma_start3A_131] : memref<262144x128xf32, #tpu.memory_space<hbm>> -> memref<512x128xf32, #tpu.memory_space<hbm>>
      tpu.enqueue_dma source(%arg6 : memref<512x128xf32, #tpu.memory_space<vmem>>) target(%dma_start3A_132 : memref<512x128xf32, #tpu.memory_space<hbm>>) target_semaphore(%run_scoped3A : memref<!tpu.dma_semaphore, #tpu.memory_space<semaphore_mem>>)
      %dma_wait3A_133 = arith.constant 0 : i32
      %dma_wait3A_134 = tpu.memref_slice %arg4[%add3A_42, %dma_wait3A_133] : memref<262144x128xf32, #tpu.memory_space<hbm>> -> memref<512x128xf32, #tpu.memory_space<hbm>>
      %dma_wait3A_135 = arith.constant 0 : i32
      %dma_wait3A_136 = tpu.memref_slice %arg4[%add3A_42, %dma_wait3A_135] : memref<262144x128xf32, #tpu.memory_space<hbm>> -> memref<512x128xf32, #tpu.memory_space<hbm>>
      tpu.wait_dma2 semaphore(%run_scoped3A : memref<!tpu.dma_semaphore, #tpu.memory_space<semaphore_mem>>) src(%arg6 : memref<512x128xf32, #tpu.memory_space<vmem>>) dst(%dma_wait3A_136 : memref<512x128xf32, #tpu.memory_space<hbm>>)
      tpu.yield
    }) : () -> ()
    %add3A_49 = arith.constant 3072 : i32
    %add3A_50 = arith.addi %mul3A_2, %add3A_49 : i32
    "tpu.region"() ({
      %run_scoped3A = tpu.sem_alloc : memref<!tpu.dma_semaphore, #tpu.memory_space<semaphore_mem>>
      %dma_start3A_129 = tpu.memref_slice %arg3[%add3A_50] : memref<262144xi32, #tpu.memory_space<hbm>> -> memref<512xi32, #tpu.memory_space<hbm>>
      %dma_start3A_130 = tpu.memref_slice %arg3[%add3A_50] : memref<262144xi32, #tpu.memory_space<hbm>> -> memref<512xi32, #tpu.memory_space<hbm>>
      tpu.enqueue_dma source(%dma_start3A_130 : memref<512xi32, #tpu.memory_space<hbm>>) target(%arg5 : memref<512xi32, #tpu.memory_space<vmem>>) target_semaphore(%run_scoped3A : memref<!tpu.dma_semaphore, #tpu.memory_space<semaphore_mem>>)
      %dma_wait3A_131 = tpu.memref_slice %arg3[%add3A_50] : memref<262144xi32, #tpu.memory_space<hbm>> -> memref<512xi32, #tpu.memory_space<hbm>>
      %dma_wait3A_132 = tpu.memref_slice %arg3[%add3A_50] : memref<262144xi32, #tpu.memory_space<hbm>> -> memref<512xi32, #tpu.memory_space<hbm>>
      tpu.wait_dma2 semaphore(%run_scoped3A : memref<!tpu.dma_semaphore, #tpu.memory_space<semaphore_mem>>) src(%dma_wait3A_132 : memref<512xi32, #tpu.memory_space<hbm>>) dst(%arg5 : memref<512xi32, #tpu.memory_space<vmem>>)
      tpu.yield
    }) : () -> ()
    %dma_start3A_51 = arith.constant 0 : i32
    %dma_start3A_52 = arith.constant 0 : i32
    %dma_start3A_53 = tpu.memref_slice %arg2[%dma_start3A_51, %dma_start3A_52] : memref<16384x128xf32, #tpu.memory_space<hbm>> -> memref<16384x128xf32, #tpu.memory_space<hbm>>
    tpu.enqueue_indirect_dma source(%dma_start3A_53 : memref<16384x128xf32, #tpu.memory_space<hbm>>) target(%arg6 : memref<512x128xf32, #tpu.memory_space<vmem>>) offsets(%arg5 : memref<512xi32, #tpu.memory_space<vmem>>) semaphore(%arg7 : memref<!tpu.dma_semaphore, #tpu.memory_space<semaphore_mem>>)
    %dma_wait3A_54 = arith.constant 0 : i32
    %dma_wait3A_55 = arith.constant 0 : i32
    %dma_wait3A_56 = tpu.memref_slice %arg2[%dma_wait3A_54, %dma_wait3A_55] : memref<16384x128xf32, #tpu.memory_space<hbm>> -> memref<16384x128xf32, #tpu.memory_space<hbm>>
    tpu.wait_indirect_dma semaphore(%arg7 : memref<!tpu.dma_semaphore, #tpu.memory_space<semaphore_mem>>) src(%dma_wait3A_56 : memref<16384x128xf32, #tpu.memory_space<hbm>>) dst(%arg6 : memref<512x128xf32, #tpu.memory_space<vmem>>)
    "tpu.region"() ({
      %run_scoped3A = tpu.sem_alloc : memref<!tpu.dma_semaphore, #tpu.memory_space<semaphore_mem>>
      %dma_start3A_129 = arith.constant 0 : i32
      %dma_start3A_130 = tpu.memref_slice %arg4[%add3A_50, %dma_start3A_129] : memref<262144x128xf32, #tpu.memory_space<hbm>> -> memref<512x128xf32, #tpu.memory_space<hbm>>
      %dma_start3A_131 = arith.constant 0 : i32
      %dma_start3A_132 = tpu.memref_slice %arg4[%add3A_50, %dma_start3A_131] : memref<262144x128xf32, #tpu.memory_space<hbm>> -> memref<512x128xf32, #tpu.memory_space<hbm>>
      tpu.enqueue_dma source(%arg6 : memref<512x128xf32, #tpu.memory_space<vmem>>) target(%dma_start3A_132 : memref<512x128xf32, #tpu.memory_space<hbm>>) target_semaphore(%run_scoped3A : memref<!tpu.dma_semaphore, #tpu.memory_space<semaphore_mem>>)
      %dma_wait3A_133 = arith.constant 0 : i32
      %dma_wait3A_134 = tpu.memref_slice %arg4[%add3A_50, %dma_wait3A_133] : memref<262144x128xf32, #tpu.memory_space<hbm>> -> memref<512x128xf32, #tpu.memory_space<hbm>>
      %dma_wait3A_135 = arith.constant 0 : i32
      %dma_wait3A_136 = tpu.memref_slice %arg4[%add3A_50, %dma_wait3A_135] : memref<262144x128xf32, #tpu.memory_space<hbm>> -> memref<512x128xf32, #tpu.memory_space<hbm>>
      tpu.wait_dma2 semaphore(%run_scoped3A : memref<!tpu.dma_semaphore, #tpu.memory_space<semaphore_mem>>) src(%arg6 : memref<512x128xf32, #tpu.memory_space<vmem>>) dst(%dma_wait3A_136 : memref<512x128xf32, #tpu.memory_space<hbm>>)
      tpu.yield
    }) : () -> ()
    %add3A_57 = arith.constant 3584 : i32
    %add3A_58 = arith.addi %mul3A_2, %add3A_57 : i32
    "tpu.region"() ({
      %run_scoped3A = tpu.sem_alloc : memref<!tpu.dma_semaphore, #tpu.memory_space<semaphore_mem>>
      %dma_start3A_129 = tpu.memref_slice %arg3[%add3A_58] : memref<262144xi32, #tpu.memory_space<hbm>> -> memref<512xi32, #tpu.memory_space<hbm>>
      %dma_start3A_130 = tpu.memref_slice %arg3[%add3A_58] : memref<262144xi32, #tpu.memory_space<hbm>> -> memref<512xi32, #tpu.memory_space<hbm>>
      tpu.enqueue_dma source(%dma_start3A_130 : memref<512xi32, #tpu.memory_space<hbm>>) target(%arg5 : memref<512xi32, #tpu.memory_space<vmem>>) target_semaphore(%run_scoped3A : memref<!tpu.dma_semaphore, #tpu.memory_space<semaphore_mem>>)
      %dma_wait3A_131 = tpu.memref_slice %arg3[%add3A_58] : memref<262144xi32, #tpu.memory_space<hbm>> -> memref<512xi32, #tpu.memory_space<hbm>>
      %dma_wait3A_132 = tpu.memref_slice %arg3[%add3A_58] : memref<262144xi32, #tpu.memory_space<hbm>> -> memref<512xi32, #tpu.memory_space<hbm>>
      tpu.wait_dma2 semaphore(%run_scoped3A : memref<!tpu.dma_semaphore, #tpu.memory_space<semaphore_mem>>) src(%dma_wait3A_132 : memref<512xi32, #tpu.memory_space<hbm>>) dst(%arg5 : memref<512xi32, #tpu.memory_space<vmem>>)
      tpu.yield
    }) : () -> ()
    %dma_start3A_59 = arith.constant 0 : i32
    %dma_start3A_60 = arith.constant 0 : i32
    %dma_start3A_61 = tpu.memref_slice %arg2[%dma_start3A_59, %dma_start3A_60] : memref<16384x128xf32, #tpu.memory_space<hbm>> -> memref<16384x128xf32, #tpu.memory_space<hbm>>
    tpu.enqueue_indirect_dma source(%dma_start3A_61 : memref<16384x128xf32, #tpu.memory_space<hbm>>) target(%arg6 : memref<512x128xf32, #tpu.memory_space<vmem>>) offsets(%arg5 : memref<512xi32, #tpu.memory_space<vmem>>) semaphore(%arg7 : memref<!tpu.dma_semaphore, #tpu.memory_space<semaphore_mem>>)
    %dma_wait3A_62 = arith.constant 0 : i32
    %dma_wait3A_63 = arith.constant 0 : i32
    %dma_wait3A_64 = tpu.memref_slice %arg2[%dma_wait3A_62, %dma_wait3A_63] : memref<16384x128xf32, #tpu.memory_space<hbm>> -> memref<16384x128xf32, #tpu.memory_space<hbm>>
    tpu.wait_indirect_dma semaphore(%arg7 : memref<!tpu.dma_semaphore, #tpu.memory_space<semaphore_mem>>) src(%dma_wait3A_64 : memref<16384x128xf32, #tpu.memory_space<hbm>>) dst(%arg6 : memref<512x128xf32, #tpu.memory_space<vmem>>)
    "tpu.region"() ({
      %run_scoped3A = tpu.sem_alloc : memref<!tpu.dma_semaphore, #tpu.memory_space<semaphore_mem>>
      %dma_start3A_129 = arith.constant 0 : i32
      %dma_start3A_130 = tpu.memref_slice %arg4[%add3A_58, %dma_start3A_129] : memref<262144x128xf32, #tpu.memory_space<hbm>> -> memref<512x128xf32, #tpu.memory_space<hbm>>
      %dma_start3A_131 = arith.constant 0 : i32
      %dma_start3A_132 = tpu.memref_slice %arg4[%add3A_58, %dma_start3A_131] : memref<262144x128xf32, #tpu.memory_space<hbm>> -> memref<512x128xf32, #tpu.memory_space<hbm>>
      tpu.enqueue_dma source(%arg6 : memref<512x128xf32, #tpu.memory_space<vmem>>) target(%dma_start3A_132 : memref<512x128xf32, #tpu.memory_space<hbm>>) target_semaphore(%run_scoped3A : memref<!tpu.dma_semaphore, #tpu.memory_space<semaphore_mem>>)
      %dma_wait3A_133 = arith.constant 0 : i32
      %dma_wait3A_134 = tpu.memref_slice %arg4[%add3A_58, %dma_wait3A_133] : memref<262144x128xf32, #tpu.memory_space<hbm>> -> memref<512x128xf32, #tpu.memory_space<hbm>>
      %dma_wait3A_135 = arith.constant 0 : i32
      %dma_wait3A_136 = tpu.memref_slice %arg4[%add3A_58, %dma_wait3A_135] : memref<262144x128xf32, #tpu.memory_space<hbm>> -> memref<512x128xf32, #tpu.memory_space<hbm>>
      tpu.wait_dma2 semaphore(%run_scoped3A : memref<!tpu.dma_semaphore, #tpu.memory_space<semaphore_mem>>) src(%arg6 : memref<512x128xf32, #tpu.memory_space<vmem>>) dst(%dma_wait3A_136 : memref<512x128xf32, #tpu.memory_space<hbm>>)
      tpu.yield
    }) : () -> ()
    %add3A_65 = arith.constant 4096 : i32
    %add3A_66 = arith.addi %mul3A_2, %add3A_65 : i32
    "tpu.region"() ({
      %run_scoped3A = tpu.sem_alloc : memref<!tpu.dma_semaphore, #tpu.memory_space<semaphore_mem>>
      %dma_start3A_129 = tpu.memref_slice %arg3[%add3A_66] : memref<262144xi32, #tpu.memory_space<hbm>> -> memref<512xi32, #tpu.memory_space<hbm>>
      %dma_start3A_130 = tpu.memref_slice %arg3[%add3A_66] : memref<262144xi32, #tpu.memory_space<hbm>> -> memref<512xi32, #tpu.memory_space<hbm>>
      tpu.enqueue_dma source(%dma_start3A_130 : memref<512xi32, #tpu.memory_space<hbm>>) target(%arg5 : memref<512xi32, #tpu.memory_space<vmem>>) target_semaphore(%run_scoped3A : memref<!tpu.dma_semaphore, #tpu.memory_space<semaphore_mem>>)
      %dma_wait3A_131 = tpu.memref_slice %arg3[%add3A_66] : memref<262144xi32, #tpu.memory_space<hbm>> -> memref<512xi32, #tpu.memory_space<hbm>>
      %dma_wait3A_132 = tpu.memref_slice %arg3[%add3A_66] : memref<262144xi32, #tpu.memory_space<hbm>> -> memref<512xi32, #tpu.memory_space<hbm>>
      tpu.wait_dma2 semaphore(%run_scoped3A : memref<!tpu.dma_semaphore, #tpu.memory_space<semaphore_mem>>) src(%dma_wait3A_132 : memref<512xi32, #tpu.memory_space<hbm>>) dst(%arg5 : memref<512xi32, #tpu.memory_space<vmem>>)
      tpu.yield
    }) : () -> ()
    %dma_start3A_67 = arith.constant 0 : i32
    %dma_start3A_68 = arith.constant 0 : i32
    %dma_start3A_69 = tpu.memref_slice %arg2[%dma_start3A_67, %dma_start3A_68] : memref<16384x128xf32, #tpu.memory_space<hbm>> -> memref<16384x128xf32, #tpu.memory_space<hbm>>
    tpu.enqueue_indirect_dma source(%dma_start3A_69 : memref<16384x128xf32, #tpu.memory_space<hbm>>) target(%arg6 : memref<512x128xf32, #tpu.memory_space<vmem>>) offsets(%arg5 : memref<512xi32, #tpu.memory_space<vmem>>) semaphore(%arg7 : memref<!tpu.dma_semaphore, #tpu.memory_space<semaphore_mem>>)
    %dma_wait3A_70 = arith.constant 0 : i32
    %dma_wait3A_71 = arith.constant 0 : i32
    %dma_wait3A_72 = tpu.memref_slice %arg2[%dma_wait3A_70, %dma_wait3A_71] : memref<16384x128xf32, #tpu.memory_space<hbm>> -> memref<16384x128xf32, #tpu.memory_space<hbm>>
    tpu.wait_indirect_dma semaphore(%arg7 : memref<!tpu.dma_semaphore, #tpu.memory_space<semaphore_mem>>) src(%dma_wait3A_72 : memref<16384x128xf32, #tpu.memory_space<hbm>>) dst(%arg6 : memref<512x128xf32, #tpu.memory_space<vmem>>)
    "tpu.region"() ({
      %run_scoped3A = tpu.sem_alloc : memref<!tpu.dma_semaphore, #tpu.memory_space<semaphore_mem>>
      %dma_start3A_129 = arith.constant 0 : i32
      %dma_start3A_130 = tpu.memref_slice %arg4[%add3A_66, %dma_start3A_129] : memref<262144x128xf32, #tpu.memory_space<hbm>> -> memref<512x128xf32, #tpu.memory_space<hbm>>
      %dma_start3A_131 = arith.constant 0 : i32
      %dma_start3A_132 = tpu.memref_slice %arg4[%add3A_66, %dma_start3A_131] : memref<262144x128xf32, #tpu.memory_space<hbm>> -> memref<512x128xf32, #tpu.memory_space<hbm>>
      tpu.enqueue_dma source(%arg6 : memref<512x128xf32, #tpu.memory_space<vmem>>) target(%dma_start3A_132 : memref<512x128xf32, #tpu.memory_space<hbm>>) target_semaphore(%run_scoped3A : memref<!tpu.dma_semaphore, #tpu.memory_space<semaphore_mem>>)
      %dma_wait3A_133 = arith.constant 0 : i32
      %dma_wait3A_134 = tpu.memref_slice %arg4[%add3A_66, %dma_wait3A_133] : memref<262144x128xf32, #tpu.memory_space<hbm>> -> memref<512x128xf32, #tpu.memory_space<hbm>>
      %dma_wait3A_135 = arith.constant 0 : i32
      %dma_wait3A_136 = tpu.memref_slice %arg4[%add3A_66, %dma_wait3A_135] : memref<262144x128xf32, #tpu.memory_space<hbm>> -> memref<512x128xf32, #tpu.memory_space<hbm>>
      tpu.wait_dma2 semaphore(%run_scoped3A : memref<!tpu.dma_semaphore, #tpu.memory_space<semaphore_mem>>) src(%arg6 : memref<512x128xf32, #tpu.memory_space<vmem>>) dst(%dma_wait3A_136 : memref<512x128xf32, #tpu.memory_space<hbm>>)
      tpu.yield
    }) : () -> ()
    %add3A_73 = arith.constant 4608 : i32
    %add3A_74 = arith.addi %mul3A_2, %add3A_73 : i32
    "tpu.region"() ({
      %run_scoped3A = tpu.sem_alloc : memref<!tpu.dma_semaphore, #tpu.memory_space<semaphore_mem>>
      %dma_start3A_129 = tpu.memref_slice %arg3[%add3A_74] : memref<262144xi32, #tpu.memory_space<hbm>> -> memref<512xi32, #tpu.memory_space<hbm>>
      %dma_start3A_130 = tpu.memref_slice %arg3[%add3A_74] : memref<262144xi32, #tpu.memory_space<hbm>> -> memref<512xi32, #tpu.memory_space<hbm>>
      tpu.enqueue_dma source(%dma_start3A_130 : memref<512xi32, #tpu.memory_space<hbm>>) target(%arg5 : memref<512xi32, #tpu.memory_space<vmem>>) target_semaphore(%run_scoped3A : memref<!tpu.dma_semaphore, #tpu.memory_space<semaphore_mem>>)
      %dma_wait3A_131 = tpu.memref_slice %arg3[%add3A_74] : memref<262144xi32, #tpu.memory_space<hbm>> -> memref<512xi32, #tpu.memory_space<hbm>>
      %dma_wait3A_132 = tpu.memref_slice %arg3[%add3A_74] : memref<262144xi32, #tpu.memory_space<hbm>> -> memref<512xi32, #tpu.memory_space<hbm>>
      tpu.wait_dma2 semaphore(%run_scoped3A : memref<!tpu.dma_semaphore, #tpu.memory_space<semaphore_mem>>) src(%dma_wait3A_132 : memref<512xi32, #tpu.memory_space<hbm>>) dst(%arg5 : memref<512xi32, #tpu.memory_space<vmem>>)
      tpu.yield
    }) : () -> ()
    %dma_start3A_75 = arith.constant 0 : i32
    %dma_start3A_76 = arith.constant 0 : i32
    %dma_start3A_77 = tpu.memref_slice %arg2[%dma_start3A_75, %dma_start3A_76] : memref<16384x128xf32, #tpu.memory_space<hbm>> -> memref<16384x128xf32, #tpu.memory_space<hbm>>
    tpu.enqueue_indirect_dma source(%dma_start3A_77 : memref<16384x128xf32, #tpu.memory_space<hbm>>) target(%arg6 : memref<512x128xf32, #tpu.memory_space<vmem>>) offsets(%arg5 : memref<512xi32, #tpu.memory_space<vmem>>) semaphore(%arg7 : memref<!tpu.dma_semaphore, #tpu.memory_space<semaphore_mem>>)
    %dma_wait3A_78 = arith.constant 0 : i32
    %dma_wait3A_79 = arith.constant 0 : i32
    %dma_wait3A_80 = tpu.memref_slice %arg2[%dma_wait3A_78, %dma_wait3A_79] : memref<16384x128xf32, #tpu.memory_space<hbm>> -> memref<16384x128xf32, #tpu.memory_space<hbm>>
    tpu.wait_indirect_dma semaphore(%arg7 : memref<!tpu.dma_semaphore, #tpu.memory_space<semaphore_mem>>) src(%dma_wait3A_80 : memref<16384x128xf32, #tpu.memory_space<hbm>>) dst(%arg6 : memref<512x128xf32, #tpu.memory_space<vmem>>)
    "tpu.region"() ({
      %run_scoped3A = tpu.sem_alloc : memref<!tpu.dma_semaphore, #tpu.memory_space<semaphore_mem>>
      %dma_start3A_129 = arith.constant 0 : i32
      %dma_start3A_130 = tpu.memref_slice %arg4[%add3A_74, %dma_start3A_129] : memref<262144x128xf32, #tpu.memory_space<hbm>> -> memref<512x128xf32, #tpu.memory_space<hbm>>
      %dma_start3A_131 = arith.constant 0 : i32
      %dma_start3A_132 = tpu.memref_slice %arg4[%add3A_74, %dma_start3A_131] : memref<262144x128xf32, #tpu.memory_space<hbm>> -> memref<512x128xf32, #tpu.memory_space<hbm>>
      tpu.enqueue_dma source(%arg6 : memref<512x128xf32, #tpu.memory_space<vmem>>) target(%dma_start3A_132 : memref<512x128xf32, #tpu.memory_space<hbm>>) target_semaphore(%run_scoped3A : memref<!tpu.dma_semaphore, #tpu.memory_space<semaphore_mem>>)
      %dma_wait3A_133 = arith.constant 0 : i32
      %dma_wait3A_134 = tpu.memref_slice %arg4[%add3A_74, %dma_wait3A_133] : memref<262144x128xf32, #tpu.memory_space<hbm>> -> memref<512x128xf32, #tpu.memory_space<hbm>>
      %dma_wait3A_135 = arith.constant 0 : i32
      %dma_wait3A_136 = tpu.memref_slice %arg4[%add3A_74, %dma_wait3A_135] : memref<262144x128xf32, #tpu.memory_space<hbm>> -> memref<512x128xf32, #tpu.memory_space<hbm>>
      tpu.wait_dma2 semaphore(%run_scoped3A : memref<!tpu.dma_semaphore, #tpu.memory_space<semaphore_mem>>) src(%arg6 : memref<512x128xf32, #tpu.memory_space<vmem>>) dst(%dma_wait3A_136 : memref<512x128xf32, #tpu.memory_space<hbm>>)
      tpu.yield
    }) : () -> ()
    %add3A_81 = arith.constant 5120 : i32
    %add3A_82 = arith.addi %mul3A_2, %add3A_81 : i32
    "tpu.region"() ({
      %run_scoped3A = tpu.sem_alloc : memref<!tpu.dma_semaphore, #tpu.memory_space<semaphore_mem>>
      %dma_start3A_129 = tpu.memref_slice %arg3[%add3A_82] : memref<262144xi32, #tpu.memory_space<hbm>> -> memref<512xi32, #tpu.memory_space<hbm>>
      %dma_start3A_130 = tpu.memref_slice %arg3[%add3A_82] : memref<262144xi32, #tpu.memory_space<hbm>> -> memref<512xi32, #tpu.memory_space<hbm>>
      tpu.enqueue_dma source(%dma_start3A_130 : memref<512xi32, #tpu.memory_space<hbm>>) target(%arg5 : memref<512xi32, #tpu.memory_space<vmem>>) target_semaphore(%run_scoped3A : memref<!tpu.dma_semaphore, #tpu.memory_space<semaphore_mem>>)
      %dma_wait3A_131 = tpu.memref_slice %arg3[%add3A_82] : memref<262144xi32, #tpu.memory_space<hbm>> -> memref<512xi32, #tpu.memory_space<hbm>>
      %dma_wait3A_132 = tpu.memref_slice %arg3[%add3A_82] : memref<262144xi32, #tpu.memory_space<hbm>> -> memref<512xi32, #tpu.memory_space<hbm>>
      tpu.wait_dma2 semaphore(%run_scoped3A : memref<!tpu.dma_semaphore, #tpu.memory_space<semaphore_mem>>) src(%dma_wait3A_132 : memref<512xi32, #tpu.memory_space<hbm>>) dst(%arg5 : memref<512xi32, #tpu.memory_space<vmem>>)
      tpu.yield
    }) : () -> ()
    %dma_start3A_83 = arith.constant 0 : i32
    %dma_start3A_84 = arith.constant 0 : i32
    %dma_start3A_85 = tpu.memref_slice %arg2[%dma_start3A_83, %dma_start3A_84] : memref<16384x128xf32, #tpu.memory_space<hbm>> -> memref<16384x128xf32, #tpu.memory_space<hbm>>
    tpu.enqueue_indirect_dma source(%dma_start3A_85 : memref<16384x128xf32, #tpu.memory_space<hbm>>) target(%arg6 : memref<512x128xf32, #tpu.memory_space<vmem>>) offsets(%arg5 : memref<512xi32, #tpu.memory_space<vmem>>) semaphore(%arg7 : memref<!tpu.dma_semaphore, #tpu.memory_space<semaphore_mem>>)
    %dma_wait3A_86 = arith.constant 0 : i32
    %dma_wait3A_87 = arith.constant 0 : i32
    %dma_wait3A_88 = tpu.memref_slice %arg2[%dma_wait3A_86, %dma_wait3A_87] : memref<16384x128xf32, #tpu.memory_space<hbm>> -> memref<16384x128xf32, #tpu.memory_space<hbm>>
    tpu.wait_indirect_dma semaphore(%arg7 : memref<!tpu.dma_semaphore, #tpu.memory_space<semaphore_mem>>) src(%dma_wait3A_88 : memref<16384x128xf32, #tpu.memory_space<hbm>>) dst(%arg6 : memref<512x128xf32, #tpu.memory_space<vmem>>)
    "tpu.region"() ({
      %run_scoped3A = tpu.sem_alloc : memref<!tpu.dma_semaphore, #tpu.memory_space<semaphore_mem>>
      %dma_start3A_129 = arith.constant 0 : i32
      %dma_start3A_130 = tpu.memref_slice %arg4[%add3A_82, %dma_start3A_129] : memref<262144x128xf32, #tpu.memory_space<hbm>> -> memref<512x128xf32, #tpu.memory_space<hbm>>
      %dma_start3A_131 = arith.constant 0 : i32
      %dma_start3A_132 = tpu.memref_slice %arg4[%add3A_82, %dma_start3A_131] : memref<262144x128xf32, #tpu.memory_space<hbm>> -> memref<512x128xf32, #tpu.memory_space<hbm>>
      tpu.enqueue_dma source(%arg6 : memref<512x128xf32, #tpu.memory_space<vmem>>) target(%dma_start3A_132 : memref<512x128xf32, #tpu.memory_space<hbm>>) target_semaphore(%run_scoped3A : memref<!tpu.dma_semaphore, #tpu.memory_space<semaphore_mem>>)
      %dma_wait3A_133 = arith.constant 0 : i32
      %dma_wait3A_134 = tpu.memref_slice %arg4[%add3A_82, %dma_wait3A_133] : memref<262144x128xf32, #tpu.memory_space<hbm>> -> memref<512x128xf32, #tpu.memory_space<hbm>>
      %dma_wait3A_135 = arith.constant 0 : i32
      %dma_wait3A_136 = tpu.memref_slice %arg4[%add3A_82, %dma_wait3A_135] : memref<262144x128xf32, #tpu.memory_space<hbm>> -> memref<512x128xf32, #tpu.memory_space<hbm>>
      tpu.wait_dma2 semaphore(%run_scoped3A : memref<!tpu.dma_semaphore, #tpu.memory_space<semaphore_mem>>) src(%arg6 : memref<512x128xf32, #tpu.memory_space<vmem>>) dst(%dma_wait3A_136 : memref<512x128xf32, #tpu.memory_space<hbm>>)
      tpu.yield
    }) : () -> ()
    %add3A_89 = arith.constant 5632 : i32
    %add3A_90 = arith.addi %mul3A_2, %add3A_89 : i32
    "tpu.region"() ({
      %run_scoped3A = tpu.sem_alloc : memref<!tpu.dma_semaphore, #tpu.memory_space<semaphore_mem>>
      %dma_start3A_129 = tpu.memref_slice %arg3[%add3A_90] : memref<262144xi32, #tpu.memory_space<hbm>> -> memref<512xi32, #tpu.memory_space<hbm>>
      %dma_start3A_130 = tpu.memref_slice %arg3[%add3A_90] : memref<262144xi32, #tpu.memory_space<hbm>> -> memref<512xi32, #tpu.memory_space<hbm>>
      tpu.enqueue_dma source(%dma_start3A_130 : memref<512xi32, #tpu.memory_space<hbm>>) target(%arg5 : memref<512xi32, #tpu.memory_space<vmem>>) target_semaphore(%run_scoped3A : memref<!tpu.dma_semaphore, #tpu.memory_space<semaphore_mem>>)
      %dma_wait3A_131 = tpu.memref_slice %arg3[%add3A_90] : memref<262144xi32, #tpu.memory_space<hbm>> -> memref<512xi32, #tpu.memory_space<hbm>>
      %dma_wait3A_132 = tpu.memref_slice %arg3[%add3A_90] : memref<262144xi32, #tpu.memory_space<hbm>> -> memref<512xi32, #tpu.memory_space<hbm>>
      tpu.wait_dma2 semaphore(%run_scoped3A : memref<!tpu.dma_semaphore, #tpu.memory_space<semaphore_mem>>) src(%dma_wait3A_132 : memref<512xi32, #tpu.memory_space<hbm>>) dst(%arg5 : memref<512xi32, #tpu.memory_space<vmem>>)
      tpu.yield
    }) : () -> ()
    %dma_start3A_91 = arith.constant 0 : i32
    %dma_start3A_92 = arith.constant 0 : i32
    %dma_start3A_93 = tpu.memref_slice %arg2[%dma_start3A_91, %dma_start3A_92] : memref<16384x128xf32, #tpu.memory_space<hbm>> -> memref<16384x128xf32, #tpu.memory_space<hbm>>
    tpu.enqueue_indirect_dma source(%dma_start3A_93 : memref<16384x128xf32, #tpu.memory_space<hbm>>) target(%arg6 : memref<512x128xf32, #tpu.memory_space<vmem>>) offsets(%arg5 : memref<512xi32, #tpu.memory_space<vmem>>) semaphore(%arg7 : memref<!tpu.dma_semaphore, #tpu.memory_space<semaphore_mem>>)
    %dma_wait3A_94 = arith.constant 0 : i32
    %dma_wait3A_95 = arith.constant 0 : i32
    %dma_wait3A_96 = tpu.memref_slice %arg2[%dma_wait3A_94, %dma_wait3A_95] : memref<16384x128xf32, #tpu.memory_space<hbm>> -> memref<16384x128xf32, #tpu.memory_space<hbm>>
    tpu.wait_indirect_dma semaphore(%arg7 : memref<!tpu.dma_semaphore, #tpu.memory_space<semaphore_mem>>) src(%dma_wait3A_96 : memref<16384x128xf32, #tpu.memory_space<hbm>>) dst(%arg6 : memref<512x128xf32, #tpu.memory_space<vmem>>)
    "tpu.region"() ({
      %run_scoped3A = tpu.sem_alloc : memref<!tpu.dma_semaphore, #tpu.memory_space<semaphore_mem>>
      %dma_start3A_129 = arith.constant 0 : i32
      %dma_start3A_130 = tpu.memref_slice %arg4[%add3A_90, %dma_start3A_129] : memref<262144x128xf32, #tpu.memory_space<hbm>> -> memref<512x128xf32, #tpu.memory_space<hbm>>
      %dma_start3A_131 = arith.constant 0 : i32
      %dma_start3A_132 = tpu.memref_slice %arg4[%add3A_90, %dma_start3A_131] : memref<262144x128xf32, #tpu.memory_space<hbm>> -> memref<512x128xf32, #tpu.memory_space<hbm>>
      tpu.enqueue_dma source(%arg6 : memref<512x128xf32, #tpu.memory_space<vmem>>) target(%dma_start3A_132 : memref<512x128xf32, #tpu.memory_space<hbm>>) target_semaphore(%run_scoped3A : memref<!tpu.dma_semaphore, #tpu.memory_space<semaphore_mem>>)
      %dma_wait3A_133 = arith.constant 0 : i32
      %dma_wait3A_134 = tpu.memref_slice %arg4[%add3A_90, %dma_wait3A_133] : memref<262144x128xf32, #tpu.memory_space<hbm>> -> memref<512x128xf32, #tpu.memory_space<hbm>>
      %dma_wait3A_135 = arith.constant 0 : i32
      %dma_wait3A_136 = tpu.memref_slice %arg4[%add3A_90, %dma_wait3A_135] : memref<262144x128xf32, #tpu.memory_space<hbm>> -> memref<512x128xf32, #tpu.memory_space<hbm>>
      tpu.wait_dma2 semaphore(%run_scoped3A : memref<!tpu.dma_semaphore, #tpu.memory_space<semaphore_mem>>) src(%arg6 : memref<512x128xf32, #tpu.memory_space<vmem>>) dst(%dma_wait3A_136 : memref<512x128xf32, #tpu.memory_space<hbm>>)
      tpu.yield
    }) : () -> ()
    %add3A_97 = arith.constant 6144 : i32
    %add3A_98 = arith.addi %mul3A_2, %add3A_97 : i32
    "tpu.region"() ({
      %run_scoped3A = tpu.sem_alloc : memref<!tpu.dma_semaphore, #tpu.memory_space<semaphore_mem>>
      %dma_start3A_129 = tpu.memref_slice %arg3[%add3A_98] : memref<262144xi32, #tpu.memory_space<hbm>> -> memref<512xi32, #tpu.memory_space<hbm>>
      %dma_start3A_130 = tpu.memref_slice %arg3[%add3A_98] : memref<262144xi32, #tpu.memory_space<hbm>> -> memref<512xi32, #tpu.memory_space<hbm>>
      tpu.enqueue_dma source(%dma_start3A_130 : memref<512xi32, #tpu.memory_space<hbm>>) target(%arg5 : memref<512xi32, #tpu.memory_space<vmem>>) target_semaphore(%run_scoped3A : memref<!tpu.dma_semaphore, #tpu.memory_space<semaphore_mem>>)
      %dma_wait3A_131 = tpu.memref_slice %arg3[%add3A_98] : memref<262144xi32, #tpu.memory_space<hbm>> -> memref<512xi32, #tpu.memory_space<hbm>>
      %dma_wait3A_132 = tpu.memref_slice %arg3[%add3A_98] : memref<262144xi32, #tpu.memory_space<hbm>> -> memref<512xi32, #tpu.memory_space<hbm>>
      tpu.wait_dma2 semaphore(%run_scoped3A : memref<!tpu.dma_semaphore, #tpu.memory_space<semaphore_mem>>) src(%dma_wait3A_132 : memref<512xi32, #tpu.memory_space<hbm>>) dst(%arg5 : memref<512xi32, #tpu.memory_space<vmem>>)
      tpu.yield
    }) : () -> ()
    %dma_start3A_99 = arith.constant 0 : i32
    %dma_start3A_100 = arith.constant 0 : i32
    %dma_start3A_101 = tpu.memref_slice %arg2[%dma_start3A_99, %dma_start3A_100] : memref<16384x128xf32, #tpu.memory_space<hbm>> -> memref<16384x128xf32, #tpu.memory_space<hbm>>
    tpu.enqueue_indirect_dma source(%dma_start3A_101 : memref<16384x128xf32, #tpu.memory_space<hbm>>) target(%arg6 : memref<512x128xf32, #tpu.memory_space<vmem>>) offsets(%arg5 : memref<512xi32, #tpu.memory_space<vmem>>) semaphore(%arg7 : memref<!tpu.dma_semaphore, #tpu.memory_space<semaphore_mem>>)
    %dma_wait3A_102 = arith.constant 0 : i32
    %dma_wait3A_103 = arith.constant 0 : i32
    %dma_wait3A_104 = tpu.memref_slice %arg2[%dma_wait3A_102, %dma_wait3A_103] : memref<16384x128xf32, #tpu.memory_space<hbm>> -> memref<16384x128xf32, #tpu.memory_space<hbm>>
    tpu.wait_indirect_dma semaphore(%arg7 : memref<!tpu.dma_semaphore, #tpu.memory_space<semaphore_mem>>) src(%dma_wait3A_104 : memref<16384x128xf32, #tpu.memory_space<hbm>>) dst(%arg6 : memref<512x128xf32, #tpu.memory_space<vmem>>)
    "tpu.region"() ({
      %run_scoped3A = tpu.sem_alloc : memref<!tpu.dma_semaphore, #tpu.memory_space<semaphore_mem>>
      %dma_start3A_129 = arith.constant 0 : i32
      %dma_start3A_130 = tpu.memref_slice %arg4[%add3A_98, %dma_start3A_129] : memref<262144x128xf32, #tpu.memory_space<hbm>> -> memref<512x128xf32, #tpu.memory_space<hbm>>
      %dma_start3A_131 = arith.constant 0 : i32
      %dma_start3A_132 = tpu.memref_slice %arg4[%add3A_98, %dma_start3A_131] : memref<262144x128xf32, #tpu.memory_space<hbm>> -> memref<512x128xf32, #tpu.memory_space<hbm>>
      tpu.enqueue_dma source(%arg6 : memref<512x128xf32, #tpu.memory_space<vmem>>) target(%dma_start3A_132 : memref<512x128xf32, #tpu.memory_space<hbm>>) target_semaphore(%run_scoped3A : memref<!tpu.dma_semaphore, #tpu.memory_space<semaphore_mem>>)
      %dma_wait3A_133 = arith.constant 0 : i32
      %dma_wait3A_134 = tpu.memref_slice %arg4[%add3A_98, %dma_wait3A_133] : memref<262144x128xf32, #tpu.memory_space<hbm>> -> memref<512x128xf32, #tpu.memory_space<hbm>>
      %dma_wait3A_135 = arith.constant 0 : i32
      %dma_wait3A_136 = tpu.memref_slice %arg4[%add3A_98, %dma_wait3A_135] : memref<262144x128xf32, #tpu.memory_space<hbm>> -> memref<512x128xf32, #tpu.memory_space<hbm>>
      tpu.wait_dma2 semaphore(%run_scoped3A : memref<!tpu.dma_semaphore, #tpu.memory_space<semaphore_mem>>) src(%arg6 : memref<512x128xf32, #tpu.memory_space<vmem>>) dst(%dma_wait3A_136 : memref<512x128xf32, #tpu.memory_space<hbm>>)
      tpu.yield
    }) : () -> ()
    %add3A_105 = arith.constant 6656 : i32
    %add3A_106 = arith.addi %mul3A_2, %add3A_105 : i32
    "tpu.region"() ({
      %run_scoped3A = tpu.sem_alloc : memref<!tpu.dma_semaphore, #tpu.memory_space<semaphore_mem>>
      %dma_start3A_129 = tpu.memref_slice %arg3[%add3A_106] : memref<262144xi32, #tpu.memory_space<hbm>> -> memref<512xi32, #tpu.memory_space<hbm>>
      %dma_start3A_130 = tpu.memref_slice %arg3[%add3A_106] : memref<262144xi32, #tpu.memory_space<hbm>> -> memref<512xi32, #tpu.memory_space<hbm>>
      tpu.enqueue_dma source(%dma_start3A_130 : memref<512xi32, #tpu.memory_space<hbm>>) target(%arg5 : memref<512xi32, #tpu.memory_space<vmem>>) target_semaphore(%run_scoped3A : memref<!tpu.dma_semaphore, #tpu.memory_space<semaphore_mem>>)
      %dma_wait3A_131 = tpu.memref_slice %arg3[%add3A_106] : memref<262144xi32, #tpu.memory_space<hbm>> -> memref<512xi32, #tpu.memory_space<hbm>>
      %dma_wait3A_132 = tpu.memref_slice %arg3[%add3A_106] : memref<262144xi32, #tpu.memory_space<hbm>> -> memref<512xi32, #tpu.memory_space<hbm>>
      tpu.wait_dma2 semaphore(%run_scoped3A : memref<!tpu.dma_semaphore, #tpu.memory_space<semaphore_mem>>) src(%dma_wait3A_132 : memref<512xi32, #tpu.memory_space<hbm>>) dst(%arg5 : memref<512xi32, #tpu.memory_space<vmem>>)
      tpu.yield
    }) : () -> ()
    %dma_start3A_107 = arith.constant 0 : i32
    %dma_start3A_108 = arith.constant 0 : i32
    %dma_start3A_109 = tpu.memref_slice %arg2[%dma_start3A_107, %dma_start3A_108] : memref<16384x128xf32, #tpu.memory_space<hbm>> -> memref<16384x128xf32, #tpu.memory_space<hbm>>
    tpu.enqueue_indirect_dma source(%dma_start3A_109 : memref<16384x128xf32, #tpu.memory_space<hbm>>) target(%arg6 : memref<512x128xf32, #tpu.memory_space<vmem>>) offsets(%arg5 : memref<512xi32, #tpu.memory_space<vmem>>) semaphore(%arg7 : memref<!tpu.dma_semaphore, #tpu.memory_space<semaphore_mem>>)
    %dma_wait3A_110 = arith.constant 0 : i32
    %dma_wait3A_111 = arith.constant 0 : i32
    %dma_wait3A_112 = tpu.memref_slice %arg2[%dma_wait3A_110, %dma_wait3A_111] : memref<16384x128xf32, #tpu.memory_space<hbm>> -> memref<16384x128xf32, #tpu.memory_space<hbm>>
    tpu.wait_indirect_dma semaphore(%arg7 : memref<!tpu.dma_semaphore, #tpu.memory_space<semaphore_mem>>) src(%dma_wait3A_112 : memref<16384x128xf32, #tpu.memory_space<hbm>>) dst(%arg6 : memref<512x128xf32, #tpu.memory_space<vmem>>)
    "tpu.region"() ({
      %run_scoped3A = tpu.sem_alloc : memref<!tpu.dma_semaphore, #tpu.memory_space<semaphore_mem>>
      %dma_start3A_129 = arith.constant 0 : i32
      %dma_start3A_130 = tpu.memref_slice %arg4[%add3A_106, %dma_start3A_129] : memref<262144x128xf32, #tpu.memory_space<hbm>> -> memref<512x128xf32, #tpu.memory_space<hbm>>
      %dma_start3A_131 = arith.constant 0 : i32
      %dma_start3A_132 = tpu.memref_slice %arg4[%add3A_106, %dma_start3A_131] : memref<262144x128xf32, #tpu.memory_space<hbm>> -> memref<512x128xf32, #tpu.memory_space<hbm>>
      tpu.enqueue_dma source(%arg6 : memref<512x128xf32, #tpu.memory_space<vmem>>) target(%dma_start3A_132 : memref<512x128xf32, #tpu.memory_space<hbm>>) target_semaphore(%run_scoped3A : memref<!tpu.dma_semaphore, #tpu.memory_space<semaphore_mem>>)
      %dma_wait3A_133 = arith.constant 0 : i32
      %dma_wait3A_134 = tpu.memref_slice %arg4[%add3A_106, %dma_wait3A_133] : memref<262144x128xf32, #tpu.memory_space<hbm>> -> memref<512x128xf32, #tpu.memory_space<hbm>>
      %dma_wait3A_135 = arith.constant 0 : i32
      %dma_wait3A_136 = tpu.memref_slice %arg4[%add3A_106, %dma_wait3A_135] : memref<262144x128xf32, #tpu.memory_space<hbm>> -> memref<512x128xf32, #tpu.memory_space<hbm>>
      tpu.wait_dma2 semaphore(%run_scoped3A : memref<!tpu.dma_semaphore, #tpu.memory_space<semaphore_mem>>) src(%arg6 : memref<512x128xf32, #tpu.memory_space<vmem>>) dst(%dma_wait3A_136 : memref<512x128xf32, #tpu.memory_space<hbm>>)
      tpu.yield
    }) : () -> ()
    %add3A_113 = arith.constant 7168 : i32
    %add3A_114 = arith.addi %mul3A_2, %add3A_113 : i32
    "tpu.region"() ({
      %run_scoped3A = tpu.sem_alloc : memref<!tpu.dma_semaphore, #tpu.memory_space<semaphore_mem>>
      %dma_start3A_129 = tpu.memref_slice %arg3[%add3A_114] : memref<262144xi32, #tpu.memory_space<hbm>> -> memref<512xi32, #tpu.memory_space<hbm>>
      %dma_start3A_130 = tpu.memref_slice %arg3[%add3A_114] : memref<262144xi32, #tpu.memory_space<hbm>> -> memref<512xi32, #tpu.memory_space<hbm>>
      tpu.enqueue_dma source(%dma_start3A_130 : memref<512xi32, #tpu.memory_space<hbm>>) target(%arg5 : memref<512xi32, #tpu.memory_space<vmem>>) target_semaphore(%run_scoped3A : memref<!tpu.dma_semaphore, #tpu.memory_space<semaphore_mem>>)
      %dma_wait3A_131 = tpu.memref_slice %arg3[%add3A_114] : memref<262144xi32, #tpu.memory_space<hbm>> -> memref<512xi32, #tpu.memory_space<hbm>>
      %dma_wait3A_132 = tpu.memref_slice %arg3[%add3A_114] : memref<262144xi32, #tpu.memory_space<hbm>> -> memref<512xi32, #tpu.memory_space<hbm>>
      tpu.wait_dma2 semaphore(%run_scoped3A : memref<!tpu.dma_semaphore, #tpu.memory_space<semaphore_mem>>) src(%dma_wait3A_132 : memref<512xi32, #tpu.memory_space<hbm>>) dst(%arg5 : memref<512xi32, #tpu.memory_space<vmem>>)
      tpu.yield
    }) : () -> ()
    %dma_start3A_115 = arith.constant 0 : i32
    %dma_start3A_116 = arith.constant 0 : i32
    %dma_start3A_117 = tpu.memref_slice %arg2[%dma_start3A_115, %dma_start3A_116] : memref<16384x128xf32, #tpu.memory_space<hbm>> -> memref<16384x128xf32, #tpu.memory_space<hbm>>
    tpu.enqueue_indirect_dma source(%dma_start3A_117 : memref<16384x128xf32, #tpu.memory_space<hbm>>) target(%arg6 : memref<512x128xf32, #tpu.memory_space<vmem>>) offsets(%arg5 : memref<512xi32, #tpu.memory_space<vmem>>) semaphore(%arg7 : memref<!tpu.dma_semaphore, #tpu.memory_space<semaphore_mem>>)
    %dma_wait3A_118 = arith.constant 0 : i32
    %dma_wait3A_119 = arith.constant 0 : i32
    %dma_wait3A_120 = tpu.memref_slice %arg2[%dma_wait3A_118, %dma_wait3A_119] : memref<16384x128xf32, #tpu.memory_space<hbm>> -> memref<16384x128xf32, #tpu.memory_space<hbm>>
    tpu.wait_indirect_dma semaphore(%arg7 : memref<!tpu.dma_semaphore, #tpu.memory_space<semaphore_mem>>) src(%dma_wait3A_120 : memref<16384x128xf32, #tpu.memory_space<hbm>>) dst(%arg6 : memref<512x128xf32, #tpu.memory_space<vmem>>)
    "tpu.region"() ({
      %run_scoped3A = tpu.sem_alloc : memref<!tpu.dma_semaphore, #tpu.memory_space<semaphore_mem>>
      %dma_start3A_129 = arith.constant 0 : i32
      %dma_start3A_130 = tpu.memref_slice %arg4[%add3A_114, %dma_start3A_129] : memref<262144x128xf32, #tpu.memory_space<hbm>> -> memref<512x128xf32, #tpu.memory_space<hbm>>
      %dma_start3A_131 = arith.constant 0 : i32
      %dma_start3A_132 = tpu.memref_slice %arg4[%add3A_114, %dma_start3A_131] : memref<262144x128xf32, #tpu.memory_space<hbm>> -> memref<512x128xf32, #tpu.memory_space<hbm>>
      tpu.enqueue_dma source(%arg6 : memref<512x128xf32, #tpu.memory_space<vmem>>) target(%dma_start3A_132 : memref<512x128xf32, #tpu.memory_space<hbm>>) target_semaphore(%run_scoped3A : memref<!tpu.dma_semaphore, #tpu.memory_space<semaphore_mem>>)
      %dma_wait3A_133 = arith.constant 0 : i32
      %dma_wait3A_134 = tpu.memref_slice %arg4[%add3A_114, %dma_wait3A_133] : memref<262144x128xf32, #tpu.memory_space<hbm>> -> memref<512x128xf32, #tpu.memory_space<hbm>>
      %dma_wait3A_135 = arith.constant 0 : i32
      %dma_wait3A_136 = tpu.memref_slice %arg4[%add3A_114, %dma_wait3A_135] : memref<262144x128xf32, #tpu.memory_space<hbm>> -> memref<512x128xf32, #tpu.memory_space<hbm>>
      tpu.wait_dma2 semaphore(%run_scoped3A : memref<!tpu.dma_semaphore, #tpu.memory_space<semaphore_mem>>) src(%arg6 : memref<512x128xf32, #tpu.memory_space<vmem>>) dst(%dma_wait3A_136 : memref<512x128xf32, #tpu.memory_space<hbm>>)
      tpu.yield
    }) : () -> ()
    %add3A_121 = arith.constant 7680 : i32
    %add3A_122 = arith.addi %mul3A_2, %add3A_121 : i32
    "tpu.region"() ({
      %run_scoped3A = tpu.sem_alloc : memref<!tpu.dma_semaphore, #tpu.memory_space<semaphore_mem>>
      %dma_start3A_129 = tpu.memref_slice %arg3[%add3A_122] : memref<262144xi32, #tpu.memory_space<hbm>> -> memref<512xi32, #tpu.memory_space<hbm>>
      %dma_start3A_130 = tpu.memref_slice %arg3[%add3A_122] : memref<262144xi32, #tpu.memory_space<hbm>> -> memref<512xi32, #tpu.memory_space<hbm>>
      tpu.enqueue_dma source(%dma_start3A_130 : memref<512xi32, #tpu.memory_space<hbm>>) target(%arg5 : memref<512xi32, #tpu.memory_space<vmem>>) target_semaphore(%run_scoped3A : memref<!tpu.dma_semaphore, #tpu.memory_space<semaphore_mem>>)
      %dma_wait3A_131 = tpu.memref_slice %arg3[%add3A_122] : memref<262144xi32, #tpu.memory_space<hbm>> -> memref<512xi32, #tpu.memory_space<hbm>>
      %dma_wait3A_132 = tpu.memref_slice %arg3[%add3A_122] : memref<262144xi32, #tpu.memory_space<hbm>> -> memref<512xi32, #tpu.memory_space<hbm>>
      tpu.wait_dma2 semaphore(%run_scoped3A : memref<!tpu.dma_semaphore, #tpu.memory_space<semaphore_mem>>) src(%dma_wait3A_132 : memref<512xi32, #tpu.memory_space<hbm>>) dst(%arg5 : memref<512xi32, #tpu.memory_space<vmem>>)
      tpu.yield
    }) : () -> ()
    %dma_start3A_123 = arith.constant 0 : i32
    %dma_start3A_124 = arith.constant 0 : i32
    %dma_start3A_125 = tpu.memref_slice %arg2[%dma_start3A_123, %dma_start3A_124] : memref<16384x128xf32, #tpu.memory_space<hbm>> -> memref<16384x128xf32, #tpu.memory_space<hbm>>
    tpu.enqueue_indirect_dma source(%dma_start3A_125 : memref<16384x128xf32, #tpu.memory_space<hbm>>) target(%arg6 : memref<512x128xf32, #tpu.memory_space<vmem>>) offsets(%arg5 : memref<512xi32, #tpu.memory_space<vmem>>) semaphore(%arg7 : memref<!tpu.dma_semaphore, #tpu.memory_space<semaphore_mem>>)
    %dma_wait3A_126 = arith.constant 0 : i32
    %dma_wait3A_127 = arith.constant 0 : i32
    %dma_wait3A_128 = tpu.memref_slice %arg2[%dma_wait3A_126, %dma_wait3A_127] : memref<16384x128xf32, #tpu.memory_space<hbm>> -> memref<16384x128xf32, #tpu.memory_space<hbm>>
    tpu.wait_indirect_dma semaphore(%arg7 : memref<!tpu.dma_semaphore, #tpu.memory_space<semaphore_mem>>) src(%dma_wait3A_128 : memref<16384x128xf32, #tpu.memory_space<hbm>>) dst(%arg6 : memref<512x128xf32, #tpu.memory_space<vmem>>)
    "tpu.region"() ({
      %run_scoped3A = tpu.sem_alloc : memref<!tpu.dma_semaphore, #tpu.memory_space<semaphore_mem>>
      %dma_start3A_129 = arith.constant 0 : i32
      %dma_start3A_130 = tpu.memref_slice %arg4[%add3A_122, %dma_start3A_129] : memref<262144x128xf32, #tpu.memory_space<hbm>> -> memref<512x128xf32, #tpu.memory_space<hbm>>
      %dma_start3A_131 = arith.constant 0 : i32
      %dma_start3A_132 = tpu.memref_slice %arg4[%add3A_122, %dma_start3A_131] : memref<262144x128xf32, #tpu.memory_space<hbm>> -> memref<512x128xf32, #tpu.memory_space<hbm>>
      tpu.enqueue_dma source(%arg6 : memref<512x128xf32, #tpu.memory_space<vmem>>) target(%dma_start3A_132 : memref<512x128xf32, #tpu.memory_space<hbm>>) target_semaphore(%run_scoped3A : memref<!tpu.dma_semaphore, #tpu.memory_space<semaphore_mem>>)
      %dma_wait3A_133 = arith.constant 0 : i32
      %dma_wait3A_134 = tpu.memref_slice %arg4[%add3A_122, %dma_wait3A_133] : memref<262144x128xf32, #tpu.memory_space<hbm>> -> memref<512x128xf32, #tpu.memory_space<hbm>>
      %dma_wait3A_135 = arith.constant 0 : i32
      %dma_wait3A_136 = tpu.memref_slice %arg4[%add3A_122, %dma_wait3A_135] : memref<262144x128xf32, #tpu.memory_space<hbm>> -> memref<512x128xf32, #tpu.memory_space<hbm>>
      tpu.wait_dma2 semaphore(%run_scoped3A : memref<!tpu.dma_semaphore, #tpu.memory_space<semaphore_mem>>) src(%arg6 : memref<512x128xf32, #tpu.memory_space<vmem>>) dst(%dma_wait3A_136 : memref<512x128xf32, #tpu.memory_space<hbm>>)
      tpu.yield
    }) : () -> ()
    return
  }
}

#map = affine_map<(d0, d1) -> (0, 0)>
#map1 = affine_map<(d0, d1) -> (0)>
module attributes {stable_mosaic.version = 14 : i64} {
  func.func @k(%arg0: i32, %arg1: i32, %arg2: memref<4096x128xf32, #tpu.memory_space<hbm>>, %arg3: memref<49152xi32, #tpu.memory_space<hbm>>, %arg4: memref<49152x128xf32, #tpu.memory_space<hbm>>, %arg5: memref<512xi32, #tpu.memory_space<vmem>>, %arg6: memref<512x128xf32, #tpu.memory_space<vmem>>, %arg7: memref<!tpu.dma_semaphore, #tpu.memory_space<semaphore_mem>>) attributes {dimension_semantics = [#tpu.dimension_semantics<core_parallel>, #tpu.dimension_semantics<subcore_parallel>], iteration_bounds = array<i64: 2, 16>, scalar_prefetch = 0 : i64, scratch_operands = 3 : i64, tpu.core_type = #tpu.core_type<sc_vector_subcore>, window_params = [{transform_indices = #map}, {transform_indices = #map1}, {transform_indices = #map}]} {
    %mul3A = arith.constant 2 : i32
    %mul3A_0 = arith.muli %arg1, %mul3A : i32
    %add3A = arith.addi %mul3A_0, %arg0 : i32
    %mul3A_1 = arith.constant 1536 : i32
    %mul3A_2 = arith.muli %add3A, %mul3A_1 : i32
    %add3A_3 = arith.constant 0 : i32
    %add3A_4 = arith.addi %mul3A_2, %add3A_3 : i32
    "tpu.region"() ({
      %run_scoped3A = tpu.sem_alloc : memref<!tpu.dma_semaphore, #tpu.memory_space<semaphore_mem>>
      %dma_start3A_25 = tpu.memref_slice %arg3[%add3A_4] : memref<49152xi32, #tpu.memory_space<hbm>> -> memref<512xi32, #tpu.memory_space<hbm>>
      %dma_start3A_26 = tpu.memref_slice %arg3[%add3A_4] : memref<49152xi32, #tpu.memory_space<hbm>> -> memref<512xi32, #tpu.memory_space<hbm>>
      tpu.enqueue_dma source(%dma_start3A_26 : memref<512xi32, #tpu.memory_space<hbm>>) target(%arg5 : memref<512xi32, #tpu.memory_space<vmem>>) target_semaphore(%run_scoped3A : memref<!tpu.dma_semaphore, #tpu.memory_space<semaphore_mem>>)
      %dma_wait3A_27 = tpu.memref_slice %arg3[%add3A_4] : memref<49152xi32, #tpu.memory_space<hbm>> -> memref<512xi32, #tpu.memory_space<hbm>>
      %dma_wait3A_28 = tpu.memref_slice %arg3[%add3A_4] : memref<49152xi32, #tpu.memory_space<hbm>> -> memref<512xi32, #tpu.memory_space<hbm>>
      tpu.wait_dma2 semaphore(%run_scoped3A : memref<!tpu.dma_semaphore, #tpu.memory_space<semaphore_mem>>) src(%dma_wait3A_28 : memref<512xi32, #tpu.memory_space<hbm>>) dst(%arg5 : memref<512xi32, #tpu.memory_space<vmem>>)
      tpu.yield
    }) : () -> ()
    %dma_start3A = arith.constant 0 : i32
    %dma_start3A_5 = arith.constant 0 : i32
    %dma_start3A_6 = tpu.memref_slice %arg2[%dma_start3A, %dma_start3A_5] : memref<4096x128xf32, #tpu.memory_space<hbm>> -> memref<4096x128xf32, #tpu.memory_space<hbm>>
    tpu.enqueue_indirect_dma source(%dma_start3A_6 : memref<4096x128xf32, #tpu.memory_space<hbm>>) target(%arg6 : memref<512x128xf32, #tpu.memory_space<vmem>>) offsets(%arg5 : memref<512xi32, #tpu.memory_space<vmem>>) semaphore(%arg7 : memref<!tpu.dma_semaphore, #tpu.memory_space<semaphore_mem>>)
    %dma_wait3A = arith.constant 0 : i32
    %dma_wait3A_7 = arith.constant 0 : i32
    %dma_wait3A_8 = tpu.memref_slice %arg2[%dma_wait3A, %dma_wait3A_7] : memref<4096x128xf32, #tpu.memory_space<hbm>> -> memref<4096x128xf32, #tpu.memory_space<hbm>>
    tpu.wait_indirect_dma semaphore(%arg7 : memref<!tpu.dma_semaphore, #tpu.memory_space<semaphore_mem>>) src(%dma_wait3A_8 : memref<4096x128xf32, #tpu.memory_space<hbm>>) dst(%arg6 : memref<512x128xf32, #tpu.memory_space<vmem>>)
    "tpu.region"() ({
      %run_scoped3A = tpu.sem_alloc : memref<!tpu.dma_semaphore, #tpu.memory_space<semaphore_mem>>
      %dma_start3A_25 = arith.constant 0 : i32
      %dma_start3A_26 = tpu.memref_slice %arg4[%add3A_4, %dma_start3A_25] : memref<49152x128xf32, #tpu.memory_space<hbm>> -> memref<512x128xf32, #tpu.memory_space<hbm>>
      %dma_start3A_27 = arith.constant 0 : i32
      %dma_start3A_28 = tpu.memref_slice %arg4[%add3A_4, %dma_start3A_27] : memref<49152x128xf32, #tpu.memory_space<hbm>> -> memref<512x128xf32, #tpu.memory_space<hbm>>
      tpu.enqueue_dma source(%arg6 : memref<512x128xf32, #tpu.memory_space<vmem>>) target(%dma_start3A_28 : memref<512x128xf32, #tpu.memory_space<hbm>>) target_semaphore(%run_scoped3A : memref<!tpu.dma_semaphore, #tpu.memory_space<semaphore_mem>>)
      %dma_wait3A_29 = arith.constant 0 : i32
      %dma_wait3A_30 = tpu.memref_slice %arg4[%add3A_4, %dma_wait3A_29] : memref<49152x128xf32, #tpu.memory_space<hbm>> -> memref<512x128xf32, #tpu.memory_space<hbm>>
      %dma_wait3A_31 = arith.constant 0 : i32
      %dma_wait3A_32 = tpu.memref_slice %arg4[%add3A_4, %dma_wait3A_31] : memref<49152x128xf32, #tpu.memory_space<hbm>> -> memref<512x128xf32, #tpu.memory_space<hbm>>
      tpu.wait_dma2 semaphore(%run_scoped3A : memref<!tpu.dma_semaphore, #tpu.memory_space<semaphore_mem>>) src(%arg6 : memref<512x128xf32, #tpu.memory_space<vmem>>) dst(%dma_wait3A_32 : memref<512x128xf32, #tpu.memory_space<hbm>>)
      tpu.yield
    }) : () -> ()
    %add3A_9 = arith.constant 512 : i32
    %add3A_10 = arith.addi %mul3A_2, %add3A_9 : i32
    "tpu.region"() ({
      %run_scoped3A = tpu.sem_alloc : memref<!tpu.dma_semaphore, #tpu.memory_space<semaphore_mem>>
      %dma_start3A_25 = tpu.memref_slice %arg3[%add3A_10] : memref<49152xi32, #tpu.memory_space<hbm>> -> memref<512xi32, #tpu.memory_space<hbm>>
      %dma_start3A_26 = tpu.memref_slice %arg3[%add3A_10] : memref<49152xi32, #tpu.memory_space<hbm>> -> memref<512xi32, #tpu.memory_space<hbm>>
      tpu.enqueue_dma source(%dma_start3A_26 : memref<512xi32, #tpu.memory_space<hbm>>) target(%arg5 : memref<512xi32, #tpu.memory_space<vmem>>) target_semaphore(%run_scoped3A : memref<!tpu.dma_semaphore, #tpu.memory_space<semaphore_mem>>)
      %dma_wait3A_27 = tpu.memref_slice %arg3[%add3A_10] : memref<49152xi32, #tpu.memory_space<hbm>> -> memref<512xi32, #tpu.memory_space<hbm>>
      %dma_wait3A_28 = tpu.memref_slice %arg3[%add3A_10] : memref<49152xi32, #tpu.memory_space<hbm>> -> memref<512xi32, #tpu.memory_space<hbm>>
      tpu.wait_dma2 semaphore(%run_scoped3A : memref<!tpu.dma_semaphore, #tpu.memory_space<semaphore_mem>>) src(%dma_wait3A_28 : memref<512xi32, #tpu.memory_space<hbm>>) dst(%arg5 : memref<512xi32, #tpu.memory_space<vmem>>)
      tpu.yield
    }) : () -> ()
    %dma_start3A_11 = arith.constant 0 : i32
    %dma_start3A_12 = arith.constant 0 : i32
    %dma_start3A_13 = tpu.memref_slice %arg2[%dma_start3A_11, %dma_start3A_12] : memref<4096x128xf32, #tpu.memory_space<hbm>> -> memref<4096x128xf32, #tpu.memory_space<hbm>>
    tpu.enqueue_indirect_dma source(%dma_start3A_13 : memref<4096x128xf32, #tpu.memory_space<hbm>>) target(%arg6 : memref<512x128xf32, #tpu.memory_space<vmem>>) offsets(%arg5 : memref<512xi32, #tpu.memory_space<vmem>>) semaphore(%arg7 : memref<!tpu.dma_semaphore, #tpu.memory_space<semaphore_mem>>)
    %dma_wait3A_14 = arith.constant 0 : i32
    %dma_wait3A_15 = arith.constant 0 : i32
    %dma_wait3A_16 = tpu.memref_slice %arg2[%dma_wait3A_14, %dma_wait3A_15] : memref<4096x128xf32, #tpu.memory_space<hbm>> -> memref<4096x128xf32, #tpu.memory_space<hbm>>
    tpu.wait_indirect_dma semaphore(%arg7 : memref<!tpu.dma_semaphore, #tpu.memory_space<semaphore_mem>>) src(%dma_wait3A_16 : memref<4096x128xf32, #tpu.memory_space<hbm>>) dst(%arg6 : memref<512x128xf32, #tpu.memory_space<vmem>>)
    "tpu.region"() ({
      %run_scoped3A = tpu.sem_alloc : memref<!tpu.dma_semaphore, #tpu.memory_space<semaphore_mem>>
      %dma_start3A_25 = arith.constant 0 : i32
      %dma_start3A_26 = tpu.memref_slice %arg4[%add3A_10, %dma_start3A_25] : memref<49152x128xf32, #tpu.memory_space<hbm>> -> memref<512x128xf32, #tpu.memory_space<hbm>>
      %dma_start3A_27 = arith.constant 0 : i32
      %dma_start3A_28 = tpu.memref_slice %arg4[%add3A_10, %dma_start3A_27] : memref<49152x128xf32, #tpu.memory_space<hbm>> -> memref<512x128xf32, #tpu.memory_space<hbm>>
      tpu.enqueue_dma source(%arg6 : memref<512x128xf32, #tpu.memory_space<vmem>>) target(%dma_start3A_28 : memref<512x128xf32, #tpu.memory_space<hbm>>) target_semaphore(%run_scoped3A : memref<!tpu.dma_semaphore, #tpu.memory_space<semaphore_mem>>)
      %dma_wait3A_29 = arith.constant 0 : i32
      %dma_wait3A_30 = tpu.memref_slice %arg4[%add3A_10, %dma_wait3A_29] : memref<49152x128xf32, #tpu.memory_space<hbm>> -> memref<512x128xf32, #tpu.memory_space<hbm>>
      %dma_wait3A_31 = arith.constant 0 : i32
      %dma_wait3A_32 = tpu.memref_slice %arg4[%add3A_10, %dma_wait3A_31] : memref<49152x128xf32, #tpu.memory_space<hbm>> -> memref<512x128xf32, #tpu.memory_space<hbm>>
      tpu.wait_dma2 semaphore(%run_scoped3A : memref<!tpu.dma_semaphore, #tpu.memory_space<semaphore_mem>>) src(%arg6 : memref<512x128xf32, #tpu.memory_space<vmem>>) dst(%dma_wait3A_32 : memref<512x128xf32, #tpu.memory_space<hbm>>)
      tpu.yield
    }) : () -> ()
    %add3A_17 = arith.constant 1024 : i32
    %add3A_18 = arith.addi %mul3A_2, %add3A_17 : i32
    "tpu.region"() ({
      %run_scoped3A = tpu.sem_alloc : memref<!tpu.dma_semaphore, #tpu.memory_space<semaphore_mem>>
      %dma_start3A_25 = tpu.memref_slice %arg3[%add3A_18] : memref<49152xi32, #tpu.memory_space<hbm>> -> memref<512xi32, #tpu.memory_space<hbm>>
      %dma_start3A_26 = tpu.memref_slice %arg3[%add3A_18] : memref<49152xi32, #tpu.memory_space<hbm>> -> memref<512xi32, #tpu.memory_space<hbm>>
      tpu.enqueue_dma source(%dma_start3A_26 : memref<512xi32, #tpu.memory_space<hbm>>) target(%arg5 : memref<512xi32, #tpu.memory_space<vmem>>) target_semaphore(%run_scoped3A : memref<!tpu.dma_semaphore, #tpu.memory_space<semaphore_mem>>)
      %dma_wait3A_27 = tpu.memref_slice %arg3[%add3A_18] : memref<49152xi32, #tpu.memory_space<hbm>> -> memref<512xi32, #tpu.memory_space<hbm>>
      %dma_wait3A_28 = tpu.memref_slice %arg3[%add3A_18] : memref<49152xi32, #tpu.memory_space<hbm>> -> memref<512xi32, #tpu.memory_space<hbm>>
      tpu.wait_dma2 semaphore(%run_scoped3A : memref<!tpu.dma_semaphore, #tpu.memory_space<semaphore_mem>>) src(%dma_wait3A_28 : memref<512xi32, #tpu.memory_space<hbm>>) dst(%arg5 : memref<512xi32, #tpu.memory_space<vmem>>)
      tpu.yield
    }) : () -> ()
    %dma_start3A_19 = arith.constant 0 : i32
    %dma_start3A_20 = arith.constant 0 : i32
    %dma_start3A_21 = tpu.memref_slice %arg2[%dma_start3A_19, %dma_start3A_20] : memref<4096x128xf32, #tpu.memory_space<hbm>> -> memref<4096x128xf32, #tpu.memory_space<hbm>>
    tpu.enqueue_indirect_dma source(%dma_start3A_21 : memref<4096x128xf32, #tpu.memory_space<hbm>>) target(%arg6 : memref<512x128xf32, #tpu.memory_space<vmem>>) offsets(%arg5 : memref<512xi32, #tpu.memory_space<vmem>>) semaphore(%arg7 : memref<!tpu.dma_semaphore, #tpu.memory_space<semaphore_mem>>)
    %dma_wait3A_22 = arith.constant 0 : i32
    %dma_wait3A_23 = arith.constant 0 : i32
    %dma_wait3A_24 = tpu.memref_slice %arg2[%dma_wait3A_22, %dma_wait3A_23] : memref<4096x128xf32, #tpu.memory_space<hbm>> -> memref<4096x128xf32, #tpu.memory_space<hbm>>
    tpu.wait_indirect_dma semaphore(%arg7 : memref<!tpu.dma_semaphore, #tpu.memory_space<semaphore_mem>>) src(%dma_wait3A_24 : memref<4096x128xf32, #tpu.memory_space<hbm>>) dst(%arg6 : memref<512x128xf32, #tpu.memory_space<vmem>>)
    "tpu.region"() ({
      %run_scoped3A = tpu.sem_alloc : memref<!tpu.dma_semaphore, #tpu.memory_space<semaphore_mem>>
      %dma_start3A_25 = arith.constant 0 : i32
      %dma_start3A_26 = tpu.memref_slice %arg4[%add3A_18, %dma_start3A_25] : memref<49152x128xf32, #tpu.memory_space<hbm>> -> memref<512x128xf32, #tpu.memory_space<hbm>>
      %dma_start3A_27 = arith.constant 0 : i32
      %dma_start3A_28 = tpu.memref_slice %arg4[%add3A_18, %dma_start3A_27] : memref<49152x128xf32, #tpu.memory_space<hbm>> -> memref<512x128xf32, #tpu.memory_space<hbm>>
      tpu.enqueue_dma source(%arg6 : memref<512x128xf32, #tpu.memory_space<vmem>>) target(%dma_start3A_28 : memref<512x128xf32, #tpu.memory_space<hbm>>) target_semaphore(%run_scoped3A : memref<!tpu.dma_semaphore, #tpu.memory_space<semaphore_mem>>)
      %dma_wait3A_29 = arith.constant 0 : i32
      %dma_wait3A_30 = tpu.memref_slice %arg4[%add3A_18, %dma_wait3A_29] : memref<49152x128xf32, #tpu.memory_space<hbm>> -> memref<512x128xf32, #tpu.memory_space<hbm>>
      %dma_wait3A_31 = arith.constant 0 : i32
      %dma_wait3A_32 = tpu.memref_slice %arg4[%add3A_18, %dma_wait3A_31] : memref<49152x128xf32, #tpu.memory_space<hbm>> -> memref<512x128xf32, #tpu.memory_space<hbm>>
      tpu.wait_dma2 semaphore(%run_scoped3A : memref<!tpu.dma_semaphore, #tpu.memory_space<semaphore_mem>>) src(%arg6 : memref<512x128xf32, #tpu.memory_space<vmem>>) dst(%dma_wait3A_32 : memref<512x128xf32, #tpu.memory_space<hbm>>)
      tpu.yield
    }) : () -> ()
    return
  }
}

#map = affine_map<(d0, d1) -> (0, 0)>
#map1 = affine_map<(d0, d1) -> (0)>
module attributes {stable_mosaic.version = 14 : i64} {
  func.func @k(%arg0: i32, %arg1: i32, %arg2: memref<1024x256xf32, #tpu.memory_space<hbm>>, %arg3: memref<12288xi32, #tpu.memory_space<hbm>>, %arg4: memref<12288x256xf32, #tpu.memory_space<hbm>>, %arg5: memref<128xi32, #tpu.memory_space<vmem>>, %arg6: memref<128x256xf32, #tpu.memory_space<vmem>>, %arg7: memref<!tpu.dma_semaphore, #tpu.memory_space<semaphore_mem>>) attributes {dimension_semantics = [#tpu.dimension_semantics<core_parallel>, #tpu.dimension_semantics<subcore_parallel>], iteration_bounds = array<i64: 2, 16>, scalar_prefetch = 0 : i64, scratch_operands = 3 : i64, tpu.core_type = #tpu.core_type<sc_vector_subcore>, window_params = [{transform_indices = #map}, {transform_indices = #map1}, {transform_indices = #map}]} {
    %mul3A = arith.constant 2 : i32
    %mul3A_0 = arith.muli %arg1, %mul3A : i32
    %add3A = arith.addi %mul3A_0, %arg0 : i32
    %mul3A_1 = arith.constant 384 : i32
    %mul3A_2 = arith.muli %add3A, %mul3A_1 : i32
    %add3A_3 = arith.constant 0 : i32
    %add3A_4 = arith.addi %mul3A_2, %add3A_3 : i32
    "tpu.region"() ({
      %run_scoped3A = tpu.sem_alloc : memref<!tpu.dma_semaphore, #tpu.memory_space<semaphore_mem>>
      %dma_start3A_25 = tpu.memref_slice %arg3[%add3A_4] : memref<12288xi32, #tpu.memory_space<hbm>> -> memref<128xi32, #tpu.memory_space<hbm>>
      %dma_start3A_26 = tpu.memref_slice %arg3[%add3A_4] : memref<12288xi32, #tpu.memory_space<hbm>> -> memref<128xi32, #tpu.memory_space<hbm>>
      tpu.enqueue_dma source(%dma_start3A_26 : memref<128xi32, #tpu.memory_space<hbm>>) target(%arg5 : memref<128xi32, #tpu.memory_space<vmem>>) target_semaphore(%run_scoped3A : memref<!tpu.dma_semaphore, #tpu.memory_space<semaphore_mem>>)
      %dma_wait3A_27 = tpu.memref_slice %arg3[%add3A_4] : memref<12288xi32, #tpu.memory_space<hbm>> -> memref<128xi32, #tpu.memory_space<hbm>>
      %dma_wait3A_28 = tpu.memref_slice %arg3[%add3A_4] : memref<12288xi32, #tpu.memory_space<hbm>> -> memref<128xi32, #tpu.memory_space<hbm>>
      tpu.wait_dma2 semaphore(%run_scoped3A : memref<!tpu.dma_semaphore, #tpu.memory_space<semaphore_mem>>) src(%dma_wait3A_28 : memref<128xi32, #tpu.memory_space<hbm>>) dst(%arg5 : memref<128xi32, #tpu.memory_space<vmem>>)
      tpu.yield
    }) : () -> ()
    %dma_start3A = arith.constant 0 : i32
    %dma_start3A_5 = arith.constant 0 : i32
    %dma_start3A_6 = tpu.memref_slice %arg2[%dma_start3A, %dma_start3A_5] : memref<1024x256xf32, #tpu.memory_space<hbm>> -> memref<1024x256xf32, #tpu.memory_space<hbm>>
    tpu.enqueue_indirect_dma source(%dma_start3A_6 : memref<1024x256xf32, #tpu.memory_space<hbm>>) target(%arg6 : memref<128x256xf32, #tpu.memory_space<vmem>>) offsets(%arg5 : memref<128xi32, #tpu.memory_space<vmem>>) semaphore(%arg7 : memref<!tpu.dma_semaphore, #tpu.memory_space<semaphore_mem>>)
    %dma_wait3A = arith.constant 0 : i32
    %dma_wait3A_7 = arith.constant 0 : i32
    %dma_wait3A_8 = tpu.memref_slice %arg2[%dma_wait3A, %dma_wait3A_7] : memref<1024x256xf32, #tpu.memory_space<hbm>> -> memref<1024x256xf32, #tpu.memory_space<hbm>>
    tpu.wait_indirect_dma semaphore(%arg7 : memref<!tpu.dma_semaphore, #tpu.memory_space<semaphore_mem>>) src(%dma_wait3A_8 : memref<1024x256xf32, #tpu.memory_space<hbm>>) dst(%arg6 : memref<128x256xf32, #tpu.memory_space<vmem>>)
    "tpu.region"() ({
      %run_scoped3A = tpu.sem_alloc : memref<!tpu.dma_semaphore, #tpu.memory_space<semaphore_mem>>
      %dma_start3A_25 = arith.constant 0 : i32
      %dma_start3A_26 = tpu.memref_slice %arg4[%add3A_4, %dma_start3A_25] : memref<12288x256xf32, #tpu.memory_space<hbm>> -> memref<128x256xf32, #tpu.memory_space<hbm>>
      %dma_start3A_27 = arith.constant 0 : i32
      %dma_start3A_28 = tpu.memref_slice %arg4[%add3A_4, %dma_start3A_27] : memref<12288x256xf32, #tpu.memory_space<hbm>> -> memref<128x256xf32, #tpu.memory_space<hbm>>
      tpu.enqueue_dma source(%arg6 : memref<128x256xf32, #tpu.memory_space<vmem>>) target(%dma_start3A_28 : memref<128x256xf32, #tpu.memory_space<hbm>>) target_semaphore(%run_scoped3A : memref<!tpu.dma_semaphore, #tpu.memory_space<semaphore_mem>>)
      %dma_wait3A_29 = arith.constant 0 : i32
      %dma_wait3A_30 = tpu.memref_slice %arg4[%add3A_4, %dma_wait3A_29] : memref<12288x256xf32, #tpu.memory_space<hbm>> -> memref<128x256xf32, #tpu.memory_space<hbm>>
      %dma_wait3A_31 = arith.constant 0 : i32
      %dma_wait3A_32 = tpu.memref_slice %arg4[%add3A_4, %dma_wait3A_31] : memref<12288x256xf32, #tpu.memory_space<hbm>> -> memref<128x256xf32, #tpu.memory_space<hbm>>
      tpu.wait_dma2 semaphore(%run_scoped3A : memref<!tpu.dma_semaphore, #tpu.memory_space<semaphore_mem>>) src(%arg6 : memref<128x256xf32, #tpu.memory_space<vmem>>) dst(%dma_wait3A_32 : memref<128x256xf32, #tpu.memory_space<hbm>>)
      tpu.yield
    }) : () -> ()
    %add3A_9 = arith.constant 128 : i32
    %add3A_10 = arith.addi %mul3A_2, %add3A_9 : i32
    "tpu.region"() ({
      %run_scoped3A = tpu.sem_alloc : memref<!tpu.dma_semaphore, #tpu.memory_space<semaphore_mem>>
      %dma_start3A_25 = tpu.memref_slice %arg3[%add3A_10] : memref<12288xi32, #tpu.memory_space<hbm>> -> memref<128xi32, #tpu.memory_space<hbm>>
      %dma_start3A_26 = tpu.memref_slice %arg3[%add3A_10] : memref<12288xi32, #tpu.memory_space<hbm>> -> memref<128xi32, #tpu.memory_space<hbm>>
      tpu.enqueue_dma source(%dma_start3A_26 : memref<128xi32, #tpu.memory_space<hbm>>) target(%arg5 : memref<128xi32, #tpu.memory_space<vmem>>) target_semaphore(%run_scoped3A : memref<!tpu.dma_semaphore, #tpu.memory_space<semaphore_mem>>)
      %dma_wait3A_27 = tpu.memref_slice %arg3[%add3A_10] : memref<12288xi32, #tpu.memory_space<hbm>> -> memref<128xi32, #tpu.memory_space<hbm>>
      %dma_wait3A_28 = tpu.memref_slice %arg3[%add3A_10] : memref<12288xi32, #tpu.memory_space<hbm>> -> memref<128xi32, #tpu.memory_space<hbm>>
      tpu.wait_dma2 semaphore(%run_scoped3A : memref<!tpu.dma_semaphore, #tpu.memory_space<semaphore_mem>>) src(%dma_wait3A_28 : memref<128xi32, #tpu.memory_space<hbm>>) dst(%arg5 : memref<128xi32, #tpu.memory_space<vmem>>)
      tpu.yield
    }) : () -> ()
    %dma_start3A_11 = arith.constant 0 : i32
    %dma_start3A_12 = arith.constant 0 : i32
    %dma_start3A_13 = tpu.memref_slice %arg2[%dma_start3A_11, %dma_start3A_12] : memref<1024x256xf32, #tpu.memory_space<hbm>> -> memref<1024x256xf32, #tpu.memory_space<hbm>>
    tpu.enqueue_indirect_dma source(%dma_start3A_13 : memref<1024x256xf32, #tpu.memory_space<hbm>>) target(%arg6 : memref<128x256xf32, #tpu.memory_space<vmem>>) offsets(%arg5 : memref<128xi32, #tpu.memory_space<vmem>>) semaphore(%arg7 : memref<!tpu.dma_semaphore, #tpu.memory_space<semaphore_mem>>)
    %dma_wait3A_14 = arith.constant 0 : i32
    %dma_wait3A_15 = arith.constant 0 : i32
    %dma_wait3A_16 = tpu.memref_slice %arg2[%dma_wait3A_14, %dma_wait3A_15] : memref<1024x256xf32, #tpu.memory_space<hbm>> -> memref<1024x256xf32, #tpu.memory_space<hbm>>
    tpu.wait_indirect_dma semaphore(%arg7 : memref<!tpu.dma_semaphore, #tpu.memory_space<semaphore_mem>>) src(%dma_wait3A_16 : memref<1024x256xf32, #tpu.memory_space<hbm>>) dst(%arg6 : memref<128x256xf32, #tpu.memory_space<vmem>>)
    "tpu.region"() ({
      %run_scoped3A = tpu.sem_alloc : memref<!tpu.dma_semaphore, #tpu.memory_space<semaphore_mem>>
      %dma_start3A_25 = arith.constant 0 : i32
      %dma_start3A_26 = tpu.memref_slice %arg4[%add3A_10, %dma_start3A_25] : memref<12288x256xf32, #tpu.memory_space<hbm>> -> memref<128x256xf32, #tpu.memory_space<hbm>>
      %dma_start3A_27 = arith.constant 0 : i32
      %dma_start3A_28 = tpu.memref_slice %arg4[%add3A_10, %dma_start3A_27] : memref<12288x256xf32, #tpu.memory_space<hbm>> -> memref<128x256xf32, #tpu.memory_space<hbm>>
      tpu.enqueue_dma source(%arg6 : memref<128x256xf32, #tpu.memory_space<vmem>>) target(%dma_start3A_28 : memref<128x256xf32, #tpu.memory_space<hbm>>) target_semaphore(%run_scoped3A : memref<!tpu.dma_semaphore, #tpu.memory_space<semaphore_mem>>)
      %dma_wait3A_29 = arith.constant 0 : i32
      %dma_wait3A_30 = tpu.memref_slice %arg4[%add3A_10, %dma_wait3A_29] : memref<12288x256xf32, #tpu.memory_space<hbm>> -> memref<128x256xf32, #tpu.memory_space<hbm>>
      %dma_wait3A_31 = arith.constant 0 : i32
      %dma_wait3A_32 = tpu.memref_slice %arg4[%add3A_10, %dma_wait3A_31] : memref<12288x256xf32, #tpu.memory_space<hbm>> -> memref<128x256xf32, #tpu.memory_space<hbm>>
      tpu.wait_dma2 semaphore(%run_scoped3A : memref<!tpu.dma_semaphore, #tpu.memory_space<semaphore_mem>>) src(%arg6 : memref<128x256xf32, #tpu.memory_space<vmem>>) dst(%dma_wait3A_32 : memref<128x256xf32, #tpu.memory_space<hbm>>)
      tpu.yield
    }) : () -> ()
    %add3A_17 = arith.constant 256 : i32
    %add3A_18 = arith.addi %mul3A_2, %add3A_17 : i32
    "tpu.region"() ({
      %run_scoped3A = tpu.sem_alloc : memref<!tpu.dma_semaphore, #tpu.memory_space<semaphore_mem>>
      %dma_start3A_25 = tpu.memref_slice %arg3[%add3A_18] : memref<12288xi32, #tpu.memory_space<hbm>> -> memref<128xi32, #tpu.memory_space<hbm>>
      %dma_start3A_26 = tpu.memref_slice %arg3[%add3A_18] : memref<12288xi32, #tpu.memory_space<hbm>> -> memref<128xi32, #tpu.memory_space<hbm>>
      tpu.enqueue_dma source(%dma_start3A_26 : memref<128xi32, #tpu.memory_space<hbm>>) target(%arg5 : memref<128xi32, #tpu.memory_space<vmem>>) target_semaphore(%run_scoped3A : memref<!tpu.dma_semaphore, #tpu.memory_space<semaphore_mem>>)
      %dma_wait3A_27 = tpu.memref_slice %arg3[%add3A_18] : memref<12288xi32, #tpu.memory_space<hbm>> -> memref<128xi32, #tpu.memory_space<hbm>>
      %dma_wait3A_28 = tpu.memref_slice %arg3[%add3A_18] : memref<12288xi32, #tpu.memory_space<hbm>> -> memref<128xi32, #tpu.memory_space<hbm>>
      tpu.wait_dma2 semaphore(%run_scoped3A : memref<!tpu.dma_semaphore, #tpu.memory_space<semaphore_mem>>) src(%dma_wait3A_28 : memref<128xi32, #tpu.memory_space<hbm>>) dst(%arg5 : memref<128xi32, #tpu.memory_space<vmem>>)
      tpu.yield
    }) : () -> ()
    %dma_start3A_19 = arith.constant 0 : i32
    %dma_start3A_20 = arith.constant 0 : i32
    %dma_start3A_21 = tpu.memref_slice %arg2[%dma_start3A_19, %dma_start3A_20] : memref<1024x256xf32, #tpu.memory_space<hbm>> -> memref<1024x256xf32, #tpu.memory_space<hbm>>
    tpu.enqueue_indirect_dma source(%dma_start3A_21 : memref<1024x256xf32, #tpu.memory_space<hbm>>) target(%arg6 : memref<128x256xf32, #tpu.memory_space<vmem>>) offsets(%arg5 : memref<128xi32, #tpu.memory_space<vmem>>) semaphore(%arg7 : memref<!tpu.dma_semaphore, #tpu.memory_space<semaphore_mem>>)
    %dma_wait3A_22 = arith.constant 0 : i32
    %dma_wait3A_23 = arith.constant 0 : i32
    %dma_wait3A_24 = tpu.memref_slice %arg2[%dma_wait3A_22, %dma_wait3A_23] : memref<1024x256xf32, #tpu.memory_space<hbm>> -> memref<1024x256xf32, #tpu.memory_space<hbm>>
    tpu.wait_indirect_dma semaphore(%arg7 : memref<!tpu.dma_semaphore, #tpu.memory_space<semaphore_mem>>) src(%dma_wait3A_24 : memref<1024x256xf32, #tpu.memory_space<hbm>>) dst(%arg6 : memref<128x256xf32, #tpu.memory_space<vmem>>)
    "tpu.region"() ({
      %run_scoped3A = tpu.sem_alloc : memref<!tpu.dma_semaphore, #tpu.memory_space<semaphore_mem>>
      %dma_start3A_25 = arith.constant 0 : i32
      %dma_start3A_26 = tpu.memref_slice %arg4[%add3A_18, %dma_start3A_25] : memref<12288x256xf32, #tpu.memory_space<hbm>> -> memref<128x256xf32, #tpu.memory_space<hbm>>
      %dma_start3A_27 = arith.constant 0 : i32
      %dma_start3A_28 = tpu.memref_slice %arg4[%add3A_18, %dma_start3A_27] : memref<12288x256xf32, #tpu.memory_space<hbm>> -> memref<128x256xf32, #tpu.memory_space<hbm>>
      tpu.enqueue_dma source(%arg6 : memref<128x256xf32, #tpu.memory_space<vmem>>) target(%dma_start3A_28 : memref<128x256xf32, #tpu.memory_space<hbm>>) target_semaphore(%run_scoped3A : memref<!tpu.dma_semaphore, #tpu.memory_space<semaphore_mem>>)
      %dma_wait3A_29 = arith.constant 0 : i32
      %dma_wait3A_30 = tpu.memref_slice %arg4[%add3A_18, %dma_wait3A_29] : memref<12288x256xf32, #tpu.memory_space<hbm>> -> memref<128x256xf32, #tpu.memory_space<hbm>>
      %dma_wait3A_31 = arith.constant 0 : i32
      %dma_wait3A_32 = tpu.memref_slice %arg4[%add3A_18, %dma_wait3A_31] : memref<12288x256xf32, #tpu.memory_space<hbm>> -> memref<128x256xf32, #tpu.memory_space<hbm>>
      tpu.wait_dma2 semaphore(%run_scoped3A : memref<!tpu.dma_semaphore, #tpu.memory_space<semaphore_mem>>) src(%arg6 : memref<128x256xf32, #tpu.memory_space<vmem>>) dst(%dma_wait3A_32 : memref<128x256xf32, #tpu.memory_space<hbm>>)
      tpu.yield
    }) : () -> ()
    return
  }
}

#map = affine_map<(d0, d1) -> (0, 0)>
#map1 = affine_map<(d0, d1) -> (0)>
module attributes {stable_mosaic.version = 14 : i64} {
  func.func @k(%arg0: i32, %arg1: i32, %arg2: memref<4096x256xf32, #tpu.memory_space<hbm>>, %arg3: memref<65536xi32, #tpu.memory_space<hbm>>, %arg4: memref<65536x256xf32, #tpu.memory_space<hbm>>, %arg5: memref<256xi32, #tpu.memory_space<vmem>>, %arg6: memref<256x256xf32, #tpu.memory_space<vmem>>, %arg7: memref<!tpu.dma_semaphore, #tpu.memory_space<semaphore_mem>>) attributes {dimension_semantics = [#tpu.dimension_semantics<core_parallel>, #tpu.dimension_semantics<subcore_parallel>], iteration_bounds = array<i64: 2, 16>, scalar_prefetch = 0 : i64, scratch_operands = 3 : i64, tpu.core_type = #tpu.core_type<sc_vector_subcore>, window_params = [{transform_indices = #map}, {transform_indices = #map1}, {transform_indices = #map}]} {
    %mul3A = arith.constant 2 : i32
    %mul3A_0 = arith.muli %arg1, %mul3A : i32
    %add3A = arith.addi %mul3A_0, %arg0 : i32
    %mul3A_1 = arith.constant 2048 : i32
    %mul3A_2 = arith.muli %add3A, %mul3A_1 : i32
    %add3A_3 = arith.constant 0 : i32
    %add3A_4 = arith.addi %mul3A_2, %add3A_3 : i32
    "tpu.region"() ({
      %run_scoped3A = tpu.sem_alloc : memref<!tpu.dma_semaphore, #tpu.memory_space<semaphore_mem>>
      %dma_start3A_65 = tpu.memref_slice %arg3[%add3A_4] : memref<65536xi32, #tpu.memory_space<hbm>> -> memref<256xi32, #tpu.memory_space<hbm>>
      %dma_start3A_66 = tpu.memref_slice %arg3[%add3A_4] : memref<65536xi32, #tpu.memory_space<hbm>> -> memref<256xi32, #tpu.memory_space<hbm>>
      tpu.enqueue_dma source(%dma_start3A_66 : memref<256xi32, #tpu.memory_space<hbm>>) target(%arg5 : memref<256xi32, #tpu.memory_space<vmem>>) target_semaphore(%run_scoped3A : memref<!tpu.dma_semaphore, #tpu.memory_space<semaphore_mem>>)
      %dma_wait3A_67 = tpu.memref_slice %arg3[%add3A_4] : memref<65536xi32, #tpu.memory_space<hbm>> -> memref<256xi32, #tpu.memory_space<hbm>>
      %dma_wait3A_68 = tpu.memref_slice %arg3[%add3A_4] : memref<65536xi32, #tpu.memory_space<hbm>> -> memref<256xi32, #tpu.memory_space<hbm>>
      tpu.wait_dma2 semaphore(%run_scoped3A : memref<!tpu.dma_semaphore, #tpu.memory_space<semaphore_mem>>) src(%dma_wait3A_68 : memref<256xi32, #tpu.memory_space<hbm>>) dst(%arg5 : memref<256xi32, #tpu.memory_space<vmem>>)
      tpu.yield
    }) : () -> ()
    %dma_start3A = arith.constant 0 : i32
    %dma_start3A_5 = arith.constant 0 : i32
    %dma_start3A_6 = tpu.memref_slice %arg2[%dma_start3A, %dma_start3A_5] : memref<4096x256xf32, #tpu.memory_space<hbm>> -> memref<4096x256xf32, #tpu.memory_space<hbm>>
    tpu.enqueue_indirect_dma source(%dma_start3A_6 : memref<4096x256xf32, #tpu.memory_space<hbm>>) target(%arg6 : memref<256x256xf32, #tpu.memory_space<vmem>>) offsets(%arg5 : memref<256xi32, #tpu.memory_space<vmem>>) semaphore(%arg7 : memref<!tpu.dma_semaphore, #tpu.memory_space<semaphore_mem>>)
    %dma_wait3A = arith.constant 0 : i32
    %dma_wait3A_7 = arith.constant 0 : i32
    %dma_wait3A_8 = tpu.memref_slice %arg2[%dma_wait3A, %dma_wait3A_7] : memref<4096x256xf32, #tpu.memory_space<hbm>> -> memref<4096x256xf32, #tpu.memory_space<hbm>>
    tpu.wait_indirect_dma semaphore(%arg7 : memref<!tpu.dma_semaphore, #tpu.memory_space<semaphore_mem>>) src(%dma_wait3A_8 : memref<4096x256xf32, #tpu.memory_space<hbm>>) dst(%arg6 : memref<256x256xf32, #tpu.memory_space<vmem>>)
    "tpu.region"() ({
      %run_scoped3A = tpu.sem_alloc : memref<!tpu.dma_semaphore, #tpu.memory_space<semaphore_mem>>
      %dma_start3A_65 = arith.constant 0 : i32
      %dma_start3A_66 = tpu.memref_slice %arg4[%add3A_4, %dma_start3A_65] : memref<65536x256xf32, #tpu.memory_space<hbm>> -> memref<256x256xf32, #tpu.memory_space<hbm>>
      %dma_start3A_67 = arith.constant 0 : i32
      %dma_start3A_68 = tpu.memref_slice %arg4[%add3A_4, %dma_start3A_67] : memref<65536x256xf32, #tpu.memory_space<hbm>> -> memref<256x256xf32, #tpu.memory_space<hbm>>
      tpu.enqueue_dma source(%arg6 : memref<256x256xf32, #tpu.memory_space<vmem>>) target(%dma_start3A_68 : memref<256x256xf32, #tpu.memory_space<hbm>>) target_semaphore(%run_scoped3A : memref<!tpu.dma_semaphore, #tpu.memory_space<semaphore_mem>>)
      %dma_wait3A_69 = arith.constant 0 : i32
      %dma_wait3A_70 = tpu.memref_slice %arg4[%add3A_4, %dma_wait3A_69] : memref<65536x256xf32, #tpu.memory_space<hbm>> -> memref<256x256xf32, #tpu.memory_space<hbm>>
      %dma_wait3A_71 = arith.constant 0 : i32
      %dma_wait3A_72 = tpu.memref_slice %arg4[%add3A_4, %dma_wait3A_71] : memref<65536x256xf32, #tpu.memory_space<hbm>> -> memref<256x256xf32, #tpu.memory_space<hbm>>
      tpu.wait_dma2 semaphore(%run_scoped3A : memref<!tpu.dma_semaphore, #tpu.memory_space<semaphore_mem>>) src(%arg6 : memref<256x256xf32, #tpu.memory_space<vmem>>) dst(%dma_wait3A_72 : memref<256x256xf32, #tpu.memory_space<hbm>>)
      tpu.yield
    }) : () -> ()
    %add3A_9 = arith.constant 256 : i32
    %add3A_10 = arith.addi %mul3A_2, %add3A_9 : i32
    "tpu.region"() ({
      %run_scoped3A = tpu.sem_alloc : memref<!tpu.dma_semaphore, #tpu.memory_space<semaphore_mem>>
      %dma_start3A_65 = tpu.memref_slice %arg3[%add3A_10] : memref<65536xi32, #tpu.memory_space<hbm>> -> memref<256xi32, #tpu.memory_space<hbm>>
      %dma_start3A_66 = tpu.memref_slice %arg3[%add3A_10] : memref<65536xi32, #tpu.memory_space<hbm>> -> memref<256xi32, #tpu.memory_space<hbm>>
      tpu.enqueue_dma source(%dma_start3A_66 : memref<256xi32, #tpu.memory_space<hbm>>) target(%arg5 : memref<256xi32, #tpu.memory_space<vmem>>) target_semaphore(%run_scoped3A : memref<!tpu.dma_semaphore, #tpu.memory_space<semaphore_mem>>)
      %dma_wait3A_67 = tpu.memref_slice %arg3[%add3A_10] : memref<65536xi32, #tpu.memory_space<hbm>> -> memref<256xi32, #tpu.memory_space<hbm>>
      %dma_wait3A_68 = tpu.memref_slice %arg3[%add3A_10] : memref<65536xi32, #tpu.memory_space<hbm>> -> memref<256xi32, #tpu.memory_space<hbm>>
      tpu.wait_dma2 semaphore(%run_scoped3A : memref<!tpu.dma_semaphore, #tpu.memory_space<semaphore_mem>>) src(%dma_wait3A_68 : memref<256xi32, #tpu.memory_space<hbm>>) dst(%arg5 : memref<256xi32, #tpu.memory_space<vmem>>)
      tpu.yield
    }) : () -> ()
    %dma_start3A_11 = arith.constant 0 : i32
    %dma_start3A_12 = arith.constant 0 : i32
    %dma_start3A_13 = tpu.memref_slice %arg2[%dma_start3A_11, %dma_start3A_12] : memref<4096x256xf32, #tpu.memory_space<hbm>> -> memref<4096x256xf32, #tpu.memory_space<hbm>>
    tpu.enqueue_indirect_dma source(%dma_start3A_13 : memref<4096x256xf32, #tpu.memory_space<hbm>>) target(%arg6 : memref<256x256xf32, #tpu.memory_space<vmem>>) offsets(%arg5 : memref<256xi32, #tpu.memory_space<vmem>>) semaphore(%arg7 : memref<!tpu.dma_semaphore, #tpu.memory_space<semaphore_mem>>)
    %dma_wait3A_14 = arith.constant 0 : i32
    %dma_wait3A_15 = arith.constant 0 : i32
    %dma_wait3A_16 = tpu.memref_slice %arg2[%dma_wait3A_14, %dma_wait3A_15] : memref<4096x256xf32, #tpu.memory_space<hbm>> -> memref<4096x256xf32, #tpu.memory_space<hbm>>
    tpu.wait_indirect_dma semaphore(%arg7 : memref<!tpu.dma_semaphore, #tpu.memory_space<semaphore_mem>>) src(%dma_wait3A_16 : memref<4096x256xf32, #tpu.memory_space<hbm>>) dst(%arg6 : memref<256x256xf32, #tpu.memory_space<vmem>>)
    "tpu.region"() ({
      %run_scoped3A = tpu.sem_alloc : memref<!tpu.dma_semaphore, #tpu.memory_space<semaphore_mem>>
      %dma_start3A_65 = arith.constant 0 : i32
      %dma_start3A_66 = tpu.memref_slice %arg4[%add3A_10, %dma_start3A_65] : memref<65536x256xf32, #tpu.memory_space<hbm>> -> memref<256x256xf32, #tpu.memory_space<hbm>>
      %dma_start3A_67 = arith.constant 0 : i32
      %dma_start3A_68 = tpu.memref_slice %arg4[%add3A_10, %dma_start3A_67] : memref<65536x256xf32, #tpu.memory_space<hbm>> -> memref<256x256xf32, #tpu.memory_space<hbm>>
      tpu.enqueue_dma source(%arg6 : memref<256x256xf32, #tpu.memory_space<vmem>>) target(%dma_start3A_68 : memref<256x256xf32, #tpu.memory_space<hbm>>) target_semaphore(%run_scoped3A : memref<!tpu.dma_semaphore, #tpu.memory_space<semaphore_mem>>)
      %dma_wait3A_69 = arith.constant 0 : i32
      %dma_wait3A_70 = tpu.memref_slice %arg4[%add3A_10, %dma_wait3A_69] : memref<65536x256xf32, #tpu.memory_space<hbm>> -> memref<256x256xf32, #tpu.memory_space<hbm>>
      %dma_wait3A_71 = arith.constant 0 : i32
      %dma_wait3A_72 = tpu.memref_slice %arg4[%add3A_10, %dma_wait3A_71] : memref<65536x256xf32, #tpu.memory_space<hbm>> -> memref<256x256xf32, #tpu.memory_space<hbm>>
      tpu.wait_dma2 semaphore(%run_scoped3A : memref<!tpu.dma_semaphore, #tpu.memory_space<semaphore_mem>>) src(%arg6 : memref<256x256xf32, #tpu.memory_space<vmem>>) dst(%dma_wait3A_72 : memref<256x256xf32, #tpu.memory_space<hbm>>)
      tpu.yield
    }) : () -> ()
    %add3A_17 = arith.constant 512 : i32
    %add3A_18 = arith.addi %mul3A_2, %add3A_17 : i32
    "tpu.region"() ({
      %run_scoped3A = tpu.sem_alloc : memref<!tpu.dma_semaphore, #tpu.memory_space<semaphore_mem>>
      %dma_start3A_65 = tpu.memref_slice %arg3[%add3A_18] : memref<65536xi32, #tpu.memory_space<hbm>> -> memref<256xi32, #tpu.memory_space<hbm>>
      %dma_start3A_66 = tpu.memref_slice %arg3[%add3A_18] : memref<65536xi32, #tpu.memory_space<hbm>> -> memref<256xi32, #tpu.memory_space<hbm>>
      tpu.enqueue_dma source(%dma_start3A_66 : memref<256xi32, #tpu.memory_space<hbm>>) target(%arg5 : memref<256xi32, #tpu.memory_space<vmem>>) target_semaphore(%run_scoped3A : memref<!tpu.dma_semaphore, #tpu.memory_space<semaphore_mem>>)
      %dma_wait3A_67 = tpu.memref_slice %arg3[%add3A_18] : memref<65536xi32, #tpu.memory_space<hbm>> -> memref<256xi32, #tpu.memory_space<hbm>>
      %dma_wait3A_68 = tpu.memref_slice %arg3[%add3A_18] : memref<65536xi32, #tpu.memory_space<hbm>> -> memref<256xi32, #tpu.memory_space<hbm>>
      tpu.wait_dma2 semaphore(%run_scoped3A : memref<!tpu.dma_semaphore, #tpu.memory_space<semaphore_mem>>) src(%dma_wait3A_68 : memref<256xi32, #tpu.memory_space<hbm>>) dst(%arg5 : memref<256xi32, #tpu.memory_space<vmem>>)
      tpu.yield
    }) : () -> ()
    %dma_start3A_19 = arith.constant 0 : i32
    %dma_start3A_20 = arith.constant 0 : i32
    %dma_start3A_21 = tpu.memref_slice %arg2[%dma_start3A_19, %dma_start3A_20] : memref<4096x256xf32, #tpu.memory_space<hbm>> -> memref<4096x256xf32, #tpu.memory_space<hbm>>
    tpu.enqueue_indirect_dma source(%dma_start3A_21 : memref<4096x256xf32, #tpu.memory_space<hbm>>) target(%arg6 : memref<256x256xf32, #tpu.memory_space<vmem>>) offsets(%arg5 : memref<256xi32, #tpu.memory_space<vmem>>) semaphore(%arg7 : memref<!tpu.dma_semaphore, #tpu.memory_space<semaphore_mem>>)
    %dma_wait3A_22 = arith.constant 0 : i32
    %dma_wait3A_23 = arith.constant 0 : i32
    %dma_wait3A_24 = tpu.memref_slice %arg2[%dma_wait3A_22, %dma_wait3A_23] : memref<4096x256xf32, #tpu.memory_space<hbm>> -> memref<4096x256xf32, #tpu.memory_space<hbm>>
    tpu.wait_indirect_dma semaphore(%arg7 : memref<!tpu.dma_semaphore, #tpu.memory_space<semaphore_mem>>) src(%dma_wait3A_24 : memref<4096x256xf32, #tpu.memory_space<hbm>>) dst(%arg6 : memref<256x256xf32, #tpu.memory_space<vmem>>)
    "tpu.region"() ({
      %run_scoped3A = tpu.sem_alloc : memref<!tpu.dma_semaphore, #tpu.memory_space<semaphore_mem>>
      %dma_start3A_65 = arith.constant 0 : i32
      %dma_start3A_66 = tpu.memref_slice %arg4[%add3A_18, %dma_start3A_65] : memref<65536x256xf32, #tpu.memory_space<hbm>> -> memref<256x256xf32, #tpu.memory_space<hbm>>
      %dma_start3A_67 = arith.constant 0 : i32
      %dma_start3A_68 = tpu.memref_slice %arg4[%add3A_18, %dma_start3A_67] : memref<65536x256xf32, #tpu.memory_space<hbm>> -> memref<256x256xf32, #tpu.memory_space<hbm>>
      tpu.enqueue_dma source(%arg6 : memref<256x256xf32, #tpu.memory_space<vmem>>) target(%dma_start3A_68 : memref<256x256xf32, #tpu.memory_space<hbm>>) target_semaphore(%run_scoped3A : memref<!tpu.dma_semaphore, #tpu.memory_space<semaphore_mem>>)
      %dma_wait3A_69 = arith.constant 0 : i32
      %dma_wait3A_70 = tpu.memref_slice %arg4[%add3A_18, %dma_wait3A_69] : memref<65536x256xf32, #tpu.memory_space<hbm>> -> memref<256x256xf32, #tpu.memory_space<hbm>>
      %dma_wait3A_71 = arith.constant 0 : i32
      %dma_wait3A_72 = tpu.memref_slice %arg4[%add3A_18, %dma_wait3A_71] : memref<65536x256xf32, #tpu.memory_space<hbm>> -> memref<256x256xf32, #tpu.memory_space<hbm>>
      tpu.wait_dma2 semaphore(%run_scoped3A : memref<!tpu.dma_semaphore, #tpu.memory_space<semaphore_mem>>) src(%arg6 : memref<256x256xf32, #tpu.memory_space<vmem>>) dst(%dma_wait3A_72 : memref<256x256xf32, #tpu.memory_space<hbm>>)
      tpu.yield
    }) : () -> ()
    %add3A_25 = arith.constant 768 : i32
    %add3A_26 = arith.addi %mul3A_2, %add3A_25 : i32
    "tpu.region"() ({
      %run_scoped3A = tpu.sem_alloc : memref<!tpu.dma_semaphore, #tpu.memory_space<semaphore_mem>>
      %dma_start3A_65 = tpu.memref_slice %arg3[%add3A_26] : memref<65536xi32, #tpu.memory_space<hbm>> -> memref<256xi32, #tpu.memory_space<hbm>>
      %dma_start3A_66 = tpu.memref_slice %arg3[%add3A_26] : memref<65536xi32, #tpu.memory_space<hbm>> -> memref<256xi32, #tpu.memory_space<hbm>>
      tpu.enqueue_dma source(%dma_start3A_66 : memref<256xi32, #tpu.memory_space<hbm>>) target(%arg5 : memref<256xi32, #tpu.memory_space<vmem>>) target_semaphore(%run_scoped3A : memref<!tpu.dma_semaphore, #tpu.memory_space<semaphore_mem>>)
      %dma_wait3A_67 = tpu.memref_slice %arg3[%add3A_26] : memref<65536xi32, #tpu.memory_space<hbm>> -> memref<256xi32, #tpu.memory_space<hbm>>
      %dma_wait3A_68 = tpu.memref_slice %arg3[%add3A_26] : memref<65536xi32, #tpu.memory_space<hbm>> -> memref<256xi32, #tpu.memory_space<hbm>>
      tpu.wait_dma2 semaphore(%run_scoped3A : memref<!tpu.dma_semaphore, #tpu.memory_space<semaphore_mem>>) src(%dma_wait3A_68 : memref<256xi32, #tpu.memory_space<hbm>>) dst(%arg5 : memref<256xi32, #tpu.memory_space<vmem>>)
      tpu.yield
    }) : () -> ()
    %dma_start3A_27 = arith.constant 0 : i32
    %dma_start3A_28 = arith.constant 0 : i32
    %dma_start3A_29 = tpu.memref_slice %arg2[%dma_start3A_27, %dma_start3A_28] : memref<4096x256xf32, #tpu.memory_space<hbm>> -> memref<4096x256xf32, #tpu.memory_space<hbm>>
    tpu.enqueue_indirect_dma source(%dma_start3A_29 : memref<4096x256xf32, #tpu.memory_space<hbm>>) target(%arg6 : memref<256x256xf32, #tpu.memory_space<vmem>>) offsets(%arg5 : memref<256xi32, #tpu.memory_space<vmem>>) semaphore(%arg7 : memref<!tpu.dma_semaphore, #tpu.memory_space<semaphore_mem>>)
    %dma_wait3A_30 = arith.constant 0 : i32
    %dma_wait3A_31 = arith.constant 0 : i32
    %dma_wait3A_32 = tpu.memref_slice %arg2[%dma_wait3A_30, %dma_wait3A_31] : memref<4096x256xf32, #tpu.memory_space<hbm>> -> memref<4096x256xf32, #tpu.memory_space<hbm>>
    tpu.wait_indirect_dma semaphore(%arg7 : memref<!tpu.dma_semaphore, #tpu.memory_space<semaphore_mem>>) src(%dma_wait3A_32 : memref<4096x256xf32, #tpu.memory_space<hbm>>) dst(%arg6 : memref<256x256xf32, #tpu.memory_space<vmem>>)
    "tpu.region"() ({
      %run_scoped3A = tpu.sem_alloc : memref<!tpu.dma_semaphore, #tpu.memory_space<semaphore_mem>>
      %dma_start3A_65 = arith.constant 0 : i32
      %dma_start3A_66 = tpu.memref_slice %arg4[%add3A_26, %dma_start3A_65] : memref<65536x256xf32, #tpu.memory_space<hbm>> -> memref<256x256xf32, #tpu.memory_space<hbm>>
      %dma_start3A_67 = arith.constant 0 : i32
      %dma_start3A_68 = tpu.memref_slice %arg4[%add3A_26, %dma_start3A_67] : memref<65536x256xf32, #tpu.memory_space<hbm>> -> memref<256x256xf32, #tpu.memory_space<hbm>>
      tpu.enqueue_dma source(%arg6 : memref<256x256xf32, #tpu.memory_space<vmem>>) target(%dma_start3A_68 : memref<256x256xf32, #tpu.memory_space<hbm>>) target_semaphore(%run_scoped3A : memref<!tpu.dma_semaphore, #tpu.memory_space<semaphore_mem>>)
      %dma_wait3A_69 = arith.constant 0 : i32
      %dma_wait3A_70 = tpu.memref_slice %arg4[%add3A_26, %dma_wait3A_69] : memref<65536x256xf32, #tpu.memory_space<hbm>> -> memref<256x256xf32, #tpu.memory_space<hbm>>
      %dma_wait3A_71 = arith.constant 0 : i32
      %dma_wait3A_72 = tpu.memref_slice %arg4[%add3A_26, %dma_wait3A_71] : memref<65536x256xf32, #tpu.memory_space<hbm>> -> memref<256x256xf32, #tpu.memory_space<hbm>>
      tpu.wait_dma2 semaphore(%run_scoped3A : memref<!tpu.dma_semaphore, #tpu.memory_space<semaphore_mem>>) src(%arg6 : memref<256x256xf32, #tpu.memory_space<vmem>>) dst(%dma_wait3A_72 : memref<256x256xf32, #tpu.memory_space<hbm>>)
      tpu.yield
    }) : () -> ()
    %add3A_33 = arith.constant 1024 : i32
    %add3A_34 = arith.addi %mul3A_2, %add3A_33 : i32
    "tpu.region"() ({
      %run_scoped3A = tpu.sem_alloc : memref<!tpu.dma_semaphore, #tpu.memory_space<semaphore_mem>>
      %dma_start3A_65 = tpu.memref_slice %arg3[%add3A_34] : memref<65536xi32, #tpu.memory_space<hbm>> -> memref<256xi32, #tpu.memory_space<hbm>>
      %dma_start3A_66 = tpu.memref_slice %arg3[%add3A_34] : memref<65536xi32, #tpu.memory_space<hbm>> -> memref<256xi32, #tpu.memory_space<hbm>>
      tpu.enqueue_dma source(%dma_start3A_66 : memref<256xi32, #tpu.memory_space<hbm>>) target(%arg5 : memref<256xi32, #tpu.memory_space<vmem>>) target_semaphore(%run_scoped3A : memref<!tpu.dma_semaphore, #tpu.memory_space<semaphore_mem>>)
      %dma_wait3A_67 = tpu.memref_slice %arg3[%add3A_34] : memref<65536xi32, #tpu.memory_space<hbm>> -> memref<256xi32, #tpu.memory_space<hbm>>
      %dma_wait3A_68 = tpu.memref_slice %arg3[%add3A_34] : memref<65536xi32, #tpu.memory_space<hbm>> -> memref<256xi32, #tpu.memory_space<hbm>>
      tpu.wait_dma2 semaphore(%run_scoped3A : memref<!tpu.dma_semaphore, #tpu.memory_space<semaphore_mem>>) src(%dma_wait3A_68 : memref<256xi32, #tpu.memory_space<hbm>>) dst(%arg5 : memref<256xi32, #tpu.memory_space<vmem>>)
      tpu.yield
    }) : () -> ()
    %dma_start3A_35 = arith.constant 0 : i32
    %dma_start3A_36 = arith.constant 0 : i32
    %dma_start3A_37 = tpu.memref_slice %arg2[%dma_start3A_35, %dma_start3A_36] : memref<4096x256xf32, #tpu.memory_space<hbm>> -> memref<4096x256xf32, #tpu.memory_space<hbm>>
    tpu.enqueue_indirect_dma source(%dma_start3A_37 : memref<4096x256xf32, #tpu.memory_space<hbm>>) target(%arg6 : memref<256x256xf32, #tpu.memory_space<vmem>>) offsets(%arg5 : memref<256xi32, #tpu.memory_space<vmem>>) semaphore(%arg7 : memref<!tpu.dma_semaphore, #tpu.memory_space<semaphore_mem>>)
    %dma_wait3A_38 = arith.constant 0 : i32
    %dma_wait3A_39 = arith.constant 0 : i32
    %dma_wait3A_40 = tpu.memref_slice %arg2[%dma_wait3A_38, %dma_wait3A_39] : memref<4096x256xf32, #tpu.memory_space<hbm>> -> memref<4096x256xf32, #tpu.memory_space<hbm>>
    tpu.wait_indirect_dma semaphore(%arg7 : memref<!tpu.dma_semaphore, #tpu.memory_space<semaphore_mem>>) src(%dma_wait3A_40 : memref<4096x256xf32, #tpu.memory_space<hbm>>) dst(%arg6 : memref<256x256xf32, #tpu.memory_space<vmem>>)
    "tpu.region"() ({
      %run_scoped3A = tpu.sem_alloc : memref<!tpu.dma_semaphore, #tpu.memory_space<semaphore_mem>>
      %dma_start3A_65 = arith.constant 0 : i32
      %dma_start3A_66 = tpu.memref_slice %arg4[%add3A_34, %dma_start3A_65] : memref<65536x256xf32, #tpu.memory_space<hbm>> -> memref<256x256xf32, #tpu.memory_space<hbm>>
      %dma_start3A_67 = arith.constant 0 : i32
      %dma_start3A_68 = tpu.memref_slice %arg4[%add3A_34, %dma_start3A_67] : memref<65536x256xf32, #tpu.memory_space<hbm>> -> memref<256x256xf32, #tpu.memory_space<hbm>>
      tpu.enqueue_dma source(%arg6 : memref<256x256xf32, #tpu.memory_space<vmem>>) target(%dma_start3A_68 : memref<256x256xf32, #tpu.memory_space<hbm>>) target_semaphore(%run_scoped3A : memref<!tpu.dma_semaphore, #tpu.memory_space<semaphore_mem>>)
      %dma_wait3A_69 = arith.constant 0 : i32
      %dma_wait3A_70 = tpu.memref_slice %arg4[%add3A_34, %dma_wait3A_69] : memref<65536x256xf32, #tpu.memory_space<hbm>> -> memref<256x256xf32, #tpu.memory_space<hbm>>
      %dma_wait3A_71 = arith.constant 0 : i32
      %dma_wait3A_72 = tpu.memref_slice %arg4[%add3A_34, %dma_wait3A_71] : memref<65536x256xf32, #tpu.memory_space<hbm>> -> memref<256x256xf32, #tpu.memory_space<hbm>>
      tpu.wait_dma2 semaphore(%run_scoped3A : memref<!tpu.dma_semaphore, #tpu.memory_space<semaphore_mem>>) src(%arg6 : memref<256x256xf32, #tpu.memory_space<vmem>>) dst(%dma_wait3A_72 : memref<256x256xf32, #tpu.memory_space<hbm>>)
      tpu.yield
    }) : () -> ()
    %add3A_41 = arith.constant 1280 : i32
    %add3A_42 = arith.addi %mul3A_2, %add3A_41 : i32
    "tpu.region"() ({
      %run_scoped3A = tpu.sem_alloc : memref<!tpu.dma_semaphore, #tpu.memory_space<semaphore_mem>>
      %dma_start3A_65 = tpu.memref_slice %arg3[%add3A_42] : memref<65536xi32, #tpu.memory_space<hbm>> -> memref<256xi32, #tpu.memory_space<hbm>>
      %dma_start3A_66 = tpu.memref_slice %arg3[%add3A_42] : memref<65536xi32, #tpu.memory_space<hbm>> -> memref<256xi32, #tpu.memory_space<hbm>>
      tpu.enqueue_dma source(%dma_start3A_66 : memref<256xi32, #tpu.memory_space<hbm>>) target(%arg5 : memref<256xi32, #tpu.memory_space<vmem>>) target_semaphore(%run_scoped3A : memref<!tpu.dma_semaphore, #tpu.memory_space<semaphore_mem>>)
      %dma_wait3A_67 = tpu.memref_slice %arg3[%add3A_42] : memref<65536xi32, #tpu.memory_space<hbm>> -> memref<256xi32, #tpu.memory_space<hbm>>
      %dma_wait3A_68 = tpu.memref_slice %arg3[%add3A_42] : memref<65536xi32, #tpu.memory_space<hbm>> -> memref<256xi32, #tpu.memory_space<hbm>>
      tpu.wait_dma2 semaphore(%run_scoped3A : memref<!tpu.dma_semaphore, #tpu.memory_space<semaphore_mem>>) src(%dma_wait3A_68 : memref<256xi32, #tpu.memory_space<hbm>>) dst(%arg5 : memref<256xi32, #tpu.memory_space<vmem>>)
      tpu.yield
    }) : () -> ()
    %dma_start3A_43 = arith.constant 0 : i32
    %dma_start3A_44 = arith.constant 0 : i32
    %dma_start3A_45 = tpu.memref_slice %arg2[%dma_start3A_43, %dma_start3A_44] : memref<4096x256xf32, #tpu.memory_space<hbm>> -> memref<4096x256xf32, #tpu.memory_space<hbm>>
    tpu.enqueue_indirect_dma source(%dma_start3A_45 : memref<4096x256xf32, #tpu.memory_space<hbm>>) target(%arg6 : memref<256x256xf32, #tpu.memory_space<vmem>>) offsets(%arg5 : memref<256xi32, #tpu.memory_space<vmem>>) semaphore(%arg7 : memref<!tpu.dma_semaphore, #tpu.memory_space<semaphore_mem>>)
    %dma_wait3A_46 = arith.constant 0 : i32
    %dma_wait3A_47 = arith.constant 0 : i32
    %dma_wait3A_48 = tpu.memref_slice %arg2[%dma_wait3A_46, %dma_wait3A_47] : memref<4096x256xf32, #tpu.memory_space<hbm>> -> memref<4096x256xf32, #tpu.memory_space<hbm>>
    tpu.wait_indirect_dma semaphore(%arg7 : memref<!tpu.dma_semaphore, #tpu.memory_space<semaphore_mem>>) src(%dma_wait3A_48 : memref<4096x256xf32, #tpu.memory_space<hbm>>) dst(%arg6 : memref<256x256xf32, #tpu.memory_space<vmem>>)
    "tpu.region"() ({
      %run_scoped3A = tpu.sem_alloc : memref<!tpu.dma_semaphore, #tpu.memory_space<semaphore_mem>>
      %dma_start3A_65 = arith.constant 0 : i32
      %dma_start3A_66 = tpu.memref_slice %arg4[%add3A_42, %dma_start3A_65] : memref<65536x256xf32, #tpu.memory_space<hbm>> -> memref<256x256xf32, #tpu.memory_space<hbm>>
      %dma_start3A_67 = arith.constant 0 : i32
      %dma_start3A_68 = tpu.memref_slice %arg4[%add3A_42, %dma_start3A_67] : memref<65536x256xf32, #tpu.memory_space<hbm>> -> memref<256x256xf32, #tpu.memory_space<hbm>>
      tpu.enqueue_dma source(%arg6 : memref<256x256xf32, #tpu.memory_space<vmem>>) target(%dma_start3A_68 : memref<256x256xf32, #tpu.memory_space<hbm>>) target_semaphore(%run_scoped3A : memref<!tpu.dma_semaphore, #tpu.memory_space<semaphore_mem>>)
      %dma_wait3A_69 = arith.constant 0 : i32
      %dma_wait3A_70 = tpu.memref_slice %arg4[%add3A_42, %dma_wait3A_69] : memref<65536x256xf32, #tpu.memory_space<hbm>> -> memref<256x256xf32, #tpu.memory_space<hbm>>
      %dma_wait3A_71 = arith.constant 0 : i32
      %dma_wait3A_72 = tpu.memref_slice %arg4[%add3A_42, %dma_wait3A_71] : memref<65536x256xf32, #tpu.memory_space<hbm>> -> memref<256x256xf32, #tpu.memory_space<hbm>>
      tpu.wait_dma2 semaphore(%run_scoped3A : memref<!tpu.dma_semaphore, #tpu.memory_space<semaphore_mem>>) src(%arg6 : memref<256x256xf32, #tpu.memory_space<vmem>>) dst(%dma_wait3A_72 : memref<256x256xf32, #tpu.memory_space<hbm>>)
      tpu.yield
    }) : () -> ()
    %add3A_49 = arith.constant 1536 : i32
    %add3A_50 = arith.addi %mul3A_2, %add3A_49 : i32
    "tpu.region"() ({
      %run_scoped3A = tpu.sem_alloc : memref<!tpu.dma_semaphore, #tpu.memory_space<semaphore_mem>>
      %dma_start3A_65 = tpu.memref_slice %arg3[%add3A_50] : memref<65536xi32, #tpu.memory_space<hbm>> -> memref<256xi32, #tpu.memory_space<hbm>>
      %dma_start3A_66 = tpu.memref_slice %arg3[%add3A_50] : memref<65536xi32, #tpu.memory_space<hbm>> -> memref<256xi32, #tpu.memory_space<hbm>>
      tpu.enqueue_dma source(%dma_start3A_66 : memref<256xi32, #tpu.memory_space<hbm>>) target(%arg5 : memref<256xi32, #tpu.memory_space<vmem>>) target_semaphore(%run_scoped3A : memref<!tpu.dma_semaphore, #tpu.memory_space<semaphore_mem>>)
      %dma_wait3A_67 = tpu.memref_slice %arg3[%add3A_50] : memref<65536xi32, #tpu.memory_space<hbm>> -> memref<256xi32, #tpu.memory_space<hbm>>
      %dma_wait3A_68 = tpu.memref_slice %arg3[%add3A_50] : memref<65536xi32, #tpu.memory_space<hbm>> -> memref<256xi32, #tpu.memory_space<hbm>>
      tpu.wait_dma2 semaphore(%run_scoped3A : memref<!tpu.dma_semaphore, #tpu.memory_space<semaphore_mem>>) src(%dma_wait3A_68 : memref<256xi32, #tpu.memory_space<hbm>>) dst(%arg5 : memref<256xi32, #tpu.memory_space<vmem>>)
      tpu.yield
    }) : () -> ()
    %dma_start3A_51 = arith.constant 0 : i32
    %dma_start3A_52 = arith.constant 0 : i32
    %dma_start3A_53 = tpu.memref_slice %arg2[%dma_start3A_51, %dma_start3A_52] : memref<4096x256xf32, #tpu.memory_space<hbm>> -> memref<4096x256xf32, #tpu.memory_space<hbm>>
    tpu.enqueue_indirect_dma source(%dma_start3A_53 : memref<4096x256xf32, #tpu.memory_space<hbm>>) target(%arg6 : memref<256x256xf32, #tpu.memory_space<vmem>>) offsets(%arg5 : memref<256xi32, #tpu.memory_space<vmem>>) semaphore(%arg7 : memref<!tpu.dma_semaphore, #tpu.memory_space<semaphore_mem>>)
    %dma_wait3A_54 = arith.constant 0 : i32
    %dma_wait3A_55 = arith.constant 0 : i32
    %dma_wait3A_56 = tpu.memref_slice %arg2[%dma_wait3A_54, %dma_wait3A_55] : memref<4096x256xf32, #tpu.memory_space<hbm>> -> memref<4096x256xf32, #tpu.memory_space<hbm>>
    tpu.wait_indirect_dma semaphore(%arg7 : memref<!tpu.dma_semaphore, #tpu.memory_space<semaphore_mem>>) src(%dma_wait3A_56 : memref<4096x256xf32, #tpu.memory_space<hbm>>) dst(%arg6 : memref<256x256xf32, #tpu.memory_space<vmem>>)
    "tpu.region"() ({
      %run_scoped3A = tpu.sem_alloc : memref<!tpu.dma_semaphore, #tpu.memory_space<semaphore_mem>>
      %dma_start3A_65 = arith.constant 0 : i32
      %dma_start3A_66 = tpu.memref_slice %arg4[%add3A_50, %dma_start3A_65] : memref<65536x256xf32, #tpu.memory_space<hbm>> -> memref<256x256xf32, #tpu.memory_space<hbm>>
      %dma_start3A_67 = arith.constant 0 : i32
      %dma_start3A_68 = tpu.memref_slice %arg4[%add3A_50, %dma_start3A_67] : memref<65536x256xf32, #tpu.memory_space<hbm>> -> memref<256x256xf32, #tpu.memory_space<hbm>>
      tpu.enqueue_dma source(%arg6 : memref<256x256xf32, #tpu.memory_space<vmem>>) target(%dma_start3A_68 : memref<256x256xf32, #tpu.memory_space<hbm>>) target_semaphore(%run_scoped3A : memref<!tpu.dma_semaphore, #tpu.memory_space<semaphore_mem>>)
      %dma_wait3A_69 = arith.constant 0 : i32
      %dma_wait3A_70 = tpu.memref_slice %arg4[%add3A_50, %dma_wait3A_69] : memref<65536x256xf32, #tpu.memory_space<hbm>> -> memref<256x256xf32, #tpu.memory_space<hbm>>
      %dma_wait3A_71 = arith.constant 0 : i32
      %dma_wait3A_72 = tpu.memref_slice %arg4[%add3A_50, %dma_wait3A_71] : memref<65536x256xf32, #tpu.memory_space<hbm>> -> memref<256x256xf32, #tpu.memory_space<hbm>>
      tpu.wait_dma2 semaphore(%run_scoped3A : memref<!tpu.dma_semaphore, #tpu.memory_space<semaphore_mem>>) src(%arg6 : memref<256x256xf32, #tpu.memory_space<vmem>>) dst(%dma_wait3A_72 : memref<256x256xf32, #tpu.memory_space<hbm>>)
      tpu.yield
    }) : () -> ()
    %add3A_57 = arith.constant 1792 : i32
    %add3A_58 = arith.addi %mul3A_2, %add3A_57 : i32
    "tpu.region"() ({
      %run_scoped3A = tpu.sem_alloc : memref<!tpu.dma_semaphore, #tpu.memory_space<semaphore_mem>>
      %dma_start3A_65 = tpu.memref_slice %arg3[%add3A_58] : memref<65536xi32, #tpu.memory_space<hbm>> -> memref<256xi32, #tpu.memory_space<hbm>>
      %dma_start3A_66 = tpu.memref_slice %arg3[%add3A_58] : memref<65536xi32, #tpu.memory_space<hbm>> -> memref<256xi32, #tpu.memory_space<hbm>>
      tpu.enqueue_dma source(%dma_start3A_66 : memref<256xi32, #tpu.memory_space<hbm>>) target(%arg5 : memref<256xi32, #tpu.memory_space<vmem>>) target_semaphore(%run_scoped3A : memref<!tpu.dma_semaphore, #tpu.memory_space<semaphore_mem>>)
      %dma_wait3A_67 = tpu.memref_slice %arg3[%add3A_58] : memref<65536xi32, #tpu.memory_space<hbm>> -> memref<256xi32, #tpu.memory_space<hbm>>
      %dma_wait3A_68 = tpu.memref_slice %arg3[%add3A_58] : memref<65536xi32, #tpu.memory_space<hbm>> -> memref<256xi32, #tpu.memory_space<hbm>>
      tpu.wait_dma2 semaphore(%run_scoped3A : memref<!tpu.dma_semaphore, #tpu.memory_space<semaphore_mem>>) src(%dma_wait3A_68 : memref<256xi32, #tpu.memory_space<hbm>>) dst(%arg5 : memref<256xi32, #tpu.memory_space<vmem>>)
      tpu.yield
    }) : () -> ()
    %dma_start3A_59 = arith.constant 0 : i32
    %dma_start3A_60 = arith.constant 0 : i32
    %dma_start3A_61 = tpu.memref_slice %arg2[%dma_start3A_59, %dma_start3A_60] : memref<4096x256xf32, #tpu.memory_space<hbm>> -> memref<4096x256xf32, #tpu.memory_space<hbm>>
    tpu.enqueue_indirect_dma source(%dma_start3A_61 : memref<4096x256xf32, #tpu.memory_space<hbm>>) target(%arg6 : memref<256x256xf32, #tpu.memory_space<vmem>>) offsets(%arg5 : memref<256xi32, #tpu.memory_space<vmem>>) semaphore(%arg7 : memref<!tpu.dma_semaphore, #tpu.memory_space<semaphore_mem>>)
    %dma_wait3A_62 = arith.constant 0 : i32
    %dma_wait3A_63 = arith.constant 0 : i32
    %dma_wait3A_64 = tpu.memref_slice %arg2[%dma_wait3A_62, %dma_wait3A_63] : memref<4096x256xf32, #tpu.memory_space<hbm>> -> memref<4096x256xf32, #tpu.memory_space<hbm>>
    tpu.wait_indirect_dma semaphore(%arg7 : memref<!tpu.dma_semaphore, #tpu.memory_space<semaphore_mem>>) src(%dma_wait3A_64 : memref<4096x256xf32, #tpu.memory_space<hbm>>) dst(%arg6 : memref<256x256xf32, #tpu.memory_space<vmem>>)
    "tpu.region"() ({
      %run_scoped3A = tpu.sem_alloc : memref<!tpu.dma_semaphore, #tpu.memory_space<semaphore_mem>>
      %dma_start3A_65 = arith.constant 0 : i32
      %dma_start3A_66 = tpu.memref_slice %arg4[%add3A_58, %dma_start3A_65] : memref<65536x256xf32, #tpu.memory_space<hbm>> -> memref<256x256xf32, #tpu.memory_space<hbm>>
      %dma_start3A_67 = arith.constant 0 : i32
      %dma_start3A_68 = tpu.memref_slice %arg4[%add3A_58, %dma_start3A_67] : memref<65536x256xf32, #tpu.memory_space<hbm>> -> memref<256x256xf32, #tpu.memory_space<hbm>>
      tpu.enqueue_dma source(%arg6 : memref<256x256xf32, #tpu.memory_space<vmem>>) target(%dma_start3A_68 : memref<256x256xf32, #tpu.memory_space<hbm>>) target_semaphore(%run_scoped3A : memref<!tpu.dma_semaphore, #tpu.memory_space<semaphore_mem>>)
      %dma_wait3A_69 = arith.constant 0 : i32
      %dma_wait3A_70 = tpu.memref_slice %arg4[%add3A_58, %dma_wait3A_69] : memref<65536x256xf32, #tpu.memory_space<hbm>> -> memref<256x256xf32, #tpu.memory_space<hbm>>
      %dma_wait3A_71 = arith.constant 0 : i32
      %dma_wait3A_72 = tpu.memref_slice %arg4[%add3A_58, %dma_wait3A_71] : memref<65536x256xf32, #tpu.memory_space<hbm>> -> memref<256x256xf32, #tpu.memory_space<hbm>>
      tpu.wait_dma2 semaphore(%run_scoped3A : memref<!tpu.dma_semaphore, #tpu.memory_space<semaphore_mem>>) src(%arg6 : memref<256x256xf32, #tpu.memory_space<vmem>>) dst(%dma_wait3A_72 : memref<256x256xf32, #tpu.memory_space<hbm>>)
      tpu.yield
    }) : () -> ()
    return
  }
}

module attributes {stable_mosaic.version = 14 : i64} {
  func.func @_fps_kern(%arg0: i32, %arg1: memref<1x3x8x512xf32, #tpu.memory_space<vmem>>, %arg2: memref<1x1x1024xi32, #tpu.memory_space<vmem>>) attributes {dimension_semantics = [#tpu.dimension_semantics<arbitrary>], iteration_bounds = array<i64: 4>, scalar_prefetch = 0 : i64, scratch_operands = 0 : i64, tpu.core_type = #tpu.core_type<tc>, window_params = [{transform_indices = @transform_0, window_bounds = array<i64: 1, 3, 8, 512>}, {transform_indices = @transform_1, window_bounds = array<i64: 1, 1, 1024>}]} {
    %get3A = arith.constant 0 : index
    %get3A_0 = arith.constant 0 : index
    %get3A_1 = arith.constant 0 : index
    %get3A_2 = arith.constant 0 : index
    %get3A_3 = vector.load %arg1[%get3A, %get3A_0, %get3A_1, %get3A_2] : memref<1x3x8x512xf32, #tpu.memory_space<vmem>>, vector<1x1x8x512xf32>
    %get3A_4 = vector.shape_cast %get3A_3 : vector<1x1x8x512xf32> to vector<8x512xf32>
    %get3A_5 = arith.constant 0 : index
    %get3A_6 = arith.constant 1 : index
    %get3A_7 = arith.constant 0 : index
    %get3A_8 = arith.constant 0 : index
    %get3A_9 = vector.load %arg1[%get3A_5, %get3A_6, %get3A_7, %get3A_8] : memref<1x3x8x512xf32, #tpu.memory_space<vmem>>, vector<1x1x8x512xf32>
    %get3A_10 = vector.shape_cast %get3A_9 : vector<1x1x8x512xf32> to vector<8x512xf32>
    %get3A_11 = arith.constant 0 : index
    %get3A_12 = arith.constant 2 : index
    %get3A_13 = arith.constant 0 : index
    %get3A_14 = arith.constant 0 : index
    %get3A_15 = vector.load %arg1[%get3A_11, %get3A_12, %get3A_13, %get3A_14] : memref<1x3x8x512xf32, #tpu.memory_space<vmem>>, vector<1x1x8x512xf32>
    %get3A_16 = vector.shape_cast %get3A_15 : vector<1x1x8x512xf32> to vector<8x512xf32>
    %iota3A = tpu.iota {dimensions = array<i32: 0>} : vector<8x512xi32>
    %mul3A = arith.constant 512 : i32
    %mul3A_17 = vector.broadcast %mul3A : i32 to vector<8x512xi32>
    %mul3A_18 = arith.muli %iota3A, %mul3A_17 : vector<8x512xi32>
    %iota3A_19 = tpu.iota {dimensions = array<i32: 1>} : vector<8x512xi32>
    %add3A = arith.addi %mul3A_18, %iota3A_19 : vector<8x512xi32>
    %lt3A = arith.constant 4096 : i32
    %lt3A_20 = vector.broadcast %lt3A : i32 to vector<8x512xi32>
    %lt3A_21 = arith.cmpi slt, %add3A, %lt3A_20 : vector<8x512xi32>
    %jit3A = arith.constant 0x7F800000 : f32
    %jit3A_22 = arith.constant 0xFF800000 : f32
    %broadcast_in_dim3A = vector.broadcast %jit3A : f32 to vector<8x512xf32>
    %broadcast_in_dim3A_23 = vector.broadcast %jit3A_22 : f32 to vector<8x512xf32>
    %select_n3A = arith.select %lt3A_21, %broadcast_in_dim3A, %broadcast_in_dim3A_23 : vector<8x512xi1>, vector<8x512xf32>
    %broadcast_in_dim3A_24 = arith.constant 0 : i32
    %broadcast_in_dim3A_25 = vector.broadcast %broadcast_in_dim3A_24 : i32 to vector<1x1024xi32>
    %iota3A_26 = tpu.iota {dimensions = array<i32: 1>} : vector<1x1024xi32>
    %scan3A = arith.constant 1073741824 : i32
    %scan3A_27 = arith.constant 0 : i32
    %scan3A_28 = arith.constant 819 : i32
    %scan3A_29 = arith.addi %scan3A_27, %scan3A_28 : i32
    %scan3A_30 = arith.constant 1 : i32
    %scan3A_31:2 = scf.for %scan3A_38 = %scan3A_27 to %scan3A_29 step %scan3A_30 iter_args(%scan3A_39 = %select_n3A, %scan3A_40 = %broadcast_in_dim3A_25) -> (vector<8x512xf32>, vector<1x1024xi32>)  : i32 {
      %reduce_max3A = vector.shape_cast %scan3A_39 : vector<8x512xf32> to vector<1x8x512xf32>
      %reduce_max3A_41 = arith.constant dense<0xFF800000> : vector<1xf32>
      %reduce_max3A_42 = vector.multi_reduction <maximumf>, %reduce_max3A, %reduce_max3A_41 [1, 2] : vector<1x8x512xf32> to vector<1xf32>
      %reduce_max3A_43 = vector.shape_cast %reduce_max3A_42 : vector<1xf32> to vector<1x1x1xf32>
      %reduce_max3A_44 = vector.extract %reduce_max3A_43[0, 0, 0] : f32 from vector<1x1x1xf32>
      %eq3A = vector.broadcast %reduce_max3A_44 : f32 to vector<8x512xf32>
      %eq3A_45 = arith.cmpf oeq, %scan3A_39, %eq3A : vector<8x512xf32>
      %broadcast_in_dim3A_46 = vector.broadcast %scan3A : i32 to vector<8x512xi32>
      %select_n3A_47 = arith.select %eq3A_45, %add3A, %broadcast_in_dim3A_46 : vector<8x512xi1>, vector<8x512xi32>
      %reduce_min3A = vector.shape_cast %select_n3A_47 : vector<8x512xi32> to vector<1x8x512xi32>
      %reduce_min3A_48 = arith.constant dense<2147483647> : vector<1xi32>
      %reduce_min3A_49 = vector.multi_reduction <minsi>, %reduce_min3A, %reduce_min3A_48 [1, 2] : vector<1x8x512xi32> to vector<1xi32>
      %reduce_min3A_50 = vector.shape_cast %reduce_min3A_49 : vector<1xi32> to vector<1x1x1xi32>
      %reduce_min3A_51 = vector.extract %reduce_min3A_50[0, 0, 0] : i32 from vector<1x1x1xi32>
      %eq3A_52 = vector.broadcast %reduce_min3A_51 : i32 to vector<8x512xi32>
      %eq3A_53 = arith.cmpi eq, %add3A, %eq3A_52 : vector<8x512xi32>
      %jit3A_54 = arith.constant 0.000000e+00 : f32
      %broadcast_in_dim3A_55 = vector.broadcast %jit3A_54 : f32 to vector<8x512xf32>
      %select_n3A_56 = arith.select %eq3A_53, %get3A_4, %broadcast_in_dim3A_55 : vector<8x512xi1>, vector<8x512xf32>
      %reduce_sum3A = vector.shape_cast %select_n3A_56 : vector<8x512xf32> to vector<1x8x512xf32>
      %reduce_sum3A_57 = arith.constant dense<0.000000e+00> : vector<1xf32>
      %reduce_sum3A_58 = vector.multi_reduction <add>, %reduce_sum3A, %reduce_sum3A_57 [1, 2] : vector<1x8x512xf32> to vector<1xf32>
      %reduce_sum3A_59 = vector.shape_cast %reduce_sum3A_58 : vector<1xf32> to vector<1x1x1xf32>
      %reduce_sum3A_60 = vector.extract %reduce_sum3A_59[0, 0, 0] : f32 from vector<1x1x1xf32>
      %jit3A_61 = arith.constant 0.000000e+00 : f32
      %broadcast_in_dim3A_62 = vector.broadcast %jit3A_61 : f32 to vector<8x512xf32>
      %select_n3A_63 = arith.select %eq3A_53, %get3A_10, %broadcast_in_dim3A_62 : vector<8x512xi1>, vector<8x512xf32>
      %reduce_sum3A_64 = vector.shape_cast %select_n3A_63 : vector<8x512xf32> to vector<1x8x512xf32>
      %reduce_sum3A_65 = arith.constant dense<0.000000e+00> : vector<1xf32>
      %reduce_sum3A_66 = vector.multi_reduction <add>, %reduce_sum3A_64, %reduce_sum3A_65 [1, 2] : vector<1x8x512xf32> to vector<1xf32>
      %reduce_sum3A_67 = vector.shape_cast %reduce_sum3A_66 : vector<1xf32> to vector<1x1x1xf32>
      %reduce_sum3A_68 = vector.extract %reduce_sum3A_67[0, 0, 0] : f32 from vector<1x1x1xf32>
      %jit3A_69 = arith.constant 0.000000e+00 : f32
      %broadcast_in_dim3A_70 = vector.broadcast %jit3A_69 : f32 to vector<8x512xf32>
      %select_n3A_71 = arith.select %eq3A_53, %get3A_16, %broadcast_in_dim3A_70 : vector<8x512xi1>, vector<8x512xf32>
      %reduce_sum3A_72 = vector.shape_cast %select_n3A_71 : vector<8x512xf32> to vector<1x8x512xf32>
      %reduce_sum3A_73 = arith.constant dense<0.000000e+00> : vector<1xf32>
      %reduce_sum3A_74 = vector.multi_reduction <add>, %reduce_sum3A_72, %reduce_sum3A_73 [1, 2] : vector<1x8x512xf32> to vector<1xf32>
      %reduce_sum3A_75 = vector.shape_cast %reduce_sum3A_74 : vector<1xf32> to vector<1x1x1xf32>
      %reduce_sum3A_76 = vector.extract %reduce_sum3A_75[0, 0, 0] : f32 from vector<1x1x1xf32>
      %sub3A = vector.broadcast %reduce_sum3A_60 : f32 to vector<8x512xf32>
      %sub3A_77 = arith.subf %get3A_4, %sub3A : vector<8x512xf32>
      %sub3A_78 = vector.broadcast %reduce_sum3A_68 : f32 to vector<8x512xf32>
      %sub3A_79 = arith.subf %get3A_10, %sub3A_78 : vector<8x512xf32>
      %sub3A_80 = vector.broadcast %reduce_sum3A_76 : f32 to vector<8x512xf32>
      %sub3A_81 = arith.subf %get3A_16, %sub3A_80 : vector<8x512xf32>
      %mul3A_82 = arith.mulf %sub3A_77, %sub3A_77 : vector<8x512xf32>
      %mul3A_83 = arith.mulf %sub3A_79, %sub3A_79 : vector<8x512xf32>
      %add3A_84 = arith.addf %mul3A_82, %mul3A_83 : vector<8x512xf32>
      %mul3A_85 = arith.mulf %sub3A_81, %sub3A_81 : vector<8x512xf32>
      %add3A_86 = arith.addf %add3A_84, %mul3A_85 : vector<8x512xf32>
      %min3A = arith.minimumf %scan3A_39, %add3A_86 : vector<8x512xf32>
      %eq3A_87 = vector.broadcast %scan3A_38 : i32 to vector<1x1024xi32>
      %eq3A_88 = arith.cmpi eq, %iota3A_26, %eq3A_87 : vector<1x1024xi32>
      %broadcast_in_dim3A_89 = vector.broadcast %reduce_min3A_51 : i32 to vector<1x1024xi32>
      %select_n3A_90 = arith.select %eq3A_88, %broadcast_in_dim3A_89, %scan3A_40 : vector<1x1024xi1>, vector<1x1024xi32>
      scf.yield %min3A, %select_n3A_90 : vector<8x512xf32>, vector<1x1024xi32>
    }
    %scan3A_32 = arith.constant 819 : i32
    %swap3A = arith.constant 0 : index
    %swap3A_33 = arith.constant 0 : index
    %swap3A_34 = arith.constant 0 : index
    %swap3A_35 = vector.load %arg2[%swap3A, %swap3A_33, %swap3A_34] : memref<1x1x1024xi32, #tpu.memory_space<vmem>>, vector<1x1x1024xi32>
    %swap3A_36 = vector.shape_cast %swap3A_35 : vector<1x1x1024xi32> to vector<1x1024xi32>
    %swap3A_37 = vector.shape_cast %scan3A_31#1 : vector<1x1024xi32> to vector<1x1x1024xi32>
    tpu.vector_store %arg2[%swap3A, %swap3A_33, %swap3A_34], %swap3A_37 {strides = array<i32>} : memref<1x1x1024xi32, #tpu.memory_space<vmem>>, vector<1x1x1024xi32>,
    return
  }
  func.func @transform_0(%arg0: i32) -> (i32, i32, i32, i32) {
    %c0_i32 = arith.constant 0 : i32
    %c0_i32_0 = arith.constant 0 : i32
    %c0_i32_1 = arith.constant 0 : i32
    %c0_i32_2 = arith.constant 0 : i32
    return %arg0, %c0_i32, %c0_i32_0, %c0_i32_1 : i32, i32, i32, i32
  }
  func.func @transform_1(%arg0: i32) -> (i32, i32, i32) {
    %c0_i32 = arith.constant 0 : i32
    %c0_i32_0 = arith.constant 0 : i32
    %c0_i32_1 = arith.constant 0 : i32
    return %arg0, %c0_i32, %c0_i32_0 : i32, i32, i32
  }
}

module attributes {stable_mosaic.version = 14 : i64} {
  func.func @_nbr_kern(%arg0: i32, %arg1: i32, %arg2: memref<1x3x4096xf32, #tpu.memory_space<vmem>>, %arg3: memref<1x256x3xf32, #tpu.memory_space<vmem>>, %arg4: memref<1x256x64xi32, #tpu.memory_space<vmem>>, %arg5: memref<1x256x64xf32, #tpu.memory_space<vmem>>) attributes {dimension_semantics = [#tpu.dimension_semantics<arbitrary>, #tpu.dimension_semantics<arbitrary>], iteration_bounds = array<i64: 4, 4>, scalar_prefetch = 0 : i64, scratch_operands = 0 : i64, tpu.core_type = #tpu.core_type<tc>, window_params = [{transform_indices = @transform_0, window_bounds = array<i64: 1, 3, 4096>}, {transform_indices = @transform_1, window_bounds = array<i64: 1, 256, 3>}, {transform_indices = @transform_2, window_bounds = array<i64: 1, 256, 64>}, {transform_indices = @transform_3, window_bounds = array<i64: 1, 256, 64>}]} {
    %get3A = arith.constant 0 : index
    %get3A_0 = arith.constant 0 : index
    %get3A_1 = arith.constant 0 : index
    %get3A_2 = vector.load %arg2[%get3A, %get3A_0, %get3A_1] : memref<1x3x4096xf32, #tpu.memory_space<vmem>>, vector<1x1x4096xf32>
    %get3A_3 = vector.shape_cast %get3A_2 : vector<1x1x4096xf32> to vector<1x4096xf32>
    %get3A_4 = arith.constant 0 : index
    %get3A_5 = arith.constant 1 : index
    %get3A_6 = arith.constant 0 : index
    %get3A_7 = vector.load %arg2[%get3A_4, %get3A_5, %get3A_6] : memref<1x3x4096xf32, #tpu.memory_space<vmem>>, vector<1x1x4096xf32>
    %get3A_8 = vector.shape_cast %get3A_7 : vector<1x1x4096xf32> to vector<1x4096xf32>
    %get3A_9 = arith.constant 0 : index
    %get3A_10 = arith.constant 2 : index
    %get3A_11 = arith.constant 0 : index
    %get3A_12 = vector.load %arg2[%get3A_9, %get3A_10, %get3A_11] : memref<1x3x4096xf32, #tpu.memory_space<vmem>>, vector<1x1x4096xf32>
    %get3A_13 = vector.shape_cast %get3A_12 : vector<1x1x4096xf32> to vector<1x4096xf32>
    %get3A_14 = arith.constant 0 : index
    %get3A_15 = arith.constant 0 : index
    %get3A_16 = arith.constant 0 : index
    %get3A_17 = vector.load %arg3[%get3A_14, %get3A_15, %get3A_16] : memref<1x256x3xf32, #tpu.memory_space<vmem>>, vector<1x256x3xf32>
    %get3A_18 = vector.shape_cast %get3A_17 : vector<1x256x3xf32> to vector<256x3xf32>
    %slice3A = vector.extract_strided_slice %get3A_18 {offsets = [0, 0], sizes = [256, 1], strides = [1, 1]} : vector<256x3xf32> to vector<256x1xf32>
    %sub3A = vector.broadcast %slice3A : vector<256x1xf32> to vector<256x4096xf32>
    %sub3A_19 = vector.broadcast %get3A_3 : vector<1x4096xf32> to vector<256x4096xf32>
    %sub3A_20 = arith.subf %sub3A, %sub3A_19 : vector<256x4096xf32>
    %slice3A_21 = vector.extract_strided_slice %get3A_18 {offsets = [0, 1], sizes = [256, 1], strides = [1, 1]} : vector<256x3xf32> to vector<256x1xf32>
    %sub3A_22 = vector.broadcast %slice3A_21 : vector<256x1xf32> to vector<256x4096xf32>
    %sub3A_23 = vector.broadcast %get3A_8 : vector<1x4096xf32> to vector<256x4096xf32>
    %sub3A_24 = arith.subf %sub3A_22, %sub3A_23 : vector<256x4096xf32>
    %slice3A_25 = vector.extract_strided_slice %get3A_18 {offsets = [0, 2], sizes = [256, 1], strides = [1, 1]} : vector<256x3xf32> to vector<256x1xf32>
    %sub3A_26 = vector.broadcast %slice3A_25 : vector<256x1xf32> to vector<256x4096xf32>
    %sub3A_27 = vector.broadcast %get3A_13 : vector<1x4096xf32> to vector<256x4096xf32>
    %sub3A_28 = arith.subf %sub3A_26, %sub3A_27 : vector<256x4096xf32>
    %mul3A = arith.mulf %sub3A_20, %sub3A_20 : vector<256x4096xf32>
    %mul3A_29 = arith.mulf %sub3A_24, %sub3A_24 : vector<256x4096xf32>
    %add3A = arith.addf %mul3A, %mul3A_29 : vector<256x4096xf32>
    %mul3A_30 = arith.mulf %sub3A_28, %sub3A_28 : vector<256x4096xf32>
    %add3A_31 = arith.addf %add3A, %mul3A_30 : vector<256x4096xf32>
    %iota3A = tpu.iota {dimensions = array<i32: 1>} : vector<256x4096xi32>
    %iota3A_32 = tpu.iota {dimensions = array<i32: 1>} : vector<256x64xi32>
    %le3A = arith.constant 4.000000e-02 : f32
    %le3A_33 = vector.broadcast %le3A : f32 to vector<256x4096xf32>
    %le3A_34 = arith.cmpf ole, %add3A_31, %le3A_33 : vector<256x4096xf32>
    %jit3A = arith.constant 0x7F800000 : f32
    %broadcast_in_dim3A = vector.broadcast %jit3A : f32 to vector<256x4096xf32>
    %select_n3A = arith.select %le3A_34, %add3A_31, %broadcast_in_dim3A : vector<256x4096xi1>, vector<256x4096xf32>
    %broadcast_in_dim3A_35 = arith.constant 0 : i32
    %broadcast_in_dim3A_36 = vector.broadcast %broadcast_in_dim3A_35 : i32 to vector<256x64xi32>
    %broadcast_in_dim3A_37 = arith.constant 0x7F800000 : f32
    %broadcast_in_dim3A_38 = vector.broadcast %broadcast_in_dim3A_37 : f32 to vector<256x64xf32>
    %scan3A = arith.constant 1073741824 : i32
    %scan3A_39 = arith.constant 0 : i32
    %scan3A_40 = arith.constant 64 : i32
    %scan3A_41 = arith.addi %scan3A_39, %scan3A_40 : i32
    %scan3A_42 = arith.constant 1 : i32
    %scan3A_43:3 = scf.for %scan3A_67 = %scan3A_39 to %scan3A_41 step %scan3A_42 iter_args(%scan3A_68 = %select_n3A, %scan3A_69 = %broadcast_in_dim3A_36, %scan3A_70 = %broadcast_in_dim3A_38) -> (vector<256x4096xf32>, vector<256x64xi32>, vector<256x64xf32>)  : i32 {
      %reduce_min3A = arith.constant dense<0x7F800000> : vector<256xf32>
      %reduce_min3A_71 = vector.multi_reduction <minimumf>, %scan3A_68, %reduce_min3A [1] : vector<256x4096xf32> to vector<256xf32>
      %broadcast_in_dim3A_72 = vector.shape_cast %reduce_min3A_71 : vector<256xf32> to vector<256x1xf32>
      %eq3A = vector.broadcast %broadcast_in_dim3A_72 : vector<256x1xf32> to vector<256x4096xf32>
      %eq3A_73 = arith.cmpf oeq, %scan3A_68, %eq3A : vector<256x4096xf32>
      %broadcast_in_dim3A_74 = vector.broadcast %scan3A : i32 to vector<256x4096xi32>
      %select_n3A_75 = arith.select %eq3A_73, %iota3A, %broadcast_in_dim3A_74 : vector<256x4096xi1>, vector<256x4096xi32>
      %reduce_min3A_76 = arith.constant dense<2147483647> : vector<256xi32>
      %reduce_min3A_77 = vector.multi_reduction <minsi>, %select_n3A_75, %reduce_min3A_76 [1] : vector<256x4096xi32> to vector<256xi32>
      %broadcast_in_dim3A_78 = vector.shape_cast %reduce_min3A_77 : vector<256xi32> to vector<256x1xi32>
      %eq3A_79 = vector.broadcast %scan3A_67 : i32 to vector<256x64xi32>
      %eq3A_80 = arith.cmpi eq, %iota3A_32, %eq3A_79 : vector<256x64xi32>
      %broadcast_in_dim3A_81 = vector.shape_cast %broadcast_in_dim3A_78 : vector<256x1xi32> to vector<256x1xi32>
      %broadcast_in_dim3A_82 = vector.broadcast %broadcast_in_dim3A_81 : vector<256x1xi32> to vector<256x64xi32>
      %select_n3A_83 = arith.select %eq3A_80, %broadcast_in_dim3A_82, %scan3A_69 : vector<256x64xi1>, vector<256x64xi32>
      %eq3A_84 = vector.broadcast %scan3A_67 : i32 to vector<256x64xi32>
      %eq3A_85 = arith.cmpi eq, %iota3A_32, %eq3A_84 : vector<256x64xi32>
      %broadcast_in_dim3A_86 = vector.shape_cast %broadcast_in_dim3A_72 : vector<256x1xf32> to vector<256x1xf32>
      %broadcast_in_dim3A_87 = vector.broadcast %broadcast_in_dim3A_86 : vector<256x1xf32> to vector<256x64xf32>
      %select_n3A_88 = arith.select %eq3A_85, %broadcast_in_dim3A_87, %scan3A_70 : vector<256x64xi1>, vector<256x64xf32>
      %eq3A_89 = vector.broadcast %broadcast_in_dim3A_78 : vector<256x1xi32> to vector<256x4096xi32>
      %eq3A_90 = arith.cmpi eq, %iota3A, %eq3A_89 : vector<256x4096xi32>
      %jit3A_91 = arith.constant 0x7F800000 : f32
      %broadcast_in_dim3A_92 = vector.broadcast %jit3A_91 : f32 to vector<256x4096xf32>
      %select_n3A_93 = arith.select %eq3A_90, %broadcast_in_dim3A_92, %scan3A_68 : vector<256x4096xi1>, vector<256x4096xf32>
      scf.yield %select_n3A_93, %select_n3A_83, %select_n3A_88 : vector<256x4096xf32>, vector<256x64xi32>, vector<256x64xf32>
    }
    %scan3A_44 = arith.constant 64 : i32
    %le3A_45 = arith.constant 4.000000e-02 : f32
    %le3A_46 = vector.broadcast %le3A_45 : f32 to vector<256x64xf32>
    %le3A_47 = arith.cmpf ole, %scan3A_43#2, %le3A_46 : vector<256x64xf32>
    %jit3A_48 = arith.constant 0 : i32
    %broadcast_in_dim3A_49 = vector.broadcast %jit3A_48 : i32 to vector<256x64xi32>
    %select_n3A_50 = arith.select %le3A_47, %scan3A_43#1, %broadcast_in_dim3A_49 : vector<256x64xi1>, vector<256x64xi32>
    %swap3A = arith.constant 0 : index
    %swap3A_51 = arith.constant 0 : index
    %swap3A_52 = arith.constant 0 : index
    %swap3A_53 = vector.load %arg4[%swap3A, %swap3A_51, %swap3A_52] : memref<1x256x64xi32, #tpu.memory_space<vmem>>, vector<1x256x64xi32>
    %swap3A_54 = vector.shape_cast %swap3A_53 : vector<1x256x64xi32> to vector<256x64xi32>
    %swap3A_55 = vector.shape_cast %select_n3A_50 : vector<256x64xi32> to vector<1x256x64xi32>
    tpu.vector_store %arg4[%swap3A, %swap3A_51, %swap3A_52], %swap3A_55 {strides = array<i32>} : memref<1x256x64xi32, #tpu.memory_space<vmem>>, vector<1x256x64xi32>,
    %jit3A_56 = arith.constant 0.000000e+00 : f32
    %jit3A_57 = arith.constant 0xFF800000 : f32
    %broadcast_in_dim3A_58 = vector.broadcast %jit3A_56 : f32 to vector<256x64xf32>
    %broadcast_in_dim3A_59 = vector.broadcast %jit3A_57 : f32 to vector<256x64xf32>
    %select_n3A_60 = arith.select %le3A_47, %broadcast_in_dim3A_58, %broadcast_in_dim3A_59 : vector<256x64xi1>, vector<256x64xf32>
    %swap3A_61 = arith.constant 0 : index
    %swap3A_62 = arith.constant 0 : index
    %swap3A_63 = arith.constant 0 : index
    %swap3A_64 = vector.load %arg5[%swap3A_61, %swap3A_62, %swap3A_63] : memref<1x256x64xf32, #tpu.memory_space<vmem>>, vector<1x256x64xf32>
    %swap3A_65 = vector.shape_cast %swap3A_64 : vector<1x256x64xf32> to vector<256x64xf32>
    %swap3A_66 = vector.shape_cast %select_n3A_60 : vector<256x64xf32> to vector<1x256x64xf32>
    tpu.vector_store %arg5[%swap3A_61, %swap3A_62, %swap3A_63], %swap3A_66 {strides = array<i32>} : memref<1x256x64xf32, #tpu.memory_space<vmem>>, vector<1x256x64xf32>,
    return
  }
  func.func @transform_0(%arg0: i32, %arg1: i32) -> (i32, i32, i32) {
    %c0_i32 = arith.constant 0 : i32
    %c0_i32_0 = arith.constant 0 : i32
    %c0_i32_1 = arith.constant 0 : i32
    return %arg0, %c0_i32, %c0_i32_0 : i32, i32, i32
  }
  func.func @transform_1(%arg0: i32, %arg1: i32) -> (i32, i32, i32) {
    %c0_i32 = arith.constant 0 : i32
    %c0_i32_0 = arith.constant 0 : i32
    return %arg0, %arg1, %c0_i32 : i32, i32, i32
  }
  func.func @transform_2(%arg0: i32, %arg1: i32) -> (i32, i32, i32) {
    %c0_i32 = arith.constant 0 : i32
    %c0_i32_0 = arith.constant 0 : i32
    return %arg0, %arg1, %c0_i32 : i32, i32, i32
  }
  func.func @transform_3(%arg0: i32, %arg1: i32) -> (i32, i32, i32) {
    %c0_i32 = arith.constant 0 : i32
    %c0_i32_0 = arith.constant 0 : i32
    return %arg0, %arg1, %c0_i32 : i32, i32, i32
  }
}

module attributes {stable_mosaic.version = 14 : i64} {
  func.func @_fps_kern(%arg0: i32, %arg1: memref<1x3x8x128xf32, #tpu.memory_space<vmem>>, %arg2: memref<1x1x256xi32, #tpu.memory_space<vmem>>) attributes {dimension_semantics = [#tpu.dimension_semantics<arbitrary>], iteration_bounds = array<i64: 4>, scalar_prefetch = 0 : i64, scratch_operands = 0 : i64, tpu.core_type = #tpu.core_type<tc>, window_params = [{transform_indices = @transform_0, window_bounds = array<i64: 1, 3, 8, 128>}, {transform_indices = @transform_1, window_bounds = array<i64: 1, 1, 256>}]} {
    %get3A = arith.constant 0 : index
    %get3A_0 = arith.constant 0 : index
    %get3A_1 = arith.constant 0 : index
    %get3A_2 = arith.constant 0 : index
    %get3A_3 = vector.load %arg1[%get3A, %get3A_0, %get3A_1, %get3A_2] : memref<1x3x8x128xf32, #tpu.memory_space<vmem>>, vector<1x1x8x128xf32>
    %get3A_4 = vector.shape_cast %get3A_3 : vector<1x1x8x128xf32> to vector<8x128xf32>
    %get3A_5 = arith.constant 0 : index
    %get3A_6 = arith.constant 1 : index
    %get3A_7 = arith.constant 0 : index
    %get3A_8 = arith.constant 0 : index
    %get3A_9 = vector.load %arg1[%get3A_5, %get3A_6, %get3A_7, %get3A_8] : memref<1x3x8x128xf32, #tpu.memory_space<vmem>>, vector<1x1x8x128xf32>
    %get3A_10 = vector.shape_cast %get3A_9 : vector<1x1x8x128xf32> to vector<8x128xf32>
    %get3A_11 = arith.constant 0 : index
    %get3A_12 = arith.constant 2 : index
    %get3A_13 = arith.constant 0 : index
    %get3A_14 = arith.constant 0 : index
    %get3A_15 = vector.load %arg1[%get3A_11, %get3A_12, %get3A_13, %get3A_14] : memref<1x3x8x128xf32, #tpu.memory_space<vmem>>, vector<1x1x8x128xf32>
    %get3A_16 = vector.shape_cast %get3A_15 : vector<1x1x8x128xf32> to vector<8x128xf32>
    %iota3A = tpu.iota {dimensions = array<i32: 0>} : vector<8x128xi32>
    %mul3A = arith.constant 128 : i32
    %mul3A_17 = vector.broadcast %mul3A : i32 to vector<8x128xi32>
    %mul3A_18 = arith.muli %iota3A, %mul3A_17 : vector<8x128xi32>
    %iota3A_19 = tpu.iota {dimensions = array<i32: 1>} : vector<8x128xi32>
    %add3A = arith.addi %mul3A_18, %iota3A_19 : vector<8x128xi32>
    %lt3A = arith.constant 819 : i32
    %lt3A_20 = vector.broadcast %lt3A : i32 to vector<8x128xi32>
    %lt3A_21 = arith.cmpi slt, %add3A, %lt3A_20 : vector<8x128xi32>
    %jit3A = arith.constant 0x7F800000 : f32
    %jit3A_22 = arith.constant 0xFF800000 : f32
    %broadcast_in_dim3A = vector.broadcast %jit3A : f32 to vector<8x128xf32>
    %broadcast_in_dim3A_23 = vector.broadcast %jit3A_22 : f32 to vector<8x128xf32>
    %select_n3A = arith.select %lt3A_21, %broadcast_in_dim3A, %broadcast_in_dim3A_23 : vector<8x128xi1>, vector<8x128xf32>
    %broadcast_in_dim3A_24 = arith.constant 0 : i32
    %broadcast_in_dim3A_25 = vector.broadcast %broadcast_in_dim3A_24 : i32 to vector<1x256xi32>
    %iota3A_26 = tpu.iota {dimensions = array<i32: 1>} : vector<1x256xi32>
    %scan3A = arith.constant 1073741824 : i32
    %scan3A_27 = arith.constant 0 : i32
    %scan3A_28 = arith.constant 204 : i32
    %scan3A_29 = arith.addi %scan3A_27, %scan3A_28 : i32
    %scan3A_30 = arith.constant 1 : i32
    %scan3A_31:2 = scf.for %scan3A_38 = %scan3A_27 to %scan3A_29 step %scan3A_30 iter_args(%scan3A_39 = %select_n3A, %scan3A_40 = %broadcast_in_dim3A_25) -> (vector<8x128xf32>, vector<1x256xi32>)  : i32 {
      %reduce_max3A = vector.shape_cast %scan3A_39 : vector<8x128xf32> to vector<1x8x128xf32>
      %reduce_max3A_41 = arith.constant dense<0xFF800000> : vector<1xf32>
      %reduce_max3A_42 = vector.multi_reduction <maximumf>, %reduce_max3A, %reduce_max3A_41 [1, 2] : vector<1x8x128xf32> to vector<1xf32>
      %reduce_max3A_43 = vector.shape_cast %reduce_max3A_42 : vector<1xf32> to vector<1x1x1xf32>
      %reduce_max3A_44 = vector.extract %reduce_max3A_43[0, 0, 0] : f32 from vector<1x1x1xf32>
      %eq3A = vector.broadcast %reduce_max3A_44 : f32 to vector<8x128xf32>
      %eq3A_45 = arith.cmpf oeq, %scan3A_39, %eq3A : vector<8x128xf32>
      %broadcast_in_dim3A_46 = vector.broadcast %scan3A : i32 to vector<8x128xi32>
      %select_n3A_47 = arith.select %eq3A_45, %add3A, %broadcast_in_dim3A_46 : vector<8x128xi1>, vector<8x128xi32>
      %reduce_min3A = vector.shape_cast %select_n3A_47 : vector<8x128xi32> to vector<1x8x128xi32>
      %reduce_min3A_48 = arith.constant dense<2147483647> : vector<1xi32>
      %reduce_min3A_49 = vector.multi_reduction <minsi>, %reduce_min3A, %reduce_min3A_48 [1, 2] : vector<1x8x128xi32> to vector<1xi32>
      %reduce_min3A_50 = vector.shape_cast %reduce_min3A_49 : vector<1xi32> to vector<1x1x1xi32>
      %reduce_min3A_51 = vector.extract %reduce_min3A_50[0, 0, 0] : i32 from vector<1x1x1xi32>
      %eq3A_52 = vector.broadcast %reduce_min3A_51 : i32 to vector<8x128xi32>
      %eq3A_53 = arith.cmpi eq, %add3A, %eq3A_52 : vector<8x128xi32>
      %jit3A_54 = arith.constant 0.000000e+00 : f32
      %broadcast_in_dim3A_55 = vector.broadcast %jit3A_54 : f32 to vector<8x128xf32>
      %select_n3A_56 = arith.select %eq3A_53, %get3A_4, %broadcast_in_dim3A_55 : vector<8x128xi1>, vector<8x128xf32>
      %reduce_sum3A = vector.shape_cast %select_n3A_56 : vector<8x128xf32> to vector<1x8x128xf32>
      %reduce_sum3A_57 = arith.constant dense<0.000000e+00> : vector<1xf32>
      %reduce_sum3A_58 = vector.multi_reduction <add>, %reduce_sum3A, %reduce_sum3A_57 [1, 2] : vector<1x8x128xf32> to vector<1xf32>
      %reduce_sum3A_59 = vector.shape_cast %reduce_sum3A_58 : vector<1xf32> to vector<1x1x1xf32>
      %reduce_sum3A_60 = vector.extract %reduce_sum3A_59[0, 0, 0] : f32 from vector<1x1x1xf32>
      %jit3A_61 = arith.constant 0.000000e+00 : f32
      %broadcast_in_dim3A_62 = vector.broadcast %jit3A_61 : f32 to vector<8x128xf32>
      %select_n3A_63 = arith.select %eq3A_53, %get3A_10, %broadcast_in_dim3A_62 : vector<8x128xi1>, vector<8x128xf32>
      %reduce_sum3A_64 = vector.shape_cast %select_n3A_63 : vector<8x128xf32> to vector<1x8x128xf32>
      %reduce_sum3A_65 = arith.constant dense<0.000000e+00> : vector<1xf32>
      %reduce_sum3A_66 = vector.multi_reduction <add>, %reduce_sum3A_64, %reduce_sum3A_65 [1, 2] : vector<1x8x128xf32> to vector<1xf32>
      %reduce_sum3A_67 = vector.shape_cast %reduce_sum3A_66 : vector<1xf32> to vector<1x1x1xf32>
      %reduce_sum3A_68 = vector.extract %reduce_sum3A_67[0, 0, 0] : f32 from vector<1x1x1xf32>
      %jit3A_69 = arith.constant 0.000000e+00 : f32
      %broadcast_in_dim3A_70 = vector.broadcast %jit3A_69 : f32 to vector<8x128xf32>
      %select_n3A_71 = arith.select %eq3A_53, %get3A_16, %broadcast_in_dim3A_70 : vector<8x128xi1>, vector<8x128xf32>
      %reduce_sum3A_72 = vector.shape_cast %select_n3A_71 : vector<8x128xf32> to vector<1x8x128xf32>
      %reduce_sum3A_73 = arith.constant dense<0.000000e+00> : vector<1xf32>
      %reduce_sum3A_74 = vector.multi_reduction <add>, %reduce_sum3A_72, %reduce_sum3A_73 [1, 2] : vector<1x8x128xf32> to vector<1xf32>
      %reduce_sum3A_75 = vector.shape_cast %reduce_sum3A_74 : vector<1xf32> to vector<1x1x1xf32>
      %reduce_sum3A_76 = vector.extract %reduce_sum3A_75[0, 0, 0] : f32 from vector<1x1x1xf32>
      %sub3A = vector.broadcast %reduce_sum3A_60 : f32 to vector<8x128xf32>
      %sub3A_77 = arith.subf %get3A_4, %sub3A : vector<8x128xf32>
      %sub3A_78 = vector.broadcast %reduce_sum3A_68 : f32 to vector<8x128xf32>
      %sub3A_79 = arith.subf %get3A_10, %sub3A_78 : vector<8x128xf32>
      %sub3A_80 = vector.broadcast %reduce_sum3A_76 : f32 to vector<8x128xf32>
      %sub3A_81 = arith.subf %get3A_16, %sub3A_80 : vector<8x128xf32>
      %mul3A_82 = arith.mulf %sub3A_77, %sub3A_77 : vector<8x128xf32>
      %mul3A_83 = arith.mulf %sub3A_79, %sub3A_79 : vector<8x128xf32>
      %add3A_84 = arith.addf %mul3A_82, %mul3A_83 : vector<8x128xf32>
      %mul3A_85 = arith.mulf %sub3A_81, %sub3A_81 : vector<8x128xf32>
      %add3A_86 = arith.addf %add3A_84, %mul3A_85 : vector<8x128xf32>
      %min3A = arith.minimumf %scan3A_39, %add3A_86 : vector<8x128xf32>
      %eq3A_87 = vector.broadcast %scan3A_38 : i32 to vector<1x256xi32>
      %eq3A_88 = arith.cmpi eq, %iota3A_26, %eq3A_87 : vector<1x256xi32>
      %broadcast_in_dim3A_89 = vector.broadcast %reduce_min3A_51 : i32 to vector<1x256xi32>
      %select_n3A_90 = arith.select %eq3A_88, %broadcast_in_dim3A_89, %scan3A_40 : vector<1x256xi1>, vector<1x256xi32>
      scf.yield %min3A, %select_n3A_90 : vector<8x128xf32>, vector<1x256xi32>
    }
    %scan3A_32 = arith.constant 204 : i32
    %swap3A = arith.constant 0 : index
    %swap3A_33 = arith.constant 0 : index
    %swap3A_34 = arith.constant 0 : index
    %swap3A_35 = vector.load %arg2[%swap3A, %swap3A_33, %swap3A_34] : memref<1x1x256xi32, #tpu.memory_space<vmem>>, vector<1x1x256xi32>
    %swap3A_36 = vector.shape_cast %swap3A_35 : vector<1x1x256xi32> to vector<1x256xi32>
    %swap3A_37 = vector.shape_cast %scan3A_31#1 : vector<1x256xi32> to vector<1x1x256xi32>
    tpu.vector_store %arg2[%swap3A, %swap3A_33, %swap3A_34], %swap3A_37 {strides = array<i32>} : memref<1x1x256xi32, #tpu.memory_space<vmem>>, vector<1x1x256xi32>,
    return
  }
  func.func @transform_0(%arg0: i32) -> (i32, i32, i32, i32) {
    %c0_i32 = arith.constant 0 : i32
    %c0_i32_0 = arith.constant 0 : i32
    %c0_i32_1 = arith.constant 0 : i32
    %c0_i32_2 = arith.constant 0 : i32
    return %arg0, %c0_i32, %c0_i32_0, %c0_i32_1 : i32, i32, i32, i32
  }
  func.func @transform_1(%arg0: i32) -> (i32, i32, i32) {
    %c0_i32 = arith.constant 0 : i32
    %c0_i32_0 = arith.constant 0 : i32
    %c0_i32_1 = arith.constant 0 : i32
    return %arg0, %c0_i32, %c0_i32_0 : i32, i32, i32
  }
}

module attributes {stable_mosaic.version = 14 : i64} {
  func.func @_nbr_kern(%arg0: i32, %arg1: i32, %arg2: memref<1x3x1024xf32, #tpu.memory_space<vmem>>, %arg3: memref<1x256x3xf32, #tpu.memory_space<vmem>>, %arg4: memref<1x256x64xi32, #tpu.memory_space<vmem>>, %arg5: memref<1x256x64xf32, #tpu.memory_space<vmem>>) attributes {dimension_semantics = [#tpu.dimension_semantics<arbitrary>, #tpu.dimension_semantics<arbitrary>], iteration_bounds = array<i64: 4, 1>, scalar_prefetch = 0 : i64, scratch_operands = 0 : i64, tpu.core_type = #tpu.core_type<tc>, window_params = [{transform_indices = @transform_0, window_bounds = array<i64: 1, 3, 1024>}, {transform_indices = @transform_1, window_bounds = array<i64: 1, 256, 3>}, {transform_indices = @transform_2, window_bounds = array<i64: 1, 256, 64>}, {transform_indices = @transform_3, window_bounds = array<i64: 1, 256, 64>}]} {
    %get3A = arith.constant 0 : index
    %get3A_0 = arith.constant 0 : index
    %get3A_1 = arith.constant 0 : index
    %get3A_2 = vector.load %arg2[%get3A, %get3A_0, %get3A_1] : memref<1x3x1024xf32, #tpu.memory_space<vmem>>, vector<1x1x1024xf32>
    %get3A_3 = vector.shape_cast %get3A_2 : vector<1x1x1024xf32> to vector<1x1024xf32>
    %get3A_4 = arith.constant 0 : index
    %get3A_5 = arith.constant 1 : index
    %get3A_6 = arith.constant 0 : index
    %get3A_7 = vector.load %arg2[%get3A_4, %get3A_5, %get3A_6] : memref<1x3x1024xf32, #tpu.memory_space<vmem>>, vector<1x1x1024xf32>
    %get3A_8 = vector.shape_cast %get3A_7 : vector<1x1x1024xf32> to vector<1x1024xf32>
    %get3A_9 = arith.constant 0 : index
    %get3A_10 = arith.constant 2 : index
    %get3A_11 = arith.constant 0 : index
    %get3A_12 = vector.load %arg2[%get3A_9, %get3A_10, %get3A_11] : memref<1x3x1024xf32, #tpu.memory_space<vmem>>, vector<1x1x1024xf32>
    %get3A_13 = vector.shape_cast %get3A_12 : vector<1x1x1024xf32> to vector<1x1024xf32>
    %get3A_14 = arith.constant 0 : index
    %get3A_15 = arith.constant 0 : index
    %get3A_16 = arith.constant 0 : index
    %get3A_17 = vector.load %arg3[%get3A_14, %get3A_15, %get3A_16] : memref<1x256x3xf32, #tpu.memory_space<vmem>>, vector<1x256x3xf32>
    %get3A_18 = vector.shape_cast %get3A_17 : vector<1x256x3xf32> to vector<256x3xf32>
    %slice3A = vector.extract_strided_slice %get3A_18 {offsets = [0, 0], sizes = [256, 1], strides = [1, 1]} : vector<256x3xf32> to vector<256x1xf32>
    %sub3A = vector.broadcast %slice3A : vector<256x1xf32> to vector<256x1024xf32>
    %sub3A_19 = vector.broadcast %get3A_3 : vector<1x1024xf32> to vector<256x1024xf32>
    %sub3A_20 = arith.subf %sub3A, %sub3A_19 : vector<256x1024xf32>
    %slice3A_21 = vector.extract_strided_slice %get3A_18 {offsets = [0, 1], sizes = [256, 1], strides = [1, 1]} : vector<256x3xf32> to vector<256x1xf32>
    %sub3A_22 = vector.broadcast %slice3A_21 : vector<256x1xf32> to vector<256x1024xf32>
    %sub3A_23 = vector.broadcast %get3A_8 : vector<1x1024xf32> to vector<256x1024xf32>
    %sub3A_24 = arith.subf %sub3A_22, %sub3A_23 : vector<256x1024xf32>
    %slice3A_25 = vector.extract_strided_slice %get3A_18 {offsets = [0, 2], sizes = [256, 1], strides = [1, 1]} : vector<256x3xf32> to vector<256x1xf32>
    %sub3A_26 = vector.broadcast %slice3A_25 : vector<256x1xf32> to vector<256x1024xf32>
    %sub3A_27 = vector.broadcast %get3A_13 : vector<1x1024xf32> to vector<256x1024xf32>
    %sub3A_28 = arith.subf %sub3A_26, %sub3A_27 : vector<256x1024xf32>
    %mul3A = arith.mulf %sub3A_20, %sub3A_20 : vector<256x1024xf32>
    %mul3A_29 = arith.mulf %sub3A_24, %sub3A_24 : vector<256x1024xf32>
    %add3A = arith.addf %mul3A, %mul3A_29 : vector<256x1024xf32>
    %mul3A_30 = arith.mulf %sub3A_28, %sub3A_28 : vector<256x1024xf32>
    %add3A_31 = arith.addf %add3A, %mul3A_30 : vector<256x1024xf32>
    %iota3A = tpu.iota {dimensions = array<i32: 1>} : vector<256x1024xi32>
    %iota3A_32 = tpu.iota {dimensions = array<i32: 1>} : vector<256x64xi32>
    %le3A = arith.constant 1.600000e-01 : f32
    %le3A_33 = vector.broadcast %le3A : f32 to vector<256x1024xf32>
    %le3A_34 = arith.cmpf ole, %add3A_31, %le3A_33 : vector<256x1024xf32>
    %jit3A = arith.constant 0x7F800000 : f32
    %broadcast_in_dim3A = vector.broadcast %jit3A : f32 to vector<256x1024xf32>
    %select_n3A = arith.select %le3A_34, %add3A_31, %broadcast_in_dim3A : vector<256x1024xi1>, vector<256x1024xf32>
    %broadcast_in_dim3A_35 = arith.constant 0 : i32
    %broadcast_in_dim3A_36 = vector.broadcast %broadcast_in_dim3A_35 : i32 to vector<256x64xi32>
    %broadcast_in_dim3A_37 = arith.constant 0x7F800000 : f32
    %broadcast_in_dim3A_38 = vector.broadcast %broadcast_in_dim3A_37 : f32 to vector<256x64xf32>
    %scan3A = arith.constant 1073741824 : i32
    %scan3A_39 = arith.constant 0 : i32
    %scan3A_40 = arith.constant 64 : i32
    %scan3A_41 = arith.addi %scan3A_39, %scan3A_40 : i32
    %scan3A_42 = arith.constant 1 : i32
    %scan3A_43:3 = scf.for %scan3A_67 = %scan3A_39 to %scan3A_41 step %scan3A_42 iter_args(%scan3A_68 = %select_n3A, %scan3A_69 = %broadcast_in_dim3A_36, %scan3A_70 = %broadcast_in_dim3A_38) -> (vector<256x1024xf32>, vector<256x64xi32>, vector<256x64xf32>)  : i32 {
      %reduce_min3A = arith.constant dense<0x7F800000> : vector<256xf32>
      %reduce_min3A_71 = vector.multi_reduction <minimumf>, %scan3A_68, %reduce_min3A [1] : vector<256x1024xf32> to vector<256xf32>
      %broadcast_in_dim3A_72 = vector.shape_cast %reduce_min3A_71 : vector<256xf32> to vector<256x1xf32>
      %eq3A = vector.broadcast %broadcast_in_dim3A_72 : vector<256x1xf32> to vector<256x1024xf32>
      %eq3A_73 = arith.cmpf oeq, %scan3A_68, %eq3A : vector<256x1024xf32>
      %broadcast_in_dim3A_74 = vector.broadcast %scan3A : i32 to vector<256x1024xi32>
      %select_n3A_75 = arith.select %eq3A_73, %iota3A, %broadcast_in_dim3A_74 : vector<256x1024xi1>, vector<256x1024xi32>
      %reduce_min3A_76 = arith.constant dense<2147483647> : vector<256xi32>
      %reduce_min3A_77 = vector.multi_reduction <minsi>, %select_n3A_75, %reduce_min3A_76 [1] : vector<256x1024xi32> to vector<256xi32>
      %broadcast_in_dim3A_78 = vector.shape_cast %reduce_min3A_77 : vector<256xi32> to vector<256x1xi32>
      %eq3A_79 = vector.broadcast %scan3A_67 : i32 to vector<256x64xi32>
      %eq3A_80 = arith.cmpi eq, %iota3A_32, %eq3A_79 : vector<256x64xi32>
      %broadcast_in_dim3A_81 = vector.shape_cast %broadcast_in_dim3A_78 : vector<256x1xi32> to vector<256x1xi32>
      %broadcast_in_dim3A_82 = vector.broadcast %broadcast_in_dim3A_81 : vector<256x1xi32> to vector<256x64xi32>
      %select_n3A_83 = arith.select %eq3A_80, %broadcast_in_dim3A_82, %scan3A_69 : vector<256x64xi1>, vector<256x64xi32>
      %eq3A_84 = vector.broadcast %scan3A_67 : i32 to vector<256x64xi32>
      %eq3A_85 = arith.cmpi eq, %iota3A_32, %eq3A_84 : vector<256x64xi32>
      %broadcast_in_dim3A_86 = vector.shape_cast %broadcast_in_dim3A_72 : vector<256x1xf32> to vector<256x1xf32>
      %broadcast_in_dim3A_87 = vector.broadcast %broadcast_in_dim3A_86 : vector<256x1xf32> to vector<256x64xf32>
      %select_n3A_88 = arith.select %eq3A_85, %broadcast_in_dim3A_87, %scan3A_70 : vector<256x64xi1>, vector<256x64xf32>
      %eq3A_89 = vector.broadcast %broadcast_in_dim3A_78 : vector<256x1xi32> to vector<256x1024xi32>
      %eq3A_90 = arith.cmpi eq, %iota3A, %eq3A_89 : vector<256x1024xi32>
      %jit3A_91 = arith.constant 0x7F800000 : f32
      %broadcast_in_dim3A_92 = vector.broadcast %jit3A_91 : f32 to vector<256x1024xf32>
      %select_n3A_93 = arith.select %eq3A_90, %broadcast_in_dim3A_92, %scan3A_68 : vector<256x1024xi1>, vector<256x1024xf32>
      scf.yield %select_n3A_93, %select_n3A_83, %select_n3A_88 : vector<256x1024xf32>, vector<256x64xi32>, vector<256x64xf32>
    }
    %scan3A_44 = arith.constant 64 : i32
    %le3A_45 = arith.constant 1.600000e-01 : f32
    %le3A_46 = vector.broadcast %le3A_45 : f32 to vector<256x64xf32>
    %le3A_47 = arith.cmpf ole, %scan3A_43#2, %le3A_46 : vector<256x64xf32>
    %jit3A_48 = arith.constant 0 : i32
    %broadcast_in_dim3A_49 = vector.broadcast %jit3A_48 : i32 to vector<256x64xi32>
    %select_n3A_50 = arith.select %le3A_47, %scan3A_43#1, %broadcast_in_dim3A_49 : vector<256x64xi1>, vector<256x64xi32>
    %swap3A = arith.constant 0 : index
    %swap3A_51 = arith.constant 0 : index
    %swap3A_52 = arith.constant 0 : index
    %swap3A_53 = vector.load %arg4[%swap3A, %swap3A_51, %swap3A_52] : memref<1x256x64xi32, #tpu.memory_space<vmem>>, vector<1x256x64xi32>
    %swap3A_54 = vector.shape_cast %swap3A_53 : vector<1x256x64xi32> to vector<256x64xi32>
    %swap3A_55 = vector.shape_cast %select_n3A_50 : vector<256x64xi32> to vector<1x256x64xi32>
    tpu.vector_store %arg4[%swap3A, %swap3A_51, %swap3A_52], %swap3A_55 {strides = array<i32>} : memref<1x256x64xi32, #tpu.memory_space<vmem>>, vector<1x256x64xi32>,
    %jit3A_56 = arith.constant 0.000000e+00 : f32
    %jit3A_57 = arith.constant 0xFF800000 : f32
    %broadcast_in_dim3A_58 = vector.broadcast %jit3A_56 : f32 to vector<256x64xf32>
    %broadcast_in_dim3A_59 = vector.broadcast %jit3A_57 : f32 to vector<256x64xf32>
    %select_n3A_60 = arith.select %le3A_47, %broadcast_in_dim3A_58, %broadcast_in_dim3A_59 : vector<256x64xi1>, vector<256x64xf32>
    %swap3A_61 = arith.constant 0 : index
    %swap3A_62 = arith.constant 0 : index
    %swap3A_63 = arith.constant 0 : index
    %swap3A_64 = vector.load %arg5[%swap3A_61, %swap3A_62, %swap3A_63] : memref<1x256x64xf32, #tpu.memory_space<vmem>>, vector<1x256x64xf32>
    %swap3A_65 = vector.shape_cast %swap3A_64 : vector<1x256x64xf32> to vector<256x64xf32>
    %swap3A_66 = vector.shape_cast %select_n3A_60 : vector<256x64xf32> to vector<1x256x64xf32>
    tpu.vector_store %arg5[%swap3A_61, %swap3A_62, %swap3A_63], %swap3A_66 {strides = array<i32>} : memref<1x256x64xf32, #tpu.memory_space<vmem>>, vector<1x256x64xf32>,
    return
  }
  func.func @transform_0(%arg0: i32, %arg1: i32) -> (i32, i32, i32) {
    %c0_i32 = arith.constant 0 : i32
    %c0_i32_0 = arith.constant 0 : i32
    %c0_i32_1 = arith.constant 0 : i32
    return %arg0, %c0_i32, %c0_i32_0 : i32, i32, i32
  }
  func.func @transform_1(%arg0: i32, %arg1: i32) -> (i32, i32, i32) {
    %c0_i32 = arith.constant 0 : i32
    %c0_i32_0 = arith.constant 0 : i32
    return %arg0, %arg1, %c0_i32 : i32, i32, i32
  }
  func.func @transform_2(%arg0: i32, %arg1: i32) -> (i32, i32, i32) {
    %c0_i32 = arith.constant 0 : i32
    %c0_i32_0 = arith.constant 0 : i32
    return %arg0, %arg1, %c0_i32 : i32, i32, i32
  }
  func.func @transform_3(%arg0: i32, %arg1: i32) -> (i32, i32, i32) {
    %c0_i32 = arith.constant 0 : i32
    %c0_i32_0 = arith.constant 0 : i32
    return %arg0, %arg1, %c0_i32 : i32, i32, i32
  }
}

module attributes {stable_mosaic.version = 14 : i64} {
  func.func @_sa_mlp_kern(%arg0: i32, %arg1: i32, %arg2: memref<1x8192x128xf32, #tpu.memory_space<vmem>>, %arg3: memref<1x128x3xf32, #tpu.memory_space<vmem>>, %arg4: memref<1x8192x1xf32, #tpu.memory_space<vmem>>, %arg5: memref<128x64xf32, #tpu.memory_space<vmem>>, %arg6: memref<3x64xf32, #tpu.memory_space<vmem>>, %arg7: memref<1x64xf32, #tpu.memory_space<vmem>>, %arg8: memref<64x64xf32, #tpu.memory_space<vmem>>, %arg9: memref<1x64xf32, #tpu.memory_space<vmem>>, %arg10: memref<64x128xf32, #tpu.memory_space<vmem>>, %arg11: memref<1x128xf32, #tpu.memory_space<vmem>>, %arg12: memref<1x128x128xf32, #tpu.memory_space<vmem>>) attributes {dimension_semantics = [#tpu.dimension_semantics<arbitrary>, #tpu.dimension_semantics<arbitrary>], iteration_bounds = array<i64: 4, 8>, scalar_prefetch = 0 : i64, scratch_operands = 0 : i64, tpu.core_type = #tpu.core_type<tc>, window_params = [{transform_indices = @transform_0, window_bounds = array<i64: 1, 8192, 128>}, {transform_indices = @transform_1, window_bounds = array<i64: 1, 128, 3>}, {transform_indices = @transform_2, window_bounds = array<i64: 1, 8192, 1>}, {pipeline_mode = #tpu.pipeline_mode<synchronous>, transform_indices = @transform_3, window_bounds = array<i64: 128, 64>}, {pipeline_mode = #tpu.pipeline_mode<synchronous>, transform_indices = @transform_4, window_bounds = array<i64: 3, 64>}, {pipeline_mode = #tpu.pipeline_mode<synchronous>, transform_indices = @transform_5, window_bounds = array<i64: 1, 64>}, {pipeline_mode = #tpu.pipeline_mode<synchronous>, transform_indices = @transform_6, window_bounds = array<i64: 64, 64>}, {pipeline_mode = #tpu.pipeline_mode<synchronous>, transform_indices = @transform_7, window_bounds = array<i64: 1, 64>}, {pipeline_mode = #tpu.pipeline_mode<synchronous>, transform_indices = @transform_8, window_bounds = array<i64: 64, 128>}, {pipeline_mode = #tpu.pipeline_mode<synchronous>, transform_indices = @transform_9, window_bounds = array<i64: 1, 128>}, {transform_indices = @transform_10, window_bounds = array<i64: 1, 128, 128>}]} {
    %get3A = arith.constant 0 : index
    %get3A_0 = arith.constant 0 : index
    %get3A_1 = arith.constant 0 : index
    %get3A_2 = vector.load %arg2[%get3A, %get3A_0, %get3A_1] : memref<1x8192x128xf32, #tpu.memory_space<vmem>>, vector<1x8192x128xf32>
    %get3A_3 = vector.shape_cast %get3A_2 : vector<1x8192x128xf32> to vector<8192x128xf32>
    %get3A_4 = arith.constant 0 : index
    %get3A_5 = arith.constant 0 : index
    %get3A_6 = arith.constant 0 : index
    %get3A_7 = vector.load %arg3[%get3A_4, %get3A_5, %get3A_6] : memref<1x128x3xf32, #tpu.memory_space<vmem>>, vector<1x128x3xf32>
    %get3A_8 = vector.shape_cast %get3A_7 : vector<1x128x3xf32> to vector<128x3xf32>
    %get3A_9 = arith.constant 0 : index
    %get3A_10 = arith.constant 0 : index
    %get3A_11 = vector.load %arg6[%get3A_9, %get3A_10] : memref<3x64xf32, #tpu.memory_space<vmem>>, vector<3x64xf32>
    %dot_general3A = arith.constant dense<0.000000e+00> : vector<128x64xf32>
    %dot_general3A_12 = tpu.matmul %get3A_8, %get3A_11, %dot_general3A {dimension_numbers = #tpu.dot_dimension_numbers<[1], [0], [0], [1], [0, 0, 1, 1], [], []>, transpose_lhs_hint = false} : vector<128x3xf32>, vector<3x64xf32>, vector<128x64xf32> -> vector<128x64xf32>
    %get3A_13 = arith.constant 0 : index
    %get3A_14 = arith.constant 0 : index
    %get3A_15 = vector.load %arg5[%get3A_13, %get3A_14] : memref<128x64xf32, #tpu.memory_space<vmem>>, vector<128x64xf32>
    %dot_general3A_16 = arith.constant dense<0.000000e+00> : vector<8192x64xf32>
    %dot_general3A_17 = tpu.matmul %get3A_3, %get3A_15, %dot_general3A_16 {dimension_numbers = #tpu.dot_dimension_numbers<[1], [0], [0], [1], [0, 0, 1, 1], [], []>, transpose_lhs_hint = false} : vector<8192x128xf32>, vector<128x64xf32>, vector<8192x64xf32> -> vector<8192x64xf32>
    %reshape3A = vector.shape_cast %dot_general3A_17 : vector<8192x64xf32> to vector<128x64x64xf32>
    %broadcast_in_dim3A = vector.shape_cast %dot_general3A_12 : vector<128x64xf32> to vector<128x1x64xf32>
    %sub3A = vector.broadcast %broadcast_in_dim3A : vector<128x1x64xf32> to vector<128x64x64xf32>
    %sub3A_18 = arith.subf %reshape3A, %sub3A : vector<128x64x64xf32>
    %get3A_19 = arith.constant 0 : index
    %get3A_20 = arith.constant 0 : index
    %get3A_21 = vector.load %arg7[%get3A_19, %get3A_20] : memref<1x64xf32, #tpu.memory_space<vmem>>, vector<1x64xf32>
    %broadcast_in_dim3A_22 = vector.shape_cast %get3A_21 : vector<1x64xf32> to vector<1x1x64xf32>
    %add3A = vector.broadcast %broadcast_in_dim3A_22 : vector<1x1x64xf32> to vector<128x64x64xf32>
    %add3A_23 = arith.addf %sub3A_18, %add3A : vector<128x64x64xf32>
    %max3A = arith.constant 0.000000e+00 : f32
    %max3A_24 = vector.broadcast %max3A : f32 to vector<128x64x64xf32>
    %max3A_25 = arith.maximumf %add3A_23, %max3A_24 : vector<128x64x64xf32>
    %reshape3A_26 = vector.shape_cast %max3A_25 : vector<128x64x64xf32> to vector<8192x64xf32>
    %get3A_27 = arith.constant 0 : index
    %get3A_28 = arith.constant 0 : index
    %get3A_29 = vector.load %arg8[%get3A_27, %get3A_28] : memref<64x64xf32, #tpu.memory_space<vmem>>, vector<64x64xf32>
    %dot_general3A_30 = arith.constant dense<0.000000e+00> : vector<8192x64xf32>
    %dot_general3A_31 = tpu.matmul %reshape3A_26, %get3A_29, %dot_general3A_30 {dimension_numbers = #tpu.dot_dimension_numbers<[1], [0], [0], [1], [0, 0, 1, 1], [], []>, transpose_lhs_hint = false} : vector<8192x64xf32>, vector<64x64xf32>, vector<8192x64xf32> -> vector<8192x64xf32>
    %get3A_32 = arith.constant 0 : index
    %get3A_33 = arith.constant 0 : index
    %get3A_34 = vector.load %arg9[%get3A_32, %get3A_33] : memref<1x64xf32, #tpu.memory_space<vmem>>, vector<1x64xf32>
    %add3A_35 = vector.broadcast %get3A_34 : vector<1x64xf32> to vector<8192x64xf32>
    %add3A_36 = arith.addf %dot_general3A_31, %add3A_35 : vector<8192x64xf32>
    %max3A_37 = arith.constant 0.000000e+00 : f32
    %max3A_38 = vector.broadcast %max3A_37 : f32 to vector<8192x64xf32>
    %max3A_39 = arith.maximumf %add3A_36, %max3A_38 : vector<8192x64xf32>
    %get3A_40 = arith.constant 0 : index
    %get3A_41 = arith.constant 0 : index
    %get3A_42 = vector.load %arg10[%get3A_40, %get3A_41] : memref<64x128xf32, #tpu.memory_space<vmem>>, vector<64x128xf32>
    %dot_general3A_43 = arith.constant dense<0.000000e+00> : vector<8192x128xf32>
    %dot_general3A_44 = tpu.matmul %max3A_39, %get3A_42, %dot_general3A_43 {dimension_numbers = #tpu.dot_dimension_numbers<[1], [0], [0], [1], [0, 0, 1, 1], [], []>, transpose_lhs_hint = false} : vector<8192x64xf32>, vector<64x128xf32>, vector<8192x128xf32> -> vector<8192x128xf32>
    %get3A_45 = arith.constant 0 : index
    %get3A_46 = arith.constant 0 : index
    %get3A_47 = vector.load %arg11[%get3A_45, %get3A_46] : memref<1x128xf32, #tpu.memory_space<vmem>>, vector<1x128xf32>
    %add3A_48 = vector.broadcast %get3A_47 : vector<1x128xf32> to vector<8192x128xf32>
    %add3A_49 = arith.addf %dot_general3A_44, %add3A_48 : vector<8192x128xf32>
    %max3A_50 = arith.constant 0.000000e+00 : f32
    %max3A_51 = vector.broadcast %max3A_50 : f32 to vector<8192x128xf32>
    %max3A_52 = arith.maximumf %add3A_49, %max3A_51 : vector<8192x128xf32>
    %get3A_53 = arith.constant 0 : index
    %get3A_54 = arith.constant 0 : index
    %get3A_55 = arith.constant 0 : index
    %get3A_56 = vector.load %arg4[%get3A_53, %get3A_54, %get3A_55] : memref<1x8192x1xf32, #tpu.memory_space<vmem>>, vector<1x8192x1xf32>
    %get3A_57 = vector.shape_cast %get3A_56 : vector<1x8192x1xf32> to vector<8192x1xf32>
    %add3A_58 = vector.broadcast %get3A_57 : vector<8192x1xf32> to vector<8192x128xf32>
    %add3A_59 = arith.addf %max3A_52, %add3A_58 : vector<8192x128xf32>
    %reshape3A_60 = vector.shape_cast %add3A_59 : vector<8192x128xf32> to vector<128x64x128xf32>
    %reduce_max3A = arith.constant dense<0xFF800000> : vector<128x128xf32>
    %reduce_max3A_61 = vector.multi_reduction <maximumf>, %reshape3A_60, %reduce_max3A [1] : vector<128x64x128xf32> to vector<128x128xf32>
    %swap3A = arith.constant 0 : index
    %swap3A_62 = arith.constant 0 : index
    %swap3A_63 = arith.constant 0 : index
    %swap3A_64 = vector.load %arg12[%swap3A, %swap3A_62, %swap3A_63] : memref<1x128x128xf32, #tpu.memory_space<vmem>>, vector<1x128x128xf32>
    %swap3A_65 = vector.shape_cast %swap3A_64 : vector<1x128x128xf32> to vector<128x128xf32>
    %swap3A_66 = vector.shape_cast %reduce_max3A_61 : vector<128x128xf32> to vector<1x128x128xf32>
    tpu.vector_store %arg12[%swap3A, %swap3A_62, %swap3A_63], %swap3A_66 {strides = array<i32>} : memref<1x128x128xf32, #tpu.memory_space<vmem>>, vector<1x128x128xf32>,
    return
  }
  func.func @transform_0(%arg0: i32, %arg1: i32) -> (i32, i32, i32) {
    %c0_i32 = arith.constant 0 : i32
    %c0_i32_0 = arith.constant 0 : i32
    return %arg0, %arg1, %c0_i32 : i32, i32, i32
  }
  func.func @transform_1(%arg0: i32, %arg1: i32) -> (i32, i32, i32) {
    %c0_i32 = arith.constant 0 : i32
    %c0_i32_0 = arith.constant 0 : i32
    return %arg0, %arg1, %c0_i32 : i32, i32, i32
  }
  func.func @transform_2(%arg0: i32, %arg1: i32) -> (i32, i32, i32) {
    %c0_i32 = arith.constant 0 : i32
    %c0_i32_0 = arith.constant 0 : i32
    return %arg0, %arg1, %c0_i32 : i32, i32, i32
  }
  func.func @transform_3(%arg0: i32, %arg1: i32) -> (i32, i32) {
    %c0_i32 = arith.constant 0 : i32
    %c0_i32_0 = arith.constant 0 : i32
    %c0_i32_1 = arith.constant 0 : i32
    return %c0_i32, %c0_i32_0 : i32, i32
  }
  func.func @transform_4(%arg0: i32, %arg1: i32) -> (i32, i32) {
    %c0_i32 = arith.constant 0 : i32
    %c0_i32_0 = arith.constant 0 : i32
    %c0_i32_1 = arith.constant 0 : i32
    return %c0_i32, %c0_i32_0 : i32, i32
  }
  func.func @transform_5(%arg0: i32, %arg1: i32) -> (i32, i32) {
    %c0_i32 = arith.constant 0 : i32
    %c0_i32_0 = arith.constant 0 : i32
    %c0_i32_1 = arith.constant 0 : i32
    return %c0_i32, %c0_i32_0 : i32, i32
  }
  func.func @transform_6(%arg0: i32, %arg1: i32) -> (i32, i32) {
    %c0_i32 = arith.constant 0 : i32
    %c0_i32_0 = arith.constant 0 : i32
    %c0_i32_1 = arith.constant 0 : i32
    return %c0_i32, %c0_i32_0 : i32, i32
  }
  func.func @transform_7(%arg0: i32, %arg1: i32) -> (i32, i32) {
    %c0_i32 = arith.constant 0 : i32
    %c0_i32_0 = arith.constant 0 : i32
    %c0_i32_1 = arith.constant 0 : i32
    return %c0_i32, %c0_i32_0 : i32, i32
  }
  func.func @transform_8(%arg0: i32, %arg1: i32) -> (i32, i32) {
    %c0_i32 = arith.constant 0 : i32
    %c0_i32_0 = arith.constant 0 : i32
    %c0_i32_1 = arith.constant 0 : i32
    return %c0_i32, %c0_i32_0 : i32, i32
  }
  func.func @transform_9(%arg0: i32, %arg1: i32) -> (i32, i32) {
    %c0_i32 = arith.constant 0 : i32
    %c0_i32_0 = arith.constant 0 : i32
    %c0_i32_1 = arith.constant 0 : i32
    return %c0_i32, %c0_i32_0 : i32, i32
  }
  func.func @transform_10(%arg0: i32, %arg1: i32) -> (i32, i32, i32) {
    %c0_i32 = arith.constant 0 : i32
    %c0_i32_0 = arith.constant 0 : i32
    return %arg0, %arg1, %c0_i32 : i32, i32, i32
  }
}

module attributes {stable_mosaic.version = 14 : i64} {
  func.func @_knn3_kern(%arg0: i32, %arg1: memref<1x3x256xf32, #tpu.memory_space<vmem>>, %arg2: memref<1x1024x3xf32, #tpu.memory_space<vmem>>, %arg3: memref<1x1024x3xi32, #tpu.memory_space<vmem>>, %arg4: memref<1x1024x3xf32, #tpu.memory_space<vmem>>) attributes {dimension_semantics = [#tpu.dimension_semantics<arbitrary>], iteration_bounds = array<i64: 4>, scalar_prefetch = 0 : i64, scratch_operands = 0 : i64, tpu.core_type = #tpu.core_type<tc>, window_params = [{transform_indices = @transform_0, window_bounds = array<i64: 1, 3, 256>}, {transform_indices = @transform_1, window_bounds = array<i64: 1, 1024, 3>}, {transform_indices = @transform_2, window_bounds = array<i64: 1, 1024, 3>}, {transform_indices = @transform_3, window_bounds = array<i64: 1, 1024, 3>}]} {
    %get3A = arith.constant 0 : index
    %get3A_0 = arith.constant 0 : index
    %get3A_1 = arith.constant 0 : index
    %get3A_2 = vector.load %arg2[%get3A, %get3A_0, %get3A_1] : memref<1x1024x3xf32, #tpu.memory_space<vmem>>, vector<1x1024x3xf32>
    %get3A_3 = vector.shape_cast %get3A_2 : vector<1x1024x3xf32> to vector<1024x3xf32>
    %slice3A = vector.extract_strided_slice %get3A_3 {offsets = [0, 0], sizes = [1024, 1], strides = [1, 1]} : vector<1024x3xf32> to vector<1024x1xf32>
    %get3A_4 = arith.constant 0 : index
    %get3A_5 = arith.constant 0 : index
    %get3A_6 = arith.constant 0 : index
    %get3A_7 = vector.load %arg1[%get3A_4, %get3A_5, %get3A_6] : memref<1x3x256xf32, #tpu.memory_space<vmem>>, vector<1x1x256xf32>
    %get3A_8 = vector.shape_cast %get3A_7 : vector<1x1x256xf32> to vector<1x256xf32>
    %sub3A = vector.broadcast %slice3A : vector<1024x1xf32> to vector<1024x256xf32>
    %sub3A_9 = vector.broadcast %get3A_8 : vector<1x256xf32> to vector<1024x256xf32>
    %sub3A_10 = arith.subf %sub3A, %sub3A_9 : vector<1024x256xf32>
    %slice3A_11 = vector.extract_strided_slice %get3A_3 {offsets = [0, 1], sizes = [1024, 1], strides = [1, 1]} : vector<1024x3xf32> to vector<1024x1xf32>
    %get3A_12 = arith.constant 0 : index
    %get3A_13 = arith.constant 1 : index
    %get3A_14 = arith.constant 0 : index
    %get3A_15 = vector.load %arg1[%get3A_12, %get3A_13, %get3A_14] : memref<1x3x256xf32, #tpu.memory_space<vmem>>, vector<1x1x256xf32>
    %get3A_16 = vector.shape_cast %get3A_15 : vector<1x1x256xf32> to vector<1x256xf32>
    %sub3A_17 = vector.broadcast %slice3A_11 : vector<1024x1xf32> to vector<1024x256xf32>
    %sub3A_18 = vector.broadcast %get3A_16 : vector<1x256xf32> to vector<1024x256xf32>
    %sub3A_19 = arith.subf %sub3A_17, %sub3A_18 : vector<1024x256xf32>
    %slice3A_20 = vector.extract_strided_slice %get3A_3 {offsets = [0, 2], sizes = [1024, 1], strides = [1, 1]} : vector<1024x3xf32> to vector<1024x1xf32>
    %get3A_21 = arith.constant 0 : index
    %get3A_22 = arith.constant 2 : index
    %get3A_23 = arith.constant 0 : index
    %get3A_24 = vector.load %arg1[%get3A_21, %get3A_22, %get3A_23] : memref<1x3x256xf32, #tpu.memory_space<vmem>>, vector<1x1x256xf32>
    %get3A_25 = vector.shape_cast %get3A_24 : vector<1x1x256xf32> to vector<1x256xf32>
    %sub3A_26 = vector.broadcast %slice3A_20 : vector<1024x1xf32> to vector<1024x256xf32>
    %sub3A_27 = vector.broadcast %get3A_25 : vector<1x256xf32> to vector<1024x256xf32>
    %sub3A_28 = arith.subf %sub3A_26, %sub3A_27 : vector<1024x256xf32>
    %mul3A = arith.mulf %sub3A_10, %sub3A_10 : vector<1024x256xf32>
    %mul3A_29 = arith.mulf %sub3A_19, %sub3A_19 : vector<1024x256xf32>
    %add3A = arith.addf %mul3A, %mul3A_29 : vector<1024x256xf32>
    %mul3A_30 = arith.mulf %sub3A_28, %sub3A_28 : vector<1024x256xf32>
    %add3A_31 = arith.addf %add3A, %mul3A_30 : vector<1024x256xf32>
    %iota3A = tpu.iota {dimensions = array<i32: 1>} : vector<1024x256xi32>
    %reduce_min3A = arith.constant dense<0x7F800000> : vector<1024xf32>
    %reduce_min3A_32 = vector.multi_reduction <minimumf>, %add3A_31, %reduce_min3A [1] : vector<1024x256xf32> to vector<1024xf32>
    %broadcast_in_dim3A = vector.shape_cast %reduce_min3A_32 : vector<1024xf32> to vector<1024x1xf32>
    %eq3A = vector.broadcast %broadcast_in_dim3A : vector<1024x1xf32> to vector<1024x256xf32>
    %eq3A_33 = arith.cmpf oeq, %add3A_31, %eq3A : vector<1024x256xf32>
    %jit3A = arith.constant 1073741824 : i32
    %broadcast_in_dim3A_34 = vector.broadcast %jit3A : i32 to vector<1024x256xi32>
    %select_n3A = arith.select %eq3A_33, %iota3A, %broadcast_in_dim3A_34 : vector<1024x256xi1>, vector<1024x256xi32>
    %reduce_min3A_35 = arith.constant dense<2147483647> : vector<1024xi32>
    %reduce_min3A_36 = vector.multi_reduction <minsi>, %select_n3A, %reduce_min3A_35 [1] : vector<1024x256xi32> to vector<1024xi32>
    %broadcast_in_dim3A_37 = vector.shape_cast %reduce_min3A_36 : vector<1024xi32> to vector<1024x1xi32>
    %eq3A_38 = vector.broadcast %broadcast_in_dim3A_37 : vector<1024x1xi32> to vector<1024x256xi32>
    %eq3A_39 = arith.cmpi eq, %iota3A, %eq3A_38 : vector<1024x256xi32>
    %jit3A_40 = arith.constant 0x7F800000 : f32
    %broadcast_in_dim3A_41 = vector.broadcast %jit3A_40 : f32 to vector<1024x256xf32>
    %select_n3A_42 = arith.select %eq3A_39, %broadcast_in_dim3A_41, %add3A_31 : vector<1024x256xi1>, vector<1024x256xf32>
    %max3A = arith.constant 1.000000e-16 : f32
    %max3A_43 = vector.broadcast %max3A : f32 to vector<1024x1xf32>
    %max3A_44 = arith.maximumf %broadcast_in_dim3A, %max3A_43 : vector<1024x1xf32>
    %div3A = arith.constant 1.000000e+00 : f32
    %div3A_45 = vector.broadcast %div3A : f32 to vector<1024x1xf32>
    %div3A_46 = arith.divf %div3A_45, %max3A_44 : vector<1024x1xf32>
    %reduce_min3A_47 = arith.constant dense<0x7F800000> : vector<1024xf32>
    %reduce_min3A_48 = vector.multi_reduction <minimumf>, %select_n3A_42, %reduce_min3A_47 [1] : vector<1024x256xf32> to vector<1024xf32>
    %broadcast_in_dim3A_49 = vector.shape_cast %reduce_min3A_48 : vector<1024xf32> to vector<1024x1xf32>
    %eq3A_50 = vector.broadcast %broadcast_in_dim3A_49 : vector<1024x1xf32> to vector<1024x256xf32>
    %eq3A_51 = arith.cmpf oeq, %select_n3A_42, %eq3A_50 : vector<1024x256xf32>
    %jit3A_52 = arith.constant 1073741824 : i32
    %broadcast_in_dim3A_53 = vector.broadcast %jit3A_52 : i32 to vector<1024x256xi32>
    %select_n3A_54 = arith.select %eq3A_51, %iota3A, %broadcast_in_dim3A_53 : vector<1024x256xi1>, vector<1024x256xi32>
    %reduce_min3A_55 = arith.constant dense<2147483647> : vector<1024xi32>
    %reduce_min3A_56 = vector.multi_reduction <minsi>, %select_n3A_54, %reduce_min3A_55 [1] : vector<1024x256xi32> to vector<1024xi32>
    %broadcast_in_dim3A_57 = vector.shape_cast %reduce_min3A_56 : vector<1024xi32> to vector<1024x1xi32>
    %eq3A_58 = vector.broadcast %broadcast_in_dim3A_57 : vector<1024x1xi32> to vector<1024x256xi32>
    %eq3A_59 = arith.cmpi eq, %iota3A, %eq3A_58 : vector<1024x256xi32>
    %jit3A_60 = arith.constant 0x7F800000 : f32
    %broadcast_in_dim3A_61 = vector.broadcast %jit3A_60 : f32 to vector<1024x256xf32>
    %select_n3A_62 = arith.select %eq3A_59, %broadcast_in_dim3A_61, %select_n3A_42 : vector<1024x256xi1>, vector<1024x256xf32>
    %max3A_63 = arith.constant 1.000000e-16 : f32
    %max3A_64 = vector.broadcast %max3A_63 : f32 to vector<1024x1xf32>
    %max3A_65 = arith.maximumf %broadcast_in_dim3A_49, %max3A_64 : vector<1024x1xf32>
    %div3A_66 = arith.constant 1.000000e+00 : f32
    %div3A_67 = vector.broadcast %div3A_66 : f32 to vector<1024x1xf32>
    %div3A_68 = arith.divf %div3A_67, %max3A_65 : vector<1024x1xf32>
    %reduce_min3A_69 = arith.constant dense<0x7F800000> : vector<1024xf32>
    %reduce_min3A_70 = vector.multi_reduction <minimumf>, %select_n3A_62, %reduce_min3A_69 [1] : vector<1024x256xf32> to vector<1024xf32>
    %broadcast_in_dim3A_71 = vector.shape_cast %reduce_min3A_70 : vector<1024xf32> to vector<1024x1xf32>
    %eq3A_72 = vector.broadcast %broadcast_in_dim3A_71 : vector<1024x1xf32> to vector<1024x256xf32>
    %eq3A_73 = arith.cmpf oeq, %select_n3A_62, %eq3A_72 : vector<1024x256xf32>
    %jit3A_74 = arith.constant 1073741824 : i32
    %broadcast_in_dim3A_75 = vector.broadcast %jit3A_74 : i32 to vector<1024x256xi32>
    %select_n3A_76 = arith.select %eq3A_73, %iota3A, %broadcast_in_dim3A_75 : vector<1024x256xi1>, vector<1024x256xi32>
    %reduce_min3A_77 = arith.constant dense<2147483647> : vector<1024xi32>
    %reduce_min3A_78 = vector.multi_reduction <minsi>, %select_n3A_76, %reduce_min3A_77 [1] : vector<1024x256xi32> to vector<1024xi32>
    %broadcast_in_dim3A_79 = vector.shape_cast %reduce_min3A_78 : vector<1024xi32> to vector<1024x1xi32>
    %max3A_80 = arith.constant 1.000000e-16 : f32
    %max3A_81 = vector.broadcast %max3A_80 : f32 to vector<1024x1xf32>
    %max3A_82 = arith.maximumf %broadcast_in_dim3A_71, %max3A_81 : vector<1024x1xf32>
    %div3A_83 = arith.constant 1.000000e+00 : f32
    %div3A_84 = vector.broadcast %div3A_83 : f32 to vector<1024x1xf32>
    %div3A_85 = arith.divf %div3A_84, %max3A_82 : vector<1024x1xf32>
    %add3A_86 = arith.addf %div3A_46, %div3A_68 : vector<1024x1xf32>
    %add3A_87 = arith.addf %add3A_86, %div3A_85 : vector<1024x1xf32>
    %swap3A = arith.constant 0 : index
    %swap3A_88 = arith.constant 0 : index
    %swap3A_89 = arith.constant 0 : index
    %swap3A_90 = vector.load %arg3[%swap3A, %swap3A_88, %swap3A_89] : memref<1x1024x3xi32, #tpu.memory_space<vmem>>, vector<1x1024x1xi32>
    %swap3A_91 = vector.shape_cast %swap3A_90 : vector<1x1024x1xi32> to vector<1024x1xi32>
    %swap3A_92 = vector.shape_cast %broadcast_in_dim3A_37 : vector<1024x1xi32> to vector<1x1024x1xi32>
    tpu.vector_store %arg3[%swap3A, %swap3A_88, %swap3A_89], %swap3A_92 {strides = array<i32>} : memref<1x1024x3xi32, #tpu.memory_space<vmem>>, vector<1x1024x1xi32>,
    %div3A_93 = arith.divf %div3A_46, %add3A_87 : vector<1024x1xf32>
    %swap3A_94 = arith.constant 0 : index
    %swap3A_95 = arith.constant 0 : index
    %swap3A_96 = arith.constant 0 : index
    %swap3A_97 = vector.load %arg4[%swap3A_94, %swap3A_95, %swap3A_96] : memref<1x1024x3xf32, #tpu.memory_space<vmem>>, vector<1x1024x1xf32>
    %swap3A_98 = vector.shape_cast %swap3A_97 : vector<1x1024x1xf32> to vector<1024x1xf32>
    %swap3A_99 = vector.shape_cast %div3A_93 : vector<1024x1xf32> to vector<1x1024x1xf32>
    tpu.vector_store %arg4[%swap3A_94, %swap3A_95, %swap3A_96], %swap3A_99 {strides = array<i32>} : memref<1x1024x3xf32, #tpu.memory_space<vmem>>, vector<1x1024x1xf32>,
    %swap3A_100 = arith.constant 0 : index
    %swap3A_101 = arith.constant 0 : index
    %swap3A_102 = arith.constant 1 : index
    %swap3A_103 = vector.load %arg3[%swap3A_100, %swap3A_101, %swap3A_102] : memref<1x1024x3xi32, #tpu.memory_space<vmem>>, vector<1x1024x1xi32>
    %swap3A_104 = vector.shape_cast %swap3A_103 : vector<1x1024x1xi32> to vector<1024x1xi32>
    %swap3A_105 = vector.shape_cast %broadcast_in_dim3A_57 : vector<1024x1xi32> to vector<1x1024x1xi32>
    tpu.vector_store %arg3[%swap3A_100, %swap3A_101, %swap3A_102], %swap3A_105 {strides = array<i32>} : memref<1x1024x3xi32, #tpu.memory_space<vmem>>, vector<1x1024x1xi32>,
    %div3A_106 = arith.divf %div3A_68, %add3A_87 : vector<1024x1xf32>
    %swap3A_107 = arith.constant 0 : index
    %swap3A_108 = arith.constant 0 : index
    %swap3A_109 = arith.constant 1 : index
    %swap3A_110 = vector.load %arg4[%swap3A_107, %swap3A_108, %swap3A_109] : memref<1x1024x3xf32, #tpu.memory_space<vmem>>, vector<1x1024x1xf32>
    %swap3A_111 = vector.shape_cast %swap3A_110 : vector<1x1024x1xf32> to vector<1024x1xf32>
    %swap3A_112 = vector.shape_cast %div3A_106 : vector<1024x1xf32> to vector<1x1024x1xf32>
    tpu.vector_store %arg4[%swap3A_107, %swap3A_108, %swap3A_109], %swap3A_112 {strides = array<i32>} : memref<1x1024x3xf32, #tpu.memory_space<vmem>>, vector<1x1024x1xf32>,
    %swap3A_113 = arith.constant 0 : index
    %swap3A_114 = arith.constant 0 : index
    %swap3A_115 = arith.constant 2 : index
    %swap3A_116 = vector.load %arg3[%swap3A_113, %swap3A_114, %swap3A_115] : memref<1x1024x3xi32, #tpu.memory_space<vmem>>, vector<1x1024x1xi32>
    %swap3A_117 = vector.shape_cast %swap3A_116 : vector<1x1024x1xi32> to vector<1024x1xi32>
    %swap3A_118 = vector.shape_cast %broadcast_in_dim3A_79 : vector<1024x1xi32> to vector<1x1024x1xi32>
    tpu.vector_store %arg3[%swap3A_113, %swap3A_114, %swap3A_115], %swap3A_118 {strides = array<i32>} : memref<1x1024x3xi32, #tpu.memory_space<vmem>>, vector<1x1024x1xi32>,
    %div3A_119 = arith.divf %div3A_85, %add3A_87 : vector<1024x1xf32>
    %swap3A_120 = arith.constant 0 : index
    %swap3A_121 = arith.constant 0 : index
    %swap3A_122 = arith.constant 2 : index
    %swap3A_123 = vector.load %arg4[%swap3A_120, %swap3A_121, %swap3A_122] : memref<1x1024x3xf32, #tpu.memory_space<vmem>>, vector<1x1024x1xf32>
    %swap3A_124 = vector.shape_cast %swap3A_123 : vector<1x1024x1xf32> to vector<1024x1xf32>
    %swap3A_125 = vector.shape_cast %div3A_119 : vector<1024x1xf32> to vector<1x1024x1xf32>
    tpu.vector_store %arg4[%swap3A_120, %swap3A_121, %swap3A_122], %swap3A_125 {strides = array<i32>} : memref<1x1024x3xf32, #tpu.memory_space<vmem>>, vector<1x1024x1xf32>,
    return
  }
  func.func @transform_0(%arg0: i32) -> (i32, i32, i32) {
    %c0_i32 = arith.constant 0 : i32
    %c0_i32_0 = arith.constant 0 : i32
    %c0_i32_1 = arith.constant 0 : i32
    return %arg0, %c0_i32, %c0_i32_0 : i32, i32, i32
  }
  func.func @transform_1(%arg0: i32) -> (i32, i32, i32) {
    %c0_i32 = arith.constant 0 : i32
    %c0_i32_0 = arith.constant 0 : i32
    %c0_i32_1 = arith.constant 0 : i32
    return %arg0, %c0_i32, %c0_i32_0 : i32, i32, i32
  }
  func.func @transform_2(%arg0: i32) -> (i32, i32, i32) {
    %c0_i32 = arith.constant 0 : i32
    %c0_i32_0 = arith.constant 0 : i32
    %c0_i32_1 = arith.constant 0 : i32
    return %arg0, %c0_i32, %c0_i32_0 : i32, i32, i32
  }
  func.func @transform_3(%arg0: i32) -> (i32, i32, i32) {
    %c0_i32 = arith.constant 0 : i32
    %c0_i32_0 = arith.constant 0 : i32
    %c0_i32_1 = arith.constant 0 : i32
    return %arg0, %c0_i32, %c0_i32_0 : i32, i32, i32
  }
}

module attributes {stable_mosaic.version = 14 : i64} {
  func.func @_sa_mlp_kern(%arg0: i32, %arg1: i32, %arg2: memref<1x8192x256xf32, #tpu.memory_space<vmem>>, %arg3: memref<1x128x3xf32, #tpu.memory_space<vmem>>, %arg4: memref<1x8192x1xf32, #tpu.memory_space<vmem>>, %arg5: memref<256x128xf32, #tpu.memory_space<vmem>>, %arg6: memref<3x128xf32, #tpu.memory_space<vmem>>, %arg7: memref<1x128xf32, #tpu.memory_space<vmem>>, %arg8: memref<128x128xf32, #tpu.memory_space<vmem>>, %arg9: memref<1x128xf32, #tpu.memory_space<vmem>>, %arg10: memref<128x256xf32, #tpu.memory_space<vmem>>, %arg11: memref<1x256xf32, #tpu.memory_space<vmem>>, %arg12: memref<1x128x256xf32, #tpu.memory_space<vmem>>) attributes {dimension_semantics = [#tpu.dimension_semantics<arbitrary>, #tpu.dimension_semantics<arbitrary>], iteration_bounds = array<i64: 4, 2>, scalar_prefetch = 0 : i64, scratch_operands = 0 : i64, tpu.core_type = #tpu.core_type<tc>, window_params = [{transform_indices = @transform_0, window_bounds = array<i64: 1, 8192, 256>}, {transform_indices = @transform_1, window_bounds = array<i64: 1, 128, 3>}, {transform_indices = @transform_2, window_bounds = array<i64: 1, 8192, 1>}, {pipeline_mode = #tpu.pipeline_mode<synchronous>, transform_indices = @transform_3, window_bounds = array<i64: 256, 128>}, {pipeline_mode = #tpu.pipeline_mode<synchronous>, transform_indices = @transform_4, window_bounds = array<i64: 3, 128>}, {pipeline_mode = #tpu.pipeline_mode<synchronous>, transform_indices = @transform_5, window_bounds = array<i64: 1, 128>}, {pipeline_mode = #tpu.pipeline_mode<synchronous>, transform_indices = @transform_6, window_bounds = array<i64: 128, 128>}, {pipeline_mode = #tpu.pipeline_mode<synchronous>, transform_indices = @transform_7, window_bounds = array<i64: 1, 128>}, {pipeline_mode = #tpu.pipeline_mode<synchronous>, transform_indices = @transform_8, window_bounds = array<i64: 128, 256>}, {pipeline_mode = #tpu.pipeline_mode<synchronous>, transform_indices = @transform_9, window_bounds = array<i64: 1, 256>}, {transform_indices = @transform_10, window_bounds = array<i64: 1, 128, 256>}]} {
    %get3A = arith.constant 0 : index
    %get3A_0 = arith.constant 0 : index
    %get3A_1 = arith.constant 0 : index
    %get3A_2 = vector.load %arg2[%get3A, %get3A_0, %get3A_1] : memref<1x8192x256xf32, #tpu.memory_space<vmem>>, vector<1x8192x256xf32>
    %get3A_3 = vector.shape_cast %get3A_2 : vector<1x8192x256xf32> to vector<8192x256xf32>
    %get3A_4 = arith.constant 0 : index
    %get3A_5 = arith.constant 0 : index
    %get3A_6 = arith.constant 0 : index
    %get3A_7 = vector.load %arg3[%get3A_4, %get3A_5, %get3A_6] : memref<1x128x3xf32, #tpu.memory_space<vmem>>, vector<1x128x3xf32>
    %get3A_8 = vector.shape_cast %get3A_7 : vector<1x128x3xf32> to vector<128x3xf32>
    %get3A_9 = arith.constant 0 : index
    %get3A_10 = arith.constant 0 : index
    %get3A_11 = vector.load %arg6[%get3A_9, %get3A_10] : memref<3x128xf32, #tpu.memory_space<vmem>>, vector<3x128xf32>
    %dot_general3A = arith.constant dense<0.000000e+00> : vector<128x128xf32>
    %dot_general3A_12 = tpu.matmul %get3A_8, %get3A_11, %dot_general3A {dimension_numbers = #tpu.dot_dimension_numbers<[1], [0], [0], [1], [0, 0, 1, 1], [], []>, transpose_lhs_hint = false} : vector<128x3xf32>, vector<3x128xf32>, vector<128x128xf32> -> vector<128x128xf32>
    %get3A_13 = arith.constant 0 : index
    %get3A_14 = arith.constant 0 : index
    %get3A_15 = vector.load %arg5[%get3A_13, %get3A_14] : memref<256x128xf32, #tpu.memory_space<vmem>>, vector<256x128xf32>
    %dot_general3A_16 = arith.constant dense<0.000000e+00> : vector<8192x128xf32>
    %dot_general3A_17 = tpu.matmul %get3A_3, %get3A_15, %dot_general3A_16 {dimension_numbers = #tpu.dot_dimension_numbers<[1], [0], [0], [1], [0, 0, 1, 1], [], []>, transpose_lhs_hint = false} : vector<8192x256xf32>, vector<256x128xf32>, vector<8192x128xf32> -> vector<8192x128xf32>
    %reshape3A = vector.shape_cast %dot_general3A_17 : vector<8192x128xf32> to vector<128x64x128xf32>
    %broadcast_in_dim3A = vector.shape_cast %dot_general3A_12 : vector<128x128xf32> to vector<128x1x128xf32>
    %sub3A = vector.broadcast %broadcast_in_dim3A : vector<128x1x128xf32> to vector<128x64x128xf32>
    %sub3A_18 = arith.subf %reshape3A, %sub3A : vector<128x64x128xf32>
    %get3A_19 = arith.constant 0 : index
    %get3A_20 = arith.constant 0 : index
    %get3A_21 = vector.load %arg7[%get3A_19, %get3A_20] : memref<1x128xf32, #tpu.memory_space<vmem>>, vector<1x128xf32>
    %broadcast_in_dim3A_22 = vector.shape_cast %get3A_21 : vector<1x128xf32> to vector<1x1x128xf32>
    %add3A = vector.broadcast %broadcast_in_dim3A_22 : vector<1x1x128xf32> to vector<128x64x128xf32>
    %add3A_23 = arith.addf %sub3A_18, %add3A : vector<128x64x128xf32>
    %max3A = arith.constant 0.000000e+00 : f32
    %max3A_24 = vector.broadcast %max3A : f32 to vector<128x64x128xf32>
    %max3A_25 = arith.maximumf %add3A_23, %max3A_24 : vector<128x64x128xf32>
    %reshape3A_26 = vector.shape_cast %max3A_25 : vector<128x64x128xf32> to vector<8192x128xf32>
    %get3A_27 = arith.constant 0 : index
    %get3A_28 = arith.constant 0 : index
    %get3A_29 = vector.load %arg8[%get3A_27, %get3A_28] : memref<128x128xf32, #tpu.memory_space<vmem>>, vector<128x128xf32>
    %dot_general3A_30 = arith.constant dense<0.000000e+00> : vector<8192x128xf32>
    %dot_general3A_31 = tpu.matmul %reshape3A_26, %get3A_29, %dot_general3A_30 {dimension_numbers = #tpu.dot_dimension_numbers<[1], [0], [0], [1], [0, 0, 1, 1], [], []>, transpose_lhs_hint = false} : vector<8192x128xf32>, vector<128x128xf32>, vector<8192x128xf32> -> vector<8192x128xf32>
    %get3A_32 = arith.constant 0 : index
    %get3A_33 = arith.constant 0 : index
    %get3A_34 = vector.load %arg9[%get3A_32, %get3A_33] : memref<1x128xf32, #tpu.memory_space<vmem>>, vector<1x128xf32>
    %add3A_35 = vector.broadcast %get3A_34 : vector<1x128xf32> to vector<8192x128xf32>
    %add3A_36 = arith.addf %dot_general3A_31, %add3A_35 : vector<8192x128xf32>
    %max3A_37 = arith.constant 0.000000e+00 : f32
    %max3A_38 = vector.broadcast %max3A_37 : f32 to vector<8192x128xf32>
    %max3A_39 = arith.maximumf %add3A_36, %max3A_38 : vector<8192x128xf32>
    %get3A_40 = arith.constant 0 : index
    %get3A_41 = arith.constant 0 : index
    %get3A_42 = vector.load %arg10[%get3A_40, %get3A_41] : memref<128x256xf32, #tpu.memory_space<vmem>>, vector<128x256xf32>
    %dot_general3A_43 = arith.constant dense<0.000000e+00> : vector<8192x256xf32>
    %dot_general3A_44 = tpu.matmul %max3A_39, %get3A_42, %dot_general3A_43 {dimension_numbers = #tpu.dot_dimension_numbers<[1], [0], [0], [1], [0, 0, 1, 1], [], []>, transpose_lhs_hint = false} : vector<8192x128xf32>, vector<128x256xf32>, vector<8192x256xf32> -> vector<8192x256xf32>
    %get3A_45 = arith.constant 0 : index
    %get3A_46 = arith.constant 0 : index
    %get3A_47 = vector.load %arg11[%get3A_45, %get3A_46] : memref<1x256xf32, #tpu.memory_space<vmem>>, vector<1x256xf32>
    %add3A_48 = vector.broadcast %get3A_47 : vector<1x256xf32> to vector<8192x256xf32>
    %add3A_49 = arith.addf %dot_general3A_44, %add3A_48 : vector<8192x256xf32>
    %max3A_50 = arith.constant 0.000000e+00 : f32
    %max3A_51 = vector.broadcast %max3A_50 : f32 to vector<8192x256xf32>
    %max3A_52 = arith.maximumf %add3A_49, %max3A_51 : vector<8192x256xf32>
    %get3A_53 = arith.constant 0 : index
    %get3A_54 = arith.constant 0 : index
    %get3A_55 = arith.constant 0 : index
    %get3A_56 = vector.load %arg4[%get3A_53, %get3A_54, %get3A_55] : memref<1x8192x1xf32, #tpu.memory_space<vmem>>, vector<1x8192x1xf32>
    %get3A_57 = vector.shape_cast %get3A_56 : vector<1x8192x1xf32> to vector<8192x1xf32>
    %add3A_58 = vector.broadcast %get3A_57 : vector<8192x1xf32> to vector<8192x256xf32>
    %add3A_59 = arith.addf %max3A_52, %add3A_58 : vector<8192x256xf32>
    %reshape3A_60 = vector.shape_cast %add3A_59 : vector<8192x256xf32> to vector<128x64x256xf32>
    %reduce_max3A = arith.constant dense<0xFF800000> : vector<128x256xf32>
    %reduce_max3A_61 = vector.multi_reduction <maximumf>, %reshape3A_60, %reduce_max3A [1] : vector<128x64x256xf32> to vector<128x256xf32>
    %swap3A = arith.constant 0 : index
    %swap3A_62 = arith.constant 0 : index
    %swap3A_63 = arith.constant 0 : index
    %swap3A_64 = vector.load %arg12[%swap3A, %swap3A_62, %swap3A_63] : memref<1x128x256xf32, #tpu.memory_space<vmem>>, vector<1x128x256xf32>
    %swap3A_65 = vector.shape_cast %swap3A_64 : vector<1x128x256xf32> to vector<128x256xf32>
    %swap3A_66 = vector.shape_cast %reduce_max3A_61 : vector<128x256xf32> to vector<1x128x256xf32>
    tpu.vector_store %arg12[%swap3A, %swap3A_62, %swap3A_63], %swap3A_66 {strides = array<i32>} : memref<1x128x256xf32, #tpu.memory_space<vmem>>, vector<1x128x256xf32>,
    return
  }
  func.func @transform_0(%arg0: i32, %arg1: i32) -> (i32, i32, i32) {
    %c0_i32 = arith.constant 0 : i32
    %c0_i32_0 = arith.constant 0 : i32
    return %arg0, %arg1, %c0_i32 : i32, i32, i32
  }
  func.func @transform_1(%arg0: i32, %arg1: i32) -> (i32, i32, i32) {
    %c0_i32 = arith.constant 0 : i32
    %c0_i32_0 = arith.constant 0 : i32
    return %arg0, %arg1, %c0_i32 : i32, i32, i32
  }
  func.func @transform_2(%arg0: i32, %arg1: i32) -> (i32, i32, i32) {
    %c0_i32 = arith.constant 0 : i32
    %c0_i32_0 = arith.constant 0 : i32
    return %arg0, %arg1, %c0_i32 : i32, i32, i32
  }
  func.func @transform_3(%arg0: i32, %arg1: i32) -> (i32, i32) {
    %c0_i32 = arith.constant 0 : i32
    %c0_i32_0 = arith.constant 0 : i32
    %c0_i32_1 = arith.constant 0 : i32
    return %c0_i32, %c0_i32_0 : i32, i32
  }
  func.func @transform_4(%arg0: i32, %arg1: i32) -> (i32, i32) {
    %c0_i32 = arith.constant 0 : i32
    %c0_i32_0 = arith.constant 0 : i32
    %c0_i32_1 = arith.constant 0 : i32
    return %c0_i32, %c0_i32_0 : i32, i32
  }
  func.func @transform_5(%arg0: i32, %arg1: i32) -> (i32, i32) {
    %c0_i32 = arith.constant 0 : i32
    %c0_i32_0 = arith.constant 0 : i32
    %c0_i32_1 = arith.constant 0 : i32
    return %c0_i32, %c0_i32_0 : i32, i32
  }
  func.func @transform_6(%arg0: i32, %arg1: i32) -> (i32, i32) {
    %c0_i32 = arith.constant 0 : i32
    %c0_i32_0 = arith.constant 0 : i32
    %c0_i32_1 = arith.constant 0 : i32
    return %c0_i32, %c0_i32_0 : i32, i32
  }
  func.func @transform_7(%arg0: i32, %arg1: i32) -> (i32, i32) {
    %c0_i32 = arith.constant 0 : i32
    %c0_i32_0 = arith.constant 0 : i32
    %c0_i32_1 = arith.constant 0 : i32
    return %c0_i32, %c0_i32_0 : i32, i32
  }
  func.func @transform_8(%arg0: i32, %arg1: i32) -> (i32, i32) {
    %c0_i32 = arith.constant 0 : i32
    %c0_i32_0 = arith.constant 0 : i32
    %c0_i32_1 = arith.constant 0 : i32
    return %c0_i32, %c0_i32_0 : i32, i32
  }
  func.func @transform_9(%arg0: i32, %arg1: i32) -> (i32, i32) {
    %c0_i32 = arith.constant 0 : i32
    %c0_i32_0 = arith.constant 0 : i32
    %c0_i32_1 = arith.constant 0 : i32
    return %c0_i32, %c0_i32_0 : i32, i32
  }
  func.func @transform_10(%arg0: i32, %arg1: i32) -> (i32, i32, i32) {
    %c0_i32 = arith.constant 0 : i32
    %c0_i32_0 = arith.constant 0 : i32
    return %arg0, %arg1, %c0_i32 : i32, i32, i32
  }
}

module attributes {stable_mosaic.version = 14 : i64} {
  func.func @_mlp_max_kern(%arg0: i32, %arg1: memref<1x256x259xf32, #tpu.memory_space<vmem>>, %arg2: memref<259x256xf32, #tpu.memory_space<vmem>>, %arg3: memref<1x256xf32, #tpu.memory_space<vmem>>, %arg4: memref<256x512xf32, #tpu.memory_space<vmem>>, %arg5: memref<1x512xf32, #tpu.memory_space<vmem>>, %arg6: memref<512x1024xf32, #tpu.memory_space<vmem>>, %arg7: memref<1x1024xf32, #tpu.memory_space<vmem>>, %arg8: memref<1x1x1024xf32, #tpu.memory_space<vmem>>) attributes {dimension_semantics = [#tpu.dimension_semantics<arbitrary>], iteration_bounds = array<i64: 4>, scalar_prefetch = 0 : i64, scratch_operands = 0 : i64, tpu.core_type = #tpu.core_type<tc>, window_params = [{transform_indices = @transform_0, window_bounds = array<i64: 1, 256, 259>}, {pipeline_mode = #tpu.pipeline_mode<synchronous>, transform_indices = @transform_1, window_bounds = array<i64: 259, 256>}, {pipeline_mode = #tpu.pipeline_mode<synchronous>, transform_indices = @transform_2, window_bounds = array<i64: 1, 256>}, {pipeline_mode = #tpu.pipeline_mode<synchronous>, transform_indices = @transform_3, window_bounds = array<i64: 256, 512>}, {pipeline_mode = #tpu.pipeline_mode<synchronous>, transform_indices = @transform_4, window_bounds = array<i64: 1, 512>}, {pipeline_mode = #tpu.pipeline_mode<synchronous>, transform_indices = @transform_5, window_bounds = array<i64: 512, 1024>}, {pipeline_mode = #tpu.pipeline_mode<synchronous>, transform_indices = @transform_6, window_bounds = array<i64: 1, 1024>}, {transform_indices = @transform_7, window_bounds = array<i64: 1, 1, 1024>}]} {
    %get3A = arith.constant 0 : index
    %get3A_0 = arith.constant 0 : index
    %get3A_1 = arith.constant 0 : index
    %get3A_2 = vector.load %arg1[%get3A, %get3A_0, %get3A_1] : memref<1x256x259xf32, #tpu.memory_space<vmem>>, vector<1x256x259xf32>
    %get3A_3 = vector.shape_cast %get3A_2 : vector<1x256x259xf32> to vector<256x259xf32>
    %get3A_4 = arith.constant 0 : index
    %get3A_5 = arith.constant 0 : index
    %get3A_6 = vector.load %arg2[%get3A_4, %get3A_5] : memref<259x256xf32, #tpu.memory_space<vmem>>, vector<259x256xf32>
    %get3A_7 = arith.constant 0 : index
    %get3A_8 = arith.constant 0 : index
    %get3A_9 = vector.load %arg3[%get3A_7, %get3A_8] : memref<1x256xf32, #tpu.memory_space<vmem>>, vector<1x256xf32>
    %dot_general3A = arith.constant dense<0.000000e+00> : vector<256x256xf32>
    %dot_general3A_10 = tpu.matmul %get3A_3, %get3A_6, %dot_general3A {dimension_numbers = #tpu.dot_dimension_numbers<[1], [0], [0], [1], [0, 0, 1, 1], [], []>, transpose_lhs_hint = false} : vector<256x259xf32>, vector<259x256xf32>, vector<256x256xf32> -> vector<256x256xf32>
    %add3A = vector.broadcast %get3A_9 : vector<1x256xf32> to vector<256x256xf32>
    %add3A_11 = arith.addf %dot_general3A_10, %add3A : vector<256x256xf32>
    %max3A = arith.constant 0.000000e+00 : f32
    %max3A_12 = vector.broadcast %max3A : f32 to vector<256x256xf32>
    %max3A_13 = arith.maximumf %add3A_11, %max3A_12 : vector<256x256xf32>
    %get3A_14 = arith.constant 0 : index
    %get3A_15 = arith.constant 0 : index
    %get3A_16 = vector.load %arg4[%get3A_14, %get3A_15] : memref<256x512xf32, #tpu.memory_space<vmem>>, vector<256x512xf32>
    %get3A_17 = arith.constant 0 : index
    %get3A_18 = arith.constant 0 : index
    %get3A_19 = vector.load %arg5[%get3A_17, %get3A_18] : memref<1x512xf32, #tpu.memory_space<vmem>>, vector<1x512xf32>
    %dot_general3A_20 = arith.constant dense<0.000000e+00> : vector<256x512xf32>
    %dot_general3A_21 = tpu.matmul %max3A_13, %get3A_16, %dot_general3A_20 {dimension_numbers = #tpu.dot_dimension_numbers<[1], [0], [0], [1], [0, 0, 1, 1], [], []>, transpose_lhs_hint = false} : vector<256x256xf32>, vector<256x512xf32>, vector<256x512xf32> -> vector<256x512xf32>
    %add3A_22 = vector.broadcast %get3A_19 : vector<1x512xf32> to vector<256x512xf32>
    %add3A_23 = arith.addf %dot_general3A_21, %add3A_22 : vector<256x512xf32>
    %max3A_24 = arith.constant 0.000000e+00 : f32
    %max3A_25 = vector.broadcast %max3A_24 : f32 to vector<256x512xf32>
    %max3A_26 = arith.maximumf %add3A_23, %max3A_25 : vector<256x512xf32>
    %get3A_27 = arith.constant 0 : index
    %get3A_28 = arith.constant 0 : index
    %get3A_29 = vector.load %arg6[%get3A_27, %get3A_28] : memref<512x1024xf32, #tpu.memory_space<vmem>>, vector<512x1024xf32>
    %get3A_30 = arith.constant 0 : index
    %get3A_31 = arith.constant 0 : index
    %get3A_32 = vector.load %arg7[%get3A_30, %get3A_31] : memref<1x1024xf32, #tpu.memory_space<vmem>>, vector<1x1024xf32>
    %dot_general3A_33 = arith.constant dense<0.000000e+00> : vector<256x1024xf32>
    %dot_general3A_34 = tpu.matmul %max3A_26, %get3A_29, %dot_general3A_33 {dimension_numbers = #tpu.dot_dimension_numbers<[1], [0], [0], [1], [0, 0, 1, 1], [], []>, transpose_lhs_hint = false} : vector<256x512xf32>, vector<512x1024xf32>, vector<256x1024xf32> -> vector<256x1024xf32>
    %add3A_35 = vector.broadcast %get3A_32 : vector<1x1024xf32> to vector<256x1024xf32>
    %add3A_36 = arith.addf %dot_general3A_34, %add3A_35 : vector<256x1024xf32>
    %max3A_37 = arith.constant 0.000000e+00 : f32
    %max3A_38 = vector.broadcast %max3A_37 : f32 to vector<256x1024xf32>
    %max3A_39 = arith.maximumf %add3A_36, %max3A_38 : vector<256x1024xf32>
    %iota3A = tpu.iota {dimensions = array<i32: 0>} : vector<256x1024xi32>
    %lt3A = arith.constant 204 : i32
    %lt3A_40 = vector.broadcast %lt3A : i32 to vector<256x1024xi32>
    %lt3A_41 = arith.cmpi slt, %iota3A, %lt3A_40 : vector<256x1024xi32>
    %jit3A = arith.constant 0xFF800000 : f32
    %broadcast_in_dim3A = vector.broadcast %jit3A : f32 to vector<256x1024xf32>
    %select_n3A = arith.select %lt3A_41, %max3A_39, %broadcast_in_dim3A : vector<256x1024xi1>, vector<256x1024xf32>
    %reduce_max3A = arith.constant dense<0xFF800000> : vector<1024xf32>
    %reduce_max3A_42 = vector.multi_reduction <maximumf>, %select_n3A, %reduce_max3A [0] : vector<256x1024xf32> to vector<1024xf32>
    %broadcast_in_dim3A_43 = vector.shape_cast %reduce_max3A_42 : vector<1024xf32> to vector<1x1024xf32>
    %swap3A = arith.constant 0 : index
    %swap3A_44 = arith.constant 0 : index
    %swap3A_45 = arith.constant 0 : index
    %swap3A_46 = vector.load %arg8[%swap3A, %swap3A_44, %swap3A_45] : memref<1x1x1024xf32, #tpu.memory_space<vmem>>, vector<1x1x1024xf32>
    %swap3A_47 = vector.shape_cast %swap3A_46 : vector<1x1x1024xf32> to vector<1x1024xf32>
    %swap3A_48 = vector.shape_cast %broadcast_in_dim3A_43 : vector<1x1024xf32> to vector<1x1x1024xf32>
    tpu.vector_store %arg8[%swap3A, %swap3A_44, %swap3A_45], %swap3A_48 {strides = array<i32>} : memref<1x1x1024xf32, #tpu.memory_space<vmem>>, vector<1x1x1024xf32>,
    return
  }
  func.func @transform_0(%arg0: i32) -> (i32, i32, i32) {
    %c0_i32 = arith.constant 0 : i32
    %c0_i32_0 = arith.constant 0 : i32
    %c0_i32_1 = arith.constant 0 : i32
    return %arg0, %c0_i32, %c0_i32_0 : i32, i32, i32
  }
  func.func @transform_1(%arg0: i32) -> (i32, i32) {
    %c0_i32 = arith.constant 0 : i32
    %c0_i32_0 = arith.constant 0 : i32
    %c0_i32_1 = arith.constant 0 : i32
    return %c0_i32, %c0_i32_0 : i32, i32
  }
  func.func @transform_2(%arg0: i32) -> (i32, i32) {
    %c0_i32 = arith.constant 0 : i32
    %c0_i32_0 = arith.constant 0 : i32
    %c0_i32_1 = arith.constant 0 : i32
    return %c0_i32, %c0_i32_0 : i32, i32
  }
  func.func @transform_3(%arg0: i32) -> (i32, i32) {
    %c0_i32 = arith.constant 0 : i32
    %c0_i32_0 = arith.constant 0 : i32
    %c0_i32_1 = arith.constant 0 : i32
    return %c0_i32, %c0_i32_0 : i32, i32
  }
  func.func @transform_4(%arg0: i32) -> (i32, i32) {
    %c0_i32 = arith.constant 0 : i32
    %c0_i32_0 = arith.constant 0 : i32
    %c0_i32_1 = arith.constant 0 : i32
    return %c0_i32, %c0_i32_0 : i32, i32
  }
  func.func @transform_5(%arg0: i32) -> (i32, i32) {
    %c0_i32 = arith.constant 0 : i32
    %c0_i32_0 = arith.constant 0 : i32
    %c0_i32_1 = arith.constant 0 : i32
    return %c0_i32, %c0_i32_0 : i32, i32
  }
  func.func @transform_6(%arg0: i32) -> (i32, i32) {
    %c0_i32 = arith.constant 0 : i32
    %c0_i32_0 = arith.constant 0 : i32
    %c0_i32_1 = arith.constant 0 : i32
    return %c0_i32, %c0_i32_0 : i32, i32
  }
  func.func @transform_7(%arg0: i32) -> (i32, i32, i32) {
    %c0_i32 = arith.constant 0 : i32
    %c0_i32_0 = arith.constant 0 : i32
    %c0_i32_1 = arith.constant 0 : i32
    return %arg0, %c0_i32, %c0_i32_0 : i32, i32, i32
  }
}

module attributes {stable_mosaic.version = 14 : i64} {
  func.func @_mlp_rows_kern(%arg0: i32, %arg1: i32, %arg2: memref<1x256x1280xf32, #tpu.memory_space<vmem>>, %arg3: memref<1280x256xf32, #tpu.memory_space<vmem>>, %arg4: memref<1x256xf32, #tpu.memory_space<vmem>>, %arg5: memref<256x256xf32, #tpu.memory_space<vmem>>, %arg6: memref<1x256xf32, #tpu.memory_space<vmem>>, %arg7: memref<1x256x256xf32, #tpu.memory_space<vmem>>) attributes {dimension_semantics = [#tpu.dimension_semantics<arbitrary>, #tpu.dimension_semantics<arbitrary>], iteration_bounds = array<i64: 4, 1>, scalar_prefetch = 0 : i64, scratch_operands = 0 : i64, tpu.core_type = #tpu.core_type<tc>, window_params = [{transform_indices = @transform_0, window_bounds = array<i64: 1, 256, 1280>}, {pipeline_mode = #tpu.pipeline_mode<synchronous>, transform_indices = @transform_1, window_bounds = array<i64: 1280, 256>}, {pipeline_mode = #tpu.pipeline_mode<synchronous>, transform_indices = @transform_2, window_bounds = array<i64: 1, 256>}, {pipeline_mode = #tpu.pipeline_mode<synchronous>, transform_indices = @transform_3, window_bounds = array<i64: 256, 256>}, {pipeline_mode = #tpu.pipeline_mode<synchronous>, transform_indices = @transform_4, window_bounds = array<i64: 1, 256>}, {transform_indices = @transform_5, window_bounds = array<i64: 1, 256, 256>}]} {
    %get3A = arith.constant 0 : index
    %get3A_0 = arith.constant 0 : index
    %get3A_1 = arith.constant 0 : index
    %get3A_2 = vector.load %arg2[%get3A, %get3A_0, %get3A_1] : memref<1x256x1280xf32, #tpu.memory_space<vmem>>, vector<1x256x1280xf32>
    %get3A_3 = vector.shape_cast %get3A_2 : vector<1x256x1280xf32> to vector<256x1280xf32>
    %get3A_4 = arith.constant 0 : index
    %get3A_5 = arith.constant 0 : index
    %get3A_6 = vector.load %arg3[%get3A_4, %get3A_5] : memref<1280x256xf32, #tpu.memory_space<vmem>>, vector<1280x256xf32>
    %get3A_7 = arith.constant 0 : index
    %get3A_8 = arith.constant 0 : index
    %get3A_9 = vector.load %arg4[%get3A_7, %get3A_8] : memref<1x256xf32, #tpu.memory_space<vmem>>, vector<1x256xf32>
    %dot_general3A = arith.constant dense<0.000000e+00> : vector<256x256xf32>
    %dot_general3A_10 = tpu.matmul %get3A_3, %get3A_6, %dot_general3A {dimension_numbers = #tpu.dot_dimension_numbers<[1], [0], [0], [1], [0, 0, 1, 1], [], []>, transpose_lhs_hint = false} : vector<256x1280xf32>, vector<1280x256xf32>, vector<256x256xf32> -> vector<256x256xf32>
    %add3A = vector.broadcast %get3A_9 : vector<1x256xf32> to vector<256x256xf32>
    %add3A_11 = arith.addf %dot_general3A_10, %add3A : vector<256x256xf32>
    %max3A = arith.constant 0.000000e+00 : f32
    %max3A_12 = vector.broadcast %max3A : f32 to vector<256x256xf32>
    %max3A_13 = arith.maximumf %add3A_11, %max3A_12 : vector<256x256xf32>
    %get3A_14 = arith.constant 0 : index
    %get3A_15 = arith.constant 0 : index
    %get3A_16 = vector.load %arg5[%get3A_14, %get3A_15] : memref<256x256xf32, #tpu.memory_space<vmem>>, vector<256x256xf32>
    %get3A_17 = arith.constant 0 : index
    %get3A_18 = arith.constant 0 : index
    %get3A_19 = vector.load %arg6[%get3A_17, %get3A_18] : memref<1x256xf32, #tpu.memory_space<vmem>>, vector<1x256xf32>
    %dot_general3A_20 = arith.constant dense<0.000000e+00> : vector<256x256xf32>
    %dot_general3A_21 = tpu.matmul %max3A_13, %get3A_16, %dot_general3A_20 {dimension_numbers = #tpu.dot_dimension_numbers<[1], [0], [0], [1], [0, 0, 1, 1], [], []>, transpose_lhs_hint = false} : vector<256x256xf32>, vector<256x256xf32>, vector<256x256xf32> -> vector<256x256xf32>
    %add3A_22 = vector.broadcast %get3A_19 : vector<1x256xf32> to vector<256x256xf32>
    %add3A_23 = arith.addf %dot_general3A_21, %add3A_22 : vector<256x256xf32>
    %max3A_24 = arith.constant 0.000000e+00 : f32
    %max3A_25 = vector.broadcast %max3A_24 : f32 to vector<256x256xf32>
    %max3A_26 = arith.maximumf %add3A_23, %max3A_25 : vector<256x256xf32>
    %swap3A = arith.constant 0 : index
    %swap3A_27 = arith.constant 0 : index
    %swap3A_28 = arith.constant 0 : index
    %swap3A_29 = vector.load %arg7[%swap3A, %swap3A_27, %swap3A_28] : memref<1x256x256xf32, #tpu.memory_space<vmem>>, vector<1x256x256xf32>
    %swap3A_30 = vector.shape_cast %swap3A_29 : vector<1x256x256xf32> to vector<256x256xf32>
    %swap3A_31 = vector.shape_cast %max3A_26 : vector<256x256xf32> to vector<1x256x256xf32>
    tpu.vector_store %arg7[%swap3A, %swap3A_27, %swap3A_28], %swap3A_31 {strides = array<i32>} : memref<1x256x256xf32, #tpu.memory_space<vmem>>, vector<1x256x256xf32>,
    return
  }
  func.func @transform_0(%arg0: i32, %arg1: i32) -> (i32, i32, i32) {
    %c0_i32 = arith.constant 0 : i32
    %c0_i32_0 = arith.constant 0 : i32
    return %arg0, %arg1, %c0_i32 : i32, i32, i32
  }
  func.func @transform_1(%arg0: i32, %arg1: i32) -> (i32, i32) {
    %c0_i32 = arith.constant 0 : i32
    %c0_i32_0 = arith.constant 0 : i32
    %c0_i32_1 = arith.constant 0 : i32
    return %c0_i32, %c0_i32_0 : i32, i32
  }
  func.func @transform_2(%arg0: i32, %arg1: i32) -> (i32, i32) {
    %c0_i32 = arith.constant 0 : i32
    %c0_i32_0 = arith.constant 0 : i32
    %c0_i32_1 = arith.constant 0 : i32
    return %c0_i32, %c0_i32_0 : i32, i32
  }
  func.func @transform_3(%arg0: i32, %arg1: i32) -> (i32, i32) {
    %c0_i32 = arith.constant 0 : i32
    %c0_i32_0 = arith.constant 0 : i32
    %c0_i32_1 = arith.constant 0 : i32
    return %c0_i32, %c0_i32_0 : i32, i32
  }
  func.func @transform_4(%arg0: i32, %arg1: i32) -> (i32, i32) {
    %c0_i32 = arith.constant 0 : i32
    %c0_i32_0 = arith.constant 0 : i32
    %c0_i32_1 = arith.constant 0 : i32
    return %c0_i32, %c0_i32_0 : i32, i32
  }
  func.func @transform_5(%arg0: i32, %arg1: i32) -> (i32, i32, i32) {
    %c0_i32 = arith.constant 0 : i32
    %c0_i32_0 = arith.constant 0 : i32
    return %arg0, %arg1, %c0_i32 : i32, i32, i32
  }
}

module attributes {stable_mosaic.version = 14 : i64} {
  func.func @_knn3_kern(%arg0: i32, %arg1: memref<1x3x1024xf32, #tpu.memory_space<vmem>>, %arg2: memref<1x4096x3xf32, #tpu.memory_space<vmem>>, %arg3: memref<1x4096x3xi32, #tpu.memory_space<vmem>>, %arg4: memref<1x4096x3xf32, #tpu.memory_space<vmem>>) attributes {dimension_semantics = [#tpu.dimension_semantics<arbitrary>], iteration_bounds = array<i64: 4>, scalar_prefetch = 0 : i64, scratch_operands = 0 : i64, tpu.core_type = #tpu.core_type<tc>, window_params = [{transform_indices = @transform_0, window_bounds = array<i64: 1, 3, 1024>}, {transform_indices = @transform_1, window_bounds = array<i64: 1, 4096, 3>}, {transform_indices = @transform_2, window_bounds = array<i64: 1, 4096, 3>}, {transform_indices = @transform_3, window_bounds = array<i64: 1, 4096, 3>}]} {
    %get3A = arith.constant 0 : index
    %get3A_0 = arith.constant 0 : index
    %get3A_1 = arith.constant 0 : index
    %get3A_2 = vector.load %arg2[%get3A, %get3A_0, %get3A_1] : memref<1x4096x3xf32, #tpu.memory_space<vmem>>, vector<1x4096x3xf32>
    %get3A_3 = vector.shape_cast %get3A_2 : vector<1x4096x3xf32> to vector<4096x3xf32>
    %slice3A = vector.extract_strided_slice %get3A_3 {offsets = [0, 0], sizes = [4096, 1], strides = [1, 1]} : vector<4096x3xf32> to vector<4096x1xf32>
    %get3A_4 = arith.constant 0 : index
    %get3A_5 = arith.constant 0 : index
    %get3A_6 = arith.constant 0 : index
    %get3A_7 = vector.load %arg1[%get3A_4, %get3A_5, %get3A_6] : memref<1x3x1024xf32, #tpu.memory_space<vmem>>, vector<1x1x1024xf32>
    %get3A_8 = vector.shape_cast %get3A_7 : vector<1x1x1024xf32> to vector<1x1024xf32>
    %sub3A = vector.broadcast %slice3A : vector<4096x1xf32> to vector<4096x1024xf32>
    %sub3A_9 = vector.broadcast %get3A_8 : vector<1x1024xf32> to vector<4096x1024xf32>
    %sub3A_10 = arith.subf %sub3A, %sub3A_9 : vector<4096x1024xf32>
    %slice3A_11 = vector.extract_strided_slice %get3A_3 {offsets = [0, 1], sizes = [4096, 1], strides = [1, 1]} : vector<4096x3xf32> to vector<4096x1xf32>
    %get3A_12 = arith.constant 0 : index
    %get3A_13 = arith.constant 1 : index
    %get3A_14 = arith.constant 0 : index
    %get3A_15 = vector.load %arg1[%get3A_12, %get3A_13, %get3A_14] : memref<1x3x1024xf32, #tpu.memory_space<vmem>>, vector<1x1x1024xf32>
    %get3A_16 = vector.shape_cast %get3A_15 : vector<1x1x1024xf32> to vector<1x1024xf32>
    %sub3A_17 = vector.broadcast %slice3A_11 : vector<4096x1xf32> to vector<4096x1024xf32>
    %sub3A_18 = vector.broadcast %get3A_16 : vector<1x1024xf32> to vector<4096x1024xf32>
    %sub3A_19 = arith.subf %sub3A_17, %sub3A_18 : vector<4096x1024xf32>
    %slice3A_20 = vector.extract_strided_slice %get3A_3 {offsets = [0, 2], sizes = [4096, 1], strides = [1, 1]} : vector<4096x3xf32> to vector<4096x1xf32>
    %get3A_21 = arith.constant 0 : index
    %get3A_22 = arith.constant 2 : index
    %get3A_23 = arith.constant 0 : index
    %get3A_24 = vector.load %arg1[%get3A_21, %get3A_22, %get3A_23] : memref<1x3x1024xf32, #tpu.memory_space<vmem>>, vector<1x1x1024xf32>
    %get3A_25 = vector.shape_cast %get3A_24 : vector<1x1x1024xf32> to vector<1x1024xf32>
    %sub3A_26 = vector.broadcast %slice3A_20 : vector<4096x1xf32> to vector<4096x1024xf32>
    %sub3A_27 = vector.broadcast %get3A_25 : vector<1x1024xf32> to vector<4096x1024xf32>
    %sub3A_28 = arith.subf %sub3A_26, %sub3A_27 : vector<4096x1024xf32>
    %mul3A = arith.mulf %sub3A_10, %sub3A_10 : vector<4096x1024xf32>
    %mul3A_29 = arith.mulf %sub3A_19, %sub3A_19 : vector<4096x1024xf32>
    %add3A = arith.addf %mul3A, %mul3A_29 : vector<4096x1024xf32>
    %mul3A_30 = arith.mulf %sub3A_28, %sub3A_28 : vector<4096x1024xf32>
    %add3A_31 = arith.addf %add3A, %mul3A_30 : vector<4096x1024xf32>
    %iota3A = tpu.iota {dimensions = array<i32: 1>} : vector<4096x1024xi32>
    %reduce_min3A = arith.constant dense<0x7F800000> : vector<4096xf32>
    %reduce_min3A_32 = vector.multi_reduction <minimumf>, %add3A_31, %reduce_min3A [1] : vector<4096x1024xf32> to vector<4096xf32>
    %broadcast_in_dim3A = vector.shape_cast %reduce_min3A_32 : vector<4096xf32> to vector<4096x1xf32>
    %eq3A = vector.broadcast %broadcast_in_dim3A : vector<4096x1xf32> to vector<4096x1024xf32>
    %eq3A_33 = arith.cmpf oeq, %add3A_31, %eq3A : vector<4096x1024xf32>
    %jit3A = arith.constant 1073741824 : i32
    %broadcast_in_dim3A_34 = vector.broadcast %jit3A : i32 to vector<4096x1024xi32>
    %select_n3A = arith.select %eq3A_33, %iota3A, %broadcast_in_dim3A_34 : vector<4096x1024xi1>, vector<4096x1024xi32>
    %reduce_min3A_35 = arith.constant dense<2147483647> : vector<4096xi32>
    %reduce_min3A_36 = vector.multi_reduction <minsi>, %select_n3A, %reduce_min3A_35 [1] : vector<4096x1024xi32> to vector<4096xi32>
    %broadcast_in_dim3A_37 = vector.shape_cast %reduce_min3A_36 : vector<4096xi32> to vector<4096x1xi32>
    %eq3A_38 = vector.broadcast %broadcast_in_dim3A_37 : vector<4096x1xi32> to vector<4096x1024xi32>
    %eq3A_39 = arith.cmpi eq, %iota3A, %eq3A_38 : vector<4096x1024xi32>
    %jit3A_40 = arith.constant 0x7F800000 : f32
    %broadcast_in_dim3A_41 = vector.broadcast %jit3A_40 : f32 to vector<4096x1024xf32>
    %select_n3A_42 = arith.select %eq3A_39, %broadcast_in_dim3A_41, %add3A_31 : vector<4096x1024xi1>, vector<4096x1024xf32>
    %max3A = arith.constant 1.000000e-16 : f32
    %max3A_43 = vector.broadcast %max3A : f32 to vector<4096x1xf32>
    %max3A_44 = arith.maximumf %broadcast_in_dim3A, %max3A_43 : vector<4096x1xf32>
    %div3A = arith.constant 1.000000e+00 : f32
    %div3A_45 = vector.broadcast %div3A : f32 to vector<4096x1xf32>
    %div3A_46 = arith.divf %div3A_45, %max3A_44 : vector<4096x1xf32>
    %reduce_min3A_47 = arith.constant dense<0x7F800000> : vector<4096xf32>
    %reduce_min3A_48 = vector.multi_reduction <minimumf>, %select_n3A_42, %reduce_min3A_47 [1] : vector<4096x1024xf32> to vector<4096xf32>
    %broadcast_in_dim3A_49 = vector.shape_cast %reduce_min3A_48 : vector<4096xf32> to vector<4096x1xf32>
    %eq3A_50 = vector.broadcast %broadcast_in_dim3A_49 : vector<4096x1xf32> to vector<4096x1024xf32>
    %eq3A_51 = arith.cmpf oeq, %select_n3A_42, %eq3A_50 : vector<4096x1024xf32>
    %jit3A_52 = arith.constant 1073741824 : i32
    %broadcast_in_dim3A_53 = vector.broadcast %jit3A_52 : i32 to vector<4096x1024xi32>
    %select_n3A_54 = arith.select %eq3A_51, %iota3A, %broadcast_in_dim3A_53 : vector<4096x1024xi1>, vector<4096x1024xi32>
    %reduce_min3A_55 = arith.constant dense<2147483647> : vector<4096xi32>
    %reduce_min3A_56 = vector.multi_reduction <minsi>, %select_n3A_54, %reduce_min3A_55 [1] : vector<4096x1024xi32> to vector<4096xi32>
    %broadcast_in_dim3A_57 = vector.shape_cast %reduce_min3A_56 : vector<4096xi32> to vector<4096x1xi32>
    %eq3A_58 = vector.broadcast %broadcast_in_dim3A_57 : vector<4096x1xi32> to vector<4096x1024xi32>
    %eq3A_59 = arith.cmpi eq, %iota3A, %eq3A_58 : vector<4096x1024xi32>
    %jit3A_60 = arith.constant 0x7F800000 : f32
    %broadcast_in_dim3A_61 = vector.broadcast %jit3A_60 : f32 to vector<4096x1024xf32>
    %select_n3A_62 = arith.select %eq3A_59, %broadcast_in_dim3A_61, %select_n3A_42 : vector<4096x1024xi1>, vector<4096x1024xf32>
    %max3A_63 = arith.constant 1.000000e-16 : f32
    %max3A_64 = vector.broadcast %max3A_63 : f32 to vector<4096x1xf32>
    %max3A_65 = arith.maximumf %broadcast_in_dim3A_49, %max3A_64 : vector<4096x1xf32>
    %div3A_66 = arith.constant 1.000000e+00 : f32
    %div3A_67 = vector.broadcast %div3A_66 : f32 to vector<4096x1xf32>
    %div3A_68 = arith.divf %div3A_67, %max3A_65 : vector<4096x1xf32>
    %reduce_min3A_69 = arith.constant dense<0x7F800000> : vector<4096xf32>
    %reduce_min3A_70 = vector.multi_reduction <minimumf>, %select_n3A_62, %reduce_min3A_69 [1] : vector<4096x1024xf32> to vector<4096xf32>
    %broadcast_in_dim3A_71 = vector.shape_cast %reduce_min3A_70 : vector<4096xf32> to vector<4096x1xf32>
    %eq3A_72 = vector.broadcast %broadcast_in_dim3A_71 : vector<4096x1xf32> to vector<4096x1024xf32>
    %eq3A_73 = arith.cmpf oeq, %select_n3A_62, %eq3A_72 : vector<4096x1024xf32>
    %jit3A_74 = arith.constant 1073741824 : i32
    %broadcast_in_dim3A_75 = vector.broadcast %jit3A_74 : i32 to vector<4096x1024xi32>
    %select_n3A_76 = arith.select %eq3A_73, %iota3A, %broadcast_in_dim3A_75 : vector<4096x1024xi1>, vector<4096x1024xi32>
    %reduce_min3A_77 = arith.constant dense<2147483647> : vector<4096xi32>
    %reduce_min3A_78 = vector.multi_reduction <minsi>, %select_n3A_76, %reduce_min3A_77 [1] : vector<4096x1024xi32> to vector<4096xi32>
    %broadcast_in_dim3A_79 = vector.shape_cast %reduce_min3A_78 : vector<4096xi32> to vector<4096x1xi32>
    %max3A_80 = arith.constant 1.000000e-16 : f32
    %max3A_81 = vector.broadcast %max3A_80 : f32 to vector<4096x1xf32>
    %max3A_82 = arith.maximumf %broadcast_in_dim3A_71, %max3A_81 : vector<4096x1xf32>
    %div3A_83 = arith.constant 1.000000e+00 : f32
    %div3A_84 = vector.broadcast %div3A_83 : f32 to vector<4096x1xf32>
    %div3A_85 = arith.divf %div3A_84, %max3A_82 : vector<4096x1xf32>
    %add3A_86 = arith.addf %div3A_46, %div3A_68 : vector<4096x1xf32>
    %add3A_87 = arith.addf %add3A_86, %div3A_85 : vector<4096x1xf32>
    %swap3A = arith.constant 0 : index
    %swap3A_88 = arith.constant 0 : index
    %swap3A_89 = arith.constant 0 : index
    %swap3A_90 = vector.load %arg3[%swap3A, %swap3A_88, %swap3A_89] : memref<1x4096x3xi32, #tpu.memory_space<vmem>>, vector<1x4096x1xi32>
    %swap3A_91 = vector.shape_cast %swap3A_90 : vector<1x4096x1xi32> to vector<4096x1xi32>
    %swap3A_92 = vector.shape_cast %broadcast_in_dim3A_37 : vector<4096x1xi32> to vector<1x4096x1xi32>
    tpu.vector_store %arg3[%swap3A, %swap3A_88, %swap3A_89], %swap3A_92 {strides = array<i32>} : memref<1x4096x3xi32, #tpu.memory_space<vmem>>, vector<1x4096x1xi32>,
    %div3A_93 = arith.divf %div3A_46, %add3A_87 : vector<4096x1xf32>
    %swap3A_94 = arith.constant 0 : index
    %swap3A_95 = arith.constant 0 : index
    %swap3A_96 = arith.constant 0 : index
    %swap3A_97 = vector.load %arg4[%swap3A_94, %swap3A_95, %swap3A_96] : memref<1x4096x3xf32, #tpu.memory_space<vmem>>, vector<1x4096x1xf32>
    %swap3A_98 = vector.shape_cast %swap3A_97 : vector<1x4096x1xf32> to vector<4096x1xf32>
    %swap3A_99 = vector.shape_cast %div3A_93 : vector<4096x1xf32> to vector<1x4096x1xf32>
    tpu.vector_store %arg4[%swap3A_94, %swap3A_95, %swap3A_96], %swap3A_99 {strides = array<i32>} : memref<1x4096x3xf32, #tpu.memory_space<vmem>>, vector<1x4096x1xf32>,
    %swap3A_100 = arith.constant 0 : index
    %swap3A_101 = arith.constant 0 : index
    %swap3A_102 = arith.constant 1 : index
    %swap3A_103 = vector.load %arg3[%swap3A_100, %swap3A_101, %swap3A_102] : memref<1x4096x3xi32, #tpu.memory_space<vmem>>, vector<1x4096x1xi32>
    %swap3A_104 = vector.shape_cast %swap3A_103 : vector<1x4096x1xi32> to vector<4096x1xi32>
    %swap3A_105 = vector.shape_cast %broadcast_in_dim3A_57 : vector<4096x1xi32> to vector<1x4096x1xi32>
    tpu.vector_store %arg3[%swap3A_100, %swap3A_101, %swap3A_102], %swap3A_105 {strides = array<i32>} : memref<1x4096x3xi32, #tpu.memory_space<vmem>>, vector<1x4096x1xi32>,
    %div3A_106 = arith.divf %div3A_68, %add3A_87 : vector<4096x1xf32>
    %swap3A_107 = arith.constant 0 : index
    %swap3A_108 = arith.constant 0 : index
    %swap3A_109 = arith.constant 1 : index
    %swap3A_110 = vector.load %arg4[%swap3A_107, %swap3A_108, %swap3A_109] : memref<1x4096x3xf32, #tpu.memory_space<vmem>>, vector<1x4096x1xf32>
    %swap3A_111 = vector.shape_cast %swap3A_110 : vector<1x4096x1xf32> to vector<4096x1xf32>
    %swap3A_112 = vector.shape_cast %div3A_106 : vector<4096x1xf32> to vector<1x4096x1xf32>
    tpu.vector_store %arg4[%swap3A_107, %swap3A_108, %swap3A_109], %swap3A_112 {strides = array<i32>} : memref<1x4096x3xf32, #tpu.memory_space<vmem>>, vector<1x4096x1xf32>,
    %swap3A_113 = arith.constant 0 : index
    %swap3A_114 = arith.constant 0 : index
    %swap3A_115 = arith.constant 2 : index
    %swap3A_116 = vector.load %arg3[%swap3A_113, %swap3A_114, %swap3A_115] : memref<1x4096x3xi32, #tpu.memory_space<vmem>>, vector<1x4096x1xi32>
    %swap3A_117 = vector.shape_cast %swap3A_116 : vector<1x4096x1xi32> to vector<4096x1xi32>
    %swap3A_118 = vector.shape_cast %broadcast_in_dim3A_79 : vector<4096x1xi32> to vector<1x4096x1xi32>
    tpu.vector_store %arg3[%swap3A_113, %swap3A_114, %swap3A_115], %swap3A_118 {strides = array<i32>} : memref<1x4096x3xi32, #tpu.memory_space<vmem>>, vector<1x4096x1xi32>,
    %div3A_119 = arith.divf %div3A_85, %add3A_87 : vector<4096x1xf32>
    %swap3A_120 = arith.constant 0 : index
    %swap3A_121 = arith.constant 0 : index
    %swap3A_122 = arith.constant 2 : index
    %swap3A_123 = vector.load %arg4[%swap3A_120, %swap3A_121, %swap3A_122] : memref<1x4096x3xf32, #tpu.memory_space<vmem>>, vector<1x4096x1xf32>
    %swap3A_124 = vector.shape_cast %swap3A_123 : vector<1x4096x1xf32> to vector<4096x1xf32>
    %swap3A_125 = vector.shape_cast %div3A_119 : vector<4096x1xf32> to vector<1x4096x1xf32>
    tpu.vector_store %arg4[%swap3A_120, %swap3A_121, %swap3A_122], %swap3A_125 {strides = array<i32>} : memref<1x4096x3xf32, #tpu.memory_space<vmem>>, vector<1x4096x1xf32>,
    return
  }
  func.func @transform_0(%arg0: i32) -> (i32, i32, i32) {
    %c0_i32 = arith.constant 0 : i32
    %c0_i32_0 = arith.constant 0 : i32
    %c0_i32_1 = arith.constant 0 : i32
    return %arg0, %c0_i32, %c0_i32_0 : i32, i32, i32
  }
  func.func @transform_1(%arg0: i32) -> (i32, i32, i32) {
    %c0_i32 = arith.constant 0 : i32
    %c0_i32_0 = arith.constant 0 : i32
    %c0_i32_1 = arith.constant 0 : i32
    return %arg0, %c0_i32, %c0_i32_0 : i32, i32, i32
  }
  func.func @transform_2(%arg0: i32) -> (i32, i32, i32) {
    %c0_i32 = arith.constant 0 : i32
    %c0_i32_0 = arith.constant 0 : i32
    %c0_i32_1 = arith.constant 0 : i32
    return %arg0, %c0_i32, %c0_i32_0 : i32, i32, i32
  }
  func.func @transform_3(%arg0: i32) -> (i32, i32, i32) {
    %c0_i32 = arith.constant 0 : i32
    %c0_i32_0 = arith.constant 0 : i32
    %c0_i32_1 = arith.constant 0 : i32
    return %arg0, %c0_i32, %c0_i32_0 : i32, i32, i32
  }
}

module attributes {stable_mosaic.version = 14 : i64} {
  func.func @_interp_mlp_kern(%arg0: i32, %arg1: i32, %arg2: memref<1x768x256xf32, #tpu.memory_space<vmem>>, %arg3: memref<1x256x3xf32, #tpu.memory_space<vmem>>, %arg4: memref<1x256x128xf32, #tpu.memory_space<vmem>>, %arg5: memref<384x256xf32, #tpu.memory_space<vmem>>, %arg6: memref<1x256xf32, #tpu.memory_space<vmem>>, %arg7: memref<256x128xf32, #tpu.memory_space<vmem>>, %arg8: memref<1x128xf32, #tpu.memory_space<vmem>>, %arg9: memref<1x256x128xf32, #tpu.memory_space<vmem>>) attributes {dimension_semantics = [#tpu.dimension_semantics<arbitrary>, #tpu.dimension_semantics<arbitrary>], iteration_bounds = array<i64: 4, 4>, scalar_prefetch = 0 : i64, scratch_operands = 0 : i64, tpu.core_type = #tpu.core_type<tc>, window_params = [{transform_indices = @transform_0, window_bounds = array<i64: 1, 768, 256>}, {transform_indices = @transform_1, window_bounds = array<i64: 1, 256, 3>}, {transform_indices = @transform_2, window_bounds = array<i64: 1, 256, 128>}, {pipeline_mode = #tpu.pipeline_mode<synchronous>, transform_indices = @transform_3, window_bounds = array<i64: 384, 256>}, {pipeline_mode = #tpu.pipeline_mode<synchronous>, transform_indices = @transform_4, window_bounds = array<i64: 1, 256>}, {pipeline_mode = #tpu.pipeline_mode<synchronous>, transform_indices = @transform_5, window_bounds = array<i64: 256, 128>}, {pipeline_mode = #tpu.pipeline_mode<synchronous>, transform_indices = @transform_6, window_bounds = array<i64: 1, 128>}, {transform_indices = @transform_7, window_bounds = array<i64: 1, 256, 128>}]} {
    %get3A = arith.constant 0 : index
    %get3A_0 = arith.constant 0 : index
    %get3A_1 = arith.constant 0 : index
    %get3A_2 = vector.load %arg2[%get3A, %get3A_0, %get3A_1] : memref<1x768x256xf32, #tpu.memory_space<vmem>>, vector<1x768x256xf32>
    %get3A_3 = vector.shape_cast %get3A_2 : vector<1x768x256xf32> to vector<768x256xf32>
    %reshape3A = vector.shape_cast %get3A_3 : vector<768x256xf32> to vector<256x3x256xf32>
    %get3A_4 = arith.constant 0 : index
    %get3A_5 = arith.constant 0 : index
    %get3A_6 = arith.constant 0 : index
    %get3A_7 = vector.load %arg3[%get3A_4, %get3A_5, %get3A_6] : memref<1x256x3xf32, #tpu.memory_space<vmem>>, vector<1x256x3xf32>
    %get3A_8 = vector.shape_cast %get3A_7 : vector<1x256x3xf32> to vector<256x3xf32>
    %slice3A = vector.extract_strided_slice %reshape3A {offsets = [0, 0, 0], sizes = [256, 1, 256], strides = [1, 1, 1]} : vector<256x3x256xf32> to vector<256x1x256xf32>
    %squeeze3A = vector.shape_cast %slice3A : vector<256x1x256xf32> to vector<256x256xf32>
    %slice3A_9 = vector.extract_strided_slice %get3A_8 {offsets = [0, 0], sizes = [256, 1], strides = [1, 1]} : vector<256x3xf32> to vector<256x1xf32>
    %mul3A = vector.broadcast %slice3A_9 : vector<256x1xf32> to vector<256x256xf32>
    %mul3A_10 = arith.mulf %squeeze3A, %mul3A : vector<256x256xf32>
    %slice3A_11 = vector.extract_strided_slice %reshape3A {offsets = [0, 1, 0], sizes = [256, 1, 256], strides = [1, 1, 1]} : vector<256x3x256xf32> to vector<256x1x256xf32>
    %squeeze3A_12 = vector.shape_cast %slice3A_11 : vector<256x1x256xf32> to vector<256x256xf32>
    %slice3A_13 = vector.extract_strided_slice %get3A_8 {offsets = [0, 1], sizes = [256, 1], strides = [1, 1]} : vector<256x3xf32> to vector<256x1xf32>
    %mul3A_14 = vector.broadcast %slice3A_13 : vector<256x1xf32> to vector<256x256xf32>
    %mul3A_15 = arith.mulf %squeeze3A_12, %mul3A_14 : vector<256x256xf32>
    %add3A = arith.addf %mul3A_10, %mul3A_15 : vector<256x256xf32>
    %slice3A_16 = vector.extract_strided_slice %reshape3A {offsets = [0, 2, 0], sizes = [256, 1, 256], strides = [1, 1, 1]} : vector<256x3x256xf32> to vector<256x1x256xf32>
    %squeeze3A_17 = vector.shape_cast %slice3A_16 : vector<256x1x256xf32> to vector<256x256xf32>
    %slice3A_18 = vector.extract_strided_slice %get3A_8 {offsets = [0, 2], sizes = [256, 1], strides = [1, 1]} : vector<256x3xf32> to vector<256x1xf32>
    %mul3A_19 = vector.broadcast %slice3A_18 : vector<256x1xf32> to vector<256x256xf32>
    %mul3A_20 = arith.mulf %squeeze3A_17, %mul3A_19 : vector<256x256xf32>
    %add3A_21 = arith.addf %add3A, %mul3A_20 : vector<256x256xf32>
    %get3A_22 = arith.constant 0 : index
    %get3A_23 = arith.constant 0 : index
    %get3A_24 = arith.constant 0 : index
    %get3A_25 = vector.load %arg4[%get3A_22, %get3A_23, %get3A_24] : memref<1x256x128xf32, #tpu.memory_space<vmem>>, vector<1x256x128xf32>
    %get3A_26 = vector.shape_cast %get3A_25 : vector<1x256x128xf32> to vector<256x128xf32>
    %concatenate3A = tpu.concatenate %add3A_21, %get3A_26 in 1 : vector<256x256xf32>, vector<256x128xf32> -> vector<256x384xf32>
    %get3A_27 = arith.constant 0 : index
    %get3A_28 = arith.constant 0 : index
    %get3A_29 = vector.load %arg5[%get3A_27, %get3A_28] : memref<384x256xf32, #tpu.memory_space<vmem>>, vector<384x256xf32>
    %get3A_30 = arith.constant 0 : index
    %get3A_31 = arith.constant 0 : index
    %get3A_32 = vector.load %arg6[%get3A_30, %get3A_31] : memref<1x256xf32, #tpu.memory_space<vmem>>, vector<1x256xf32>
    %dot_general3A = arith.constant dense<0.000000e+00> : vector<256x256xf32>
    %dot_general3A_33 = tpu.matmul %concatenate3A, %get3A_29, %dot_general3A {dimension_numbers = #tpu.dot_dimension_numbers<[1], [0], [0], [1], [0, 0, 1, 1], [], []>, transpose_lhs_hint = false} : vector<256x384xf32>, vector<384x256xf32>, vector<256x256xf32> -> vector<256x256xf32>
    %add3A_34 = vector.broadcast %get3A_32 : vector<1x256xf32> to vector<256x256xf32>
    %add3A_35 = arith.addf %dot_general3A_33, %add3A_34 : vector<256x256xf32>
    %max3A = arith.constant 0.000000e+00 : f32
    %max3A_36 = vector.broadcast %max3A : f32 to vector<256x256xf32>
    %max3A_37 = arith.maximumf %add3A_35, %max3A_36 : vector<256x256xf32>
    %get3A_38 = arith.constant 0 : index
    %get3A_39 = arith.constant 0 : index
    %get3A_40 = vector.load %arg7[%get3A_38, %get3A_39] : memref<256x128xf32, #tpu.memory_space<vmem>>, vector<256x128xf32>
    %get3A_41 = arith.constant 0 : index
    %get3A_42 = arith.constant 0 : index
    %get3A_43 = vector.load %arg8[%get3A_41, %get3A_42] : memref<1x128xf32, #tpu.memory_space<vmem>>, vector<1x128xf32>
    %dot_general3A_44 = arith.constant dense<0.000000e+00> : vector<256x128xf32>
    %dot_general3A_45 = tpu.matmul %max3A_37, %get3A_40, %dot_general3A_44 {dimension_numbers = #tpu.dot_dimension_numbers<[1], [0], [0], [1], [0, 0, 1, 1], [], []>, transpose_lhs_hint = false} : vector<256x256xf32>, vector<256x128xf32>, vector<256x128xf32> -> vector<256x128xf32>
    %add3A_46 = vector.broadcast %get3A_43 : vector<1x128xf32> to vector<256x128xf32>
    %add3A_47 = arith.addf %dot_general3A_45, %add3A_46 : vector<256x128xf32>
    %max3A_48 = arith.constant 0.000000e+00 : f32
    %max3A_49 = vector.broadcast %max3A_48 : f32 to vector<256x128xf32>
    %max3A_50 = arith.maximumf %add3A_47, %max3A_49 : vector<256x128xf32>
    %swap3A = arith.constant 0 : index
    %swap3A_51 = arith.constant 0 : index
    %swap3A_52 = arith.constant 0 : index
    %swap3A_53 = vector.load %arg9[%swap3A, %swap3A_51, %swap3A_52] : memref<1x256x128xf32, #tpu.memory_space<vmem>>, vector<1x256x128xf32>
    %swap3A_54 = vector.shape_cast %swap3A_53 : vector<1x256x128xf32> to vector<256x128xf32>
    %swap3A_55 = vector.shape_cast %max3A_50 : vector<256x128xf32> to vector<1x256x128xf32>
    tpu.vector_store %arg9[%swap3A, %swap3A_51, %swap3A_52], %swap3A_55 {strides = array<i32>} : memref<1x256x128xf32, #tpu.memory_space<vmem>>, vector<1x256x128xf32>,
    return
  }
  func.func @transform_0(%arg0: i32, %arg1: i32) -> (i32, i32, i32) {
    %c0_i32 = arith.constant 0 : i32
    %c0_i32_0 = arith.constant 0 : i32
    return %arg0, %arg1, %c0_i32 : i32, i32, i32
  }
  func.func @transform_1(%arg0: i32, %arg1: i32) -> (i32, i32, i32) {
    %c0_i32 = arith.constant 0 : i32
    %c0_i32_0 = arith.constant 0 : i32
    return %arg0, %arg1, %c0_i32 : i32, i32, i32
  }
  func.func @transform_2(%arg0: i32, %arg1: i32) -> (i32, i32, i32) {
    %c0_i32 = arith.constant 0 : i32
    %c0_i32_0 = arith.constant 0 : i32
    return %arg0, %arg1, %c0_i32 : i32, i32, i32
  }
  func.func @transform_3(%arg0: i32, %arg1: i32) -> (i32, i32) {
    %c0_i32 = arith.constant 0 : i32
    %c0_i32_0 = arith.constant 0 : i32
    %c0_i32_1 = arith.constant 0 : i32
    return %c0_i32, %c0_i32_0 : i32, i32
  }
  func.func @transform_4(%arg0: i32, %arg1: i32) -> (i32, i32) {
    %c0_i32 = arith.constant 0 : i32
    %c0_i32_0 = arith.constant 0 : i32
    %c0_i32_1 = arith.constant 0 : i32
    return %c0_i32, %c0_i32_0 : i32, i32
  }
  func.func @transform_5(%arg0: i32, %arg1: i32) -> (i32, i32) {
    %c0_i32 = arith.constant 0 : i32
    %c0_i32_0 = arith.constant 0 : i32
    %c0_i32_1 = arith.constant 0 : i32
    return %c0_i32, %c0_i32_0 : i32, i32
  }
  func.func @transform_6(%arg0: i32, %arg1: i32) -> (i32, i32) {
    %c0_i32 = arith.constant 0 : i32
    %c0_i32_0 = arith.constant 0 : i32
    %c0_i32_1 = arith.constant 0 : i32
    return %c0_i32, %c0_i32_0 : i32, i32
  }
  func.func @transform_7(%arg0: i32, %arg1: i32) -> (i32, i32, i32) {
    %c0_i32 = arith.constant 0 : i32
    %c0_i32_0 = arith.constant 0 : i32
    return %arg0, %arg1, %c0_i32 : i32, i32, i32
  }
}

module attributes {stable_mosaic.version = 14 : i64} {
  func.func @_interp_mlp_kern(%arg0: i32, %arg1: i32, %arg2: memref<1x1536x128xf32, #tpu.memory_space<vmem>>, %arg3: memref<1x512x3xf32, #tpu.memory_space<vmem>>, %arg4: memref<1x512x6xf32, #tpu.memory_space<vmem>>, %arg5: memref<134x128xf32, #tpu.memory_space<vmem>>, %arg6: memref<1x128xf32, #tpu.memory_space<vmem>>, %arg7: memref<128x128xf32, #tpu.memory_space<vmem>>, %arg8: memref<1x128xf32, #tpu.memory_space<vmem>>, %arg9: memref<128x128xf32, #tpu.memory_space<vmem>>, %arg10: memref<1x128xf32, #tpu.memory_space<vmem>>, %arg11: memref<128x128xf32, #tpu.memory_space<vmem>>, %arg12: memref<1x128xf32, #tpu.memory_space<vmem>>, %arg13: memref<128x128xf32, #tpu.memory_space<vmem>>, %arg14: memref<1x128xf32, #tpu.memory_space<vmem>>, %arg15: memref<128x13xf32, #tpu.memory_space<vmem>>, %arg16: memref<1x13xf32, #tpu.memory_space<vmem>>, %arg17: memref<1x512x13xf32, #tpu.memory_space<vmem>>) attributes {dimension_semantics = [#tpu.dimension_semantics<arbitrary>, #tpu.dimension_semantics<arbitrary>], iteration_bounds = array<i64: 4, 8>, scalar_prefetch = 0 : i64, scratch_operands = 0 : i64, tpu.core_type = #tpu.core_type<tc>, window_params = [{transform_indices = @transform_0, window_bounds = array<i64: 1, 1536, 128>}, {transform_indices = @transform_1, window_bounds = array<i64: 1, 512, 3>}, {transform_indices = @transform_2, window_bounds = array<i64: 1, 512, 6>}, {pipeline_mode = #tpu.pipeline_mode<synchronous>, transform_indices = @transform_3, window_bounds = array<i64: 134, 128>}, {pipeline_mode = #tpu.pipeline_mode<synchronous>, transform_indices = @transform_4, window_bounds = array<i64: 1, 128>}, {pipeline_mode = #tpu.pipeline_mode<synchronous>, transform_indices = @transform_5, window_bounds = array<i64: 128, 128>}, {pipeline_mode = #tpu.pipeline_mode<synchronous>, transform_indices = @transform_6, window_bounds = array<i64: 1, 128>}, {pipeline_mode = #tpu.pipeline_mode<synchronous>, transform_indices = @transform_7, window_bounds = array<i64: 128, 128>}, {pipeline_mode = #tpu.pipeline_mode<synchronous>, transform_indices = @transform_8, window_bounds = array<i64: 1, 128>}, {pipeline_mode = #tpu.pipeline_mode<synchronous>, transform_indices = @transform_9, window_bounds = array<i64: 128, 128>}, {pipeline_mode = #tpu.pipeline_mode<synchronous>, transform_indices = @transform_10, window_bounds = array<i64: 1, 128>}, {pipeline_mode = #tpu.pipeline_mode<synchronous>, transform_indices = @transform_11, window_bounds = array<i64: 128, 128>}, {pipeline_mode = #tpu.pipeline_mode<synchronous>, transform_indices = @transform_12, window_bounds = array<i64: 1, 128>}, {pipeline_mode = #tpu.pipeline_mode<synchronous>, transform_indices = @transform_13, window_bounds = array<i64: 128, 13>}, {pipeline_mode = #tpu.pipeline_mode<synchronous>, transform_indices = @transform_14, window_bounds = array<i64: 1, 13>}, {transform_indices = @transform_15, window_bounds = array<i64: 1, 512, 13>}]} {
    %get3A = arith.constant 0 : index
    %get3A_0 = arith.constant 0 : index
    %get3A_1 = arith.constant 0 : index
    %get3A_2 = vector.load %arg2[%get3A, %get3A_0, %get3A_1] : memref<1x1536x128xf32, #tpu.memory_space<vmem>>, vector<1x1536x128xf32>
    %get3A_3 = vector.shape_cast %get3A_2 : vector<1x1536x128xf32> to vector<1536x128xf32>
    %reshape3A = vector.shape_cast %get3A_3 : vector<1536x128xf32> to vector<512x3x128xf32>
    %get3A_4 = arith.constant 0 : index
    %get3A_5 = arith.constant 0 : index
    %get3A_6 = arith.constant 0 : index
    %get3A_7 = vector.load %arg3[%get3A_4, %get3A_5, %get3A_6] : memref<1x512x3xf32, #tpu.memory_space<vmem>>, vector<1x512x3xf32>
    %get3A_8 = vector.shape_cast %get3A_7 : vector<1x512x3xf32> to vector<512x3xf32>
    %slice3A = vector.extract_strided_slice %reshape3A {offsets = [0, 0, 0], sizes = [512, 1, 128], strides = [1, 1, 1]} : vector<512x3x128xf32> to vector<512x1x128xf32>
    %squeeze3A = vector.shape_cast %slice3A : vector<512x1x128xf32> to vector<512x128xf32>
    %slice3A_9 = vector.extract_strided_slice %get3A_8 {offsets = [0, 0], sizes = [512, 1], strides = [1, 1]} : vector<512x3xf32> to vector<512x1xf32>
    %mul3A = vector.broadcast %slice3A_9 : vector<512x1xf32> to vector<512x128xf32>
    %mul3A_10 = arith.mulf %squeeze3A, %mul3A : vector<512x128xf32>
    %slice3A_11 = vector.extract_strided_slice %reshape3A {offsets = [0, 1, 0], sizes = [512, 1, 128], strides = [1, 1, 1]} : vector<512x3x128xf32> to vector<512x1x128xf32>
    %squeeze3A_12 = vector.shape_cast %slice3A_11 : vector<512x1x128xf32> to vector<512x128xf32>
    %slice3A_13 = vector.extract_strided_slice %get3A_8 {offsets = [0, 1], sizes = [512, 1], strides = [1, 1]} : vector<512x3xf32> to vector<512x1xf32>
    %mul3A_14 = vector.broadcast %slice3A_13 : vector<512x1xf32> to vector<512x128xf32>
    %mul3A_15 = arith.mulf %squeeze3A_12, %mul3A_14 : vector<512x128xf32>
    %add3A = arith.addf %mul3A_10, %mul3A_15 : vector<512x128xf32>
    %slice3A_16 = vector.extract_strided_slice %reshape3A {offsets = [0, 2, 0], sizes = [512, 1, 128], strides = [1, 1, 1]} : vector<512x3x128xf32> to vector<512x1x128xf32>
    %squeeze3A_17 = vector.shape_cast %slice3A_16 : vector<512x1x128xf32> to vector<512x128xf32>
    %slice3A_18 = vector.extract_strided_slice %get3A_8 {offsets = [0, 2], sizes = [512, 1], strides = [1, 1]} : vector<512x3xf32> to vector<512x1xf32>
    %mul3A_19 = vector.broadcast %slice3A_18 : vector<512x1xf32> to vector<512x128xf32>
    %mul3A_20 = arith.mulf %squeeze3A_17, %mul3A_19 : vector<512x128xf32>
    %add3A_21 = arith.addf %add3A, %mul3A_20 : vector<512x128xf32>
    %get3A_22 = arith.constant 0 : index
    %get3A_23 = arith.constant 0 : index
    %get3A_24 = arith.constant 0 : index
    %get3A_25 = vector.load %arg4[%get3A_22, %get3A_23, %get3A_24] : memref<1x512x6xf32, #tpu.memory_space<vmem>>, vector<1x512x6xf32>
    %get3A_26 = vector.shape_cast %get3A_25 : vector<1x512x6xf32> to vector<512x6xf32>
    %concatenate3A = tpu.concatenate %add3A_21, %get3A_26 in 1 : vector<512x128xf32>, vector<512x6xf32> -> vector<512x134xf32>
    %get3A_27 = arith.constant 0 : index
    %get3A_28 = arith.constant 0 : index
    %get3A_29 = vector.load %arg5[%get3A_27, %get3A_28] : memref<134x128xf32, #tpu.memory_space<vmem>>, vector<134x128xf32>
    %get3A_30 = arith.constant 0 : index
    %get3A_31 = arith.constant 0 : index
    %get3A_32 = vector.load %arg6[%get3A_30, %get3A_31] : memref<1x128xf32, #tpu.memory_space<vmem>>, vector<1x128xf32>
    %dot_general3A = arith.constant dense<0.000000e+00> : vector<512x128xf32>
    %dot_general3A_33 = tpu.matmul %concatenate3A, %get3A_29, %dot_general3A {dimension_numbers = #tpu.dot_dimension_numbers<[1], [0], [0], [1], [0, 0, 1, 1], [], []>, transpose_lhs_hint = false} : vector<512x134xf32>, vector<134x128xf32>, vector<512x128xf32> -> vector<512x128xf32>
    %add3A_34 = vector.broadcast %get3A_32 : vector<1x128xf32> to vector<512x128xf32>
    %add3A_35 = arith.addf %dot_general3A_33, %add3A_34 : vector<512x128xf32>
    %max3A = arith.constant 0.000000e+00 : f32
    %max3A_36 = vector.broadcast %max3A : f32 to vector<512x128xf32>
    %max3A_37 = arith.maximumf %add3A_35, %max3A_36 : vector<512x128xf32>
    %get3A_38 = arith.constant 0 : index
    %get3A_39 = arith.constant 0 : index
    %get3A_40 = vector.load %arg7[%get3A_38, %get3A_39] : memref<128x128xf32, #tpu.memory_space<vmem>>, vector<128x128xf32>
    %get3A_41 = arith.constant 0 : index
    %get3A_42 = arith.constant 0 : index
    %get3A_43 = vector.load %arg8[%get3A_41, %get3A_42] : memref<1x128xf32, #tpu.memory_space<vmem>>, vector<1x128xf32>
    %dot_general3A_44 = arith.constant dense<0.000000e+00> : vector<512x128xf32>
    %dot_general3A_45 = tpu.matmul %max3A_37, %get3A_40, %dot_general3A_44 {dimension_numbers = #tpu.dot_dimension_numbers<[1], [0], [0], [1], [0, 0, 1, 1], [], []>, transpose_lhs_hint = false} : vector<512x128xf32>, vector<128x128xf32>, vector<512x128xf32> -> vector<512x128xf32>
    %add3A_46 = vector.broadcast %get3A_43 : vector<1x128xf32> to vector<512x128xf32>
    %add3A_47 = arith.addf %dot_general3A_45, %add3A_46 : vector<512x128xf32>
    %max3A_48 = arith.constant 0.000000e+00 : f32
    %max3A_49 = vector.broadcast %max3A_48 : f32 to vector<512x128xf32>
    %max3A_50 = arith.maximumf %add3A_47, %max3A_49 : vector<512x128xf32>
    %get3A_51 = arith.constant 0 : index
    %get3A_52 = arith.constant 0 : index
    %get3A_53 = vector.load %arg9[%get3A_51, %get3A_52] : memref<128x128xf32, #tpu.memory_space<vmem>>, vector<128x128xf32>
    %get3A_54 = arith.constant 0 : index
    %get3A_55 = arith.constant 0 : index
    %get3A_56 = vector.load %arg10[%get3A_54, %get3A_55] : memref<1x128xf32, #tpu.memory_space<vmem>>, vector<1x128xf32>
    %dot_general3A_57 = arith.constant dense<0.000000e+00> : vector<512x128xf32>
    %dot_general3A_58 = tpu.matmul %max3A_50, %get3A_53, %dot_general3A_57 {dimension_numbers = #tpu.dot_dimension_numbers<[1], [0], [0], [1], [0, 0, 1, 1], [], []>, transpose_lhs_hint = false} : vector<512x128xf32>, vector<128x128xf32>, vector<512x128xf32> -> vector<512x128xf32>
    %add3A_59 = vector.broadcast %get3A_56 : vector<1x128xf32> to vector<512x128xf32>
    %add3A_60 = arith.addf %dot_general3A_58, %add3A_59 : vector<512x128xf32>
    %max3A_61 = arith.constant 0.000000e+00 : f32
    %max3A_62 = vector.broadcast %max3A_61 : f32 to vector<512x128xf32>
    %max3A_63 = arith.maximumf %add3A_60, %max3A_62 : vector<512x128xf32>
    %get3A_64 = arith.constant 0 : index
    %get3A_65 = arith.constant 0 : index
    %get3A_66 = vector.load %arg11[%get3A_64, %get3A_65] : memref<128x128xf32, #tpu.memory_space<vmem>>, vector<128x128xf32>
    %get3A_67 = arith.constant 0 : index
    %get3A_68 = arith.constant 0 : index
    %get3A_69 = vector.load %arg12[%get3A_67, %get3A_68] : memref<1x128xf32, #tpu.memory_space<vmem>>, vector<1x128xf32>
    %dot_general3A_70 = arith.constant dense<0.000000e+00> : vector<512x128xf32>
    %dot_general3A_71 = tpu.matmul %max3A_63, %get3A_66, %dot_general3A_70 {dimension_numbers = #tpu.dot_dimension_numbers<[1], [0], [0], [1], [0, 0, 1, 1], [], []>, transpose_lhs_hint = false} : vector<512x128xf32>, vector<128x128xf32>, vector<512x128xf32> -> vector<512x128xf32>
    %add3A_72 = vector.broadcast %get3A_69 : vector<1x128xf32> to vector<512x128xf32>
    %add3A_73 = arith.addf %dot_general3A_71, %add3A_72 : vector<512x128xf32>
    %max3A_74 = arith.constant 0.000000e+00 : f32
    %max3A_75 = vector.broadcast %max3A_74 : f32 to vector<512x128xf32>
    %max3A_76 = arith.maximumf %add3A_73, %max3A_75 : vector<512x128xf32>
    %get3A_77 = arith.constant 0 : index
    %get3A_78 = arith.constant 0 : index
    %get3A_79 = vector.load %arg13[%get3A_77, %get3A_78] : memref<128x128xf32, #tpu.memory_space<vmem>>, vector<128x128xf32>
    %get3A_80 = arith.constant 0 : index
    %get3A_81 = arith.constant 0 : index
    %get3A_82 = vector.load %arg14[%get3A_80, %get3A_81] : memref<1x128xf32, #tpu.memory_space<vmem>>, vector<1x128xf32>
    %dot_general3A_83 = arith.constant dense<0.000000e+00> : vector<512x128xf32>
    %dot_general3A_84 = tpu.matmul %max3A_76, %get3A_79, %dot_general3A_83 {dimension_numbers = #tpu.dot_dimension_numbers<[1], [0], [0], [1], [0, 0, 1, 1], [], []>, transpose_lhs_hint = false} : vector<512x128xf32>, vector<128x128xf32>, vector<512x128xf32> -> vector<512x128xf32>
    %add3A_85 = vector.broadcast %get3A_82 : vector<1x128xf32> to vector<512x128xf32>
    %add3A_86 = arith.addf %dot_general3A_84, %add3A_85 : vector<512x128xf32>
    %max3A_87 = arith.constant 0.000000e+00 : f32
    %max3A_88 = vector.broadcast %max3A_87 : f32 to vector<512x128xf32>
    %max3A_89 = arith.maximumf %add3A_86, %max3A_88 : vector<512x128xf32>
    %get3A_90 = arith.constant 0 : index
    %get3A_91 = arith.constant 0 : index
    %get3A_92 = vector.load %arg15[%get3A_90, %get3A_91] : memref<128x13xf32, #tpu.memory_space<vmem>>, vector<128x13xf32>
    %get3A_93 = arith.constant 0 : index
    %get3A_94 = arith.constant 0 : index
    %get3A_95 = vector.load %arg16[%get3A_93, %get3A_94] : memref<1x13xf32, #tpu.memory_space<vmem>>, vector<1x13xf32>
    %dot_general3A_96 = arith.constant dense<0.000000e+00> : vector<512x13xf32>
    %dot_general3A_97 = tpu.matmul %max3A_89, %get3A_92, %dot_general3A_96 {dimension_numbers = #tpu.dot_dimension_numbers<[1], [0], [0], [1], [0, 0, 1, 1], [], []>, transpose_lhs_hint = false} : vector<512x128xf32>, vector<128x13xf32>, vector<512x13xf32> -> vector<512x13xf32>
    %add3A_98 = vector.broadcast %get3A_95 : vector<1x13xf32> to vector<512x13xf32>
    %add3A_99 = arith.addf %dot_general3A_97, %add3A_98 : vector<512x13xf32>
    %swap3A = arith.constant 0 : index
    %swap3A_100 = arith.constant 0 : index
    %swap3A_101 = arith.constant 0 : index
    %swap3A_102 = vector.load %arg17[%swap3A, %swap3A_100, %swap3A_101] : memref<1x512x13xf32, #tpu.memory_space<vmem>>, vector<1x512x13xf32>
    %swap3A_103 = vector.shape_cast %swap3A_102 : vector<1x512x13xf32> to vector<512x13xf32>
    %swap3A_104 = vector.shape_cast %add3A_99 : vector<512x13xf32> to vector<1x512x13xf32>
    tpu.vector_store %arg17[%swap3A, %swap3A_100, %swap3A_101], %swap3A_104 {strides = array<i32>} : memref<1x512x13xf32, #tpu.memory_space<vmem>>, vector<1x512x13xf32>,
    return
  }
  func.func @transform_0(%arg0: i32, %arg1: i32) -> (i32, i32, i32) {
    %c0_i32 = arith.constant 0 : i32
    %c0_i32_0 = arith.constant 0 : i32
    return %arg0, %arg1, %c0_i32 : i32, i32, i32
  }
  func.func @transform_1(%arg0: i32, %arg1: i32) -> (i32, i32, i32) {
    %c0_i32 = arith.constant 0 : i32
    %c0_i32_0 = arith.constant 0 : i32
    return %arg0, %arg1, %c0_i32 : i32, i32, i32
  }
  func.func @transform_2(%arg0: i32, %arg1: i32) -> (i32, i32, i32) {
    %c0_i32 = arith.constant 0 : i32
    %c0_i32_0 = arith.constant 0 : i32
    return %arg0, %arg1, %c0_i32 : i32, i32, i32
  }
  func.func @transform_3(%arg0: i32, %arg1: i32) -> (i32, i32) {
    %c0_i32 = arith.constant 0 : i32
    %c0_i32_0 = arith.constant 0 : i32
    %c0_i32_1 = arith.constant 0 : i32
    return %c0_i32, %c0_i32_0 : i32, i32
  }
  func.func @transform_4(%arg0: i32, %arg1: i32) -> (i32, i32) {
    %c0_i32 = arith.constant 0 : i32
    %c0_i32_0 = arith.constant 0 : i32
    %c0_i32_1 = arith.constant 0 : i32
    return %c0_i32, %c0_i32_0 : i32, i32
  }
  func.func @transform_5(%arg0: i32, %arg1: i32) -> (i32, i32) {
    %c0_i32 = arith.constant 0 : i32
    %c0_i32_0 = arith.constant 0 : i32
    %c0_i32_1 = arith.constant 0 : i32
    return %c0_i32, %c0_i32_0 : i32, i32
  }
  func.func @transform_6(%arg0: i32, %arg1: i32) -> (i32, i32) {
    %c0_i32 = arith.constant 0 : i32
    %c0_i32_0 = arith.constant 0 : i32
    %c0_i32_1 = arith.constant 0 : i32
    return %c0_i32, %c0_i32_0 : i32, i32
  }
  func.func @transform_7(%arg0: i32, %arg1: i32) -> (i32, i32) {
    %c0_i32 = arith.constant 0 : i32
    %c0_i32_0 = arith.constant 0 : i32
    %c0_i32_1 = arith.constant 0 : i32
    return %c0_i32, %c0_i32_0 : i32, i32
  }
  func.func @transform_8(%arg0: i32, %arg1: i32) -> (i32, i32) {
    %c0_i32 = arith.constant 0 : i32
    %c0_i32_0 = arith.constant 0 : i32
    %c0_i32_1 = arith.constant 0 : i32
    return %c0_i32, %c0_i32_0 : i32, i32
  }
  func.func @transform_9(%arg0: i32, %arg1: i32) -> (i32, i32) {
    %c0_i32 = arith.constant 0 : i32
    %c0_i32_0 = arith.constant 0 : i32
    %c0_i32_1 = arith.constant 0 : i32
    return %c0_i32, %c0_i32_0 : i32, i32
  }
  func.func @transform_10(%arg0: i32, %arg1: i32) -> (i32, i32) {
    %c0_i32 = arith.constant 0 : i32
    %c0_i32_0 = arith.constant 0 : i32
    %c0_i32_1 = arith.constant 0 : i32
    return %c0_i32, %c0_i32_0 : i32, i32
  }
  func.func @transform_11(%arg0: i32, %arg1: i32) -> (i32, i32) {
    %c0_i32 = arith.constant 0 : i32
    %c0_i32_0 = arith.constant 0 : i32
    %c0_i32_1 = arith.constant 0 : i32
    return %c0_i32, %c0_i32_0 : i32, i32
  }
  func.func @transform_12(%arg0: i32, %arg1: i32) -> (i32, i32) {
    %c0_i32 = arith.constant 0 : i32
    %c0_i32_0 = arith.constant 0 : i32
    %c0_i32_1 = arith.constant 0 : i32
    return %c0_i32, %c0_i32_0 : i32, i32
  }
  func.func @transform_13(%arg0: i32, %arg1: i32) -> (i32, i32) {
    %c0_i32 = arith.constant 0 : i32
    %c0_i32_0 = arith.constant 0 : i32
    %c0_i32_1 = arith.constant 0 : i32
    return %c0_i32, %c0_i32_0 : i32, i32
  }
  func.func @transform_14(%arg0: i32, %arg1: i32) -> (i32, i32) {
    %c0_i32 = arith.constant 0 : i32
    %c0_i32_0 = arith.constant 0 : i32
    %c0_i32_1 = arith.constant 0 : i32
    return %c0_i32, %c0_i32_0 : i32, i32
  }
  func.func @transform_15(%arg0: i32, %arg1: i32) -> (i32, i32, i32) {
    %c0_i32 = arith.constant 0 : i32
    %c0_i32_0 = arith.constant 0 : i32
    return %arg0, %arg1, %c0_i32 : i32, i32, i32
  }
}

</mosaic_0001>

<sc_bundles>
// kernel: kernel.18.cloned.1.call-start
scs
__scs_entry_jumppad:
0x0: {  	(pc) =	sbr.rel $0x88, $3  }
0x1: {  	(tag) =	ssettag $0x0;
	lr =	simm.s32 $0x1  }
0x2: {  	[smem:$0x3F79] =	sst lr;
	_ =	strace $0xD0000000  }
0x3: {  	_ = 	snop  }
0x4: {  	_ = 	snop  }
0x5: {  	_ = 	snop  }
0x6: {  	_ = 	snop  }
0x7: {  	_ = 	snop  }
__scs_overlays_trampoline_lowered:
0x8: {  	[smem:$0x3F88] =	sst s0  }
0x9: {  	[smem:$0x3F89] =	sst s1  }
0xa: {  	[smem:$0x3F8A] =	sst s2  }
0xb: {  	[smem:$0x3F8B] =	sst s3  }
0xc: {  	[smem:$0x3F8C] =	sst s4  }
0xd: {  	[smem:$0x3F8D] =	sst s5  }
0xe: {  	[smem:$0x3F8E] =	sst s6  }
0xf: {  	[smem:$0x3F8F] =	sst s7  }
0x10: {  	[smem:$0x3F90] =	sst s8  }
0x11: {  	[smem:$0x3F91] =	sst s9;
	s0 =	simm.s32 @!p0 $0x0  }
0x12: {  	s1 =	sld [smem:$0x3F77];
	s0 =	simm.s32 @p0 $0x1  }
0x13: {  	[smem:$0x3F92] =	sst s0;
	s0 =	simm.s32 @!p1 $0x0  }
0x14: {  	s2 =	sld [smem:$0x3F76];
	s0 =	simm.s32 @p1 $0x1  }
0x15: {  	[smem:$0x3F93] =	sst s0;
	s0 =	simm.s32 @!p2 $0x0  }
0x16: {  	s3 =	sld [smem:$0x3FDB];
	s0 =	simm.s32 @p2 $0x1  }
0x17: {  	s4 =	simm.s32 $0x1BF5;
	[smem:$0x3F95] =	sst s0  }
0x18: {  	s0 =	sld [smem:$0x3F78];
	_ =	swait.ge [sflag:s4], $0x0  }
0x19: {  	s7 =	sld [smem:$0x3F79]  }
0x1a: {  	s8 =	sadd.s32 $0xFFFFE003, lr  }
0x1b: {  	s9 =	sadd.s32 $0xFFFFFEF7, lr;
	s5 =	simm.s32 $0xFFFFFFFF;
	p2 =	slt.u32 s8, $0xFFFFF086  }
0x1c: {  	p1 =	slt.u32 s9, $0xF7A;
	s5 =	simm.s32 @!p2 $0x0  }
0x1d: {  	s5 =	simm.s32 @p1 $0x1;
	p0 =	seq.s32 s7, s2  }
0x1e: {  	s7 =	smul.u32 @!p0 $0xF7A, s2;
	p2 =	seq.s32 @!p0 s5, $0x0  }
0x1f: {  	s9 =	smul.u32 $0xF7A, s1;
	s8 =	simm.s32 @!p0 $0x1BF5;
	p2 =	por !p2, p0  }
0x20: {  	[sflag:s8] =	ssyncset.s32 @!p0 $0xFFFFF086;
	s6 =	sadd.s32 @!p0 s3, s7;
	s7 =	simm.s32 @!p0 $0x108  }
0x21: {  	s3 =	sadd.s32 s3, s9;
	s6 =	sadd.s32 @!p0 $0x88, s6;
	s7 =	simm.s32 @p2 $0x1082  }
0x22: {  	[simem:s7], [sflag:s8] =	dma.local @!p0 [hbm:s6], $0xF7A  }
0x23: {  	s9 =	sor.u32 $0xD0000000, s2;
	s6 =	simm.s32 $0x108;
	_ =	swait.ge @!p0 [sflag:s8], $0x0  }
0x24: {  	s3 =	sadd.s32 $0x88, s3;
	s6 =	simm.s32 @!p1 $0x1082;
	[sflag:s4] =	ssyncset.s32 $0xFFFFF086  }
0x25: {  	[simem:s6], [sflag:s4] =	dma.local [hbm:s3], $0xF7A  }
0x26: {  	[smem:$0x3F79] =	sst s1;
	(tag) =	ssettag s2;
	_ =	strace s9  }
0x27: {  	s1 =	sld [smem:$0x3F89]  }
0x28: {  	s2 =	sld [smem:$0x3F8A]  }
0x29: {  	s4 =	sld [smem:$0x3F8C]  }
0x2a: {  	p0 =	seq.s32 s5, $0x0;
	s5 =	sld [smem:$0x3F8D]  }
0x2b: {  	s6 =	sld [smem:$0x3F8E]  }
0x2c: {  	s7 =	sld [smem:$0x3F8F]  }
0x2d: {  	s3 =	simm.s32 $0x108;
	s8 =	sld [smem:$0x3F90]  }
0x2e: {  	s3 =	simm.s32 @!p0 $0x1082;
	s9 =	sld [smem:$0x3F91]  }
0x2f: {  	lr =	sadd.s32 s0, s3;
	s0 =	sld [smem:$0x3F88]  }
0x30: {  	s3 =	sld [smem:$0x3F8B]  }
0x31: {  	[smem:$0x3F94] =	sst s10  }
0x32: {  	s10 =	sld [smem:$0x3F92];
	_ =	sdelay $0x3  }
0x33: {  	p0 =	seq.s32 s10, $0x1;
	s10 =	sld [smem:$0x3F94];
	_ =	sdelay $0x3  }
0x34: {  	[smem:$0x3F94] =	sst s10  }
0x35: {  	s10 =	sld [smem:$0x3F93];
	_ =	sdelay $0x3  }
0x36: {  	p1 =	seq.s32 s10, $0x1;
	s10 =	sld [smem:$0x3F94];
	_ =	sdelay $0x3  }
0x37: {  	[smem:$0x3F94] =	sst s10  }
0x38: {  	s10 =	sld [smem:$0x3F95]  }
0x39: {  	_ = 	snop;
	(pc) =	sbr.ind lr, $3  }
0x3a: {  	_ = 	snop  }
0x3b: {  	_ = 	snop  }
0x3c: {  	p2 =	seq.s32 s10, $0x1;
	s10 =	sld [smem:$0x3F94]  }
0x3d: {  	_ =	shalt  }
0x3e: {  	_ =	shalt  }
0x3f: {  	_ =	shalt  }
0x40: {  	_ =	shalt  }
0x41: {  	_ =	shalt  }
0x42: {  	_ =	shalt  }
0x43: {  	_ =	shalt  }
0x44: {  	_ =	shalt  }
0x45: {  	_ =	shalt  }
0x46: {  	_ =	shalt  }
0x47: {  	_ =	shalt  }
0x48: {  	_ =	shalt  }
0x49: {  	_ =	shalt  }
0x4a: {  	_ =	shalt  }
0x4b: {  	_ =	shalt  }
0x4c: {  	_ =	shalt  }
0x4d: {  	_ =	shalt  }
0x4e: {  	_ =	shalt  }
0x4f: {  	_ =	shalt  }
0x50: {  	_ =	shalt  }
0x51: {  	_ =	shalt  }
0x52: {  	_ =	shalt  }
0x53: {  	_ =	shalt  }
0x54: {  	_ =	shalt  }
0x55: {  	_ =	shalt  }
0x56: {  	_ =	shalt  }
0x57: {  	_ =	shalt  }
0x58: {  	_ =	shalt  }
0x59: {  	_ =	shalt  }
0x5a: {  	_ =	shalt  }
0x5b: {  	_ =	shalt  }
0x5c: {  	_ =	shalt  }
0x5d: {  	_ =	shalt  }
0x5e: {  	_ =	shalt  }
0x5f: {  	_ =	shalt  }
0x60: {  	_ =	shalt  }
0x61: {  	_ =	shalt  }
0x62: {  	_ =	shalt  }
0x63: {  	_ =	shalt  }
0x64: {  	_ =	shalt  }
0x65: {  	_ =	shalt  }
0x66: {  	_ =	shalt  }
0x67: {  	_ =	shalt  }
0x68: {  	_ =	shalt  }
0x69: {  	_ =	shalt  }
0x6a: {  	_ =	shalt  }
0x6b: {  	_ =	shalt  }
0x6c: {  	_ =	shalt  }
0x6d: {  	_ =	shalt  }
0x6e: {  	_ =	shalt  }
0x6f: {  	_ =	shalt  }
0x70: {  	_ =	shalt  }
0x71: {  	_ =	shalt  }
0x72: {  	_ =	shalt  }
0x73: {  	_ =	shalt  }
0x74: {  	_ =	shalt  }
0x75: {  	_ =	shalt  }
0x76: {  	_ =	shalt  }
0x77: {  	_ =	shalt  }
0x78: {  	_ =	shalt  }
0x79: {  	_ =	shalt  }
0x7a: {  	_ =	shalt  }
0x7b: {  	_ =	shalt  }
0x7c: {  	_ =	shalt  }
0x7d: {  	_ =	shalt  }
0x7e: {  	_ =	shalt  }
0x7f: {  	_ =	shalt  }
0x80: {  	_ =	shalt  }
0x81: {  	_ =	shalt  }
0x82: {  	_ =	shalt  }
0x83: {  	_ =	shalt  }
0x84: {  	_ =	shalt  }
0x85: {  	_ =	shalt  }
0x86: {  	_ =	shalt  }
0x87: {  	_ =	shalt  }
.Lfunc_end0:
.L_simem_size_0:
called_computation_lowered:
.L_overlay_start_0:
0x88: {  	s2 =	sld [smem:$0x3FD9]  }
0x89: {  	s3 =	sld [smem:$0x3FFE];
	_ =	sdelay $0x1  }
0x8a: {  	s1 =	srdreg.scid  }
0x8b: {  	s0 =	sand.u32 $0x1, s1  }
0x8c: {  	s17 =	sshll.u32 s0, $0xA;
	s2 =	sadd.s32 s3, s2  }
0x8d: {  	s2 =	sadd.s32 s2, s17  }
0x8e: {  	[smem:$0x3FA0] =	sst s2  }
0x8f: {  	_ = 	snop  }
0x90: {  	s2 =	sld [smem:$0x3FD0];
	(tm) =	ssettm $0x1  }
0x91: {  	s18 =	sld [smem:$0x3FFB];
	_ =	sdelay $0x3  }
0x92: {  	_ =	strace s18  }
0x93: {  	s3 =	sld [smem:$0x3FFC];
	_ =	sdelay $0x3  }
0x94: {  	_ =	strace s3  }
0x95: {  	s3 =	sld [smem:$0x3FFD];
	_ =	sdelay $0x3  }
0x96: {  	_ =	strace s3  }
0x97: {  	_ =	strace $0x8FFFFFFF  }
0x98: {  	s19 =	sld [smem:$0x3FDB];
	_ =	sdelay $0x1  }
0x99: {  	s4 =	simm.s32 $_scs_section_size  }
0x9a: {  	s5 =	simm.s32 $_size__tile_overlayer_lowered;
	s6 =	simm.s32 $_tile_overlayer_lowered  }
0x9b: {  	s22 =	simm.s32 $0x1BFF;
	s21 =	sshll.u32 s6, $0x1;
	s3 =	sadd.s32 s4, s19  }
0x9c: {  	s7 =	simm.s32 $0x0;
	s20 =	sshll.u32 s5, $0x1;
	s5 =	sadd.s32 s21, s3  }
0x9d: {  	[timem:s7], [sflag:s22] =	dma.local [hbm:s5], s20  }
0x9e: {  	_ =	swait.ge [sflag:s22], s20  }
0x9f: {  	s4 =	ssub.s32 $0x0, s20;
	[sflag:s22] =	ssyncset.done $0x0  }
0xa0: {  	[sflag:s22] =	ssyncadd.s32 s4;
	_ =	sdelay $0x1  }
0xa1: {  	s23 =	simm.s32 $0x1B8B  }
0xa2: {  	_ =	swait.ge [sflag:s23], $0x1  }
0xa3: {  	[sflag:s23] =	ssyncset.done $0x0  }
0xa4: {  	s25 =	simm.s32 $0x1B8E;
	s24 =	sld [smem:$0x3FFE];
	[sflag:s23] =	ssyncadd.s32 $0xFFFFFFFF  }
0xa5: {  	s26 =	simm.s32 $execute0_lowered;
	[smem:$0x3FD2] =	sst s25  }
0xa6: {  	s5 =	sshll.u32 s26, $0x1;
	_ =	strace $0x80000046;
	[dreg:$0x1] =	wrdreg $0xFFFFFFFF  }
0xa7: {  	s28 =	simm.s32 $_size_execute0_lowered;
	s3 =	sadd.s32 s3, s5;
	[dreg:$0x0] =	wrdreg $0x0  }
0xa8: {  	s5 =	sshll.u32 s28, $0x1;
	[dreg:$0x2] =	wrdreg s3  }
0xa9: {  	[dreg:$0x3] =	wrdreg s5  }
0xaa: {  	[dreg:$0x4] =	wrdreg $0xC0  }
0xab: {  	_ =	task [dreg:s7], $0x5FFFF  }
0xac: {  	[dreg:$0x1] =	wrdreg $0xFFFFFFFF  }
0xad: {  	[dreg:$0x0] =	wrdreg $0x60  }
0xae: {  	[dreg:$0x2] =	wrdreg s24  }
0xaf: {  	[dreg:$0x3] =	wrdreg s2  }
0xb0: {  	[dreg:$0x4] =	wrdreg $0x9  }
0xb1: {  	_ =	task.clear_ibuf [dreg:s7], $0x5FFFF;
	_ =	strace $0x90000046  }
0xb2: {  	s29 =	simm.s32 $0x9;
	_ =	strace $0x80000048  }
0xb3: {  	_ =	swait.ge [sflag:s29], $0x1  }
0xb4: {  	[sflag:s29] =	ssyncadd.s32 $0xFFFFFFFF  }
0xb5: {  	_ =	strace $0x90000048  }
0xb6: {  	_ =	sfence  }
0xb7: {  	s30 =	sld [smem:$0x0];
	_ =	sdelay $0x2  }
0xb8: {  	s31 =	sshll.u32 s1, $0xD;
	s1 =	sshrl.u32 s1, $0x2  }
0xb9: {  	s3 =	sand.u32 $0x4000, s31;
	s1 =	sadd.s32 s1, s30  }
0xba: {  	s0 =	sor.u32 s3, s0;
	s1 =	sshll.u32 s1, $0x11  }
0xbb: {  	s0 =	sor.u32 s1, s0  }
0xbc: {  	s0 =	sadd.s32 $0x8F2B, s0  }
0xbd: {  	[sflag:s0] =	ssyncadd.remote.s32 $0x1  }
0xbe: {  	_ =	sfence.sel $0xFFFF  }
0xbf: {  	[dreg:$0x0] =	wrdreg $0xFFFFFFFF;
	(pc) =	sbr.abs _section_cstart, $3  }
0xc0: {  	[dreg:$0x1] =	wrdreg $0xFFFFFFFF  }
0xc1: {  	_ =	task.clear_ibuf [dreg:s7], $0x2FFFF;
	_ =	strace $0x9FFFFFFF  }
0xc2: {  	(tm) =	ssettm $0x7FFFFFFF  }
0xc3: {  	_ =	shalt  }
tec
execute0_lowered:
.L_overlay_start_1:
0x0: {  	(tag) =	ssettag $0x1  }
0x1: {  	s4 =	rddreg [dreg:$0x0]  }
0x2: {  	s30 =	rddreg [dreg:$0x1];
	s0 =	srdreg.scid;
	s2 =	simm.s32 $0x0  }
0x3: {  	s1 =	stileid.u32;
	s3 =	sand.u32 $0x1, s0;
	[smem:$0x7FF] =	sst s2  }
0x4: {  	s5 =	sshll.u32 s1, $0xE;
	[dreg:$0xb] =	wrdreg s3;
	s6 =	sshll.u32 s3, $0xD  }
0x5: {  	s0 =	sadd.s32 $0xE9000, s4;
	s1 =	sor.u32 s6, s5;
	_ =	strace $0x80000047  }
0x6: {  	[dreg:$0xc] =	wrdreg s0;
	s7 =	sshrl.u32 s1, $0x3;
	s5 =	sshll.u32 s1, $0x4  }
0x7: {  	s9 =	sor.u32 $0x200, s1;
	s6 =	sor.u32 $0x400, s1;
	s3 =	sadd.s32 s30, s7  }
0x8: {  	s8 =	sadd.s32 s0, s5;
	s10 =	sshrl.u32 s9, $0x3;
	[dreg:$0x3] =	wrdreg s3  }
0x9: {  	s5 =	sshll.u32 s9, $0x4;
	[dreg:$0x4] =	wrdreg s8;
	s3 =	sadd.s32 s30, s10  }
0xa: {  	s12 =	sshrl.u32 s6, $0x3;
	s11 =	sadd.s32 s0, s5;
	[dreg:$0x5] =	wrdreg s3  }
0xb: {  	s14 =	sshll.u32 s6, $0x4;
	s13 =	sadd.s32 s30, s12;
	[dreg:$0x6] =	wrdreg s11  }
0xc: {  	s16 =	sor.u32 $0x600, s1;
	s15 =	sadd.s32 s0, s14;
	[dreg:$0x7] =	wrdreg s13  }
0xd: {  	s17 =	sshrl.u32 s16, $0x3;
	[dreg:$0x8] =	wrdreg s15  }
0xe: {  	s5 =	sshll.u32 s16, $0x4;
	s3 =	sadd.s32 s30, s17;
	s18 =	rddreg [dreg:$0x3]  }
0xf: {  	s19 =	sadd.s32 s0, s5;
	[dreg:$0x9] =	wrdreg s3  }
0x10: {  	[dreg:$0xa] =	wrdreg s19;
	s3 =	simm.s32 $0x2  }
0x11: {  	[tilespmem:s2], [sflag:$0x2] =	stream.linear.gather [hbm4b:s18+s2], $0x200, $0x38;
	[tilespmem:$0x10200] =	vst v63  }
0x12: {  	_ =	swait.ge [sflag:s3], $0x200  }
0x13: {  	s4 =	sadd.s32 $0xA9000, s4;
	[sflag:s3] =	ssyncset.done $0x0  }
0x14: {  	s6 =	simm.s32 $0x1;
	s5 =	simm.s32 $0x200;
	[sflag:s3] =	ssyncadd.s32 $0xFFFFFE00  }
0x15: {  	[tilespmem:s5], [sflag:$0x1] =	stream.indirect.gather [hbm4b:s4+s5], $0x80, s2, s5, $0xb8;
	[tilespmem:$0x10200] =	vst v63  }
0x16: {  	_ =	swait.ge [sflag:s6], $0x10000  }
0x17: {  	[sflag:s6] =	ssyncset.done $0x0  }
0x18: {  	s7 =	rddreg [dreg:$0x4];
	[sflag:s6] =	ssyncadd.s32 $0xFFFF0000  }
0x19: {  	[hbm4b:s7+s2] =	stream.linear.scatter [tilespmem:s5], [sflag:$0x2], $0x10000, $0x38;
	[tilespmem:$0x10200] =	vst v63  }
0x1a: {  	_ =	swait.ge [sflag:s3], $0x10000  }
0x1b: {  	[sflag:s3] =	ssyncset.done $0x0  }
0x1c: {  	s20 =	rddreg [dreg:$0x5];
	[sflag:s3] =	ssyncadd.s32 $0xFFFF0000  }
0x1d: {  	[tilespmem:s2], [sflag:$0x2] =	stream.linear.gather [hbm4b:s20+s2], $0x200, $0x38;
	[tilespmem:$0x10200] =	vst v63  }
0x1e: {  	_ =	swait.ge [sflag:s3], $0x200  }
0x1f: {  	[sflag:s3] =	ssyncset.done $0x0  }
0x20: {  	[sflag:s3] =	ssyncadd.s32 $0xFFFFFE00  }
0x21: {  	[tilespmem:s5], [sflag:$0x1] =	stream.indirect.gather [hbm4b:s4+s5], $0x80, s2, s5, $0xb8;
	[tilespmem:$0x10200] =	vst v63  }
0x22: {  	_ =	swait.ge [sflag:s6], $0x10000  }
0x23: {  	[sflag:s6] =	ssyncset.done $0x0  }
0x24: {  	s21 =	rddreg [dreg:$0x6];
	[sflag:s6] =	ssyncadd.s32 $0xFFFF0000  }
0x25: {  	[hbm4b:s21+s2] =	stream.linear.scatter [tilespmem:s5], [sflag:$0x2], $0x10000, $0x38;
	[tilespmem:$0x10200] =	vst v63  }
0x26: {  	_ =	swait.ge [sflag:s3], $0x10000  }
0x27: {  	[sflag:s3] =	ssyncset.done $0x0  }
0x28: {  	s22 =	rddreg [dreg:$0x7];
	[sflag:s3] =	ssyncadd.s32 $0xFFFF0000  }
0x29: {  	[tilespmem:s2], [sflag:$0x2] =	stream.linear.gather [hbm4b:s22+s2], $0x200, $0x38;
	[tilespmem:$0x10200] =	vst v63  }
0x2a: {  	_ =	swait.ge [sflag:s3], $0x200  }
0x2b: {  	[sflag:s3] =	ssyncset.done $0x0  }
0x2c: {  	[sflag:s3] =	ssyncadd.s32 $0xFFFFFE00  }
0x2d: {  	[tilespmem:s5], [sflag:$0x1] =	stream.indirect.gather [hbm4b:s4+s5], $0x80, s2, s5, $0xb8;
	[tilespmem:$0x10200] =	vst v63  }
0x2e: {  	_ =	swait.ge [sflag:s6], $0x10000  }
0x2f: {  	[sflag:s6] =	ssyncset.done $0x0  }
0x30: {  	s23 =	rddreg [dreg:$0x8];
	[sflag:s6] =	ssyncadd.s32 $0xFFFF0000  }
0x31: {  	[hbm4b:s23+s2] =	stream.linear.scatter [tilespmem:s5], [sflag:$0x2], $0x10000, $0x38;
	[tilespmem:$0x10200] =	vst v63  }
0x32: {  	_ =	swait.ge [sflag:s3], $0x10000  }
0x33: {  	[sflag:s3] =	ssyncset.done $0x0  }
0x34: {  	s24 =	rddreg [dreg:$0x9];
	[sflag:s3] =	ssyncadd.s32 $0xFFFF0000  }
0x35: {  	[tilespmem:s2], [sflag:$0x2] =	stream.linear.gather [hbm4b:s24+s2], $0x200, $0x38;
	[tilespmem:$0x10200] =	vst v63  }
0x36: {  	_ =	swait.ge [sflag:s3], $0x200  }
0x37: {  	[sflag:s3] =	ssyncset.done $0x0  }
0x38: {  	[sflag:s3] =	ssyncadd.s32 $0xFFFFFE00  }
0x39: {  	[tilespmem:s5], [sflag:$0x1] =	stream.indirect.gather [hbm4b:s4+s5], $0x80, s2, s5, $0xb8;
	[tilespmem:$0x10200] =	vst v63  }
0x3a: {  	_ =	swait.ge [sflag:s6], $0x10000  }
0x3b: {  	[sflag:s6] =	ssyncset.done $0x0  }
0x3c: {  	s25 =	rddreg [dreg:$0xa];
	[sflag:s6] =	ssyncadd.s32 $0xFFFF0000  }
0x3d: {  	[hbm4b:s25+s2] =	stream.linear.scatter [tilespmem:s5], [sflag:$0x2], $0x10000, $0x38;
	[tilespmem:$0x10200] =	vst v63  }
0x3e: {  	s8 =	sor.u32 $0x800, s1;
	_ =	swait.ge [sflag:s3], $0x10000  }
0x3f: {  	s26 =	sshrl.u32 s8, $0x3;
	[sflag:s3] =	ssyncset.done $0x0  }
0x40: {  	s7 =	sadd.s32 s30, s26;
	[sflag:s3] =	ssyncadd.s32 $0xFFFF0000  }
0x41: {  	[tilespmem:s2], [sflag:$0x2] =	stream.linear.gather [hbm4b:s7+s2], $0x200, $0x38;
	[tilespmem:$0x10200] =	vst v63  }
0x42: {  	_ =	swait.ge [sflag:s3], $0x200  }
0x43: {  	[sflag:s3] =	ssyncset.done $0x0  }
0x44: {  	[sflag:s3] =	ssyncadd.s32 $0xFFFFFE00  }
0x45: {  	[tilespmem:s5], [sflag:$0x1] =	stream.indirect.gather [hbm4b:s4+s5], $0x80, s2, s5, $0xb8;
	[tilespmem:$0x10200] =	vst v63  }
0x46: {  	_ =	swait.ge [sflag:s6], $0x10000  }
0x47: {  	s8 =	sshll.u32 s8, $0x4;
	[sflag:s6] =	ssyncset.done $0x0  }
0x48: {  	s8 =	sadd.s32 s0, s8;
	[sflag:s6] =	ssyncadd.s32 $0xFFFF0000  }
0x49: {  	[hbm4b:s8+s2] =	stream.linear.scatter [tilespmem:s5], [sflag:$0x2], $0x10000, $0x38;
	[tilespmem:$0x10200] =	vst v63  }
0x4a: {  	s10 =	sor.u32 $0xA00, s1;
	_ =	swait.ge [sflag:s3], $0x10000  }
0x4b: {  	s9 =	sshrl.u32 s10, $0x3;
	[sflag:s3] =	ssyncset.done $0x0  }
0x4c: {  	s9 =	sadd.s32 s30, s9;
	[sflag:s3] =	ssyncadd.s32 $0xFFFF0000  }
0x4d: {  	[tilespmem:s2], [sflag:$0x2] =	stream.linear.gather [hbm4b:s9+s2], $0x200, $0x38;
	[tilespmem:$0x10200] =	vst v63  }
0x4e: {  	_ =	swait.ge [sflag:s3], $0x200  }
0x4f: {  	[sflag:s3] =	ssyncset.done $0x0  }
0x50: {  	[sflag:s3] =	ssyncadd.s32 $0xFFFFFE00  }
0x51: {  	[tilespmem:s5], [sflag:$0x1] =	stream.indirect.gather [hbm4b:s4+s5], $0x80, s2, s5, $0xb8;
	[tilespmem:$0x10200] =	vst v63  }
0x52: {  	_ =	swait.ge [sflag:s6], $0x10000  }
0x53: {  	s10 =	sshll.u32 s10, $0x4;
	[sflag:s6] =	ssyncset.done $0x0  }
0x54: {  	s10 =	sadd.s32 s0, s10;
	[sflag:s6] =	ssyncadd.s32 $0xFFFF0000  }
0x55: {  	[hbm4b:s10+s2] =	stream.linear.scatter [tilespmem:s5], [sflag:$0x2], $0x10000, $0x38;
	[tilespmem:$0x10200] =	vst v63  }
0x56: {  	s12 =	sor.u32 $0xC00, s1;
	_ =	swait.ge [sflag:s3], $0x10000  }
0x57: {  	s11 =	sshrl.u32 s12, $0x3;
	[sflag:s3] =	ssyncset.done $0x0  }
0x58: {  	s11 =	sadd.s32 s30, s11;
	[sflag:s3] =	ssyncadd.s32 $0xFFFF0000  }
0x59: {  	[tilespmem:s2], [sflag:$0x2] =	stream.linear.gather [hbm4b:s11+s2], $0x200, $0x38;
	[tilespmem:$0x10200] =	vst v63  }
0x5a: {  	_ =	swait.ge [sflag:s3], $0x200  }
0x5b: {  	[sflag:s3] =	ssyncset.done $0x0  }
0x5c: {  	[sflag:s3] =	ssyncadd.s32 $0xFFFFFE00  }
0x5d: {  	[tilespmem:s5], [sflag:$0x1] =	stream.indirect.gather [hbm4b:s4+s5], $0x80, s2, s5, $0xb8;
	[tilespmem:$0x10200] =	vst v63  }
0x5e: {  	_ =	swait.ge [sflag:s6], $0x10000  }
0x5f: {  	s12 =	sshll.u32 s12, $0x4;
	[sflag:s6] =	ssyncset.done $0x0  }
0x60: {  	s12 =	sadd.s32 s0, s12;
	[sflag:s6] =	ssyncadd.s32 $0xFFFF0000  }
0x61: {  	[hbm4b:s12+s2] =	stream.linear.scatter [tilespmem:s5], [sflag:$0x2], $0x10000, $0x38;
	[tilespmem:$0x10200] =	vst v63  }
0x62: {  	s14 =	sor.u32 $0xE00, s1;
	_ =	swait.ge [sflag:s3], $0x10000  }
0x63: {  	s13 =	sshrl.u32 s14, $0x3;
	[sflag:s3] =	ssyncset.done $0x0  }
0x64: {  	s13 =	sadd.s32 s30, s13;
	[sflag:s3] =	ssyncadd.s32 $0xFFFF0000  }
0x65: {  	[tilespmem:s2], [sflag:$0x2] =	stream.linear.gather [hbm4b:s13+s2], $0x200, $0x38;
	[tilespmem:$0x10200] =	vst v63  }
0x66: {  	_ =	swait.ge [sflag:s3], $0x200  }
0x67: {  	[sflag:s3] =	ssyncset.done $0x0  }
0x68: {  	[sflag:s3] =	ssyncadd.s32 $0xFFFFFE00  }
0x69: {  	[tilespmem:s5], [sflag:$0x1] =	stream.indirect.gather [hbm4b:s4+s5], $0x80, s2, s5, $0xb8;
	[tilespmem:$0x10200] =	vst v63  }
0x6a: {  	_ =	swait.ge [sflag:s6], $0x10000  }
0x6b: {  	s14 =	sshll.u32 s14, $0x4;
	[sflag:s6] =	ssyncset.done $0x0  }
0x6c: {  	s14 =	sadd.s32 s0, s14;
	[sflag:s6] =	ssyncadd.s32 $0xFFFF0000  }
0x6d: {  	[hbm4b:s14+s2] =	stream.linear.scatter [tilespmem:s5], [sflag:$0x2], $0x10000, $0x38;
	[tilespmem:$0x10200] =	vst v63  }
0x6e: {  	s16 =	sor.u32 $0x1000, s1;
	_ =	swait.ge [sflag:s3], $0x10000  }
0x6f: {  	s15 =	sshrl.u32 s16, $0x3;
	[sflag:s3] =	ssyncset.done $0x0  }
0x70: {  	s15 =	sadd.s32 s30, s15;
	[sflag:s3] =	ssyncadd.s32 $0xFFFF0000  }
0x71: {  	[tilespmem:s2], [sflag:$0x2] =	stream.linear.gather [hbm4b:s15+s2], $0x200, $0x38;
	[tilespmem:$0x10200] =	vst v63  }
0x72: {  	_ =	swait.ge [sflag:s3], $0x200  }
0x73: {  	[sflag:s3] =	ssyncset.done $0x0  }
0x74: {  	[sflag:s3] =	ssyncadd.s32 $0xFFFFFE00  }
0x75: {  	[tilespmem:s5], [sflag:$0x1] =	stream.indirect.gather [hbm4b:s4+s5], $0x80, s2, s5, $0xb8;
	[tilespmem:$0x10200] =	vst v63  }
0x76: {  	_ =	swait.ge [sflag:s6], $0x10000  }
0x77: {  	s16 =	sshll.u32 s16, $0x4;
	[sflag:s6] =	ssyncset.done $0x0  }
0x78: {  	s16 =	sadd.s32 s0, s16;
	[sflag:s6] =	ssyncadd.s32 $0xFFFF0000  }
0x79: {  	[hbm4b:s16+s2] =	stream.linear.scatter [tilespmem:s5], [sflag:$0x2], $0x10000, $0x38;
	[tilespmem:$0x10200] =	vst v63  }
0x7a: {  	s18 =	sor.u32 $0x1200, s1;
	_ =	swait.ge [sflag:s3], $0x10000  }
0x7b: {  	s17 =	sshrl.u32 s18, $0x3;
	[sflag:s3] =	ssyncset.done $0x0  }
0x7c: {  	s17 =	sadd.s32 s30, s17;
	[sflag:s3] =	ssyncadd.s32 $0xFFFF0000  }
0x7d: {  	[tilespmem:s2], [sflag:$0x2] =	stream.linear.gather [hbm4b:s17+s2], $0x200, $0x38;
	[tilespmem:$0x10200] =	vst v63  }
0x7e: {  	_ =	swait.ge [sflag:s3], $0x200  }
0x7f: {  	[sflag:s3] =	ssyncset.done $0x0  }
0x80: {  	[sflag:s3] =	ssyncadd.s32 $0xFFFFFE00  }
0x81: {  	[tilespmem:s5], [sflag:$0x1] =	stream.indirect.gather [hbm4b:s4+s5], $0x80, s2, s5, $0xb8;
	[tilespmem:$0x10200] =	vst v63  }
0x82: {  	_ =	swait.ge [sflag:s6], $0x10000  }
0x83: {  	s18 =	sshll.u32 s18, $0x4;
	[sflag:s6] =	ssyncset.done $0x0  }
0x84: {  	s18 =	sadd.s32 s0, s18;
	[sflag:s6] =	ssyncadd.s32 $0xFFFF0000  }
0x85: {  	[hbm4b:s18+s2] =	stream.linear.scatter [tilespmem:s5], [sflag:$0x2], $0x10000, $0x38;
	[tilespmem:$0x10200] =	vst v63  }
0x86: {  	s20 =	sor.u32 $0x1400, s1;
	_ =	swait.ge [sflag:s3], $0x10000  }
0x87: {  	s19 =	sshrl.u32 s20, $0x3;
	[sflag:s3] =	ssyncset.done $0x0  }
0x88: {  	s19 =	sadd.s32 s30, s19;
	[sflag:s3] =	ssyncadd.s32 $0xFFFF0000  }
0x89: {  	[tilespmem:s2], [sflag:$0x2] =	stream.linear.gather [hbm4b:s19+s2], $0x200, $0x38;
	[tilespmem:$0x10200] =	vst v63  }
0x8a: {  	_ =	swait.ge [sflag:s3], $0x200  }
0x8b: {  	[sflag:s3] =	ssyncset.done $0x0  }
0x8c: {  	[sflag:s3] =	ssyncadd.s32 $0xFFFFFE00  }
0x8d: {  	[tilespmem:s5], [sflag:$0x1] =	stream.indirect.gather [hbm4b:s4+s5], $0x80, s2, s5, $0xb8;
	[tilespmem:$0x10200] =	vst v63  }
0x8e: {  	_ =	swait.ge [sflag:s6], $0x10000  }
0x8f: {  	s20 =	sshll.u32 s20, $0x4;
	[sflag:s6] =	ssyncset.done $0x0  }
0x90: {  	s20 =	sadd.s32 s0, s20;
	[sflag:s6] =	ssyncadd.s32 $0xFFFF0000  }
0x91: {  	[hbm4b:s20+s2] =	stream.linear.scatter [tilespmem:s5], [sflag:$0x2], $0x10000, $0x38;
	[tilespmem:$0x10200] =	vst v63  }
0x92: {  	s22 =	sor.u32 $0x1600, s1;
	_ =	swait.ge [sflag:s3], $0x10000  }
0x93: {  	s21 =	sshrl.u32 s22, $0x3;
	[sflag:s3] =	ssyncset.done $0x0  }
0x94: {  	s21 =	sadd.s32 s30, s21;
	[sflag:s3] =	ssyncadd.s32 $0xFFFF0000  }
0x95: {  	[tilespmem:s2], [sflag:$0x2] =	stream.linear.gather [hbm4b:s21+s2], $0x200, $0x38;
	[tilespmem:$0x10200] =	vst v63  }
0x96: {  	_ =	swait.ge [sflag:s3], $0x200  }
0x97: {  	[sflag:s3] =	ssyncset.done $0x0  }
0x98: {  	[sflag:s3] =	ssyncadd.s32 $0xFFFFFE00  }
0x99: {  	[tilespmem:s5], [sflag:$0x1] =	stream.indirect.gather [hbm4b:s4+s5], $0x80, s2, s5, $0xb8;
	[tilespmem:$0x10200] =	vst v63  }
0x9a: {  	_ =	swait.ge [sflag:s6], $0x10000  }
0x9b: {  	s22 =	sshll.u32 s22, $0x4;
	[sflag:s6] =	ssyncset.done $0x0  }
0x9c: {  	s22 =	sadd.s32 s0, s22;
	[sflag:s6] =	ssyncadd.s32 $0xFFFF0000  }
0x9d: {  	[hbm4b:s22+s2] =	stream.linear.scatter [tilespmem:s5], [sflag:$0x2], $0x10000, $0x38;
	[tilespmem:$0x10200] =	vst v63  }
0x9e: {  	s24 =	sor.u32 $0x1800, s1;
	_ =	swait.ge [sflag:s3], $0x10000  }
0x9f: {  	s23 =	sshrl.u32 s24, $0x3;
	[sflag:s3] =	ssyncset.done $0x0  }
0xa0: {  	s23 =	sadd.s32 s30, s23;
	[sflag:s3] =	ssyncadd.s32 $0xFFFF0000  }
0xa1: {  	[tilespmem:s2], [sflag:$0x2] =	stream.linear.gather [hbm4b:s23+s2], $0x200, $0x38;
	[tilespmem:$0x10200] =	vst v63  }
0xa2: {  	_ =	swait.ge [sflag:s3], $0x200  }
0xa3: {  	[sflag:s3] =	ssyncset.done $0x0  }
0xa4: {  	[sflag:s3] =	ssyncadd.s32 $0xFFFFFE00  }
0xa5: {  	[tilespmem:s5], [sflag:$0x1] =	stream.indirect.gather [hbm4b:s4+s5], $0x80, s2, s5, $0xb8;
	[tilespmem:$0x10200] =	vst v63  }
0xa6: {  	_ =	swait.ge [sflag:s6], $0x10000  }
0xa7: {  	s24 =	sshll.u32 s24, $0x4;
	[sflag:s6] =	ssyncset.done $0x0  }
0xa8: {  	s24 =	sadd.s32 s0, s24;
	[sflag:s6] =	ssyncadd.s32 $0xFFFF0000  }
0xa9: {  	[hbm4b:s24+s2] =	stream.linear.scatter [tilespmem:s5], [sflag:$0x2], $0x10000, $0x38;
	[tilespmem:$0x10200] =	vst v63  }
0xaa: {  	s26 =	sor.u32 $0x1A00, s1;
	_ =	swait.ge [sflag:s3], $0x10000  }
0xab: {  	s25 =	sshrl.u32 s26, $0x3;
	[sflag:s3] =	ssyncset.done $0x0  }
0xac: {  	s25 =	sadd.s32 s30, s25;
	[sflag:s3] =	ssyncadd.s32 $0xFFFF0000  }
0xad: {  	[tilespmem:s2], [sflag:$0x2] =	stream.linear.gather [hbm4b:s25+s2], $0x200, $0x38;
	[tilespmem:$0x10200] =	vst v63  }
0xae: {  	_ =	swait.ge [sflag:s3], $0x200  }
0xaf: {  	[sflag:s3] =	ssyncset.done $0x0  }
0xb0: {  	[sflag:s3] =	ssyncadd.s32 $0xFFFFFE00  }
0xb1: {  	[tilespmem:s5], [sflag:$0x1] =	stream.indirect.gather [hbm4b:s4+s5], $0x80, s2, s5, $0xb8;
	[tilespmem:$0x10200] =	vst v63  }
0xb2: {  	_ =	swait.ge [sflag:s6], $0x10000  }
0xb3: {  	s26 =	sshll.u32 s26, $0x4;
	[sflag:s6] =	ssyncset.done $0x0  }
0xb4: {  	s26 =	sadd.s32 s0, s26;
	[sflag:s6] =	ssyncadd.s32 $0xFFFF0000  }
0xb5: {  	[hbm4b:s26+s2] =	stream.linear.scatter [tilespmem:s5], [sflag:$0x2], $0x10000, $0x38;
	[tilespmem:$0x10200] =	vst v63  }
0xb6: {  	s29 =	sor.u32 $0x1C00, s1;
	_ =	swait.ge [sflag:s3], $0x10000  }
0xb7: {  	s28 =	sshrl.u32 s29, $0x3;
	[sflag:s3] =	ssyncset.done $0x0  }
0xb8: {  	s28 =	sadd.s32 s30, s28;
	[sflag:s3] =	ssyncadd.s32 $0xFFFF0000  }
0xb9: {  	[tilespmem:s2], [sflag:$0x2] =	stream.linear.gather [hbm4b:s28+s2], $0x200, $0x38;
	[tilespmem:$0x10200] =	vst v63  }
0xba: {  	_ =	swait.ge [sflag:s3], $0x200  }
0xbb: {  	[sflag:s3] =	ssyncset.done $0x0  }
0xbc: {  	[sflag:s3] =	ssyncadd.s32 $0xFFFFFE00  }
0xbd: {  	[tilespmem:s5], [sflag:$0x1] =	stream.indirect.gather [hbm4b:s4+s5], $0x80, s2, s5, $0xb8;
	[tilespmem:$0x10200] =	vst v63  }
0xbe: {  	_ =	swait.ge [sflag:s6], $0x10000  }
0xbf: {  	s29 =	sshll.u32 s29, $0x4;
	[sflag:s6] =	ssyncset.done $0x0  }
0xc0: {  	s29 =	sadd.s32 s0, s29;
	[sflag:s6] =	ssyncadd.s32 $0xFFFF0000  }
0xc1: {  	[hbm4b:s29+s2] =	stream.linear.scatter [tilespmem:s5], [sflag:$0x2], $0x10000, $0x38;
	[tilespmem:$0x10200] =	vst v63  }
0xc2: {  	s1 =	sor.u32 $0x1E00, s1;
	_ =	swait.ge [sflag:s3], $0x10000  }
0xc3: {  	s31 =	sshrl.u32 s1, $0x3;
	[sflag:s3] =	ssyncset.done $0x0  }
0xc4: {  	s30 =	sadd.s32 s30, s31;
	[sflag:s3] =	ssyncadd.s32 $0xFFFF0000  }
0xc5: {  	[tilespmem:s2], [sflag:$0x2] =	stream.linear.gather [hbm4b:s30+s2], $0x200, $0x38;
	[tilespmem:$0x10200] =	vst v63  }
0xc6: {  	_ =	swait.ge [sflag:s3], $0x200  }
0xc7: {  	[sflag:s3] =	ssyncset.done $0x0;
	s0 =	rddreg [dreg:$0xb]  }
0xc8: {  	s31 =	ssub.s32 $0x2, s0;
	[sflag:s3] =	ssyncadd.s32 $0xFFFFFE00  }
0xc9: {  	[tilespmem:s5], [sflag:$0x1] =	stream.indirect.gather [hbm4b:s4+s5], $0x80, s2, s5, $0xb8;
	[tilespmem:$0x10200] =	vst v63  }
0xca: {  	s0 =	sshrl.u32 s31, $0x1  }
0xcb: {  	s0 =	ssub.s32 s31, s0  }
0xcc: {  	s0 =	smax.u32 s0, $0x1  }
0xcd: {  	p0 =	sne.s32 s0, $0x1  }
.Ltmp0:
0xce: {  	_ =	swait.ge [sflag:s6], $0x10000;
	(pc) =	sbr.rel @!p0 .LBB2_2-.Ltmp0, $4  }
0xcf: {  	s1 =	sshll.u32 s1, $0x4;
	[sflag:s6] =	ssyncset.done $0x0;
	s31 =	rddreg [dreg:$0xc]  }
0xd0: {  	s31 =	sadd.s32 s31, s1;
	[sflag:s6] =	ssyncadd.s32 $0xFFFF0000  }
0xd1: {  	[hbm4b:s31+s2] =	stream.linear.scatter [tilespmem:s5], [sflag:$0x2], $0x10000, $0x38;
	[tilespmem:$0x10200] =	vst v63  }
0xd2: {  	s0 =	sadd.s32 $0xFFFFFFFF, s0;
	_ =	swait.ge [sflag:s3], $0x10000  }
.LBB2_1:
0xd3: {  	[sflag:s3] =	ssyncset.done $0x0  }
0xd4: {  	s1 =	rddreg [dreg:$0x3];
	[sflag:s3] =	ssyncadd.s32 $0xFFFF0000  }
0xd5: {  	[tilespmem:s2], [sflag:$0x2] =	stream.linear.gather [hbm4b:s1+s2], $0x200, $0x38;
	[tilespmem:$0x10200] =	vst v63  }
0xd6: {  	_ =	swait.ge [sflag:s3], $0x200  }
0xd7: {  	[sflag:s3] =	ssyncset.done $0x0  }
0xd8: {  	[sflag:s3] =	ssyncadd.s32 $0xFFFFFE00  }
0xd9: {  	[tilespmem:s5], [sflag:$0x1] =	stream.indirect.gather [hbm4b:s4+s5], $0x80, s2, s5, $0xb8;
	[tilespmem:$0x10200] =	vst v63  }
0xda: {  	_ =	swait.ge [sflag:s6], $0x10000  }
0xdb: {  	[sflag:s6] =	ssyncset.done $0x0  }
0xdc: {  	s1 =	rddreg [dreg:$0x4];
	[sflag:s6] =	ssyncadd.s32 $0xFFFF0000  }
0xdd: {  	[hbm4b:s1+s2] =	stream.linear.scatter [tilespmem:s5], [sflag:$0x2], $0x10000, $0x38;
	[tilespmem:$0x10200] =	vst v63  }
0xde: {  	_ =	swait.ge [sflag:s3], $0x10000  }
0xdf: {  	[sflag:s3] =	ssyncset.done $0x0  }
0xe0: {  	s1 =	rddreg [dreg:$0x5];
	[sflag:s3] =	ssyncadd.s32 $0xFFFF0000  }
0xe1: {  	[tilespmem:s2], [sflag:$0x2] =	stream.linear.gather [hbm4b:s1+s2], $0x200, $0x38;
	[tilespmem:$0x10200] =	vst v63  }
0xe2: {  	_ =	swait.ge [sflag:s3], $0x200  }
0xe3: {  	[sflag:s3] =	ssyncset.done $0x0  }
0xe4: {  	[sflag:s3] =	ssyncadd.s32 $0xFFFFFE00  }
0xe5: {  	[tilespmem:s5], [sflag:$0x1] =	stream.indirect.gather [hbm4b:s4+s5], $0x80, s2, s5, $0xb8;
	[tilespmem:$0x10200] =	vst v63  }
0xe6: {  	_ =	swait.ge [sflag:s6], $0x10000  }
0xe7: {  	[sflag:s6] =	ssyncset.done $0x0  }
0xe8: {  	s1 =	rddreg [dreg:$0x6];
	[sflag:s6] =	ssyncadd.s32 $0xFFFF0000  }
0xe9: {  	[hbm4b:s1+s2] =	stream.linear.scatter [tilespmem:s5], [sflag:$0x2], $0x10000, $0x38;
	[tilespmem:$0x10200] =	vst v63  }
0xea: {  	_ =	swait.ge [sflag:s3], $0x10000  }
0xeb: {  	[sflag:s3] =	ssyncset.done $0x0  }
0xec: {  	s1 =	rddreg [dreg:$0x7];
	[sflag:s3] =	ssyncadd.s32 $0xFFFF0000  }
0xed: {  	[tilespmem:s2], [sflag:$0x2] =	stream.linear.gather [hbm4b:s1+s2], $0x200, $0x38;
	[tilespmem:$0x10200] =	vst v63  }
0xee: {  	_ =	swait.ge [sflag:s3], $0x200  }
0xef: {  	[sflag:s3] =	ssyncset.done $0x0  }
0xf0: {  	[sflag:s3] =	ssyncadd.s32 $0xFFFFFE00  }
0xf1: {  	[tilespmem:s5], [sflag:$0x1] =	stream.indirect.gather [hbm4b:s4+s5], $0x80, s2, s5, $0xb8;
	[tilespmem:$0x10200] =	vst v63  }
0xf2: {  	_ =	swait.ge [sflag:s6], $0x10000  }
0xf3: {  	[sflag:s6] =	ssyncset.done $0x0  }
0xf4: {  	s1 =	rddreg [dreg:$0x8];
	[sflag:s6] =	ssyncadd.s32 $0xFFFF0000  }
0xf5: {  	[hbm4b:s1+s2] =	stream.linear.scatter [tilespmem:s5], [sflag:$0x2], $0x10000, $0x38;
	[tilespmem:$0x10200] =	vst v63  }
0xf6: {  	_ =	swait.ge [sflag:s3], $0x10000  }
0xf7: {  	[sflag:s3] =	ssyncset.done $0x0  }
0xf8: {  	s1 =	rddreg [dreg:$0x9];
	[sflag:s3] =	ssyncadd.s32 $0xFFFF0000  }
0xf9: {  	[tilespmem:s2], [sflag:$0x2] =	stream.linear.gather [hbm4b:s1+s2], $0x200, $0x38;
	[tilespmem:$0x10200] =	vst v63  }
0xfa: {  	_ =	swait.ge [sflag:s3], $0x200  }
0xfb: {  	[sflag:s3] =	ssyncset.done $0x0  }
0xfc: {  	[sflag:s3] =	ssyncadd.s32 $0xFFFFFE00  }
0xfd: {  	[tilespmem:s5], [sflag:$0x1] =	stream.indirect.gather [hbm4b:s4+s5], $0x80, s2, s5, $0xb8;
	[tilespmem:$0x10200] =	vst v63  }
0xfe: {  	_ =	swait.ge [sflag:s6], $0x10000  }
0xff: {  	[sflag:s6] =	ssyncset.done $0x0  }
0x100: {  	s1 =	rddreg [dreg:$0xa];
	[sflag:s6] =	ssyncadd.s32 $0xFFFF0000  }
0x101: {  	[hbm4b:s1+s2] =	stream.linear.scatter [tilespmem:s5], [sflag:$0x2], $0x10000, $0x38;
	[tilespmem:$0x10200] =	vst v63  }
0x102: {  	_ =	swait.ge [sflag:s3], $0x10000  }
0x103: {  	[sflag:s3] =	ssyncset.done $0x0  }
0x104: {  	[sflag:s3] =	ssyncadd.s32 $0xFFFF0000  }
0x105: {  	[tilespmem:s2], [sflag:$0x2] =	stream.linear.gather [hbm4b:s7+s2], $0x200, $0x38;
	[tilespmem:$0x10200] =	vst v63  }
0x106: {  	_ =	swait.ge [sflag:s3], $0x200  }
0x107: {  	[sflag:s3] =	ssyncset.done $0x0  }
0x108: {  	[sflag:s3] =	ssyncadd.s32 $0xFFFFFE00  }
0x109: {  	[tilespmem:s5], [sflag:$0x1] =	stream.indirect.gather [hbm4b:s4+s5], $0x80, s2, s5, $0xb8;
	[tilespmem:$0x10200] =	vst v63  }
0x10a: {  	_ =	swait.ge [sflag:s6], $0x10000  }
0x10b: {  	[sflag:s6] =	ssyncset.done $0x0  }
0x10c: {  	[sflag:s6] =	ssyncadd.s32 $0xFFFF0000  }
0x10d: {  	[hbm4b:s8+s2] =	stream.linear.scatter [tilespmem:s5], [sflag:$0x2], $0x10000, $0x38;
	[tilespmem:$0x10200] =	vst v63  }
0x10e: {  	_ =	swait.ge [sflag:s3], $0x10000  }
0x10f: {  	[sflag:s3] =	ssyncset.done $0x0  }
0x110: {  	[sflag:s3] =	ssyncadd.s32 $0xFFFF0000  }
0x111: {  	[tilespmem:s2], [sflag:$0x2] =	stream.linear.gather [hbm4b:s9+s2], $0x200, $0x38;
	[tilespmem:$0x10200] =	vst v63  }
0x112: {  	_ =	swait.ge [sflag:s3], $0x200  }
0x113: {  	[sflag:s3] =	ssyncset.done $0x0  }
0x114: {  	[sflag:s3] =	ssyncadd.s32 $0xFFFFFE00  }
0x115: {  	[tilespmem:s5], [sflag:$0x1] =	stream.indirect.gather [hbm4b:s4+s5], $0x80, s2, s5, $0xb8;
	[tilespmem:$0x10200] =	vst v63  }
0x116: {  	_ =	swait.ge [sflag:s6], $0x10000  }
0x117: {  	[sflag:s6] =	ssyncset.done $0x0  }
0x118: {  	[sflag:s6] =	ssyncadd.s32 $0xFFFF0000  }
0x119: {  	[hbm4b:s10+s2] =	stream.linear.scatter [tilespmem:s5], [sflag:$0x2], $0x10000, $0x38;
	[tilespmem:$0x10200] =	vst v63  }
0x11a: {  	_ =	swait.ge [sflag:s3], $0x10000  }
0x11b: {  	[sflag:s3] =	ssyncset.done $0x0  }
0x11c: {  	[sflag:s3] =	ssyncadd.s32 $0xFFFF0000  }
0x11d: {  	[tilespmem:s2], [sflag:$0x2] =	stream.linear.gather [hbm4b:s11+s2], $0x200, $0x38;
	[tilespmem:$0x10200] =	vst v63  }
0x11e: {  	_ =	swait.ge [sflag:s3], $0x200  }
0x11f: {  	[sflag:s3] =	ssyncset.done $0x0  }
0x120: {  	[sflag:s3] =	ssyncadd.s32 $0xFFFFFE00  }
0x121: {  	[tilespmem:s5], [sflag:$0x1] =	stream.indirect.gather [hbm4b:s4+s5], $0x80, s2, s5, $0xb8;
	[tilespmem:$0x10200] =	vst v63  }
0x122: {  	_ =	swait.ge [sflag:s6], $0x10000  }
0x123: {  	[sflag:s6] =	ssyncset.done $0x0  }
0x124: {  	[sflag:s6] =	ssyncadd.s32 $0xFFFF0000  }
0x125: {  	[hbm4b:s12+s2] =	stream.linear.scatter [tilespmem:s5], [sflag:$0x2], $0x10000, $0x38;
	[tilespmem:$0x10200] =	vst v63  }
0x126: {  	_ =	swait.ge [sflag:s3], $0x10000  }
0x127: {  	[sflag:s3] =	ssyncset.done $0x0  }
0x128: {  	[sflag:s3] =	ssyncadd.s32 $0xFFFF0000  }
0x129: {  	[tilespmem:s2], [sflag:$0x2] =	stream.linear.gather [hbm4b:s13+s2], $0x200, $0x38;
	[tilespmem:$0x10200] =	vst v63  }
0x12a: {  	_ =	swait.ge [sflag:s3], $0x200  }
0x12b: {  	[sflag:s3] =	ssyncset.done $0x0  }
0x12c: {  	[sflag:s3] =	ssyncadd.s32 $0xFFFFFE00  }
0x12d: {  	[tilespmem:s5], [sflag:$0x1] =	stream.indirect.gather [hbm4b:s4+s5], $0x80, s2, s5, $0xb8;
	[tilespmem:$0x10200] =	vst v63  }
0x12e: {  	_ =	swait.ge [sflag:s6], $0x10000  }
0x12f: {  	[sflag:s6] =	ssyncset.done $0x0  }
0x130: {  	[sflag:s6] =	ssyncadd.s32 $0xFFFF0000  }
0x131: {  	[hbm4b:s14+s2] =	stream.linear.scatter [tilespmem:s5], [sflag:$0x2], $0x10000, $0x38;
	[tilespmem:$0x10200] =	vst v63  }
0x132: {  	_ =	swait.ge [sflag:s3], $0x10000  }
0x133: {  	[sflag:s3] =	ssyncset.done $0x0  }
0x134: {  	[sflag:s3] =	ssyncadd.s32 $0xFFFF0000  }
0x135: {  	[tilespmem:s2], [sflag:$0x2] =	stream.linear.gather [hbm4b:s15+s2], $0x200, $0x38;
	[tilespmem:$0x10200] =	vst v63  }
0x136: {  	_ =	swait.ge [sflag:s3], $0x200  }
0x137: {  	[sflag:s3] =	ssyncset.done $0x0  }
0x138: {  	[sflag:s3] =	ssyncadd.s32 $0xFFFFFE00  }
0x139: {  	[tilespmem:s5], [sflag:$0x1] =	stream.indirect.gather [hbm4b:s4+s5], $0x80, s2, s5, $0xb8;
	[tilespmem:$0x10200] =	vst v63  }
0x13a: {  	_ =	swait.ge [sflag:s6], $0x10000  }
0x13b: {  	[sflag:s6] =	ssyncset.done $0x0  }
0x13c: {  	[sflag:s6] =	ssyncadd.s32 $0xFFFF0000  }
0x13d: {  	[hbm4b:s16+s2] =	stream.linear.scatter [tilespmem:s5], [sflag:$0x2], $0x10000, $0x38;
	[tilespmem:$0x10200] =	vst v63  }
0x13e: {  	_ =	swait.ge [sflag:s3], $0x10000  }
0x13f: {  	[sflag:s3] =	ssyncset.done $0x0  }
0x140: {  	[sflag:s3] =	ssyncadd.s32 $0xFFFF0000  }
0x141: {  	[tilespmem:s2], [sflag:$0x2] =	stream.linear.gather [hbm4b:s17+s2], $0x200, $0x38;
	[tilespmem:$0x10200] =	vst v63  }
0x142: {  	_ =	swait.ge [sflag:s3], $0x200  }
0x143: {  	[sflag:s3] =	ssyncset.done $0x0  }
0x144: {  	[sflag:s3] =	ssyncadd.s32 $0xFFFFFE00  }
0x145: {  	[tilespmem:s5], [sflag:$0x1] =	stream.indirect.gather [hbm4b:s4+s5], $0x80, s2, s5, $0xb8;
	[tilespmem:$0x10200] =	vst v63  }
0x146: {  	_ =	swait.ge [sflag:s6], $0x10000  }
0x147: {  	[sflag:s6] =	ssyncset.done $0x0  }
0x148: {  	[sflag:s6] =	ssyncadd.s32 $0xFFFF0000  }
0x149: {  	[hbm4b:s18+s2] =	stream.linear.scatter [tilespmem:s5], [sflag:$0x2], $0x10000, $0x38;
	[tilespmem:$0x10200] =	vst v63  }
0x14a: {  	_ =	swait.ge [sflag:s3], $0x10000  }
0x14b: {  	[sflag:s3] =	ssyncset.done $0x0  }
0x14c: {  	[sflag:s3] =	ssyncadd.s32 $0xFFFF0000  }
0x14d: {  	[tilespmem:s2], [sflag:$0x2] =	stream.linear.gather [hbm4b:s19+s2], $0x200, $0x38;
	[tilespmem:$0x10200] =	vst v63  }
0x14e: {  	_ =	swait.ge [sflag:s3], $0x200  }
0x14f: {  	[sflag:s3] =	ssyncset.done $0x0  }
0x150: {  	[sflag:s3] =	ssyncadd.s32 $0xFFFFFE00  }
0x151: {  	[tilespmem:s5], [sflag:$0x1] =	stream.indirect.gather [hbm4b:s4+s5], $0x80, s2, s5, $0xb8;
	[tilespmem:$0x10200] =	vst v63  }
0x152: {  	_ =	swait.ge [sflag:s6], $0x10000  }
0x153: {  	[sflag:s6] =	ssyncset.done $0x0  }
0x154: {  	[sflag:s6] =	ssyncadd.s32 $0xFFFF0000  }
0x155: {  	[hbm4b:s20+s2] =	stream.linear.scatter [tilespmem:s5], [sflag:$0x2], $0x10000, $0x38;
	[tilespmem:$0x10200] =	vst v63  }
0x156: {  	_ =	swait.ge [sflag:s3], $0x10000  }
0x157: {  	[sflag:s3] =	ssyncset.done $0x0  }
0x158: {  	[sflag:s3] =	ssyncadd.s32 $0xFFFF0000  }
0x159: {  	[tilespmem:s2], [sflag:$0x2] =	stream.linear.gather [hbm4b:s21+s2], $0x200, $0x38;
	[tilespmem:$0x10200] =	vst v63  }
0x15a: {  	_ =	swait.ge [sflag:s3], $0x200  }
0x15b: {  	[sflag:s3] =	ssyncset.done $0x0  }
0x15c: {  	[sflag:s3] =	ssyncadd.s32 $0xFFFFFE00  }
0x15d: {  	[tilespmem:s5], [sflag:$0x1] =	stream.indirect.gather [hbm4b:s4+s5], $0x80, s2, s5, $0xb8;
	[tilespmem:$0x10200] =	vst v63  }
0x15e: {  	_ =	swait.ge [sflag:s6], $0x10000  }
0x15f: {  	[sflag:s6] =	ssyncset.done $0x0  }
0x160: {  	[sflag:s6] =	ssyncadd.s32 $0xFFFF0000  }
0x161: {  	[hbm4b:s22+s2] =	stream.linear.scatter [tilespmem:s5], [sflag:$0x2], $0x10000, $0x38;
	[tilespmem:$0x10200] =	vst v63  }
0x162: {  	_ =	swait.ge [sflag:s3], $0x10000  }
0x163: {  	[sflag:s3] =	ssyncset.done $0x0  }
0x164: {  	[sflag:s3] =	ssyncadd.s32 $0xFFFF0000  }
0x165: {  	[tilespmem:s2], [sflag:$0x2] =	stream.linear.gather [hbm4b:s23+s2], $0x200, $0x38;
	[tilespmem:$0x10200] =	vst v63  }
0x166: {  	_ =	swait.ge [sflag:s3], $0x200  }
0x167: {  	[sflag:s3] =	ssyncset.done $0x0  }
0x168: {  	[sflag:s3] =	ssyncadd.s32 $0xFFFFFE00  }
0x169: {  	[tilespmem:s5], [sflag:$0x1] =	stream.indirect.gather [hbm4b:s4+s5], $0x80, s2, s5, $0xb8;
	[tilespmem:$0x10200] =	vst v63  }
0x16a: {  	_ =	swait.ge [sflag:s6], $0x10000  }
0x16b: {  	[sflag:s6] =	ssyncset.done $0x0  }
0x16c: {  	[sflag:s6] =	ssyncadd.s32 $0xFFFF0000  }
0x16d: {  	[hbm4b:s24+s2] =	stream.linear.scatter [tilespmem:s5], [sflag:$0x2], $0x10000, $0x38;
	[tilespmem:$0x10200] =	vst v63  }
0x16e: {  	_ =	swait.ge [sflag:s3], $0x10000  }
0x16f: {  	[sflag:s3] =	ssyncset.done $0x0  }
0x170: {  	[sflag:s3] =	ssyncadd.s32 $0xFFFF0000  }
0x171: {  	[tilespmem:s2], [sflag:$0x2] =	stream.linear.gather [hbm4b:s25+s2], $0x200, $0x38;
	[tilespmem:$0x10200] =	vst v63  }
0x172: {  	_ =	swait.ge [sflag:s3], $0x200  }
0x173: {  	[sflag:s3] =	ssyncset.done $0x0  }
0x174: {  	[sflag:s3] =	ssyncadd.s32 $0xFFFFFE00  }
0x175: {  	[tilespmem:s5], [sflag:$0x1] =	stream.indirect.gather [hbm4b:s4+s5], $0x80, s2, s5, $0xb8;
	[tilespmem:$0x10200] =	vst v63  }
0x176: {  	_ =	swait.ge [sflag:s6], $0x10000  }
0x177: {  	[sflag:s6] =	ssyncset.done $0x0  }
0x178: {  	[sflag:s6] =	ssyncadd.s32 $0xFFFF0000  }
0x179: {  	[hbm4b:s26+s2] =	stream.linear.scatter [tilespmem:s5], [sflag:$0x2], $0x10000, $0x38;
	[tilespmem:$0x10200] =	vst v63  }
0x17a: {  	_ =	swait.ge [sflag:s3], $0x10000  }
0x17b: {  	[sflag:s3] =	ssyncset.done $0x0  }
0x17c: {  	[sflag:s3] =	ssyncadd.s32 $0xFFFF0000  }
0x17d: {  	[tilespmem:s2], [sflag:$0x2] =	stream.linear.gather [hbm4b:s28+s2], $0x200, $0x38;
	[tilespmem:$0x10200] =	vst v63  }
0x17e: {  	_ =	swait.ge [sflag:s3], $0x200  }
0x17f: {  	[sflag:s3] =	ssyncset.done $0x0  }
0x180: {  	[sflag:s3] =	ssyncadd.s32 $0xFFFFFE00  }
0x181: {  	[tilespmem:s5], [sflag:$0x1] =	stream.indirect.gather [hbm4b:s4+s5], $0x80, s2, s5, $0xb8;
	[tilespmem:$0x10200] =	vst v63  }
0x182: {  	_ =	swait.ge [sflag:s6], $0x10000  }
0x183: {  	[sflag:s6] =	ssyncset.done $0x0  }
0x184: {  	[sflag:s6] =	ssyncadd.s32 $0xFFFF0000  }
0x185: {  	[hbm4b:s29+s2] =	stream.linear.scatter [tilespmem:s5], [sflag:$0x2], $0x10000, $0x38;
	[tilespmem:$0x10200] =	vst v63  }
0x186: {  	_ =	swait.ge [sflag:s3], $0x10000  }
0x187: {  	[sflag:s3] =	ssyncset.done $0x0  }
0x188: {  	[sflag:s3] =	ssyncadd.s32 $0xFFFF0000  }
0x189: {  	[tilespmem:s2], [sflag:$0x2] =	stream.linear.gather [hbm4b:s30+s2], $0x200, $0x38;
	[tilespmem:$0x10200] =	vst v63  }
0x18a: {  	_ =	swait.ge [sflag:s3], $0x200  }
0x18b: {  	[sflag:s3] =	ssyncset.done $0x0  }
0x18c: {  	p0 =	sne.s32 s0, $0x1;
	[sflag:s3] =	ssyncadd.s32 $0xFFFFFE00  }
0x18d: {  	[tilespmem:s5], [sflag:$0x1] =	stream.indirect.gather [hbm4b:s4+s5], $0x80, s2, s5, $0xb8;
	[tilespmem:$0x10200] =	vst v63  }
.Ltmp1:
0x18e: {  	_ =	swait.ge [sflag:s6], $0x10000;
	(pc) =	sbr.rel @p0 .LBB2_1-.Ltmp1, $4  }
0x18f: {  	[sflag:s6] =	ssyncset.done $0x0  }
0x190: {  	[sflag:s6] =	ssyncadd.s32 $0xFFFF0000  }
0x191: {  	[hbm4b:s31+s2] =	stream.linear.scatter [tilespmem:s5], [sflag:$0x2], $0x10000, $0x38;
	[tilespmem:$0x10200] =	vst v63  }
0x192: {  	s0 =	sadd.s32 $0xFFFFFFFF, s0;
	_ =	swait.ge [sflag:s3], $0x10000  }
.LBB2_2:
0x193: {  	[sflag:s3] =	ssyncset.done $0x0  }
0x194: {  	[sflag:s3] =	ssyncadd.s32 $0xFFFF0000  }
0x195: {  	_ =	sfence.sel $0x180000  }
0x196: {  	[bflag:$0x0] =	sbarrier.arrive $0xFFFF  }
0x197: {  	_ =	strace $0x90000047  }
0x198: {  	s0 =	stileid.u32;
	[bflag:$0x2] =	sbarrier.arrive $0xFFFF  }
0x199: {  	p0 =	sne.s32 s0, $0x0;
	s0 =	rddreg [dreg:$0x2]  }
0x19a: {  	s0 =	sadd.s32 @!p0 $0x100000, s0  }
0x19b: {  	[sflag:s0] =	ssyncadd.tile.s32 @!p0 $0x1;
	_ =	shalt  }
.Lfunc_end2:
_tile_overlayer_lowered:
.L_overlay_start_2:
0x19c: {  	(tag) =	ssettag $0x2  }
0x19d: {  	s0 =	rddreg [dreg:$0x0];
	s2 =	stileid.u32  }
0x19e: {  	s1 =	rddreg [dreg:$0x1];
	p0 =	sne.s32 s2, $0x0  }
0x19f: {  	s3 =	rddreg [dreg:$0x2];
	[bflag:$0x3] =	sbarrier.arrive $0xFFFF;
	s2 =	simm.s32 @!p0 $0x1C02  }
0x1a0: {  	[timem:s3], [sflag:s2] =	dma.local @!p0 [hbm:s0], s1  }
0x1a1: {  	s0 =	simm.s32 @!p0 $0x2  }
0x1a2: {  	_ =	swait.ge @!p0 [sflag:s0], s1  }
0x1a3: {  	s1 =	ssub.s32 @!p0 $0x0, s1;
	[sflag:s0] =	ssyncset.done @!p0 $0x0  }
0x1a4: {  	[sflag:s0] =	ssyncadd.s32 @!p0 s1  }
0x1a5: {  	[bflag:$0x3] =	sbarrier.arrive $0xFFFF  }
0x1a6: {  	_ =	shalt  }

// kernel: kernel.21.cloned.1.call-start
scs
__scs_entry_jumppad:
0x0: {  	(pc) =	sbr.rel $0x88, $3  }
0x1: {  	(tag) =	ssettag $0x0;
	lr =	simm.s32 $0x1  }
0x2: {  	[smem:$0x3F79] =	sst lr;
	_ =	strace $0xD0000000  }
0x3: {  	_ = 	snop  }
0x4: {  	_ = 	snop  }
0x5: {  	_ = 	snop  }
0x6: {  	_ = 	snop  }
0x7: {  	_ = 	snop  }
__scs_overlays_trampoline_lowered:
0x8: {  	[smem:$0x3F88] =	sst s0  }
0x9: {  	[smem:$0x3F89] =	sst s1  }
0xa: {  	[smem:$0x3F8A] =	sst s2  }
0xb: {  	[smem:$0x3F8B] =	sst s3  }
0xc: {  	[smem:$0x3F8C] =	sst s4  }
0xd: {  	[smem:$0x3F8D] =	sst s5  }
0xe: {  	[smem:$0x3F8E] =	sst s6  }
0xf: {  	[smem:$0x3F8F] =	sst s7  }
0x10: {  	[smem:$0x3F90] =	sst s8  }
0x11: {  	[smem:$0x3F91] =	sst s9;
	s0 =	simm.s32 @!p0 $0x0  }
0x12: {  	s1 =	sld [smem:$0x3F77];
	s0 =	simm.s32 @p0 $0x1  }
0x13: {  	[smem:$0x3F92] =	sst s0;
	s0 =	simm.s32 @!p1 $0x0  }
0x14: {  	s2 =	sld [smem:$0x3F76];
	s0 =	simm.s32 @p1 $0x1  }
0x15: {  	[smem:$0x3F93] =	sst s0;
	s0 =	simm.s32 @!p2 $0x0  }
0x16: {  	s3 =	sld [smem:$0x3FDB];
	s0 =	simm.s32 @p2 $0x1  }
0x17: {  	s4 =	simm.s32 $0x1BF5;
	[smem:$0x3F95] =	sst s0  }
0x18: {  	s0 =	sld [smem:$0x3F78];
	_ =	swait.ge [sflag:s4], $0x0  }
0x19: {  	s7 =	sld [smem:$0x3F79]  }
0x1a: {  	s8 =	sadd.s32 $0xFFFFE003, lr  }
0x1b: {  	s9 =	sadd.s32 $0xFFFFFEF7, lr;
	s5 =	simm.s32 $0xFFFFFFFF;
	p2 =	slt.u32 s8, $0xFFFFF086  }
0x1c: {  	p1 =	slt.u32 s9, $0xF7A;
	s5 =	simm.s32 @!p2 $0x0  }
0x1d: {  	s5 =	simm.s32 @p1 $0x1;
	p0 =	seq.s32 s7, s2  }
0x1e: {  	s7 =	smul.u32 @!p0 $0xF7A, s2;
	p2 =	seq.s32 @!p0 s5, $0x0  }
0x1f: {  	s9 =	smul.u32 $0xF7A, s1;
	s8 =	simm.s32 @!p0 $0x1BF5;
	p2 =	por !p2, p0  }
0x20: {  	[sflag:s8] =	ssyncset.s32 @!p0 $0xFFFFF086;
	s6 =	sadd.s32 @!p0 s3, s7;
	s7 =	simm.s32 @!p0 $0x108  }
0x21: {  	s3 =	sadd.s32 s3, s9;
	s6 =	sadd.s32 @!p0 $0x88, s6;
	s7 =	simm.s32 @p2 $0x1082  }
0x22: {  	[simem:s7], [sflag:s8] =	dma.local @!p0 [hbm:s6], $0xF7A  }
0x23: {  	s9 =	sor.u32 $0xD0000000, s2;
	s6 =	simm.s32 $0x108;
	_ =	swait.ge @!p0 [sflag:s8], $0x0  }
0x24: {  	s3 =	sadd.s32 $0x88, s3;
	s6 =	simm.s32 @!p1 $0x1082;
	[sflag:s4] =	ssyncset.s32 $0xFFFFF086  }
0x25: {  	[simem:s6], [sflag:s4] =	dma.local [hbm:s3], $0xF7A  }
0x26: {  	[smem:$0x3F79] =	sst s1;
	(tag) =	ssettag s2;
	_ =	strace s9  }
0x27: {  	s1 =	sld [smem:$0x3F89]  }
0x28: {  	s2 =	sld [smem:$0x3F8A]  }
0x29: {  	s4 =	sld [smem:$0x3F8C]  }
0x2a: {  	p0 =	seq.s32 s5, $0x0;
	s5 =	sld [smem:$0x3F8D]  }
0x2b: {  	s6 =	sld [smem:$0x3F8E]  }
0x2c: {  	s7 =	sld [smem:$0x3F8F]  }
0x2d: {  	s3 =	simm.s32 $0x108;
	s8 =	sld [smem:$0x3F90]  }
0x2e: {  	s3 =	simm.s32 @!p0 $0x1082;
	s9 =	sld [smem:$0x3F91]  }
0x2f: {  	lr =	sadd.s32 s0, s3;
	s0 =	sld [smem:$0x3F88]  }
0x30: {  	s3 =	sld [smem:$0x3F8B]  }
0x31: {  	[smem:$0x3F94] =	sst s10  }
0x32: {  	s10 =	sld [smem:$0x3F92];
	_ =	sdelay $0x3  }
0x33: {  	p0 =	seq.s32 s10, $0x1;
	s10 =	sld [smem:$0x3F94];
	_ =	sdelay $0x3  }
0x34: {  	[smem:$0x3F94] =	sst s10  }
0x35: {  	s10 =	sld [smem:$0x3F93];
	_ =	sdelay $0x3  }
0x36: {  	p1 =	seq.s32 s10, $0x1;
	s10 =	sld [smem:$0x3F94];
	_ =	sdelay $0x3  }
0x37: {  	[smem:$0x3F94] =	sst s10  }
0x38: {  	s10 =	sld [smem:$0x3F95]  }
0x39: {  	_ = 	snop;
	(pc) =	sbr.ind lr, $3  }
0x3a: {  	_ = 	snop  }
0x3b: {  	_ = 	snop  }
0x3c: {  	p2 =	seq.s32 s10, $0x1;
	s10 =	sld [smem:$0x3F94]  }
0x3d: {  	_ =	shalt  }
0x3e: {  	_ =	shalt  }
0x3f: {  	_ =	shalt  }
0x40: {  	_ =	shalt  }
0x41: {  	_ =	shalt  }
0x42: {  	_ =	shalt  }
0x43: {  	_ =	shalt  }
0x44: {  	_ =	shalt  }
0x45: {  	_ =	shalt  }
0x46: {  	_ =	shalt  }
0x47: {  	_ =	shalt  }
0x48: {  	_ =	shalt  }
0x49: {  	_ =	shalt  }
0x4a: {  	_ =	shalt  }
0x4b: {  	_ =	shalt  }
0x4c: {  	_ =	shalt  }
0x4d: {  	_ =	shalt  }
0x4e: {  	_ =	shalt  }
0x4f: {  	_ =	shalt  }
0x50: {  	_ =	shalt  }
0x51: {  	_ =	shalt  }
0x52: {  	_ =	shalt  }
0x53: {  	_ =	shalt  }
0x54: {  	_ =	shalt  }
0x55: {  	_ =	shalt  }
0x56: {  	_ =	shalt  }
0x57: {  	_ =	shalt  }
0x58: {  	_ =	shalt  }
0x59: {  	_ =	shalt  }
0x5a: {  	_ =	shalt  }
0x5b: {  	_ =	shalt  }
0x5c: {  	_ =	shalt  }
0x5d: {  	_ =	shalt  }
0x5e: {  	_ =	shalt  }
0x5f: {  	_ =	shalt  }
0x60: {  	_ =	shalt  }
0x61: {  	_ =	shalt  }
0x62: {  	_ =	shalt  }
0x63: {  	_ =	shalt  }
0x64: {  	_ =	shalt  }
0x65: {  	_ =	shalt  }
0x66: {  	_ =	shalt  }
0x67: {  	_ =	shalt  }
0x68: {  	_ =	shalt  }
0x69: {  	_ =	shalt  }
0x6a: {  	_ =	shalt  }
0x6b: {  	_ =	shalt  }
0x6c: {  	_ =	shalt  }
0x6d: {  	_ =	shalt  }
0x6e: {  	_ =	shalt  }
0x6f: {  	_ =	shalt  }
0x70: {  	_ =	shalt  }
0x71: {  	_ =	shalt  }
0x72: {  	_ =	shalt  }
0x73: {  	_ =	shalt  }
0x74: {  	_ =	shalt  }
0x75: {  	_ =	shalt  }
0x76: {  	_ =	shalt  }
0x77: {  	_ =	shalt  }
0x78: {  	_ =	shalt  }
0x79: {  	_ =	shalt  }
0x7a: {  	_ =	shalt  }
0x7b: {  	_ =	shalt  }
0x7c: {  	_ =	shalt  }
0x7d: {  	_ =	shalt  }
0x7e: {  	_ =	shalt  }
0x7f: {  	_ =	shalt  }
0x80: {  	_ =	shalt  }
0x81: {  	_ =	shalt  }
0x82: {  	_ =	shalt  }
0x83: {  	_ =	shalt  }
0x84: {  	_ =	shalt  }
0x85: {  	_ =	shalt  }
0x86: {  	_ =	shalt  }
0x87: {  	_ =	shalt  }
.Lfunc_end0:
.L_simem_size_0:
called_computation.1_lowered:
.L_overlay_start_0:
0x88: {  	s2 =	sld [smem:$0x3FD9]  }
0x89: {  	s3 =	sld [smem:$0x3FFE];
	_ =	sdelay $0x1  }
0x8a: {  	s1 =	srdreg.scid  }
0x8b: {  	s0 =	sand.u32 $0x1, s1  }
0x8c: {  	s16 =	sshll.u32 s0, $0xA;
	s2 =	sadd.s32 s3, s2  }
0x8d: {  	s2 =	sadd.s32 s2, s16  }
0x8e: {  	[smem:$0x3FA0] =	sst s2  }
0x8f: {  	_ = 	snop  }
0x90: {  	(tm) =	ssettm $0x1  }
0x91: {  	s17 =	sld [smem:$0x3FFB];
	_ =	sdelay $0x3  }
0x92: {  	_ =	strace s17  }
0x93: {  	s2 =	sld [smem:$0x3FFC];
	_ =	sdelay $0x3  }
0x94: {  	_ =	strace s2  }
0x95: {  	s2 =	sld [smem:$0x3FFD];
	_ =	sdelay $0x3  }
0x96: {  	_ =	strace s2  }
0x97: {  	_ =	strace $0x8FFFFFFF  }
0x98: {  	s18 =	sld [smem:$0x3FDB];
	_ =	sdelay $0x1  }
0x99: {  	s19 =	simm.s32 $_scs_section_size  }
0x9a: {  	s4 =	simm.s32 $_size__tile_overlayer_lowered;
	s5 =	simm.s32 $_tile_overlayer_lowered  }
0x9b: {  	s22 =	simm.s32 $0x1BFF;
	s21 =	sshll.u32 s5, $0x1;
	s2 =	sadd.s32 s19, s18  }
0x9c: {  	s6 =	simm.s32 $0x0;
	s20 =	sshll.u32 s4, $0x1;
	s4 =	sadd.s32 s21, s2  }
0x9d: {  	[timem:s6], [sflag:s22] =	dma.local [hbm:s4], s20  }
0x9e: {  	_ =	swait.ge [sflag:s22], s20  }
0x9f: {  	s3 =	ssub.s32 $0x0, s20;
	[sflag:s22] =	ssyncset.done $0x0  }
0xa0: {  	[sflag:s22] =	ssyncadd.s32 s3;
	_ =	sdelay $0x1  }
0xa1: {  	s23 =	simm.s32 $0x1B8B  }
0xa2: {  	_ =	swait.ge [sflag:s23], $0x1  }
0xa3: {  	[sflag:s23] =	ssyncset.done $0x0  }
0xa4: {  	s25 =	simm.s32 $0x1B8E;
	s24 =	sld [smem:$0x3FFE];
	[sflag:s23] =	ssyncadd.s32 $0xFFFFFFFF  }
0xa5: {  	s26 =	simm.s32 $execute0_lowered;
	[smem:$0x3FD2] =	sst s25  }
0xa6: {  	s4 =	sshll.u32 s26, $0x1;
	_ =	strace $0x80000049;
	[dreg:$0x1] =	wrdreg $0xFFFFFFFF  }
0xa7: {  	s28 =	simm.s32 $_size_execute0_lowered;
	s2 =	sadd.s32 s2, s4;
	[dreg:$0x0] =	wrdreg $0x0  }
0xa8: {  	s4 =	sshll.u32 s28, $0x1;
	[dreg:$0x2] =	wrdreg s2  }
0xa9: {  	[dreg:$0x3] =	wrdreg s4  }
0xaa: {  	[dreg:$0x4] =	wrdreg $0xC0  }
0xab: {  	_ =	task [dreg:s6], $0x5FFFF  }
0xac: {  	[dreg:$0x1] =	wrdreg $0xFFFFFFFF  }
0xad: {  	[dreg:$0x0] =	wrdreg $0x60  }
0xae: {  	[dreg:$0x2] =	wrdreg s24  }
0xaf: {  	[dreg:$0x3] =	wrdreg $0x9  }
0xb0: {  	_ =	task.clear_ibuf [dreg:s6], $0x4FFFF;
	_ =	strace $0x90000049  }
0xb1: {  	s29 =	simm.s32 $0x9;
	_ =	strace $0x8000004B  }
0xb2: {  	_ =	swait.ge [sflag:s29], $0x1  }
0xb3: {  	[sflag:s29] =	ssyncadd.s32 $0xFFFFFFFF  }
0xb4: {  	_ =	strace $0x9000004B  }
0xb5: {  	_ =	sfence  }
0xb6: {  	s30 =	sld [smem:$0x0];
	_ =	sdelay $0x2  }
0xb7: {  	s31 =	sshll.u32 s1, $0xD;
	s1 =	sshrl.u32 s1, $0x2  }
0xb8: {  	s3 =	sand.u32 $0x4000, s31;
	s1 =	sadd.s32 s1, s30  }
0xb9: {  	s0 =	sor.u32 s3, s0;
	s1 =	sshll.u32 s1, $0x11  }
0xba: {  	s0 =	sor.u32 s1, s0  }
0xbb: {  	s0 =	sadd.s32 $0x8F2B, s0  }
0xbc: {  	[sflag:s0] =	ssyncadd.remote.s32 $0x1  }
0xbd: {  	_ =	sfence.sel $0xFFFF  }
0xbe: {  	[dreg:$0x0] =	wrdreg $0xFFFFFFFF;
	(pc) =	sbr.abs _section_cstart, $3  }
0xbf: {  	[dreg:$0x1] =	wrdreg $0xFFFFFFFF  }
0xc0: {  	_ =	task.clear_ibuf [dreg:s6], $0x2FFFF;
	_ =	strace $0x9FFFFFFF  }
0xc1: {  	(tm) =	ssettm $0x7FFFFFFF  }
tec
execute0_lowered:
.L_overlay_start_1:
0x0: {  	(tag) =	ssettag $0x1  }
0x1: {  	s0 =	rddreg [dreg:$0x0];
	s1 =	srdreg.scid;
	s2 =	simm.s32 $0x0  }
0x2: {  	s3 =	stileid.u32;
	s1 =	sand.u32 $0x1, s1;
	[smem:$0x7FF] =	sst s2  }
0x3: {  	s3 =	sshll.u32 s3, $0xC;
	s5 =	sadd.s32 $0x61800, s0;
	s4 =	sshll.u32 s1, $0xB  }
0x4: {  	s6 =	sadd.s32 $0xC9000, s0;
	s1 =	ssub.s32 $0x2, s1;
	s4 =	sor.u32 s4, s3  }
0x5: {  	_ =	strace $0x8000004A;
	s25 =	sshrl.u32 s1, $0x1;
	s3 =	sshrl.u32 s4, $0x3  }
0x6: {  	s7 =	sshll.u32 s4, $0x5;
	s8 =	sor.u32 $0x100, s4;
	s31 =	sor.u32 $0x200, s4  }
0x7: {  	s10 =	sor.u32 $0x300, s4;
	s16 =	sor.u32 $0x400, s4;
	s18 =	sor.u32 $0x500, s4  }
0x8: {  	s24 =	sor.u32 $0x600, s4;
	s4 =	sor.u32 $0x700, s4;
	s1 =	ssub.s32 s1, s25  }
0x9: {  	s3 =	sadd.s32 s5, s3;
	s26 =	sadd.s32 s6, s7;
	s28 =	sshrl.u32 s8, $0x3  }
0xa: {  	s30 =	sshll.u32 s8, $0x5;
	s9 =	sshll.u32 s31, $0x5;
	[dreg:$0x2] =	wrdreg s3  }
0xb: {  	s12 =	sshrl.u32 s10, $0x3;
	[dreg:$0x3] =	wrdreg s26;
	s29 =	sadd.s32 s5, s28  }
0xc: {  	s14 =	sshll.u32 s10, $0x5;
	s7 =	sadd.s32 s6, s30;
	[dreg:$0x4] =	wrdreg s29  }
0xd: {  	s17 =	sshrl.u32 s16, $0x3;
	s11 =	sadd.s32 s6, s9;
	[dreg:$0x5] =	wrdreg s7  }
0xe: {  	s20 =	sshrl.u32 s18, $0x3;
	s13 =	sadd.s32 s5, s12;
	[dreg:$0x7] =	wrdreg s11  }
0xf: {  	s22 =	sshll.u32 s18, $0x5;
	s15 =	sadd.s32 s6, s14;
	[dreg:$0x8] =	wrdreg s13  }
0x10: {  	s3 =	sadd.s32 $0xA9000, s0;
	s21 =	sadd.s32 s5, s20;
	[dreg:$0x9] =	wrdreg s15  }
0x11: {  	s23 =	sadd.s32 s6, s22;
	s7 =	sshrl.u32 s31, $0x3;
	[dreg:$0xc] =	wrdreg s21  }
0x12: {  	[dreg:$0xd] =	wrdreg s23;
	s29 =	sshrl.u32 s4, $0x3;
	s0 =	sadd.s32 s5, s7  }
0x13: {  	s4 =	sshll.u32 s4, $0x5;
	s30 =	sadd.s32 s5, s29;
	[dreg:$0x6] =	wrdreg s0  }
0x14: {  	s26 =	sshrl.u32 s24, $0x3;
	s31 =	sadd.s32 s6, s4;
	[dreg:$0x10] =	wrdreg s30  }
0x15: {  	s7 =	sshll.u32 s16, $0x5;
	s0 =	sadd.s32 s5, s17;
	[dreg:$0x11] =	wrdreg s31  }
0x16: {  	s12 =	simm.s32 $0x1;
	s19 =	sadd.s32 s6, s7;
	[dreg:$0xa] =	wrdreg s0  }
0x17: {  	v2 =	vlaneseq.u32;
	s7 =	sshll.u32 s24, $0x5;
	[dreg:$0xb] =	wrdreg s19;
	s0 =	sadd.s32 s5, s26  }
0x18: {  	vm0 =	vmmov $0xffff;
	v1 =	vshrl.u32 v2, $0x3;
	s28 =	sadd.s32 s6, s7;
	s5 =	simm.s32 $0x2;
	[dreg:$0xe] =	wrdreg s0  }
0x19: {  	v0 =	vand.u32 $0x7, v2;
	v2 =	vor.u32 $0x8, v2;
	v1 =	vmul.u32 $0x8, v1;
	s6 =	simm.s32 $0x100;
	[dreg:$0xf] =	wrdreg s28;
	s0 =	smax.u32 s1, $0x1  }
.LBB2_1:
0x1a: {  	[dreg:$0x12] =	wrdreg s0  }
0x1b: {  	s13 =	rddreg [dreg:$0x2]  }
0x1c: {  	[tilespmem:s2], [sflag:$0x2] =	stream.linear.gather [hbm4b:s13+s2], $0x100, $0x38;
	[tilespmem:$0x10100] =	vst v63  }
0x1d: {  	_ =	swait.ge [sflag:s5], $0x100  }
0x1e: {  	[sflag:s5] =	ssyncset.done $0x0  }
0x1f: {  	[sflag:s5] =	ssyncadd.s32 $0xFFFFFF00  }
0x20: {  	v3 =	vld [tilespmem:$0x0];
	_ =	sdelay $0x4  }
0x21: {  	v4 =	vshll.u32 v3, $0x1  }
0x22: {  	v3 =	vand.u32 $0x7, v3;
	v4 =	vand.u32 $0xFFFFFFF0, v4  }
0x23: {  	v3 =	vor.u32 v3, v4  }
0x24: {  	v4 =	vperm.xlane v3, v0;
	_ =	sdelay $0x1  }
0x25: {  	v3 =	vperm.xlane v3, v2;
	v4 =	vadd.s32 v1, v4;
	_ =	sdelay $0x1  }
0x26: {  	v3 =	vadd.s32 v1, v3;
	_ =	sdelay $0x2  }
0x27: {  	[tilespmem:s6], [sflag:$0x1] =	stream.indirect_vreg.gather [hbm4b:s3+s2], $0x80, v4, vm0, $0xb8;
	[tilespmem:$0x10100] =	vst v63  }
0x28: {  	s16 =	simm.s32 $0x900  }
0x29: {  	[tilespmem:s16], [sflag:$0x1] =	stream.indirect_vreg.gather [hbm4b:s3+s2], $0x80, v3, vm0, $0xb8;
	[tilespmem:$0x10100] =	vst v63  }
0x2a: {  	v3 =	vld [tilespmem:$0x10];
	_ =	sdelay $0x4  }
0x2b: {  	v49 =	vshll.u32 v3, $0x1  }
0x2c: {  	v3 =	vand.u32 $0x7, v3;
	v4 =	vand.u32 $0xFFFFFFF0, v49  }
0x2d: {  	v3 =	vor.u32 v3, v4  }
0x2e: {  	v4 =	vperm.xlane v3, v0;
	_ =	sdelay $0x1  }
0x2f: {  	v3 =	vperm.xlane v3, v2;
	v4 =	vadd.s32 v1, v4;
	_ =	sdelay $0x1  }
0x30: {  	v3 =	vadd.s32 v1, v3;
	_ =	sdelay $0x1  }
0x31: {  	s17 =	simm.s32 $0x1100  }
0x32: {  	[tilespmem:s17], [sflag:$0x1] =	stream.indirect_vreg.gather [hbm4b:s3+s2], $0x80, v4, vm0, $0xb8;
	[tilespmem:$0x10100] =	vst v63  }
0x33: {  	s19 =	simm.s32 $0x1900  }
0x34: {  	[tilespmem:s19], [sflag:$0x1] =	stream.indirect_vreg.gather [hbm4b:s3+s2], $0x80, v3, vm0, $0xb8;
	[tilespmem:$0x10100] =	vst v63  }
0x35: {  	v3 =	vld [tilespmem:$0x20];
	_ =	sdelay $0x4  }
0x36: {  	v50 =	vshll.u32 v3, $0x1  }
0x37: {  	v3 =	vand.u32 $0x7, v3;
	v4 =	vand.u32 $0xFFFFFFF0, v50  }
0x38: {  	v3 =	vor.u32 v3, v4  }
0x39: {  	v4 =	vperm.xlane v3, v0;
	_ =	sdelay $0x1  }
0x3a: {  	v3 =	vperm.xlane v3, v2;
	v4 =	vadd.s32 v1, v4;
	_ =	sdelay $0x1  }
0x3b: {  	v3 =	vadd.s32 v1, v3;
	_ =	sdelay $0x1  }
0x3c: {  	s20 =	simm.s32 $0x2100  }
0x3d: {  	[tilespmem:s20], [sflag:$0x1] =	stream.indirect_vreg.gather [hbm4b:s3+s2], $0x80, v4, vm0, $0xb8;
	[tilespmem:$0x10100] =	vst v63  }
0x3e: {  	s21 =	simm.s32 $0x2900  }
0x3f: {  	[tilespmem:s21], [sflag:$0x1] =	stream.indirect_vreg.gather [hbm4b:s3+s2], $0x80, v3, vm0, $0xb8;
	[tilespmem:$0x10100] =	vst v63  }
0x40: {  	v3 =	vld [tilespmem:$0x30];
	_ =	sdelay $0x4  }
0x41: {  	v51 =	vshll.u32 v3, $0x1  }
0x42: {  	v3 =	vand.u32 $0x7, v3;
	v4 =	vand.u32 $0xFFFFFFF0, v51  }
0x43: {  	v3 =	vor.u32 v3, v4  }
0x44: {  	v4 =	vperm.xlane v3, v0;
	_ =	sdelay $0x1  }
0x45: {  	v3 =	vperm.xlane v3, v2;
	v4 =	vadd.s32 v1, v4;
	_ =	sdelay $0x1  }
0x46: {  	v3 =	vadd.s32 v1, v3;
	_ =	sdelay $0x1  }
0x47: {  	s22 =	simm.s32 $0x3100  }
0x48: {  	[tilespmem:s22], [sflag:$0x1] =	stream.indirect_vreg.gather [hbm4b:s3+s2], $0x80, v4, vm0, $0xb8;
	[tilespmem:$0x10100] =	vst v63  }
0x49: {  	s23 =	simm.s32 $0x3900  }
0x4a: {  	[tilespmem:s23], [sflag:$0x1] =	stream.indirect_vreg.gather [hbm4b:s3+s2], $0x80, v3, vm0, $0xb8;
	[tilespmem:$0x10100] =	vst v63  }
0x4b: {  	v3 =	vld [tilespmem:$0x40];
	_ =	sdelay $0x4  }
0x4c: {  	v52 =	vshll.u32 v3, $0x1  }
0x4d: {  	v3 =	vand.u32 $0x7, v3;
	v4 =	vand.u32 $0xFFFFFFF0, v52  }
0x4e: {  	v3 =	vor.u32 v3, v4  }
0x4f: {  	v4 =	vperm.xlane v3, v0;
	_ =	sdelay $0x1  }
0x50: {  	v3 =	vperm.xlane v3, v2;
	v4 =	vadd.s32 v1, v4;
	_ =	sdelay $0x1  }
0x51: {  	v3 =	vadd.s32 v1, v3;
	_ =	sdelay $0x1  }
0x52: {  	s24 =	simm.s32 $0x4100  }
0x53: {  	[tilespmem:s24], [sflag:$0x1] =	stream.indirect_vreg.gather [hbm4b:s3+s2], $0x80, v4, vm0, $0xb8;
	[tilespmem:$0x10100] =	vst v63  }
0x54: {  	s25 =	simm.s32 $0x4900  }
0x55: {  	[tilespmem:s25], [sflag:$0x1] =	stream.indirect_vreg.gather [hbm4b:s3+s2], $0x80, v3, vm0, $0xb8;
	[tilespmem:$0x10100] =	vst v63  }
0x56: {  	v3 =	vld [tilespmem:$0x50];
	_ =	sdelay $0x4  }
0x57: {  	v53 =	vshll.u32 v3, $0x1  }
0x58: {  	v3 =	vand.u32 $0x7, v3;
	v4 =	vand.u32 $0xFFFFFFF0, v53  }
0x59: {  	v3 =	vor.u32 v3, v4  }
0x5a: {  	v4 =	vperm.xlane v3, v0;
	_ =	sdelay $0x1  }
0x5b: {  	v3 =	vperm.xlane v3, v2;
	v4 =	vadd.s32 v1, v4;
	_ =	sdelay $0x1  }
0x5c: {  	v3 =	vadd.s32 v1, v3;
	_ =	sdelay $0x1  }
0x5d: {  	s26 =	simm.s32 $0x5100  }
0x5e: {  	[tilespmem:s26], [sflag:$0x1] =	stream.indirect_vreg.gather [hbm4b:s3+s2], $0x80, v4, vm0, $0xb8;
	[tilespmem:$0x10100] =	vst v63  }
0x5f: {  	s28 =	simm.s32 $0x5900  }
0x60: {  	[tilespmem:s28], [sflag:$0x1] =	stream.indirect_vreg.gather [hbm4b:s3+s2], $0x80, v3, vm0, $0xb8;
	[tilespmem:$0x10100] =	vst v63  }
0x61: {  	v3 =	vld [tilespmem:$0x60];
	_ =	sdelay $0x4  }
0x62: {  	v54 =	vshll.u32 v3, $0x1  }
0x63: {  	v3 =	vand.u32 $0x7, v3;
	v4 =	vand.u32 $0xFFFFFFF0, v54  }
0x64: {  	v3 =	vor.u32 v3, v4  }
0x65: {  	v4 =	vperm.xlane v3, v0;
	_ =	sdelay $0x1  }
0x66: {  	v3 =	vperm.xlane v3, v2;
	v4 =	vadd.s32 v1, v4;
	_ =	sdelay $0x1  }
0x67: {  	v3 =	vadd.s32 v1, v3;
	_ =	sdelay $0x1  }
0x68: {  	s29 =	simm.s32 $0x6100  }
0x69: {  	[tilespmem:s29], [sflag:$0x1] =	stream.indirect_vreg.gather [hbm4b:s3+s2], $0x80, v4, vm0, $0xb8;
	[tilespmem:$0x10100] =	vst v63  }
0x6a: {  	s30 =	simm.s32 $0x6900  }
0x6b: {  	[tilespmem:s30], [sflag:$0x1] =	stream.indirect_vreg.gather [hbm4b:s3+s2], $0x80, v3, vm0, $0xb8;
	[tilespmem:$0x10100] =	vst v63  }
0x6c: {  	v3 =	vld [tilespmem:$0x70];
	_ =	sdelay $0x4  }
0x6d: {  	v55 =	vshll.u32 v3, $0x1  }
0x6e: {  	v3 =	vand.u32 $0x7, v3;
	v4 =	vand.u32 $0xFFFFFFF0, v55  }
0x6f: {  	v3 =	vor.u32 v3, v4  }
0x70: {  	v4 =	vperm.xlane v3, v0;
	_ =	sdelay $0x1  }
0x71: {  	v3 =	vperm.xlane v3, v2;
	v4 =	vadd.s32 v1, v4;
	_ =	sdelay $0x1  }
0x72: {  	v3 =	vadd.s32 v1, v3;
	_ =	sdelay $0x1  }
0x73: {  	s31 =	simm.s32 $0x7100  }
0x74: {  	[tilespmem:s31], [sflag:$0x1] =	stream.indirect_vreg.gather [hbm4b:s3+s2], $0x80, v4, vm0, $0xb8;
	[tilespmem:$0x10100] =	vst v63  }
0x75: {  	s1 =	simm.s32 $0x7900  }
0x76: {  	[tilespmem:s1], [sflag:$0x1] =	stream.indirect_vreg.gather [hbm4b:s3+s2], $0x80, v3, vm0, $0xb8;
	[tilespmem:$0x10100] =	vst v63  }
0x77: {  	v3 =	vld [tilespmem:$0x80];
	_ =	sdelay $0x4  }
0x78: {  	v56 =	vshll.u32 v3, $0x1  }
0x79: {  	v3 =	vand.u32 $0x7, v3;
	v4 =	vand.u32 $0xFFFFFFF0, v56  }
0x7a: {  	v3 =	vor.u32 v3, v4  }
0x7b: {  	v4 =	vperm.xlane v3, v0;
	_ =	sdelay $0x1  }
0x7c: {  	v3 =	vperm.xlane v3, v2;
	v4 =	vadd.s32 v1, v4;
	_ =	sdelay $0x1  }
0x7d: {  	v3 =	vadd.s32 v1, v3;
	_ =	sdelay $0x1  }
0x7e: {  	s4 =	simm.s32 $0x8100  }
0x7f: {  	[tilespmem:s4], [sflag:$0x1] =	stream.indirect_vreg.gather [hbm4b:s3+s2], $0x80, v4, vm0, $0xb8;
	[tilespmem:$0x10100] =	vst v63  }
0x80: {  	s9 =	simm.s32 $0x8900  }
0x81: {  	[tilespmem:s9], [sflag:$0x1] =	stream.indirect_vreg.gather [hbm4b:s3+s2], $0x80, v3, vm0, $0xb8;
	[tilespmem:$0x10100] =	vst v63  }
0x82: {  	v3 =	vld [tilespmem:$0x90];
	_ =	sdelay $0x4  }
0x83: {  	v57 =	vshll.u32 v3, $0x1  }
0x84: {  	v3 =	vand.u32 $0x7, v3;
	v4 =	vand.u32 $0xFFFFFFF0, v57  }
0x85: {  	v3 =	vor.u32 v3, v4  }
0x86: {  	v4 =	vperm.xlane v3, v0;
	_ =	sdelay $0x1  }
0x87: {  	v3 =	vperm.xlane v3, v2;
	v4 =	vadd.s32 v1, v4;
	_ =	sdelay $0x1  }
0x88: {  	v3 =	vadd.s32 v1, v3;
	_ =	sdelay $0x1  }
0x89: {  	s10 =	simm.s32 $0x9100  }
0x8a: {  	[tilespmem:s10], [sflag:$0x1] =	stream.indirect_vreg.gather [hbm4b:s3+s2], $0x80, v4, vm0, $0xb8;
	[tilespmem:$0x10100] =	vst v63  }
0x8b: {  	s11 =	simm.s32 $0x9900  }
0x8c: {  	[tilespmem:s11], [sflag:$0x1] =	stream.indirect_vreg.gather [hbm4b:s3+s2], $0x80, v3, vm0, $0xb8;
	[tilespmem:$0x10100] =	vst v63  }
0x8d: {  	v3 =	vld [tilespmem:$0xA0];
	_ =	sdelay $0x4  }
0x8e: {  	v58 =	vshll.u32 v3, $0x1  }
0x8f: {  	v3 =	vand.u32 $0x7, v3;
	v4 =	vand.u32 $0xFFFFFFF0, v58  }
0x90: {  	v3 =	vor.u32 v3, v4  }
0x91: {  	v4 =	vperm.xlane v3, v0;
	_ =	sdelay $0x1  }
0x92: {  	v3 =	vperm.xlane v3, v2;
	v4 =	vadd.s32 v1, v4;
	_ =	sdelay $0x1  }
0x93: {  	v3 =	vadd.s32 v1, v3;
	_ =	sdelay $0x1  }
0x94: {  	s13 =	simm.s32 $0xA100  }
0x95: {  	[tilespmem:s13], [sflag:$0x1] =	stream.indirect_vreg.gather [hbm4b:s3+s2], $0x80, v4, vm0, $0xb8;
	[tilespmem:$0x10100] =	vst v63  }
0x96: {  	s14 =	simm.s32 $0xA900  }
0x97: {  	[tilespmem:s14], [sflag:$0x1] =	stream.indirect_vreg.gather [hbm4b:s3+s2], $0x80, v3, vm0, $0xb8;
	[tilespmem:$0x10100] =	vst v63  }
0x98: {  	v3 =	vld [tilespmem:$0xB0];
	_ =	sdelay $0x4  }
0x99: {  	v59 =	vshll.u32 v3, $0x1  }
0x9a: {  	v3 =	vand.u32 $0x7, v3;
	v4 =	vand.u32 $0xFFFFFFF0, v59  }
0x9b: {  	v3 =	vor.u32 v3, v4  }
0x9c: {  	v4 =	vperm.xlane v3, v0;
	_ =	sdelay $0x1  }
0x9d: {  	v3 =	vperm.xlane v3, v2;
	v4 =	vadd.s32 v1, v4;
	_ =	sdelay $0x1  }
0x9e: {  	v3 =	vadd.s32 v1, v3;
	_ =	sdelay $0x1  }
0x9f: {  	s15 =	simm.s32 $0xB100  }
0xa0: {  	[tilespmem:s15], [sflag:$0x1] =	stream.indirect_vreg.gather [hbm4b:s3+s2], $0x80, v4, vm0, $0xb8;
	[tilespmem:$0x10100] =	vst v63  }
0xa1: {  	s16 =	simm.s32 $0xB900  }
0xa2: {  	[tilespmem:s16], [sflag:$0x1] =	stream.indirect_vreg.gather [hbm4b:s3+s2], $0x80, v3, vm0, $0xb8;
	[tilespmem:$0x10100] =	vst v63  }
0xa3: {  	v3 =	vld [tilespmem:$0xC0];
	_ =	sdelay $0x4  }
0xa4: {  	v60 =	vshll.u32 v3, $0x1  }
0xa5: {  	v3 =	vand.u32 $0x7, v3;
	v4 =	vand.u32 $0xFFFFFFF0, v60  }
0xa6: {  	v3 =	vor.u32 v3, v4  }
0xa7: {  	v4 =	vperm.xlane v3, v0;
	_ =	sdelay $0x1  }
0xa8: {  	v3 =	vperm.xlane v3, v2;
	v4 =	vadd.s32 v1, v4;
	_ =	sdelay $0x1  }
0xa9: {  	v3 =	vadd.s32 v1, v3;
	_ =	sdelay $0x1  }
0xaa: {  	s20 =	simm.s32 $0xC100  }
0xab: {  	[tilespmem:s20], [sflag:$0x1] =	stream.indirect_vreg.gather [hbm4b:s3+s2], $0x80, v4, vm0, $0xb8;
	[tilespmem:$0x10100] =	vst v63  }
0xac: {  	s22 =	simm.s32 $0xC900  }
0xad: {  	[tilespmem:s22], [sflag:$0x1] =	stream.indirect_vreg.gather [hbm4b:s3+s2], $0x80, v3, vm0, $0xb8;
	[tilespmem:$0x10100] =	vst v63  }
0xae: {  	v3 =	vld [tilespmem:$0xD0];
	_ =	sdelay $0x4  }
0xaf: {  	v61 =	vshll.u32 v3, $0x1  }
0xb0: {  	v3 =	vand.u32 $0x7, v3;
	v4 =	vand.u32 $0xFFFFFFF0, v61  }
0xb1: {  	v3 =	vor.u32 v3, v4  }
0xb2: {  	v4 =	vperm.xlane v3, v0;
	_ =	sdelay $0x1  }
0xb3: {  	v3 =	vperm.xlane v3, v2;
	v4 =	vadd.s32 v1, v4;
	_ =	sdelay $0x1  }
0xb4: {  	v3 =	vadd.s32 v1, v3;
	_ =	sdelay $0x1  }
0xb5: {  	s23 =	simm.s32 $0xD100  }
0xb6: {  	[tilespmem:s23], [sflag:$0x1] =	stream.indirect_vreg.gather [hbm4b:s3+s2], $0x80, v4, vm0, $0xb8;
	[tilespmem:$0x10100] =	vst v63  }
0xb7: {  	s24 =	simm.s32 $0xD900  }
0xb8: {  	[tilespmem:s24], [sflag:$0x1] =	stream.indirect_vreg.gather [hbm4b:s3+s2], $0x80, v3, vm0, $0xb8;
	[tilespmem:$0x10100] =	vst v63  }
0xb9: {  	v3 =	vld [tilespmem:$0xE0];
	_ =	sdelay $0x4  }
0xba: {  	v62 =	vshll.u32 v3, $0x1  }
0xbb: {  	v3 =	vand.u32 $0x7, v3;
	v4 =	vand.u32 $0xFFFFFFF0, v62  }
0xbc: {  	v3 =	vor.u32 v3, v4  }
0xbd: {  	v4 =	vperm.xlane v3, v0;
	_ =	sdelay $0x1  }
0xbe: {  	v3 =	vperm.xlane v3, v2;
	v4 =	vadd.s32 v1, v4;
	_ =	sdelay $0x1  }
0xbf: {  	v3 =	vadd.s32 v1, v3;
	_ =	sdelay $0x1  }
0xc0: {  	s25 =	simm.s32 $0xE100  }
0xc1: {  	[tilespmem:s25], [sflag:$0x1] =	stream.indirect_vreg.gather [hbm4b:s3+s2], $0x80, v4, vm0, $0xb8;
	[tilespmem:$0x10100] =	vst v63  }
0xc2: {  	s26 =	simm.s32 $0xE900  }
0xc3: {  	[tilespmem:s26], [sflag:$0x1] =	stream.indirect_vreg.gather [hbm4b:s3+s2], $0x80, v3, vm0, $0xb8;
	[tilespmem:$0x10100] =	vst v63  }
0xc4: {  	v3 =	vld [tilespmem:$0xF0];
	_ =	sdelay $0x4  }
0xc5: {  	v63 =	vshll.u32 v3, $0x1  }
0xc6: {  	v3 =	vand.u32 $0x7, v3;
	v4 =	vand.u32 $0xFFFFFFF0, v63  }
0xc7: {  	v3 =	vor.u32 v3, v4  }
0xc8: {  	v4 =	vperm.xlane v3, v0;
	_ =	sdelay $0x1  }
0xc9: {  	v3 =	vperm.xlane v3, v2;
	v4 =	vadd.s32 v1, v4;
	_ =	sdelay $0x1  }
0xca: {  	v3 =	vadd.s32 v1, v3;
	_ =	sdelay $0x1  }
0xcb: {  	s28 =	simm.s32 $0xF100  }
0xcc: {  	[tilespmem:s28], [sflag:$0x1] =	stream.indirect_vreg.gather [hbm4b:s3+s2], $0x80, v4, vm0, $0xb8;
	[tilespmem:$0x10100] =	vst v63  }
0xcd: {  	s29 =	simm.s32 $0xF900  }
0xce: {  	[tilespmem:s29], [sflag:$0x1] =	stream.indirect_vreg.gather [hbm4b:s3+s2], $0x80, v3, vm0, $0xb8;
	[tilespmem:$0x10100] =	vst v63  }
0xcf: {  	_ =	swait.ge [sflag:s12], $0x10000  }
0xd0: {  	[sflag:s12] =	ssyncset.done $0x0  }
0xd1: {  	s30 =	rddreg [dreg:$0x3];
	[sflag:s12] =	ssyncadd.s32 $0xFFFF0000  }
0xd2: {  	[hbm4b:s30+s2] =	stream.linear.scatter [tilespmem:s6], [sflag:$0x2], $0x10000, $0x38;
	[tilespmem:$0x10100] =	vst v63  }
0xd3: {  	_ =	swait.ge [sflag:s5], $0x10000  }
0xd4: {  	[sflag:s5] =	ssyncset.done $0x0  }
0xd5: {  	s31 =	rddreg [dreg:$0x4];
	[sflag:s5] =	ssyncadd.s32 $0xFFFF0000  }
0xd6: {  	[tilespmem:s2], [sflag:$0x2] =	stream.linear.gather [hbm4b:s31+s2], $0x100, $0x38;
	[tilespmem:$0x10100] =	vst v63  }
0xd7: {  	_ =	swait.ge [sflag:s5], $0x100  }
0xd8: {  	[sflag:s5] =	ssyncset.done $0x0  }
0xd9: {  	[sflag:s5] =	ssyncadd.s32 $0xFFFFFF00  }
0xda: {  	v3 =	vld [tilespmem:$0x0];
	_ =	sdelay $0x4  }
0xdb: {  	v8 =	vshll.u32 v3, $0x1  }
0xdc: {  	v3 =	vand.u32 $0x7, v3;
	v4 =	vand.u32 $0xFFFFFFF0, v8  }
0xdd: {  	v3 =	vor.u32 v3, v4  }
0xde: {  	v4 =	vperm.xlane v3, v0;
	_ =	sdelay $0x1  }
0xdf: {  	v3 =	vperm.xlane v3, v2;
	v4 =	vadd.s32 v1, v4;
	_ =	sdelay $0x1  }
0xe0: {  	v3 =	vadd.s32 v1, v3;
	_ =	sdelay $0x2  }
0xe1: {  	[tilespmem:s6], [sflag:$0x1] =	stream.indirect_vreg.gather [hbm4b:s3+s2], $0x80, v4, vm0, $0xb8;
	[tilespmem:$0x10100] =	vst v63  }
0xe2: {  	s18 =	simm.s32 $0x900  }
0xe3: {  	[tilespmem:s18], [sflag:$0x1] =	stream.indirect_vreg.gather [hbm4b:s3+s2], $0x80, v3, vm0, $0xb8;
	[tilespmem:$0x10100] =	vst v63  }
0xe4: {  	v3 =	vld [tilespmem:$0x10];
	_ =	sdelay $0x4  }
0xe5: {  	v9 =	vshll.u32 v3, $0x1  }
0xe6: {  	v3 =	vand.u32 $0x7, v3;
	v4 =	vand.u32 $0xFFFFFFF0, v9  }
0xe7: {  	v3 =	vor.u32 v3, v4  }
0xe8: {  	v4 =	vperm.xlane v3, v0;
	_ =	sdelay $0x1  }
0xe9: {  	v3 =	vperm.xlane v3, v2;
	v4 =	vadd.s32 v1, v4;
	_ =	sdelay $0x1  }
0xea: {  	v3 =	vadd.s32 v1, v3;
	_ =	sdelay $0x1  }
0xeb: {  	s7 =	simm.s32 $0x1100  }
0xec: {  	[tilespmem:s7], [sflag:$0x1] =	stream.indirect_vreg.gather [hbm4b:s3+s2], $0x80, v4, vm0, $0xb8;
	[tilespmem:$0x10100] =	vst v63  }
0xed: {  	s19 =	simm.s32 $0x1900  }
0xee: {  	[tilespmem:s19], [sflag:$0x1] =	stream.indirect_vreg.gather [hbm4b:s3+s2], $0x80, v3, vm0, $0xb8;
	[tilespmem:$0x10100] =	vst v63  }
0xef: {  	v3 =	vld [tilespmem:$0x20];
	_ =	sdelay $0x4  }
0xf0: {  	v10 =	vshll.u32 v3, $0x1  }
0xf1: {  	v3 =	vand.u32 $0x7, v3;
	v4 =	vand.u32 $0xFFFFFFF0, v10  }
0xf2: {  	v3 =	vor.u32 v3, v4  }
0xf3: {  	v4 =	vperm.xlane v3, v0;
	_ =	sdelay $0x1  }
0xf4: {  	v3 =	vperm.xlane v3, v2;
	v4 =	vadd.s32 v1, v4;
	_ =	sdelay $0x1  }
0xf5: {  	v3 =	vadd.s32 v1, v3;
	_ =	sdelay $0x1  }
0xf6: {  	s8 =	simm.s32 $0x2100  }
0xf7: {  	[tilespmem:s8], [sflag:$0x1] =	stream.indirect_vreg.gather [hbm4b:s3+s2], $0x80, v4, vm0, $0xb8;
	[tilespmem:$0x10100] =	vst v63  }
0xf8: {  	s20 =	simm.s32 $0x2900  }
0xf9: {  	[tilespmem:s20], [sflag:$0x1] =	stream.indirect_vreg.gather [hbm4b:s3+s2], $0x80, v3, vm0, $0xb8;
	[tilespmem:$0x10100] =	vst v63  }
0xfa: {  	v3 =	vld [tilespmem:$0x30];
	_ =	sdelay $0x4  }
0xfb: {  	v11 =	vshll.u32 v3, $0x1  }
0xfc: {  	v3 =	vand.u32 $0x7, v3;
	v4 =	vand.u32 $0xFFFFFFF0, v11  }
0xfd: {  	v3 =	vor.u32 v3, v4  }
0xfe: {  	v4 =	vperm.xlane v3, v0;
	_ =	sdelay $0x1  }
0xff: {  	v3 =	vperm.xlane v3, v2;
	v4 =	vadd.s32 v1, v4;
	_ =	sdelay $0x1  }
0x100: {  	v3 =	vadd.s32 v1, v3;
	_ =	sdelay $0x1  }
0x101: {  	s17 =	simm.s32 $0x3100  }
0x102: {  	[tilespmem:s17], [sflag:$0x1] =	stream.indirect_vreg.gather [hbm4b:s3+s2], $0x80, v4, vm0, $0xb8;
	[tilespmem:$0x10100] =	vst v63  }
0x103: {  	s21 =	simm.s32 $0x3900  }
0x104: {  	[tilespmem:s21], [sflag:$0x1] =	stream.indirect_vreg.gather [hbm4b:s3+s2], $0x80, v3, vm0, $0xb8;
	[tilespmem:$0x10100] =	vst v63  }
0x105: {  	v3 =	vld [tilespmem:$0x40];
	_ =	sdelay $0x4  }
0x106: {  	v12 =	vshll.u32 v3, $0x1  }
0x107: {  	v3 =	vand.u32 $0x7, v3;
	v4 =	vand.u32 $0xFFFFFFF0, v12  }
0x108: {  	v3 =	vor.u32 v3, v4  }
0x109: {  	v4 =	vperm.xlane v3, v0;
	_ =	sdelay $0x1  }
0x10a: {  	v3 =	vperm.xlane v3, v2;
	v4 =	vadd.s32 v1, v4;
	_ =	sdelay $0x1  }
0x10b: {  	v3 =	vadd.s32 v1, v3;
	_ =	sdelay $0x1  }
0x10c: {  	s21 =	simm.s32 $0x4100  }
0x10d: {  	[tilespmem:s21], [sflag:$0x1] =	stream.indirect_vreg.gather [hbm4b:s3+s2], $0x80, v4, vm0, $0xb8;
	[tilespmem:$0x10100] =	vst v63  }
0x10e: {  	s22 =	simm.s32 $0x4900  }
0x10f: {  	[tilespmem:s22], [sflag:$0x1] =	stream.indirect_vreg.gather [hbm4b:s3+s2], $0x80, v3, vm0, $0xb8;
	[tilespmem:$0x10100] =	vst v63  }
0x110: {  	v3 =	vld [tilespmem:$0x50];
	_ =	sdelay $0x4  }
0x111: {  	v13 =	vshll.u32 v3, $0x1  }
0x112: {  	v3 =	vand.u32 $0x7, v3;
	v4 =	vand.u32 $0xFFFFFFF0, v13  }
0x113: {  	v3 =	vor.u32 v3, v4  }
0x114: {  	v4 =	vperm.xlane v3, v0;
	_ =	sdelay $0x1  }
0x115: {  	v3 =	vperm.xlane v3, v2;
	v4 =	vadd.s32 v1, v4;
	_ =	sdelay $0x1  }
0x116: {  	v3 =	vadd.s32 v1, v3;
	_ =	sdelay $0x1  }
0x117: {  	s23 =	simm.s32 $0x5100  }
0x118: {  	[tilespmem:s23], [sflag:$0x1] =	stream.indirect_vreg.gather [hbm4b:s3+s2], $0x80, v4, vm0, $0xb8;
	[tilespmem:$0x10100] =	vst v63  }
0x119: {  	s24 =	simm.s32 $0x5900  }
0x11a: {  	[tilespmem:s24], [sflag:$0x1] =	stream.indirect_vreg.gather [hbm4b:s3+s2], $0x80, v3, vm0, $0xb8;
	[tilespmem:$0x10100] =	vst v63  }
0x11b: {  	v3 =	vld [tilespmem:$0x60];
	_ =	sdelay $0x4  }
0x11c: {  	v14 =	vshll.u32 v3, $0x1  }
0x11d: {  	v3 =	vand.u32 $0x7, v3;
	v4 =	vand.u32 $0xFFFFFFF0, v14  }
0x11e: {  	v3 =	vor.u32 v3, v4  }
0x11f: {  	v4 =	vperm.xlane v3, v0;
	_ =	sdelay $0x1  }
0x120: {  	v3 =	vperm.xlane v3, v2;
	v4 =	vadd.s32 v1, v4;
	_ =	sdelay $0x1  }
0x121: {  	v3 =	vadd.s32 v1, v3;
	_ =	sdelay $0x1  }
0x122: {  	s25 =	simm.s32 $0x6100  }
0x123: {  	[tilespmem:s25], [sflag:$0x1] =	stream.indirect_vreg.gather [hbm4b:s3+s2], $0x80, v4, vm0, $0xb8;
	[tilespmem:$0x10100] =	vst v63  }
0x124: {  	s26 =	simm.s32 $0x6900  }
0x125: {  	[tilespmem:s26], [sflag:$0x1] =	stream.indirect_vreg.gather [hbm4b:s3+s2], $0x80, v3, vm0, $0xb8;
	[tilespmem:$0x10100] =	vst v63  }
0x126: {  	v3 =	vld [tilespmem:$0x70];
	_ =	sdelay $0x4  }
0x127: {  	v15 =	vshll.u32 v3, $0x1  }
0x128: {  	v3 =	vand.u32 $0x7, v3;
	v4 =	vand.u32 $0xFFFFFFF0, v15  }
0x129: {  	v3 =	vor.u32 v3, v4  }
0x12a: {  	v4 =	vperm.xlane v3, v0;
	_ =	sdelay $0x1  }
0x12b: {  	v3 =	vperm.xlane v3, v2;
	v4 =	vadd.s32 v1, v4;
	_ =	sdelay $0x1  }
0x12c: {  	v3 =	vadd.s32 v1, v3;
	_ =	sdelay $0x1  }
0x12d: {  	s28 =	simm.s32 $0x7100  }
0x12e: {  	[tilespmem:s28], [sflag:$0x1] =	stream.indirect_vreg.gather [hbm4b:s3+s2], $0x80, v4, vm0, $0xb8;
	[tilespmem:$0x10100] =	vst v63  }
0x12f: {  	s29 =	simm.s32 $0x7900  }
0x130: {  	[tilespmem:s29], [sflag:$0x1] =	stream.indirect_vreg.gather [hbm4b:s3+s2], $0x80, v3, vm0, $0xb8;
	[tilespmem:$0x10100] =	vst v63  }
0x131: {  	v3 =	vld [tilespmem:$0x80];
	_ =	sdelay $0x4  }
0x132: {  	v16 =	vshll.u32 v3, $0x1  }
0x133: {  	v3 =	vand.u32 $0x7, v3;
	v4 =	vand.u32 $0xFFFFFFF0, v16  }
0x134: {  	v3 =	vor.u32 v3, v4  }
0x135: {  	v4 =	vperm.xlane v3, v0;
	_ =	sdelay $0x1  }
0x136: {  	v3 =	vperm.xlane v3, v2;
	v4 =	vadd.s32 v1, v4;
	_ =	sdelay $0x1  }
0x137: {  	v3 =	vadd.s32 v1, v3;
	_ =	sdelay $0x1  }
0x138: {  	s30 =	simm.s32 $0x8100  }
0x139: {  	[tilespmem:s30], [sflag:$0x1] =	stream.indirect_vreg.gather [hbm4b:s3+s2], $0x80, v4, vm0, $0xb8;
	[tilespmem:$0x10100] =	vst v63  }
0x13a: {  	s31 =	simm.s32 $0x8900  }
0x13b: {  	[tilespmem:s31], [sflag:$0x1] =	stream.indirect_vreg.gather [hbm4b:s3+s2], $0x80, v3, vm0, $0xb8;
	[tilespmem:$0x10100] =	vst v63  }
0x13c: {  	v3 =	vld [tilespmem:$0x90];
	_ =	sdelay $0x4  }
0x13d: {  	v17 =	vshll.u32 v3, $0x1  }
0x13e: {  	v3 =	vand.u32 $0x7, v3;
	v4 =	vand.u32 $0xFFFFFFF0, v17  }
0x13f: {  	v3 =	vor.u32 v3, v4  }
0x140: {  	v4 =	vperm.xlane v3, v0;
	_ =	sdelay $0x1  }
0x141: {  	v3 =	vperm.xlane v3, v2;
	v4 =	vadd.s32 v1, v4;
	_ =	sdelay $0x1  }
0x142: {  	v3 =	vadd.s32 v1, v3;
	_ =	sdelay $0x1  }
0x143: {  	s7 =	simm.s32 $0x9100  }
0x144: {  	[tilespmem:s7], [sflag:$0x1] =	stream.indirect_vreg.gather [hbm4b:s3+s2], $0x80, v4, vm0, $0xb8;
	[tilespmem:$0x10100] =	vst v63  }
0x145: {  	s17 =	simm.s32 $0x9900  }
0x146: {  	[tilespmem:s17], [sflag:$0x1] =	stream.indirect_vreg.gather [hbm4b:s3+s2], $0x80, v3, vm0, $0xb8;
	[tilespmem:$0x10100] =	vst v63  }
0x147: {  	v3 =	vld [tilespmem:$0xA0];
	_ =	sdelay $0x4  }
0x148: {  	v18 =	vshll.u32 v3, $0x1  }
0x149: {  	v3 =	vand.u32 $0x7, v3;
	v4 =	vand.u32 $0xFFFFFFF0, v18  }
0x14a: {  	v3 =	vor.u32 v3, v4  }
0x14b: {  	v4 =	vperm.xlane v3, v0;
	_ =	sdelay $0x1  }
0x14c: {  	v3 =	vperm.xlane v3, v2;
	v4 =	vadd.s32 v1, v4;
	_ =	sdelay $0x1  }
0x14d: {  	v3 =	vadd.s32 v1, v3;
	_ =	sdelay $0x1  }
0x14e: {  	s8 =	simm.s32 $0xA100  }
0x14f: {  	[tilespmem:s8], [sflag:$0x1] =	stream.indirect_vreg.gather [hbm4b:s3+s2], $0x80, v4, vm0, $0xb8;
	[tilespmem:$0x10100] =	vst v63  }
0x150: {  	s18 =	simm.s32 $0xA900  }
0x151: {  	[tilespmem:s18], [sflag:$0x1] =	stream.indirect_vreg.gather [hbm4b:s3+s2], $0x80, v3, vm0, $0xb8;
	[tilespmem:$0x10100] =	vst v63  }
0x152: {  	v3 =	vld [tilespmem:$0xB0];
	_ =	sdelay $0x4  }
0x153: {  	v19 =	vshll.u32 v3, $0x1  }
0x154: {  	v3 =	vand.u32 $0x7, v3;
	v4 =	vand.u32 $0xFFFFFFF0, v19  }
0x155: {  	v3 =	vor.u32 v3, v4  }
0x156: {  	v4 =	vperm.xlane v3, v0;
	_ =	sdelay $0x1  }
0x157: {  	v3 =	vperm.xlane v3, v2;
	v4 =	vadd.s32 v1, v4;
	_ =	sdelay $0x1  }
0x158: {  	v3 =	vadd.s32 v1, v3;
	_ =	sdelay $0x1  }
0x159: {  	s9 =	simm.s32 $0xB100  }
0x15a: {  	[tilespmem:s9], [sflag:$0x1] =	stream.indirect_vreg.gather [hbm4b:s3+s2], $0x80, v4, vm0, $0xb8;
	[tilespmem:$0x10100] =	vst v63  }
0x15b: {  	s19 =	simm.s32 $0xB900  }
0x15c: {  	[tilespmem:s19], [sflag:$0x1] =	stream.indirect_vreg.gather [hbm4b:s3+s2], $0x80, v3, vm0, $0xb8;
	[tilespmem:$0x10100] =	vst v63  }
0x15d: {  	v3 =	vld [tilespmem:$0xC0];
	_ =	sdelay $0x4  }
0x15e: {  	v20 =	vshll.u32 v3, $0x1  }
0x15f: {  	v3 =	vand.u32 $0x7, v3;
	v4 =	vand.u32 $0xFFFFFFF0, v20  }
0x160: {  	v3 =	vor.u32 v3, v4  }
0x161: {  	v4 =	vperm.xlane v3, v0;
	_ =	sdelay $0x1  }
0x162: {  	v3 =	vperm.xlane v3, v2;
	v4 =	vadd.s32 v1, v4;
	_ =	sdelay $0x1  }
0x163: {  	v3 =	vadd.s32 v1, v3;
	_ =	sdelay $0x1  }
0x164: {  	s11 =	simm.s32 $0xC100  }
0x165: {  	[tilespmem:s11], [sflag:$0x1] =	stream.indirect_vreg.gather [hbm4b:s3+s2], $0x80, v4, vm0, $0xb8;
	[tilespmem:$0x10100] =	vst v63  }
0x166: {  	s10 =	simm.s32 $0xC900  }
0x167: {  	[tilespmem:s10], [sflag:$0x1] =	stream.indirect_vreg.gather [hbm4b:s3+s2], $0x80, v3, vm0, $0xb8;
	[tilespmem:$0x10100] =	vst v63  }
0x168: {  	v3 =	vld [tilespmem:$0xD0];
	_ =	sdelay $0x4  }
0x169: {  	v21 =	vshll.u32 v3, $0x1  }
0x16a: {  	v3 =	vand.u32 $0x7, v3;
	v4 =	vand.u32 $0xFFFFFFF0, v21  }
0x16b: {  	v3 =	vor.u32 v3, v4  }
0x16c: {  	v4 =	vperm.xlane v3, v0;
	_ =	sdelay $0x1  }
0x16d: {  	v3 =	vperm.xlane v3, v2;
	v4 =	vadd.s32 v1, v4;
	_ =	sdelay $0x1  }
0x16e: {  	v3 =	vadd.s32 v1, v3;
	_ =	sdelay $0x1  }
0x16f: {  	s0 =	simm.s32 $0xD100  }
0x170: {  	[tilespmem:s0], [sflag:$0x1] =	stream.indirect_vreg.gather [hbm4b:s3+s2], $0x80, v4, vm0, $0xb8;
	[tilespmem:$0x10100] =	vst v63  }
0x171: {  	s14 =	simm.s32 $0xD900  }
0x172: {  	[tilespmem:s14], [sflag:$0x1] =	stream.indirect_vreg.gather [hbm4b:s3+s2], $0x80, v3, vm0, $0xb8;
	[tilespmem:$0x10100] =	vst v63  }
0x173: {  	v3 =	vld [tilespmem:$0xE0];
	_ =	sdelay $0x4  }
0x174: {  	v22 =	vshll.u32 v3, $0x1  }
0x175: {  	v3 =	vand.u32 $0x7, v3;
	v4 =	vand.u32 $0xFFFFFFF0, v22  }
0x176: {  	v3 =	vor.u32 v3, v4  }
0x177: {  	v4 =	vperm.xlane v3, v0;
	_ =	sdelay $0x1  }
0x178: {  	v3 =	vperm.xlane v3, v2;
	v4 =	vadd.s32 v1, v4;
	_ =	sdelay $0x1  }
0x179: {  	v3 =	vadd.s32 v1, v3;
	_ =	sdelay $0x1  }
0x17a: {  	s1 =	simm.s32 $0xE100  }
0x17b: {  	[tilespmem:s1], [sflag:$0x1] =	stream.indirect_vreg.gather [hbm4b:s3+s2], $0x80, v4, vm0, $0xb8;
	[tilespmem:$0x10100] =	vst v63  }
0x17c: {  	s15 =	simm.s32 $0xE900  }
0x17d: {  	[tilespmem:s15], [sflag:$0x1] =	stream.indirect_vreg.gather [hbm4b:s3+s2], $0x80, v3, vm0, $0xb8;
	[tilespmem:$0x10100] =	vst v63  }
0x17e: {  	v3 =	vld [tilespmem:$0xF0];
	_ =	sdelay $0x4  }
0x17f: {  	v23 =	vshll.u32 v3, $0x1  }
0x180: {  	v3 =	vand.u32 $0x7, v3;
	v4 =	vand.u32 $0xFFFFFFF0, v23  }
0x181: {  	v3 =	vor.u32 v3, v4  }
0x182: {  	v4 =	vperm.xlane v3, v0;
	_ =	sdelay $0x1  }
0x183: {  	v3 =	vperm.xlane v3, v2;
	v4 =	vadd.s32 v1, v4;
	_ =	sdelay $0x1  }
0x184: {  	v3 =	vadd.s32 v1, v3;
	_ =	sdelay $0x1  }
0x185: {  	s4 =	simm.s32 $0xF100  }
0x186: {  	[tilespmem:s4], [sflag:$0x1] =	stream.indirect_vreg.gather [hbm4b:s3+s2], $0x80, v4, vm0, $0xb8;
	[tilespmem:$0x10100] =	vst v63  }
0x187: {  	s16 =	simm.s32 $0xF900  }
0x188: {  	[tilespmem:s16], [sflag:$0x1] =	stream.indirect_vreg.gather [hbm4b:s3+s2], $0x80, v3, vm0, $0xb8;
	[tilespmem:$0x10100] =	vst v63  }
0x189: {  	_ =	swait.ge [sflag:s12], $0x10000  }
0x18a: {  	[sflag:s12] =	ssyncset.done $0x0  }
0x18b: {  	s13 =	rddreg [dreg:$0x5];
	[sflag:s12] =	ssyncadd.s32 $0xFFFF0000  }
0x18c: {  	[hbm4b:s13+s2] =	stream.linear.scatter [tilespmem:s6], [sflag:$0x2], $0x10000, $0x38;
	[tilespmem:$0x10100] =	vst v63  }
0x18d: {  	_ =	swait.ge [sflag:s5], $0x10000  }
0x18e: {  	[sflag:s5] =	ssyncset.done $0x0  }
0x18f: {  	s13 =	rddreg [dreg:$0x6];
	[sflag:s5] =	ssyncadd.s32 $0xFFFF0000  }
0x190: {  	[tilespmem:s2], [sflag:$0x2] =	stream.linear.gather [hbm4b:s13+s2], $0x100, $0x38;
	[tilespmem:$0x10100] =	vst v63  }
0x191: {  	_ =	swait.ge [sflag:s5], $0x100  }
0x192: {  	[sflag:s5] =	ssyncset.done $0x0  }
0x193: {  	[sflag:s5] =	ssyncadd.s32 $0xFFFFFF00  }
0x194: {  	v3 =	vld [tilespmem:$0x0];
	_ =	sdelay $0x4  }
0x195: {  	v24 =	vshll.u32 v3, $0x1  }
0x196: {  	v3 =	vand.u32 $0x7, v3;
	v4 =	vand.u32 $0xFFFFFFF0, v24  }
0x197: {  	v3 =	vor.u32 v3, v4  }
0x198: {  	v4 =	vperm.xlane v3, v0;
	_ =	sdelay $0x1  }
0x199: {  	v3 =	vperm.xlane v3, v2;
	v4 =	vadd.s32 v1, v4;
	_ =	sdelay $0x1  }
0x19a: {  	v3 =	vadd.s32 v1, v3;
	_ =	sdelay $0x2  }
0x19b: {  	[tilespmem:s6], [sflag:$0x1] =	stream.indirect_vreg.gather [hbm4b:s3+s2], $0x80, v4, vm0, $0xb8;
	[tilespmem:$0x10100] =	vst v63  }
0x19c: {  	s13 =	simm.s32 $0x900  }
0x19d: {  	[tilespmem:s13], [sflag:$0x1] =	stream.indirect_vreg.gather [hbm4b:s3+s2], $0x80, v3, vm0, $0xb8;
	[tilespmem:$0x10100] =	vst v63  }
0x19e: {  	v3 =	vld [tilespmem:$0x10];
	_ =	sdelay $0x4  }
0x19f: {  	v25 =	vshll.u32 v3, $0x1  }
0x1a0: {  	v3 =	vand.u32 $0x7, v3;
	v4 =	vand.u32 $0xFFFFFFF0, v25  }
0x1a1: {  	v3 =	vor.u32 v3, v4  }
0x1a2: {  	v4 =	vperm.xlane v3, v0;
	_ =	sdelay $0x1  }
0x1a3: {  	v3 =	vperm.xlane v3, v2;
	v4 =	vadd.s32 v1, v4;
	_ =	sdelay $0x1  }
0x1a4: {  	v3 =	vadd.s32 v1, v3;
	_ =	sdelay $0x1  }
0x1a5: {  	s13 =	simm.s32 $0x1100  }
0x1a6: {  	[tilespmem:s13], [sflag:$0x1] =	stream.indirect_vreg.gather [hbm4b:s3+s2], $0x80, v4, vm0, $0xb8;
	[tilespmem:$0x10100] =	vst v63  }
0x1a7: {  	s13 =	simm.s32 $0x1900  }
0x1a8: {  	[tilespmem:s13], [sflag:$0x1] =	stream.indirect_vreg.gather [hbm4b:s3+s2], $0x80, v3, vm0, $0xb8;
	[tilespmem:$0x10100] =	vst v63  }
0x1a9: {  	v3 =	vld [tilespmem:$0x20];
	_ =	sdelay $0x4  }
0x1aa: {  	v26 =	vshll.u32 v3, $0x1  }
0x1ab: {  	v3 =	vand.u32 $0x7, v3;
	v4 =	vand.u32 $0xFFFFFFF0, v26  }
0x1ac: {  	v3 =	vor.u32 v3, v4  }
0x1ad: {  	v4 =	vperm.xlane v3, v0;
	_ =	sdelay $0x1  }
0x1ae: {  	v3 =	vperm.xlane v3, v2;
	v4 =	vadd.s32 v1, v4;
	_ =	sdelay $0x1  }
0x1af: {  	v3 =	vadd.s32 v1, v3;
	_ =	sdelay $0x1  }
0x1b0: {  	s13 =	simm.s32 $0x2100  }
0x1b1: {  	[tilespmem:s13], [sflag:$0x1] =	stream.indirect_vreg.gather [hbm4b:s3+s2], $0x80, v4, vm0, $0xb8;
	[tilespmem:$0x10100] =	vst v63  }
0x1b2: {  	_ = 	snop  }
0x1b3: {  	[tilespmem:s20], [sflag:$0x1] =	stream.indirect_vreg.gather [hbm4b:s3+s2], $0x80, v3, vm0, $0xb8;
	[tilespmem:$0x10100] =	vst v63  }
0x1b4: {  	v3 =	vld [tilespmem:$0x30];
	_ =	sdelay $0x4  }
0x1b5: {  	v27 =	vshll.u32 v3, $0x1  }
0x1b6: {  	v3 =	vand.u32 $0x7, v3;
	v4 =	vand.u32 $0xFFFFFFF0, v27  }
0x1b7: {  	v3 =	vor.u32 v3, v4  }
0x1b8: {  	v4 =	vperm.xlane v3, v0;
	_ =	sdelay $0x1  }
0x1b9: {  	v3 =	vperm.xlane v3, v2;
	v4 =	vadd.s32 v1, v4;
	_ =	sdelay $0x1  }
0x1ba: {  	v3 =	vadd.s32 v1, v3;
	_ =	sdelay $0x1  }
0x1bb: {  	s13 =	simm.s32 $0x3100  }
0x1bc: {  	[tilespmem:s13], [sflag:$0x1] =	stream.indirect_vreg.gather [hbm4b:s3+s2], $0x80, v4, vm0, $0xb8;
	[tilespmem:$0x10100] =	vst v63  }
0x1bd: {  	s13 =	simm.s32 $0x3900  }
0x1be: {  	[tilespmem:s13], [sflag:$0x1] =	stream.indirect_vreg.gather [hbm4b:s3+s2], $0x80, v3, vm0, $0xb8;
	[tilespmem:$0x10100] =	vst v63  }
0x1bf: {  	v3 =	vld [tilespmem:$0x40];
	_ =	sdelay $0x4  }
0x1c0: {  	v28 =	vshll.u32 v3, $0x1  }
0x1c1: {  	v3 =	vand.u32 $0x7, v3;
	v4 =	vand.u32 $0xFFFFFFF0, v28  }
0x1c2: {  	v3 =	vor.u32 v3, v4  }
0x1c3: {  	v4 =	vperm.xlane v3, v0;
	_ =	sdelay $0x1  }
0x1c4: {  	v3 =	vperm.xlane v3, v2;
	v4 =	vadd.s32 v1, v4;
	_ =	sdelay $0x1  }
0x1c5: {  	v3 =	vadd.s32 v1, v3;
	_ =	sdelay $0x2  }
0x1c6: {  	[tilespmem:s21], [sflag:$0x1] =	stream.indirect_vreg.gather [hbm4b:s3+s2], $0x80, v4, vm0, $0xb8;
	[tilespmem:$0x10100] =	vst v63  }
0x1c7: {  	_ = 	snop  }
0x1c8: {  	[tilespmem:s22], [sflag:$0x1] =	stream.indirect_vreg.gather [hbm4b:s3+s2], $0x80, v3, vm0, $0xb8;
	[tilespmem:$0x10100] =	vst v63  }
0x1c9: {  	v3 =	vld [tilespmem:$0x50];
	_ =	sdelay $0x4  }
0x1ca: {  	v29 =	vshll.u32 v3, $0x1  }
0x1cb: {  	v3 =	vand.u32 $0x7, v3;
	v4 =	vand.u32 $0xFFFFFFF0, v29  }
0x1cc: {  	v3 =	vor.u32 v3, v4  }
0x1cd: {  	v4 =	vperm.xlane v3, v0;
	_ =	sdelay $0x1  }
0x1ce: {  	v3 =	vperm.xlane v3, v2;
	v4 =	vadd.s32 v1, v4;
	_ =	sdelay $0x1  }
0x1cf: {  	v3 =	vadd.s32 v1, v3;
	_ =	sdelay $0x2  }
0x1d0: {  	[tilespmem:s23], [sflag:$0x1] =	stream.indirect_vreg.gather [hbm4b:s3+s2], $0x80, v4, vm0, $0xb8;
	[tilespmem:$0x10100] =	vst v63  }
0x1d1: {  	_ = 	snop  }
0x1d2: {  	[tilespmem:s24], [sflag:$0x1] =	stream.indirect_vreg.gather [hbm4b:s3+s2], $0x80, v3, vm0, $0xb8;
	[tilespmem:$0x10100] =	vst v63  }
0x1d3: {  	v3 =	vld [tilespmem:$0x60];
	_ =	sdelay $0x4  }
0x1d4: {  	v30 =	vshll.u32 v3, $0x1  }
0x1d5: {  	v3 =	vand.u32 $0x7, v3;
	v4 =	vand.u32 $0xFFFFFFF0, v30  }
0x1d6: {  	v3 =	vor.u32 v3, v4  }
0x1d7: {  	v4 =	vperm.xlane v3, v0;
	_ =	sdelay $0x1  }
0x1d8: {  	v3 =	vperm.xlane v3, v2;
	v4 =	vadd.s32 v1, v4;
	_ =	sdelay $0x1  }
0x1d9: {  	v3 =	vadd.s32 v1, v3;
	_ =	sdelay $0x2  }
0x1da: {  	[tilespmem:s25], [sflag:$0x1] =	stream.indirect_vreg.gather [hbm4b:s3+s2], $0x80, v4, vm0, $0xb8;
	[tilespmem:$0x10100] =	vst v63  }
0x1db: {  	_ = 	snop  }
0x1dc: {  	[tilespmem:s26], [sflag:$0x1] =	stream.indirect_vreg.gather [hbm4b:s3+s2], $0x80, v3, vm0, $0xb8;
	[tilespmem:$0x10100] =	vst v63  }
0x1dd: {  	v3 =	vld [tilespmem:$0x70];
	_ =	sdelay $0x4  }
0x1de: {  	v31 =	vshll.u32 v3, $0x1  }
0x1df: {  	v3 =	vand.u32 $0x7, v3;
	v4 =	vand.u32 $0xFFFFFFF0, v31  }
0x1e0: {  	v3 =	vor.u32 v3, v4  }
0x1e1: {  	v4 =	vperm.xlane v3, v0;
	_ =	sdelay $0x1  }
0x1e2: {  	v3 =	vperm.xlane v3, v2;
	v4 =	vadd.s32 v1, v4;
	_ =	sdelay $0x1  }
0x1e3: {  	v3 =	vadd.s32 v1, v3;
	_ =	sdelay $0x2  }
0x1e4: {  	[tilespmem:s28], [sflag:$0x1] =	stream.indirect_vreg.gather [hbm4b:s3+s2], $0x80, v4, vm0, $0xb8;
	[tilespmem:$0x10100] =	vst v63  }
0x1e5: {  	_ = 	snop  }
0x1e6: {  	[tilespmem:s29], [sflag:$0x1] =	stream.indirect_vreg.gather [hbm4b:s3+s2], $0x80, v3, vm0, $0xb8;
	[tilespmem:$0x10100] =	vst v63  }
0x1e7: {  	v3 =	vld [tilespmem:$0x80];
	_ =	sdelay $0x4  }
0x1e8: {  	v32 =	vshll.u32 v3, $0x1  }
0x1e9: {  	v3 =	vand.u32 $0x7, v3;
	v4 =	vand.u32 $0xFFFFFFF0, v32  }
0x1ea: {  	v3 =	vor.u32 v3, v4  }
0x1eb: {  	v4 =	vperm.xlane v3, v0;
	_ =	sdelay $0x1  }
0x1ec: {  	v3 =	vperm.xlane v3, v2;
	v4 =	vadd.s32 v1, v4;
	_ =	sdelay $0x1  }
0x1ed: {  	v3 =	vadd.s32 v1, v3;
	_ =	sdelay $0x2  }
0x1ee: {  	[tilespmem:s30], [sflag:$0x1] =	stream.indirect_vreg.gather [hbm4b:s3+s2], $0x80, v4, vm0, $0xb8;
	[tilespmem:$0x10100] =	vst v63  }
0x1ef: {  	_ = 	snop  }
0x1f0: {  	[tilespmem:s31], [sflag:$0x1] =	stream.indirect_vreg.gather [hbm4b:s3+s2], $0x80, v3, vm0, $0xb8;
	[tilespmem:$0x10100] =	vst v63  }
0x1f1: {  	v3 =	vld [tilespmem:$0x90];
	_ =	sdelay $0x4  }
0x1f2: {  	v33 =	vshll.u32 v3, $0x1  }
0x1f3: {  	v3 =	vand.u32 $0x7, v3;
	v4 =	vand.u32 $0xFFFFFFF0, v33  }
0x1f4: {  	v3 =	vor.u32 v3, v4  }
0x1f5: {  	v4 =	vperm.xlane v3, v0;
	_ =	sdelay $0x1  }
0x1f6: {  	v3 =	vperm.xlane v3, v2;
	v4 =	vadd.s32 v1, v4;
	_ =	sdelay $0x1  }
0x1f7: {  	v3 =	vadd.s32 v1, v3;
	_ =	sdelay $0x2  }
0x1f8: {  	[tilespmem:s7], [sflag:$0x1] =	stream.indirect_vreg.gather [hbm4b:s3+s2], $0x80, v4, vm0, $0xb8;
	[tilespmem:$0x10100] =	vst v63  }
0x1f9: {  	_ = 	snop  }
0x1fa: {  	[tilespmem:s17], [sflag:$0x1] =	stream.indirect_vreg.gather [hbm4b:s3+s2], $0x80, v3, vm0, $0xb8;
	[tilespmem:$0x10100] =	vst v63  }
0x1fb: {  	v3 =	vld [tilespmem:$0xA0];
	_ =	sdelay $0x4  }
0x1fc: {  	v34 =	vshll.u32 v3, $0x1  }
0x1fd: {  	v3 =	vand.u32 $0x7, v3;
	v4 =	vand.u32 $0xFFFFFFF0, v34  }
0x1fe: {  	v3 =	vor.u32 v3, v4  }
0x1ff: {  	v4 =	vperm.xlane v3, v0;
	_ =	sdelay $0x1  }
0x200: {  	v3 =	vperm.xlane v3, v2;
	v4 =	vadd.s32 v1, v4;
	_ =	sdelay $0x1  }
0x201: {  	v3 =	vadd.s32 v1, v3;
	_ =	sdelay $0x2  }
0x202: {  	[tilespmem:s8], [sflag:$0x1] =	stream.indirect_vreg.gather [hbm4b:s3+s2], $0x80, v4, vm0, $0xb8;
	[tilespmem:$0x10100] =	vst v63  }
0x203: {  	_ = 	snop  }
0x204: {  	[tilespmem:s18], [sflag:$0x1] =	stream.indirect_vreg.gather [hbm4b:s3+s2], $0x80, v3, vm0, $0xb8;
	[tilespmem:$0x10100] =	vst v63  }
0x205: {  	v3 =	vld [tilespmem:$0xB0];
	_ =	sdelay $0x4  }
0x206: {  	v35 =	vshll.u32 v3, $0x1  }
0x207: {  	v3 =	vand.u32 $0x7, v3;
	v4 =	vand.u32 $0xFFFFFFF0, v35  }
0x208: {  	v3 =	vor.u32 v3, v4  }
0x209: {  	v4 =	vperm.xlane v3, v0;
	_ =	sdelay $0x1  }
0x20a: {  	v3 =	vperm.xlane v3, v2;
	v4 =	vadd.s32 v1, v4;
	_ =	sdelay $0x1  }
0x20b: {  	v3 =	vadd.s32 v1, v3;
	_ =	sdelay $0x1  }
0x20c: {  	s9 =	simm.s32 $0xB100  }
0x20d: {  	[tilespmem:s9], [sflag:$0x1] =	stream.indirect_vreg.gather [hbm4b:s3+s2], $0x80, v4, vm0, $0xb8;
	[tilespmem:$0x10100] =	vst v63  }
0x20e: {  	_ = 	snop  }
0x20f: {  	[tilespmem:s19], [sflag:$0x1] =	stream.indirect_vreg.gather [hbm4b:s3+s2], $0x80, v3, vm0, $0xb8;
	[tilespmem:$0x10100] =	vst v63  }
0x210: {  	v3 =	vld [tilespmem:$0xC0];
	_ =	sdelay $0x4  }
0x211: {  	v36 =	vshll.u32 v3, $0x1  }
0x212: {  	v3 =	vand.u32 $0x7, v3;
	v4 =	vand.u32 $0xFFFFFFF0, v36  }
0x213: {  	v3 =	vor.u32 v3, v4  }
0x214: {  	v4 =	vperm.xlane v3, v0;
	_ =	sdelay $0x1  }
0x215: {  	v3 =	vperm.xlane v3, v2;
	v4 =	vadd.s32 v1, v4;
	_ =	sdelay $0x1  }
0x216: {  	v3 =	vadd.s32 v1, v3;
	_ =	sdelay $0x1  }
0x217: {  	s11 =	simm.s32 $0xC100  }
0x218: {  	[tilespmem:s11], [sflag:$0x1] =	stream.indirect_vreg.gather [hbm4b:s3+s2], $0x80, v4, vm0, $0xb8;
	[tilespmem:$0x10100] =	vst v63  }
0x219: {  	s10 =	simm.s32 $0xC900  }
0x21a: {  	[tilespmem:s10], [sflag:$0x1] =	stream.indirect_vreg.gather [hbm4b:s3+s2], $0x80, v3, vm0, $0xb8;
	[tilespmem:$0x10100] =	vst v63  }
0x21b: {  	v3 =	vld [tilespmem:$0xD0];
	_ =	sdelay $0x4  }
0x21c: {  	v37 =	vshll.u32 v3, $0x1  }
0x21d: {  	v3 =	vand.u32 $0x7, v3;
	v4 =	vand.u32 $0xFFFFFFF0, v37  }
0x21e: {  	v3 =	vor.u32 v3, v4  }
0x21f: {  	v4 =	vperm.xlane v3, v0;
	_ =	sdelay $0x1  }
0x220: {  	v3 =	vperm.xlane v3, v2;
	v4 =	vadd.s32 v1, v4;
	_ =	sdelay $0x1  }
0x221: {  	v3 =	vadd.s32 v1, v3;
	_ =	sdelay $0x1  }
0x222: {  	s0 =	simm.s32 $0xD100  }
0x223: {  	[tilespmem:s0], [sflag:$0x1] =	stream.indirect_vreg.gather [hbm4b:s3+s2], $0x80, v4, vm0, $0xb8;
	[tilespmem:$0x10100] =	vst v63  }
0x224: {  	s14 =	simm.s32 $0xD900  }
0x225: {  	[tilespmem:s14], [sflag:$0x1] =	stream.indirect_vreg.gather [hbm4b:s3+s2], $0x80, v3, vm0, $0xb8;
	[tilespmem:$0x10100] =	vst v63  }
0x226: {  	v3 =	vld [tilespmem:$0xE0];
	_ =	sdelay $0x4  }
0x227: {  	v38 =	vshll.u32 v3, $0x1  }
0x228: {  	v3 =	vand.u32 $0x7, v3;
	v4 =	vand.u32 $0xFFFFFFF0, v38  }
0x229: {  	v3 =	vor.u32 v3, v4  }
0x22a: {  	v4 =	vperm.xlane v3, v0;
	_ =	sdelay $0x1  }
0x22b: {  	v3 =	vperm.xlane v3, v2;
	v4 =	vadd.s32 v1, v4;
	_ =	sdelay $0x1  }
0x22c: {  	v3 =	vadd.s32 v1, v3;
	_ =	sdelay $0x1  }
0x22d: {  	s1 =	simm.s32 $0xE100  }
0x22e: {  	[tilespmem:s1], [sflag:$0x1] =	stream.indirect_vreg.gather [hbm4b:s3+s2], $0x80, v4, vm0, $0xb8;
	[tilespmem:$0x10100] =	vst v63  }
0x22f: {  	s15 =	simm.s32 $0xE900  }
0x230: {  	[tilespmem:s15], [sflag:$0x1] =	stream.indirect_vreg.gather [hbm4b:s3+s2], $0x80, v3, vm0, $0xb8;
	[tilespmem:$0x10100] =	vst v63  }
0x231: {  	v3 =	vld [tilespmem:$0xF0];
	_ =	sdelay $0x4  }
0x232: {  	v39 =	vshll.u32 v3, $0x1  }
0x233: {  	v3 =	vand.u32 $0x7, v3;
	v4 =	vand.u32 $0xFFFFFFF0, v39  }
0x234: {  	v3 =	vor.u32 v3, v4  }
0x235: {  	v4 =	vperm.xlane v3, v0;
	_ =	sdelay $0x1  }
0x236: {  	v3 =	vperm.xlane v3, v2;
	v4 =	vadd.s32 v1, v4;
	_ =	sdelay $0x1  }
0x237: {  	v3 =	vadd.s32 v1, v3;
	_ =	sdelay $0x1  }
0x238: {  	s4 =	simm.s32 $0xF100  }
0x239: {  	[tilespmem:s4], [sflag:$0x1] =	stream.indirect_vreg.gather [hbm4b:s3+s2], $0x80, v4, vm0, $0xb8;
	[tilespmem:$0x10100] =	vst v63  }
0x23a: {  	s16 =	simm.s32 $0xF900  }
0x23b: {  	[tilespmem:s16], [sflag:$0x1] =	stream.indirect_vreg.gather [hbm4b:s3+s2], $0x80, v3, vm0, $0xb8;
	[tilespmem:$0x10100] =	vst v63  }
0x23c: {  	_ =	swait.ge [sflag:s12], $0x10000  }
0x23d: {  	[sflag:s12] =	ssyncset.done $0x0  }
0x23e: {  	s15 =	rddreg [dreg:$0x7];
	[sflag:s12] =	ssyncadd.s32 $0xFFFF0000  }
0x23f: {  	[hbm4b:s15+s2] =	stream.linear.scatter [tilespmem:s6], [sflag:$0x2], $0x10000, $0x38;
	[tilespmem:$0x10100] =	vst v63  }
0x240: {  	_ =	swait.ge [sflag:s5], $0x10000  }
0x241: {  	[sflag:s5] =	ssyncset.done $0x0  }
0x242: {  	s16 =	rddreg [dreg:$0x8];
	[sflag:s5] =	ssyncadd.s32 $0xFFFF0000  }
0x243: {  	[tilespmem:s2], [sflag:$0x2] =	stream.linear.gather [hbm4b:s16+s2], $0x100, $0x38;
	[tilespmem:$0x10100] =	vst v63  }
0x244: {  	_ =	swait.ge [sflag:s5], $0x100  }
0x245: {  	[sflag:s5] =	ssyncset.done $0x0  }
0x246: {  	[sflag:s5] =	ssyncadd.s32 $0xFFFFFF00  }
0x247: {  	v3 =	vld [tilespmem:$0x0];
	_ =	sdelay $0x4  }
0x248: {  	v40 =	vshll.u32 v3, $0x1  }
0x249: {  	v3 =	vand.u32 $0x7, v3;
	v4 =	vand.u32 $0xFFFFFFF0, v40  }
0x24a: {  	v3 =	vor.u32 v3, v4  }
0x24b: {  	v4 =	vperm.xlane v3, v0;
	_ =	sdelay $0x1  }
0x24c: {  	v3 =	vperm.xlane v3, v2;
	v4 =	vadd.s32 v1, v4;
	_ =	sdelay $0x1  }
0x24d: {  	v3 =	vadd.s32 v1, v3;
	_ =	sdelay $0x2  }
0x24e: {  	[tilespmem:s6], [sflag:$0x1] =	stream.indirect_vreg.gather [hbm4b:s3+s2], $0x80, v4, vm0, $0xb8;
	[tilespmem:$0x10100] =	vst v63  }
0x24f: {  	s15 =	simm.s32 $0x900  }
0x250: {  	[tilespmem:s15], [sflag:$0x1] =	stream.indirect_vreg.gather [hbm4b:s3+s2], $0x80, v3, vm0, $0xb8;
	[tilespmem:$0x10100] =	vst v63  }
0x251: {  	v3 =	vld [tilespmem:$0x10];
	_ =	sdelay $0x4  }
0x252: {  	v41 =	vshll.u32 v3, $0x1  }
0x253: {  	v3 =	vand.u32 $0x7, v3;
	v4 =	vand.u32 $0xFFFFFFF0, v41  }
0x254: {  	v3 =	vor.u32 v3, v4  }
0x255: {  	v4 =	vperm.xlane v3, v0;
	_ =	sdelay $0x1  }
0x256: {  	v3 =	vperm.xlane v3, v2;
	v4 =	vadd.s32 v1, v4;
	_ =	sdelay $0x1  }
0x257: {  	v3 =	vadd.s32 v1, v3;
	_ =	sdelay $0x1  }
0x258: {  	s16 =	simm.s32 $0x1100  }
0x259: {  	[tilespmem:s16], [sflag:$0x1] =	stream.indirect_vreg.gather [hbm4b:s3+s2], $0x80, v4, vm0, $0xb8;
	[tilespmem:$0x10100] =	vst v63  }
0x25a: {  	s15 =	simm.s32 $0x1900  }
0x25b: {  	[tilespmem:s15], [sflag:$0x1] =	stream.indirect_vreg.gather [hbm4b:s3+s2], $0x80, v3, vm0, $0xb8;
	[tilespmem:$0x10100] =	vst v63  }
0x25c: {  	v3 =	vld [tilespmem:$0x20];
	_ =	sdelay $0x4  }
0x25d: {  	v42 =	vshll.u32 v3, $0x1  }
0x25e: {  	v3 =	vand.u32 $0x7, v3;
	v4 =	vand.u32 $0xFFFFFFF0, v42  }
0x25f: {  	v3 =	vor.u32 v3, v4  }
0x260: {  	v4 =	vperm.xlane v3, v0;
	_ =	sdelay $0x1  }
0x261: {  	v3 =	vperm.xlane v3, v2;
	v4 =	vadd.s32 v1, v4;
	_ =	sdelay $0x1  }
0x262: {  	v3 =	vadd.s32 v1, v3;
	_ =	sdelay $0x1  }
0x263: {  	s16 =	simm.s32 $0x2100  }
0x264: {  	[tilespmem:s16], [sflag:$0x1] =	stream.indirect_vreg.gather [hbm4b:s3+s2], $0x80, v4, vm0, $0xb8;
	[tilespmem:$0x10100] =	vst v63  }
0x265: {  	s20 =	simm.s32 $0x2900  }
0x266: {  	[tilespmem:s20], [sflag:$0x1] =	stream.indirect_vreg.gather [hbm4b:s3+s2], $0x80, v3, vm0, $0xb8;
	[tilespmem:$0x10100] =	vst v63  }
0x267: {  	v3 =	vld [tilespmem:$0x30];
	_ =	sdelay $0x4  }
0x268: {  	v43 =	vshll.u32 v3, $0x1  }
0x269: {  	v3 =	vand.u32 $0x7, v3;
	v4 =	vand.u32 $0xFFFFFFF0, v43  }
0x26a: {  	v3 =	vor.u32 v3, v4  }
0x26b: {  	v4 =	vperm.xlane v3, v0;
	_ =	sdelay $0x1  }
0x26c: {  	v3 =	vperm.xlane v3, v2;
	v4 =	vadd.s32 v1, v4;
	_ =	sdelay $0x1  }
0x26d: {  	v3 =	vadd.s32 v1, v3;
	_ =	sdelay $0x1  }
0x26e: {  	s15 =	simm.s32 $0x3100  }
0x26f: {  	[tilespmem:s15], [sflag:$0x1] =	stream.indirect_vreg.gather [hbm4b:s3+s2], $0x80, v4, vm0, $0xb8;
	[tilespmem:$0x10100] =	vst v63  }
0x270: {  	s20 =	simm.s32 $0x3900  }
0x271: {  	[tilespmem:s20], [sflag:$0x1] =	stream.indirect_vreg.gather [hbm4b:s3+s2], $0x80, v3, vm0, $0xb8;
	[tilespmem:$0x10100] =	vst v63  }
0x272: {  	v3 =	vld [tilespmem:$0x40];
	_ =	sdelay $0x4  }
0x273: {  	v44 =	vshll.u32 v3, $0x1  }
0x274: {  	v3 =	vand.u32 $0x7, v3;
	v4 =	vand.u32 $0xFFFFFFF0, v44  }
0x275: {  	v3 =	vor.u32 v3, v4  }
0x276: {  	v4 =	vperm.xlane v3, v0;
	_ =	sdelay $0x1  }
0x277: {  	v3 =	vperm.xlane v3, v2;
	v4 =	vadd.s32 v1, v4;
	_ =	sdelay $0x1  }
0x278: {  	v3 =	vadd.s32 v1, v3;
	_ =	sdelay $0x1  }
0x279: {  	s21 =	simm.s32 $0x4100  }
0x27a: {  	[tilespmem:s21], [sflag:$0x1] =	stream.indirect_vreg.gather [hbm4b:s3+s2], $0x80, v4, vm0, $0xb8;
	[tilespmem:$0x10100] =	vst v63  }
0x27b: {  	s22 =	simm.s32 $0x4900  }
0x27c: {  	[tilespmem:s22], [sflag:$0x1] =	stream.indirect_vreg.gather [hbm4b:s3+s2], $0x80, v3, vm0, $0xb8;
	[tilespmem:$0x10100] =	vst v63  }
0x27d: {  	v3 =	vld [tilespmem:$0x50];
	_ =	sdelay $0x4  }
0x27e: {  	v45 =	vshll.u32 v3, $0x1  }
0x27f: {  	v3 =	vand.u32 $0x7, v3;
	v4 =	vand.u32 $0xFFFFFFF0, v45  }
0x280: {  	v3 =	vor.u32 v3, v4  }
0x281: {  	v4 =	vperm.xlane v3, v0;
	_ =	sdelay $0x1  }
0x282: {  	v3 =	vperm.xlane v3, v2;
	v4 =	vadd.s32 v1, v4;
	_ =	sdelay $0x1  }
0x283: {  	v3 =	vadd.s32 v1, v3;
	_ =	sdelay $0x1  }
0x284: {  	s23 =	simm.s32 $0x5100  }
0x285: {  	[tilespmem:s23], [sflag:$0x1] =	stream.indirect_vreg.gather [hbm4b:s3+s2], $0x80, v4, vm0, $0xb8;
	[tilespmem:$0x10100] =	vst v63  }
0x286: {  	s24 =	simm.s32 $0x5900  }
0x287: {  	[tilespmem:s24], [sflag:$0x1] =	stream.indirect_vreg.gather [hbm4b:s3+s2], $0x80, v3, vm0, $0xb8;
	[tilespmem:$0x10100] =	vst v63  }
0x288: {  	v3 =	vld [tilespmem:$0x60];
	_ =	sdelay $0x4  }
0x289: {  	v46 =	vshll.u32 v3, $0x1  }
0x28a: {  	v3 =	vand.u32 $0x7, v3;
	v4 =	vand.u32 $0xFFFFFFF0, v46  }
0x28b: {  	v3 =	vor.u32 v3, v4  }
0x28c: {  	v4 =	vperm.xlane v3, v0;
	_ =	sdelay $0x1  }
0x28d: {  	v3 =	vperm.xlane v3, v2;
	v4 =	vadd.s32 v1, v4;
	_ =	sdelay $0x1  }
0x28e: {  	v3 =	vadd.s32 v1, v3;
	_ =	sdelay $0x1  }
0x28f: {  	s25 =	simm.s32 $0x6100  }
0x290: {  	[tilespmem:s25], [sflag:$0x1] =	stream.indirect_vreg.gather [hbm4b:s3+s2], $0x80, v4, vm0, $0xb8;
	[tilespmem:$0x10100] =	vst v63  }
0x291: {  	s26 =	simm.s32 $0x6900  }
0x292: {  	[tilespmem:s26], [sflag:$0x1] =	stream.indirect_vreg.gather [hbm4b:s3+s2], $0x80, v3, vm0, $0xb8;
	[tilespmem:$0x10100] =	vst v63  }
0x293: {  	v3 =	vld [tilespmem:$0x70];
	_ =	sdelay $0x4  }
0x294: {  	v47 =	vshll.u32 v3, $0x1  }
0x295: {  	v3 =	vand.u32 $0x7, v3;
	v4 =	vand.u32 $0xFFFFFFF0, v47  }
0x296: {  	v3 =	vor.u32 v3, v4  }
0x297: {  	v4 =	vperm.xlane v3, v0;
	_ =	sdelay $0x1  }
0x298: {  	v3 =	vperm.xlane v3, v2;
	v4 =	vadd.s32 v1, v4;
	_ =	sdelay $0x1  }
0x299: {  	v3 =	vadd.s32 v1, v3;
	_ =	sdelay $0x1  }
0x29a: {  	s28 =	simm.s32 $0x7100  }
0x29b: {  	[tilespmem:s28], [sflag:$0x1] =	stream.indirect_vreg.gather [hbm4b:s3+s2], $0x80, v4, vm0, $0xb8;
	[tilespmem:$0x10100] =	vst v63  }
0x29c: {  	s29 =	simm.s32 $0x7900  }
0x29d: {  	[tilespmem:s29], [sflag:$0x1] =	stream.indirect_vreg.gather [hbm4b:s3+s2], $0x80, v3, vm0, $0xb8;
	[tilespmem:$0x10100] =	vst v63  }
0x29e: {  	v3 =	vld [tilespmem:$0x80];
	_ =	sdelay $0x4  }
0x29f: {  	v48 =	vshll.u32 v3, $0x1  }
0x2a0: {  	v3 =	vand.u32 $0x7, v3;
	v4 =	vand.u32 $0xFFFFFFF0, v48  }
0x2a1: {  	v3 =	vor.u32 v3, v4  }
0x2a2: {  	v4 =	vperm.xlane v3, v0;
	_ =	sdelay $0x1  }
0x2a3: {  	v3 =	vperm.xlane v3, v2;
	v4 =	vadd.s32 v1, v4;
	_ =	sdelay $0x1  }
0x2a4: {  	v3 =	vadd.s32 v1, v3;
	_ =	sdelay $0x1  }
0x2a5: {  	s30 =	simm.s32 $0x8100  }
0x2a6: {  	[tilespmem:s30], [sflag:$0x1] =	stream.indirect_vreg.gather [hbm4b:s3+s2], $0x80, v4, vm0, $0xb8;
	[tilespmem:$0x10100] =	vst v63  }
0x2a7: {  	s31 =	simm.s32 $0x8900  }
0x2a8: {  	[tilespmem:s31], [sflag:$0x1] =	stream.indirect_vreg.gather [hbm4b:s3+s2], $0x80, v3, vm0, $0xb8;
	[tilespmem:$0x10100] =	vst v63  }
0x2a9: {  	v3 =	vld [tilespmem:$0x90];
	_ =	sdelay $0x4  }
0x2aa: {  	v49 =	vshll.u32 v3, $0x1  }
0x2ab: {  	v3 =	vand.u32 $0x7, v3;
	v4 =	vand.u32 $0xFFFFFFF0, v49  }
0x2ac: {  	v3 =	vor.u32 v3, v4  }
0x2ad: {  	v4 =	vperm.xlane v3, v0;
	_ =	sdelay $0x1  }
0x2ae: {  	v3 =	vperm.xlane v3, v2;
	v4 =	vadd.s32 v1, v4;
	_ =	sdelay $0x1  }
0x2af: {  	v3 =	vadd.s32 v1, v3;
	_ =	sdelay $0x1  }
0x2b0: {  	s15 =	simm.s32 $0x9100  }
0x2b1: {  	[tilespmem:s15], [sflag:$0x1] =	stream.indirect_vreg.gather [hbm4b:s3+s2], $0x80, v4, vm0, $0xb8;
	[tilespmem:$0x10100] =	vst v63  }
0x2b2: {  	s7 =	simm.s32 $0x9900  }
0x2b3: {  	[tilespmem:s7], [sflag:$0x1] =	stream.indirect_vreg.gather [hbm4b:s3+s2], $0x80, v3, vm0, $0xb8;
	[tilespmem:$0x10100] =	vst v63  }
0x2b4: {  	v3 =	vld [tilespmem:$0xA0];
	_ =	sdelay $0x4  }
0x2b5: {  	v50 =	vshll.u32 v3, $0x1  }
0x2b6: {  	v3 =	vand.u32 $0x7, v3;
	v4 =	vand.u32 $0xFFFFFFF0, v50  }
0x2b7: {  	v3 =	vor.u32 v3, v4  }
0x2b8: {  	v4 =	vperm.xlane v3, v0;
	_ =	sdelay $0x1  }
0x2b9: {  	v3 =	vperm.xlane v3, v2;
	v4 =	vadd.s32 v1, v4;
	_ =	sdelay $0x1  }
0x2ba: {  	v3 =	vadd.s32 v1, v3;
	_ =	sdelay $0x1  }
0x2bb: {  	s8 =	simm.s32 $0xA100  }
0x2bc: {  	[tilespmem:s8], [sflag:$0x1] =	stream.indirect_vreg.gather [hbm4b:s3+s2], $0x80, v4, vm0, $0xb8;
	[tilespmem:$0x10100] =	vst v63  }
0x2bd: {  	s17 =	simm.s32 $0xA900  }
0x2be: {  	[tilespmem:s17], [sflag:$0x1] =	stream.indirect_vreg.gather [hbm4b:s3+s2], $0x80, v3, vm0, $0xb8;
	[tilespmem:$0x10100] =	vst v63  }
0x2bf: {  	v3 =	vld [tilespmem:$0xB0];
	_ =	sdelay $0x4  }
0x2c0: {  	v51 =	vshll.u32 v3, $0x1  }
0x2c1: {  	v3 =	vand.u32 $0x7, v3;
	v4 =	vand.u32 $0xFFFFFFF0, v51  }
0x2c2: {  	v3 =	vor.u32 v3, v4  }
0x2c3: {  	v4 =	vperm.xlane v3, v0;
	_ =	sdelay $0x1  }
0x2c4: {  	v3 =	vperm.xlane v3, v2;
	v4 =	vadd.s32 v1, v4;
	_ =	sdelay $0x1  }
0x2c5: {  	v3 =	vadd.s32 v1, v3;
	_ =	sdelay $0x1  }
0x2c6: {  	s18 =	simm.s32 $0xB100  }
0x2c7: {  	[tilespmem:s18], [sflag:$0x1] =	stream.indirect_vreg.gather [hbm4b:s3+s2], $0x80, v4, vm0, $0xb8;
	[tilespmem:$0x10100] =	vst v63  }
0x2c8: {  	s9 =	simm.s32 $0xB900  }
0x2c9: {  	[tilespmem:s9], [sflag:$0x1] =	stream.indirect_vreg.gather [hbm4b:s3+s2], $0x80, v3, vm0, $0xb8;
	[tilespmem:$0x10100] =	vst v63  }
0x2ca: {  	v3 =	vld [tilespmem:$0xC0];
	_ =	sdelay $0x4  }
0x2cb: {  	v52 =	vshll.u32 v3, $0x1  }
0x2cc: {  	v3 =	vand.u32 $0x7, v3;
	v4 =	vand.u32 $0xFFFFFFF0, v52  }
0x2cd: {  	v3 =	vor.u32 v3, v4  }
0x2ce: {  	v4 =	vperm.xlane v3, v0;
	_ =	sdelay $0x1  }
0x2cf: {  	v3 =	vperm.xlane v3, v2;
	v4 =	vadd.s32 v1, v4;
	_ =	sdelay $0x1  }
0x2d0: {  	v3 =	vadd.s32 v1, v3;
	_ =	sdelay $0x1  }
0x2d1: {  	s18 =	simm.s32 $0xC100  }
0x2d2: {  	[tilespmem:s18], [sflag:$0x1] =	stream.indirect_vreg.gather [hbm4b:s3+s2], $0x80, v4, vm0, $0xb8;
	[tilespmem:$0x10100] =	vst v63  }
0x2d3: {  	s11 =	simm.s32 $0xC900  }
0x2d4: {  	[tilespmem:s11], [sflag:$0x1] =	stream.indirect_vreg.gather [hbm4b:s3+s2], $0x80, v3, vm0, $0xb8;
	[tilespmem:$0x10100] =	vst v63  }
0x2d5: {  	v3 =	vld [tilespmem:$0xD0];
	_ =	sdelay $0x4  }
0x2d6: {  	v53 =	vshll.u32 v3, $0x1  }
0x2d7: {  	v3 =	vand.u32 $0x7, v3;
	v4 =	vand.u32 $0xFFFFFFF0, v53  }
0x2d8: {  	v3 =	vor.u32 v3, v4  }
0x2d9: {  	v4 =	vperm.xlane v3, v0;
	_ =	sdelay $0x1  }
0x2da: {  	v3 =	vperm.xlane v3, v2;
	v4 =	vadd.s32 v1, v4;
	_ =	sdelay $0x1  }
0x2db: {  	v3 =	vadd.s32 v1, v3;
	_ =	sdelay $0x1  }
0x2dc: {  	s0 =	simm.s32 $0xD100  }
0x2dd: {  	[tilespmem:s0], [sflag:$0x1] =	stream.indirect_vreg.gather [hbm4b:s3+s2], $0x80, v4, vm0, $0xb8;
	[tilespmem:$0x10100] =	vst v63  }
0x2de: {  	s19 =	simm.s32 $0xD900  }
0x2df: {  	[tilespmem:s19], [sflag:$0x1] =	stream.indirect_vreg.gather [hbm4b:s3+s2], $0x80, v3, vm0, $0xb8;
	[tilespmem:$0x10100] =	vst v63  }
0x2e0: {  	v3 =	vld [tilespmem:$0xE0];
	_ =	sdelay $0x4  }
0x2e1: {  	v54 =	vshll.u32 v3, $0x1  }
0x2e2: {  	v3 =	vand.u32 $0x7, v3;
	v4 =	vand.u32 $0xFFFFFFF0, v54  }
0x2e3: {  	v3 =	vor.u32 v3, v4  }
0x2e4: {  	v4 =	vperm.xlane v3, v0;
	_ =	sdelay $0x1  }
0x2e5: {  	v3 =	vperm.xlane v3, v2;
	v4 =	vadd.s32 v1, v4;
	_ =	sdelay $0x1  }
0x2e6: {  	v3 =	vadd.s32 v1, v3;
	_ =	sdelay $0x1  }
0x2e7: {  	s10 =	simm.s32 $0xE100  }
0x2e8: {  	[tilespmem:s10], [sflag:$0x1] =	stream.indirect_vreg.gather [hbm4b:s3+s2], $0x80, v4, vm0, $0xb8;
	[tilespmem:$0x10100] =	vst v63  }
0x2e9: {  	s14 =	simm.s32 $0xE900  }
0x2ea: {  	[tilespmem:s14], [sflag:$0x1] =	stream.indirect_vreg.gather [hbm4b:s3+s2], $0x80, v3, vm0, $0xb8;
	[tilespmem:$0x10100] =	vst v63  }
0x2eb: {  	v3 =	vld [tilespmem:$0xF0];
	_ =	sdelay $0x4  }
0x2ec: {  	v55 =	vshll.u32 v3, $0x1  }
0x2ed: {  	v3 =	vand.u32 $0x7, v3;
	v4 =	vand.u32 $0xFFFFFFF0, v55  }
0x2ee: {  	v3 =	vor.u32 v3, v4  }
0x2ef: {  	v4 =	vperm.xlane v3, v0;
	_ =	sdelay $0x1  }
0x2f0: {  	v3 =	vperm.xlane v3, v2;
	v4 =	vadd.s32 v1, v4;
	_ =	sdelay $0x1  }
0x2f1: {  	v3 =	vadd.s32 v1, v3;
	_ =	sdelay $0x1  }
0x2f2: {  	s1 =	simm.s32 $0xF100  }
0x2f3: {  	[tilespmem:s1], [sflag:$0x1] =	stream.indirect_vreg.gather [hbm4b:s3+s2], $0x80, v4, vm0, $0xb8;
	[tilespmem:$0x10100] =	vst v63  }
0x2f4: {  	s4 =	simm.s32 $0xF900  }
0x2f5: {  	[tilespmem:s4], [sflag:$0x1] =	stream.indirect_vreg.gather [hbm4b:s3+s2], $0x80, v3, vm0, $0xb8;
	[tilespmem:$0x10100] =	vst v63  }
0x2f6: {  	_ =	swait.ge [sflag:s12], $0x10000  }
0x2f7: {  	[sflag:s12] =	ssyncset.done $0x0  }
0x2f8: {  	s13 =	rddreg [dreg:$0x9];
	[sflag:s12] =	ssyncadd.s32 $0xFFFF0000  }
0x2f9: {  	[hbm4b:s13+s2] =	stream.linear.scatter [tilespmem:s6], [sflag:$0x2], $0x10000, $0x38;
	[tilespmem:$0x10100] =	vst v63  }
0x2fa: {  	_ =	swait.ge [sflag:s5], $0x10000  }
0x2fb: {  	[sflag:s5] =	ssyncset.done $0x0  }
0x2fc: {  	s13 =	rddreg [dreg:$0xa];
	[sflag:s5] =	ssyncadd.s32 $0xFFFF0000  }
0x2fd: {  	[tilespmem:s2], [sflag:$0x2] =	stream.linear.gather [hbm4b:s13+s2], $0x100, $0x38;
	[tilespmem:$0x10100] =	vst v63  }
0x2fe: {  	_ =	swait.ge [sflag:s5], $0x100  }
0x2ff: {  	[sflag:s5] =	ssyncset.done $0x0  }
0x300: {  	[sflag:s5] =	ssyncadd.s32 $0xFFFFFF00  }
0x301: {  	v3 =	vld [tilespmem:$0x0];
	_ =	sdelay $0x4  }
0x302: {  	v56 =	vshll.u32 v3, $0x1  }
0x303: {  	v3 =	vand.u32 $0x7, v3;
	v4 =	vand.u32 $0xFFFFFFF0, v56  }
0x304: {  	v3 =	vor.u32 v3, v4  }
0x305: {  	v4 =	vperm.xlane v3, v0;
	_ =	sdelay $0x1  }
0x306: {  	v3 =	vperm.xlane v3, v2;
	v4 =	vadd.s32 v1, v4;
	_ =	sdelay $0x1  }
0x307: {  	v3 =	vadd.s32 v1, v3;
	_ =	sdelay $0x2  }
0x308: {  	[tilespmem:s6], [sflag:$0x1] =	stream.indirect_vreg.gather [hbm4b:s3+s2], $0x80, v4, vm0, $0xb8;
	[tilespmem:$0x10100] =	vst v63  }
0x309: {  	s13 =	simm.s32 $0x900  }
0x30a: {  	[tilespmem:s13], [sflag:$0x1] =	stream.indirect_vreg.gather [hbm4b:s3+s2], $0x80, v3, vm0, $0xb8;
	[tilespmem:$0x10100] =	vst v63  }
0x30b: {  	v3 =	vld [tilespmem:$0x10];
	_ =	sdelay $0x4  }
0x30c: {  	v57 =	vshll.u32 v3, $0x1  }
0x30d: {  	v3 =	vand.u32 $0x7, v3;
	v4 =	vand.u32 $0xFFFFFFF0, v57  }
0x30e: {  	v3 =	vor.u32 v3, v4  }
0x30f: {  	v4 =	vperm.xlane v3, v0;
	_ =	sdelay $0x1  }
0x310: {  	v3 =	vperm.xlane v3, v2;
	v4 =	vadd.s32 v1, v4;
	_ =	sdelay $0x1  }
0x311: {  	v3 =	vadd.s32 v1, v3;
	_ =	sdelay $0x1  }
0x312: {  	s13 =	simm.s32 $0x1100  }
0x313: {  	[tilespmem:s13], [sflag:$0x1] =	stream.indirect_vreg.gather [hbm4b:s3+s2], $0x80, v4, vm0, $0xb8;
	[tilespmem:$0x10100] =	vst v63  }
0x314: {  	s13 =	simm.s32 $0x1900  }
0x315: {  	[tilespmem:s13], [sflag:$0x1] =	stream.indirect_vreg.gather [hbm4b:s3+s2], $0x80, v3, vm0, $0xb8;
	[tilespmem:$0x10100] =	vst v63  }
0x316: {  	v3 =	vld [tilespmem:$0x20];
	_ =	sdelay $0x4  }
0x317: {  	v58 =	vshll.u32 v3, $0x1  }
0x318: {  	v3 =	vand.u32 $0x7, v3;
	v4 =	vand.u32 $0xFFFFFFF0, v58  }
0x319: {  	v3 =	vor.u32 v3, v4  }
0x31a: {  	v4 =	vperm.xlane v3, v0;
	_ =	sdelay $0x1  }
0x31b: {  	v3 =	vperm.xlane v3, v2;
	v4 =	vadd.s32 v1, v4;
	_ =	sdelay $0x1  }
0x31c: {  	v3 =	vadd.s32 v1, v3;
	_ =	sdelay $0x1  }
0x31d: {  	s13 =	simm.s32 $0x2100  }
0x31e: {  	[tilespmem:s13], [sflag:$0x1] =	stream.indirect_vreg.gather [hbm4b:s3+s2], $0x80, v4, vm0, $0xb8;
	[tilespmem:$0x10100] =	vst v63  }
0x31f: {  	s16 =	simm.s32 $0x2900  }
0x320: {  	[tilespmem:s16], [sflag:$0x1] =	stream.indirect_vreg.gather [hbm4b:s3+s2], $0x80, v3, vm0, $0xb8;
	[tilespmem:$0x10100] =	vst v63  }
0x321: {  	v3 =	vld [tilespmem:$0x30];
	_ =	sdelay $0x4  }
0x322: {  	v59 =	vshll.u32 v3, $0x1  }
0x323: {  	v3 =	vand.u32 $0x7, v3;
	v4 =	vand.u32 $0xFFFFFFF0, v59  }
0x324: {  	v3 =	vor.u32 v3, v4  }
0x325: {  	v4 =	vperm.xlane v3, v0;
	_ =	sdelay $0x1  }
0x326: {  	v3 =	vperm.xlane v3, v2;
	v4 =	vadd.s32 v1, v4;
	_ =	sdelay $0x1  }
0x327: {  	v3 =	vadd.s32 v1, v3;
	_ =	sdelay $0x1  }
0x328: {  	s13 =	simm.s32 $0x3100  }
0x329: {  	[tilespmem:s13], [sflag:$0x1] =	stream.indirect_vreg.gather [hbm4b:s3+s2], $0x80, v4, vm0, $0xb8;
	[tilespmem:$0x10100] =	vst v63  }
0x32a: {  	s13 =	simm.s32 $0x3900  }
0x32b: {  	[tilespmem:s13], [sflag:$0x1] =	stream.indirect_vreg.gather [hbm4b:s3+s2], $0x80, v3, vm0, $0xb8;
	[tilespmem:$0x10100] =	vst v63  }
0x32c: {  	v3 =	vld [tilespmem:$0x40];
	_ =	sdelay $0x4  }
0x32d: {  	v60 =	vshll.u32 v3, $0x1  }
0x32e: {  	v3 =	vand.u32 $0x7, v3;
	v4 =	vand.u32 $0xFFFFFFF0, v60  }
0x32f: {  	v3 =	vor.u32 v3, v4  }
0x330: {  	v4 =	vperm.xlane v3, v0;
	_ =	sdelay $0x1  }
0x331: {  	v3 =	vperm.xlane v3, v2;
	v4 =	vadd.s32 v1, v4;
	_ =	sdelay $0x1  }
0x332: {  	v3 =	vadd.s32 v1, v3;
	_ =	sdelay $0x1  }
0x333: {  	s20 =	simm.s32 $0x4100  }
0x334: {  	[tilespmem:s20], [sflag:$0x1] =	stream.indirect_vreg.gather [hbm4b:s3+s2], $0x80, v4, vm0, $0xb8;
	[tilespmem:$0x10100] =	vst v63  }
0x335: {  	s21 =	simm.s32 $0x4900  }
0x336: {  	[tilespmem:s21], [sflag:$0x1] =	stream.indirect_vreg.gather [hbm4b:s3+s2], $0x80, v3, vm0, $0xb8;
	[tilespmem:$0x10100] =	vst v63  }
0x337: {  	v3 =	vld [tilespmem:$0x50];
	_ =	sdelay $0x4  }
0x338: {  	v61 =	vshll.u32 v3, $0x1  }
0x339: {  	v3 =	vand.u32 $0x7, v3;
	v4 =	vand.u32 $0xFFFFFFF0, v61  }
0x33a: {  	v3 =	vor.u32 v3, v4  }
0x33b: {  	v4 =	vperm.xlane v3, v0;
	_ =	sdelay $0x1  }
0x33c: {  	v3 =	vperm.xlane v3, v2;
	v4 =	vadd.s32 v1, v4;
	_ =	sdelay $0x1  }
0x33d: {  	v3 =	vadd.s32 v1, v3;
	_ =	sdelay $0x1  }
0x33e: {  	s22 =	simm.s32 $0x5100  }
0x33f: {  	[tilespmem:s22], [sflag:$0x1] =	stream.indirect_vreg.gather [hbm4b:s3+s2], $0x80, v4, vm0, $0xb8;
	[tilespmem:$0x10100] =	vst v63  }
0x340: {  	s23 =	simm.s32 $0x5900  }
0x341: {  	[tilespmem:s23], [sflag:$0x1] =	stream.indirect_vreg.gather [hbm4b:s3+s2], $0x80, v3, vm0, $0xb8;
	[tilespmem:$0x10100] =	vst v63  }
0x342: {  	v3 =	vld [tilespmem:$0x60];
	_ =	sdelay $0x4  }
0x343: {  	v62 =	vshll.u32 v3, $0x1  }
0x344: {  	v3 =	vand.u32 $0x7, v3;
	v4 =	vand.u32 $0xFFFFFFF0, v62  }
0x345: {  	v3 =	vor.u32 v3, v4  }
0x346: {  	v4 =	vperm.xlane v3, v0;
	_ =	sdelay $0x1  }
0x347: {  	v3 =	vperm.xlane v3, v2;
	v4 =	vadd.s32 v1, v4;
	_ =	sdelay $0x1  }
0x348: {  	v3 =	vadd.s32 v1, v3;
	_ =	sdelay $0x1  }
0x349: {  	s24 =	simm.s32 $0x6100  }
0x34a: {  	[tilespmem:s24], [sflag:$0x1] =	stream.indirect_vreg.gather [hbm4b:s3+s2], $0x80, v4, vm0, $0xb8;
	[tilespmem:$0x10100] =	vst v63  }
0x34b: {  	s25 =	simm.s32 $0x6900  }
0x34c: {  	[tilespmem:s25], [sflag:$0x1] =	stream.indirect_vreg.gather [hbm4b:s3+s2], $0x80, v3, vm0, $0xb8;
	[tilespmem:$0x10100] =	vst v63  }
0x34d: {  	v3 =	vld [tilespmem:$0x70];
	_ =	sdelay $0x4  }
0x34e: {  	v63 =	vshll.u32 v3, $0x1  }
0x34f: {  	v3 =	vand.u32 $0x7, v3;
	v4 =	vand.u32 $0xFFFFFFF0, v63  }
0x350: {  	v3 =	vor.u32 v3, v4  }
0x351: {  	v4 =	vperm.xlane v3, v0;
	_ =	sdelay $0x1  }
0x352: {  	v3 =	vperm.xlane v3, v2;
	v4 =	vadd.s32 v1, v4;
	_ =	sdelay $0x1  }
0x353: {  	v3 =	vadd.s32 v1, v3;
	_ =	sdelay $0x1  }
0x354: {  	s26 =	simm.s32 $0x7100  }
0x355: {  	[tilespmem:s26], [sflag:$0x1] =	stream.indirect_vreg.gather [hbm4b:s3+s2], $0x80, v4, vm0, $0xb8;
	[tilespmem:$0x10100] =	vst v63  }
0x356: {  	s28 =	simm.s32 $0x7900  }
0x357: {  	[tilespmem:s28], [sflag:$0x1] =	stream.indirect_vreg.gather [hbm4b:s3+s2], $0x80, v3, vm0, $0xb8;
	[tilespmem:$0x10100] =	vst v63  }
0x358: {  	v3 =	vld [tilespmem:$0x80];
	_ =	sdelay $0x4  }
0x359: {  	v8 =	vshll.u32 v3, $0x1  }
0x35a: {  	v3 =	vand.u32 $0x7, v3;
	v4 =	vand.u32 $0xFFFFFFF0, v8  }
0x35b: {  	v3 =	vor.u32 v3, v4  }
0x35c: {  	v4 =	vperm.xlane v3, v0;
	_ =	sdelay $0x1  }
0x35d: {  	v3 =	vperm.xlane v3, v2;
	v4 =	vadd.s32 v1, v4;
	_ =	sdelay $0x1  }
0x35e: {  	v3 =	vadd.s32 v1, v3;
	_ =	sdelay $0x1  }
0x35f: {  	s29 =	simm.s32 $0x8100  }
0x360: {  	[tilespmem:s29], [sflag:$0x1] =	stream.indirect_vreg.gather [hbm4b:s3+s2], $0x80, v4, vm0, $0xb8;
	[tilespmem:$0x10100] =	vst v63  }
0x361: {  	s30 =	simm.s32 $0x8900  }
0x362: {  	[tilespmem:s30], [sflag:$0x1] =	stream.indirect_vreg.gather [hbm4b:s3+s2], $0x80, v3, vm0, $0xb8;
	[tilespmem:$0x10100] =	vst v63  }
0x363: {  	v3 =	vld [tilespmem:$0x90];
	_ =	sdelay $0x4  }
0x364: {  	v9 =	vshll.u32 v3, $0x1  }
0x365: {  	v3 =	vand.u32 $0x7, v3;
	v4 =	vand.u32 $0xFFFFFFF0, v9  }
0x366: {  	v3 =	vor.u32 v3, v4  }
0x367: {  	v4 =	vperm.xlane v3, v0;
	_ =	sdelay $0x1  }
0x368: {  	v3 =	vperm.xlane v3, v2;
	v4 =	vadd.s32 v1, v4;
	_ =	sdelay $0x1  }
0x369: {  	v3 =	vadd.s32 v1, v3;
	_ =	sdelay $0x1  }
0x36a: {  	s31 =	simm.s32 $0x9100  }
0x36b: {  	[tilespmem:s31], [sflag:$0x1] =	stream.indirect_vreg.gather [hbm4b:s3+s2], $0x80, v4, vm0, $0xb8;
	[tilespmem:$0x10100] =	vst v63  }
0x36c: {  	s7 =	simm.s32 $0x9900  }
0x36d: {  	[tilespmem:s7], [sflag:$0x1] =	stream.indirect_vreg.gather [hbm4b:s3+s2], $0x80, v3, vm0, $0xb8;
	[tilespmem:$0x10100] =	vst v63  }
0x36e: {  	v3 =	vld [tilespmem:$0xA0];
	_ =	sdelay $0x4  }
0x36f: {  	v10 =	vshll.u32 v3, $0x1  }
0x370: {  	v3 =	vand.u32 $0x7, v3;
	v4 =	vand.u32 $0xFFFFFFF0, v10  }
0x371: {  	v3 =	vor.u32 v3, v4  }
0x372: {  	v4 =	vperm.xlane v3, v0;
	_ =	sdelay $0x1  }
0x373: {  	v3 =	vperm.xlane v3, v2;
	v4 =	vadd.s32 v1, v4;
	_ =	sdelay $0x1  }
0x374: {  	v3 =	vadd.s32 v1, v3;
	_ =	sdelay $0x1  }
0x375: {  	s8 =	simm.s32 $0xA100  }
0x376: {  	[tilespmem:s8], [sflag:$0x1] =	stream.indirect_vreg.gather [hbm4b:s3+s2], $0x80, v4, vm0, $0xb8;
	[tilespmem:$0x10100] =	vst v63  }
0x377: {  	s15 =	simm.s32 $0xA900  }
0x378: {  	[tilespmem:s15], [sflag:$0x1] =	stream.indirect_vreg.gather [hbm4b:s3+s2], $0x80, v3, vm0, $0xb8;
	[tilespmem:$0x10100] =	vst v63  }
0x379: {  	v3 =	vld [tilespmem:$0xB0];
	_ =	sdelay $0x4  }
0x37a: {  	v11 =	vshll.u32 v3, $0x1  }
0x37b: {  	v3 =	vand.u32 $0x7, v3;
	v4 =	vand.u32 $0xFFFFFFF0, v11  }
0x37c: {  	v3 =	vor.u32 v3, v4  }
0x37d: {  	v4 =	vperm.xlane v3, v0;
	_ =	sdelay $0x1  }
0x37e: {  	v3 =	vperm.xlane v3, v2;
	v4 =	vadd.s32 v1, v4;
	_ =	sdelay $0x1  }
0x37f: {  	v3 =	vadd.s32 v1, v3;
	_ =	sdelay $0x1  }
0x380: {  	s17 =	simm.s32 $0xB100  }
0x381: {  	[tilespmem:s17], [sflag:$0x1] =	stream.indirect_vreg.gather [hbm4b:s3+s2], $0x80, v4, vm0, $0xb8;
	[tilespmem:$0x10100] =	vst v63  }
0x382: {  	s9 =	simm.s32 $0xB900  }
0x383: {  	[tilespmem:s9], [sflag:$0x1] =	stream.indirect_vreg.gather [hbm4b:s3+s2], $0x80, v3, vm0, $0xb8;
	[tilespmem:$0x10100] =	vst v63  }
0x384: {  	v3 =	vld [tilespmem:$0xC0];
	_ =	sdelay $0x4  }
0x385: {  	v12 =	vshll.u32 v3, $0x1  }
0x386: {  	v3 =	vand.u32 $0x7, v3;
	v4 =	vand.u32 $0xFFFFFFF0, v12  }
0x387: {  	v3 =	vor.u32 v3, v4  }
0x388: {  	v4 =	vperm.xlane v3, v0;
	_ =	sdelay $0x1  }
0x389: {  	v3 =	vperm.xlane v3, v2;
	v4 =	vadd.s32 v1, v4;
	_ =	sdelay $0x1  }
0x38a: {  	v3 =	vadd.s32 v1, v3;
	_ =	sdelay $0x1  }
0x38b: {  	s18 =	simm.s32 $0xC100  }
0x38c: {  	[tilespmem:s18], [sflag:$0x1] =	stream.indirect_vreg.gather [hbm4b:s3+s2], $0x80, v4, vm0, $0xb8;
	[tilespmem:$0x10100] =	vst v63  }
0x38d: {  	s11 =	simm.s32 $0xC900  }
0x38e: {  	[tilespmem:s11], [sflag:$0x1] =	stream.indirect_vreg.gather [hbm4b:s3+s2], $0x80, v3, vm0, $0xb8;
	[tilespmem:$0x10100] =	vst v63  }
0x38f: {  	v3 =	vld [tilespmem:$0xD0];
	_ =	sdelay $0x4  }
0x390: {  	v13 =	vshll.u32 v3, $0x1  }
0x391: {  	v3 =	vand.u32 $0x7, v3;
	v4 =	vand.u32 $0xFFFFFFF0, v13  }
0x392: {  	v3 =	vor.u32 v3, v4  }
0x393: {  	v4 =	vperm.xlane v3, v0;
	_ =	sdelay $0x1  }
0x394: {  	v3 =	vperm.xlane v3, v2;
	v4 =	vadd.s32 v1, v4;
	_ =	sdelay $0x1  }
0x395: {  	v3 =	vadd.s32 v1, v3;
	_ =	sdelay $0x1  }
0x396: {  	s0 =	simm.s32 $0xD100  }
0x397: {  	[tilespmem:s0], [sflag:$0x1] =	stream.indirect_vreg.gather [hbm4b:s3+s2], $0x80, v4, vm0, $0xb8;
	[tilespmem:$0x10100] =	vst v63  }
0x398: {  	s19 =	simm.s32 $0xD900  }
0x399: {  	[tilespmem:s19], [sflag:$0x1] =	stream.indirect_vreg.gather [hbm4b:s3+s2], $0x80, v3, vm0, $0xb8;
	[tilespmem:$0x10100] =	vst v63  }
0x39a: {  	v3 =	vld [tilespmem:$0xE0];
	_ =	sdelay $0x4  }
0x39b: {  	v14 =	vshll.u32 v3, $0x1  }
0x39c: {  	v3 =	vand.u32 $0x7, v3;
	v4 =	vand.u32 $0xFFFFFFF0, v14  }
0x39d: {  	v3 =	vor.u32 v3, v4  }
0x39e: {  	v4 =	vperm.xlane v3, v0;
	_ =	sdelay $0x1  }
0x39f: {  	v3 =	vperm.xlane v3, v2;
	v4 =	vadd.s32 v1, v4;
	_ =	sdelay $0x1  }
0x3a0: {  	v3 =	vadd.s32 v1, v3;
	_ =	sdelay $0x1  }
0x3a1: {  	s10 =	simm.s32 $0xE100  }
0x3a2: {  	[tilespmem:s10], [sflag:$0x1] =	stream.indirect_vreg.gather [hbm4b:s3+s2], $0x80, v4, vm0, $0xb8;
	[tilespmem:$0x10100] =	vst v63  }
0x3a3: {  	s14 =	simm.s32 $0xE900  }
0x3a4: {  	[tilespmem:s14], [sflag:$0x1] =	stream.indirect_vreg.gather [hbm4b:s3+s2], $0x80, v3, vm0, $0xb8;
	[tilespmem:$0x10100] =	vst v63  }
0x3a5: {  	v3 =	vld [tilespmem:$0xF0];
	_ =	sdelay $0x4  }
0x3a6: {  	v15 =	vshll.u32 v3, $0x1  }
0x3a7: {  	v3 =	vand.u32 $0x7, v3;
	v4 =	vand.u32 $0xFFFFFFF0, v15  }
0x3a8: {  	v3 =	vor.u32 v3, v4  }
0x3a9: {  	v4 =	vperm.xlane v3, v0;
	_ =	sdelay $0x1  }
0x3aa: {  	v3 =	vperm.xlane v3, v2;
	v4 =	vadd.s32 v1, v4;
	_ =	sdelay $0x1  }
0x3ab: {  	v3 =	vadd.s32 v1, v3;
	_ =	sdelay $0x1  }
0x3ac: {  	s1 =	simm.s32 $0xF100  }
0x3ad: {  	[tilespmem:s1], [sflag:$0x1] =	stream.indirect_vreg.gather [hbm4b:s3+s2], $0x80, v4, vm0, $0xb8;
	[tilespmem:$0x10100] =	vst v63  }
0x3ae: {  	s4 =	simm.s32 $0xF900  }
0x3af: {  	[tilespmem:s4], [sflag:$0x1] =	stream.indirect_vreg.gather [hbm4b:s3+s2], $0x80, v3, vm0, $0xb8;
	[tilespmem:$0x10100] =	vst v63  }
0x3b0: {  	_ =	swait.ge [sflag:s12], $0x10000  }
0x3b1: {  	[sflag:s12] =	ssyncset.done $0x0  }
0x3b2: {  	s13 =	rddreg [dreg:$0xb];
	[sflag:s12] =	ssyncadd.s32 $0xFFFF0000  }
0x3b3: {  	[hbm4b:s13+s2] =	stream.linear.scatter [tilespmem:s6], [sflag:$0x2], $0x10000, $0x38;
	[tilespmem:$0x10100] =	vst v63  }
0x3b4: {  	_ =	swait.ge [sflag:s5], $0x10000  }
0x3b5: {  	[sflag:s5] =	ssyncset.done $0x0  }
0x3b6: {  	s13 =	rddreg [dreg:$0xc];
	[sflag:s5] =	ssyncadd.s32 $0xFFFF0000  }
0x3b7: {  	[tilespmem:s2], [sflag:$0x2] =	stream.linear.gather [hbm4b:s13+s2], $0x100, $0x38;
	[tilespmem:$0x10100] =	vst v63  }
0x3b8: {  	_ =	swait.ge [sflag:s5], $0x100  }
0x3b9: {  	[sflag:s5] =	ssyncset.done $0x0  }
0x3ba: {  	[sflag:s5] =	ssyncadd.s32 $0xFFFFFF00  }
0x3bb: {  	v3 =	vld [tilespmem:$0x0];
	_ =	sdelay $0x4  }
0x3bc: {  	v16 =	vshll.u32 v3, $0x1  }
0x3bd: {  	v3 =	vand.u32 $0x7, v3;
	v4 =	vand.u32 $0xFFFFFFF0, v16  }
0x3be: {  	v3 =	vor.u32 v3, v4  }
0x3bf: {  	v4 =	vperm.xlane v3, v0;
	_ =	sdelay $0x1  }
0x3c0: {  	v3 =	vperm.xlane v3, v2;
	v4 =	vadd.s32 v1, v4;
	_ =	sdelay $0x1  }
0x3c1: {  	v3 =	vadd.s32 v1, v3;
	_ =	sdelay $0x2  }
0x3c2: {  	[tilespmem:s6], [sflag:$0x1] =	stream.indirect_vreg.gather [hbm4b:s3+s2], $0x80, v4, vm0, $0xb8;
	[tilespmem:$0x10100] =	vst v63  }
0x3c3: {  	s13 =	simm.s32 $0x900  }
0x3c4: {  	[tilespmem:s13], [sflag:$0x1] =	stream.indirect_vreg.gather [hbm4b:s3+s2], $0x80, v3, vm0, $0xb8;
	[tilespmem:$0x10100] =	vst v63  }
0x3c5: {  	v3 =	vld [tilespmem:$0x10];
	_ =	sdelay $0x4  }
0x3c6: {  	v17 =	vshll.u32 v3, $0x1  }
0x3c7: {  	v3 =	vand.u32 $0x7, v3;
	v4 =	vand.u32 $0xFFFFFFF0, v17  }
0x3c8: {  	v3 =	vor.u32 v3, v4  }
0x3c9: {  	v4 =	vperm.xlane v3, v0;
	_ =	sdelay $0x1  }
0x3ca: {  	v3 =	vperm.xlane v3, v2;
	v4 =	vadd.s32 v1, v4;
	_ =	sdelay $0x1  }
0x3cb: {  	v3 =	vadd.s32 v1, v3;
	_ =	sdelay $0x1  }
0x3cc: {  	s13 =	simm.s32 $0x1100  }
0x3cd: {  	[tilespmem:s13], [sflag:$0x1] =	stream.indirect_vreg.gather [hbm4b:s3+s2], $0x80, v4, vm0, $0xb8;
	[tilespmem:$0x10100] =	vst v63  }
0x3ce: {  	s13 =	simm.s32 $0x1900  }
0x3cf: {  	[tilespmem:s13], [sflag:$0x1] =	stream.indirect_vreg.gather [hbm4b:s3+s2], $0x80, v3, vm0, $0xb8;
	[tilespmem:$0x10100] =	vst v63  }
0x3d0: {  	v3 =	vld [tilespmem:$0x20];
	_ =	sdelay $0x4  }
0x3d1: {  	v18 =	vshll.u32 v3, $0x1  }
0x3d2: {  	v3 =	vand.u32 $0x7, v3;
	v4 =	vand.u32 $0xFFFFFFF0, v18  }
0x3d3: {  	v3 =	vor.u32 v3, v4  }
0x3d4: {  	v4 =	vperm.xlane v3, v0;
	_ =	sdelay $0x1  }
0x3d5: {  	v3 =	vperm.xlane v3, v2;
	v4 =	vadd.s32 v1, v4;
	_ =	sdelay $0x1  }
0x3d6: {  	v3 =	vadd.s32 v1, v3;
	_ =	sdelay $0x1  }
0x3d7: {  	s13 =	simm.s32 $0x2100  }
0x3d8: {  	[tilespmem:s13], [sflag:$0x1] =	stream.indirect_vreg.gather [hbm4b:s3+s2], $0x80, v4, vm0, $0xb8;
	[tilespmem:$0x10100] =	vst v63  }
0x3d9: {  	s16 =	simm.s32 $0x2900  }
0x3da: {  	[tilespmem:s16], [sflag:$0x1] =	stream.indirect_vreg.gather [hbm4b:s3+s2], $0x80, v3, vm0, $0xb8;
	[tilespmem:$0x10100] =	vst v63  }
0x3db: {  	v3 =	vld [tilespmem:$0x30];
	_ =	sdelay $0x4  }
0x3dc: {  	v19 =	vshll.u32 v3, $0x1  }
0x3dd: {  	v3 =	vand.u32 $0x7, v3;
	v4 =	vand.u32 $0xFFFFFFF0, v19  }
0x3de: {  	v3 =	vor.u32 v3, v4  }
0x3df: {  	v4 =	vperm.xlane v3, v0;
	_ =	sdelay $0x1  }
0x3e0: {  	v3 =	vperm.xlane v3, v2;
	v4 =	vadd.s32 v1, v4;
	_ =	sdelay $0x1  }
0x3e1: {  	v3 =	vadd.s32 v1, v3;
	_ =	sdelay $0x1  }
0x3e2: {  	s13 =	simm.s32 $0x3100  }
0x3e3: {  	[tilespmem:s13], [sflag:$0x1] =	stream.indirect_vreg.gather [hbm4b:s3+s2], $0x80, v4, vm0, $0xb8;
	[tilespmem:$0x10100] =	vst v63  }
0x3e4: {  	s13 =	simm.s32 $0x3900  }
0x3e5: {  	[tilespmem:s13], [sflag:$0x1] =	stream.indirect_vreg.gather [hbm4b:s3+s2], $0x80, v3, vm0, $0xb8;
	[tilespmem:$0x10100] =	vst v63  }
0x3e6: {  	v3 =	vld [tilespmem:$0x40];
	_ =	sdelay $0x4  }
0x3e7: {  	v20 =	vshll.u32 v3, $0x1  }
0x3e8: {  	v3 =	vand.u32 $0x7, v3;
	v4 =	vand.u32 $0xFFFFFFF0, v20  }
0x3e9: {  	v3 =	vor.u32 v3, v4  }
0x3ea: {  	v4 =	vperm.xlane v3, v0;
	_ =	sdelay $0x1  }
0x3eb: {  	v3 =	vperm.xlane v3, v2;
	v4 =	vadd.s32 v1, v4;
	_ =	sdelay $0x1  }
0x3ec: {  	v3 =	vadd.s32 v1, v3;
	_ =	sdelay $0x1  }
0x3ed: {  	s20 =	simm.s32 $0x4100  }
0x3ee: {  	[tilespmem:s20], [sflag:$0x1] =	stream.indirect_vreg.gather [hbm4b:s3+s2], $0x80, v4, vm0, $0xb8;
	[tilespmem:$0x10100] =	vst v63  }
0x3ef: {  	s21 =	simm.s32 $0x4900  }
0x3f0: {  	[tilespmem:s21], [sflag:$0x1] =	stream.indirect_vreg.gather [hbm4b:s3+s2], $0x80, v3, vm0, $0xb8;
	[tilespmem:$0x10100] =	vst v63  }
0x3f1: {  	v3 =	vld [tilespmem:$0x50];
	_ =	sdelay $0x4  }
0x3f2: {  	v21 =	vshll.u32 v3, $0x1  }
0x3f3: {  	v3 =	vand.u32 $0x7, v3;
	v4 =	vand.u32 $0xFFFFFFF0, v21  }
0x3f4: {  	v3 =	vor.u32 v3, v4  }
0x3f5: {  	v4 =	vperm.xlane v3, v0;
	_ =	sdelay $0x1  }
0x3f6: {  	v3 =	vperm.xlane v3, v2;
	v4 =	vadd.s32 v1, v4;
	_ =	sdelay $0x1  }
0x3f7: {  	v3 =	vadd.s32 v1, v3;
	_ =	sdelay $0x1  }
0x3f8: {  	s22 =	simm.s32 $0x5100  }
0x3f9: {  	[tilespmem:s22], [sflag:$0x1] =	stream.indirect_vreg.gather [hbm4b:s3+s2], $0x80, v4, vm0, $0xb8;
	[tilespmem:$0x10100] =	vst v63  }
0x3fa: {  	s23 =	simm.s32 $0x5900  }
0x3fb: {  	[tilespmem:s23], [sflag:$0x1] =	stream.indirect_vreg.gather [hbm4b:s3+s2], $0x80, v3, vm0, $0xb8;
	[tilespmem:$0x10100] =	vst v63  }
0x3fc: {  	v3 =	vld [tilespmem:$0x60];
	_ =	sdelay $0x4  }
0x3fd: {  	v22 =	vshll.u32 v3, $0x1  }
0x3fe: {  	v3 =	vand.u32 $0x7, v3;
	v4 =	vand.u32 $0xFFFFFFF0, v22  }
0x3ff: {  	v3 =	vor.u32 v3, v4  }
0x400: {  	v4 =	vperm.xlane v3, v0;
	_ =	sdelay $0x1  }
0x401: {  	v3 =	vperm.xlane v3, v2;
	v4 =	vadd.s32 v1, v4;
	_ =	sdelay $0x1  }
0x402: {  	v3 =	vadd.s32 v1, v3;
	_ =	sdelay $0x1  }
0x403: {  	s24 =	simm.s32 $0x6100  }
0x404: {  	[tilespmem:s24], [sflag:$0x1] =	stream.indirect_vreg.gather [hbm4b:s3+s2], $0x80, v4, vm0, $0xb8;
	[tilespmem:$0x10100] =	vst v63  }
0x405: {  	s25 =	simm.s32 $0x6900  }
0x406: {  	[tilespmem:s25], [sflag:$0x1] =	stream.indirect_vreg.gather [hbm4b:s3+s2], $0x80, v3, vm0, $0xb8;
	[tilespmem:$0x10100] =	vst v63  }
0x407: {  	v3 =	vld [tilespmem:$0x70];
	_ =	sdelay $0x4  }
0x408: {  	v23 =	vshll.u32 v3, $0x1  }
0x409: {  	v3 =	vand.u32 $0x7, v3;
	v4 =	vand.u32 $0xFFFFFFF0, v23  }
0x40a: {  	v3 =	vor.u32 v3, v4  }
0x40b: {  	v4 =	vperm.xlane v3, v0;
	_ =	sdelay $0x1  }
0x40c: {  	v3 =	vperm.xlane v3, v2;
	v4 =	vadd.s32 v1, v4;
	_ =	sdelay $0x1  }
0x40d: {  	v3 =	vadd.s32 v1, v3;
	_ =	sdelay $0x1  }
0x40e: {  	s26 =	simm.s32 $0x7100  }
0x40f: {  	[tilespmem:s26], [sflag:$0x1] =	stream.indirect_vreg.gather [hbm4b:s3+s2], $0x80, v4, vm0, $0xb8;
	[tilespmem:$0x10100] =	vst v63  }
0x410: {  	s28 =	simm.s32 $0x7900  }
0x411: {  	[tilespmem:s28], [sflag:$0x1] =	stream.indirect_vreg.gather [hbm4b:s3+s2], $0x80, v3, vm0, $0xb8;
	[tilespmem:$0x10100] =	vst v63  }
0x412: {  	v3 =	vld [tilespmem:$0x80];
	_ =	sdelay $0x4  }
0x413: {  	v24 =	vshll.u32 v3, $0x1  }
0x414: {  	v3 =	vand.u32 $0x7, v3;
	v4 =	vand.u32 $0xFFFFFFF0, v24  }
0x415: {  	v3 =	vor.u32 v3, v4  }
0x416: {  	v4 =	vperm.xlane v3, v0;
	_ =	sdelay $0x1  }
0x417: {  	v3 =	vperm.xlane v3, v2;
	v4 =	vadd.s32 v1, v4;
	_ =	sdelay $0x1  }
0x418: {  	v3 =	vadd.s32 v1, v3;
	_ =	sdelay $0x1  }
0x419: {  	s29 =	simm.s32 $0x8100  }
0x41a: {  	[tilespmem:s29], [sflag:$0x1] =	stream.indirect_vreg.gather [hbm4b:s3+s2], $0x80, v4, vm0, $0xb8;
	[tilespmem:$0x10100] =	vst v63  }
0x41b: {  	s30 =	simm.s32 $0x8900  }
0x41c: {  	[tilespmem:s30], [sflag:$0x1] =	stream.indirect_vreg.gather [hbm4b:s3+s2], $0x80, v3, vm0, $0xb8;
	[tilespmem:$0x10100] =	vst v63  }
0x41d: {  	v3 =	vld [tilespmem:$0x90];
	_ =	sdelay $0x4  }
0x41e: {  	v25 =	vshll.u32 v3, $0x1  }
0x41f: {  	v3 =	vand.u32 $0x7, v3;
	v4 =	vand.u32 $0xFFFFFFF0, v25  }
0x420: {  	v3 =	vor.u32 v3, v4  }
0x421: {  	v4 =	vperm.xlane v3, v0;
	_ =	sdelay $0x1  }
0x422: {  	v3 =	vperm.xlane v3, v2;
	v4 =	vadd.s32 v1, v4;
	_ =	sdelay $0x1  }
0x423: {  	v3 =	vadd.s32 v1, v3;
	_ =	sdelay $0x1  }
0x424: {  	s31 =	simm.s32 $0x9100  }
0x425: {  	[tilespmem:s31], [sflag:$0x1] =	stream.indirect_vreg.gather [hbm4b:s3+s2], $0x80, v4, vm0, $0xb8;
	[tilespmem:$0x10100] =	vst v63  }
0x426: {  	s7 =	simm.s32 $0x9900  }
0x427: {  	[tilespmem:s7], [sflag:$0x1] =	stream.indirect_vreg.gather [hbm4b:s3+s2], $0x80, v3, vm0, $0xb8;
	[tilespmem:$0x10100] =	vst v63  }
0x428: {  	v3 =	vld [tilespmem:$0xA0];
	_ =	sdelay $0x4  }
0x429: {  	v26 =	vshll.u32 v3, $0x1  }
0x42a: {  	v3 =	vand.u32 $0x7, v3;
	v4 =	vand.u32 $0xFFFFFFF0, v26  }
0x42b: {  	v3 =	vor.u32 v3, v4  }
0x42c: {  	v4 =	vperm.xlane v3, v0;
	_ =	sdelay $0x1  }
0x42d: {  	v3 =	vperm.xlane v3, v2;
	v4 =	vadd.s32 v1, v4;
	_ =	sdelay $0x1  }
0x42e: {  	v3 =	vadd.s32 v1, v3;
	_ =	sdelay $0x1  }
0x42f: {  	s8 =	simm.s32 $0xA100  }
0x430: {  	[tilespmem:s8], [sflag:$0x1] =	stream.indirect_vreg.gather [hbm4b:s3+s2], $0x80, v4, vm0, $0xb8;
	[tilespmem:$0x10100] =	vst v63  }
0x431: {  	s15 =	simm.s32 $0xA900  }
0x432: {  	[tilespmem:s15], [sflag:$0x1] =	stream.indirect_vreg.gather [hbm4b:s3+s2], $0x80, v3, vm0, $0xb8;
	[tilespmem:$0x10100] =	vst v63  }
0x433: {  	v3 =	vld [tilespmem:$0xB0];
	_ =	sdelay $0x4  }
0x434: {  	v27 =	vshll.u32 v3, $0x1  }
0x435: {  	v3 =	vand.u32 $0x7, v3;
	v4 =	vand.u32 $0xFFFFFFF0, v27  }
0x436: {  	v3 =	vor.u32 v3, v4  }
0x437: {  	v4 =	vperm.xlane v3, v0;
	_ =	sdelay $0x1  }
0x438: {  	v3 =	vperm.xlane v3, v2;
	v4 =	vadd.s32 v1, v4;
	_ =	sdelay $0x1  }
0x439: {  	v3 =	vadd.s32 v1, v3;
	_ =	sdelay $0x1  }
0x43a: {  	s17 =	simm.s32 $0xB100  }
0x43b: {  	[tilespmem:s17], [sflag:$0x1] =	stream.indirect_vreg.gather [hbm4b:s3+s2], $0x80, v4, vm0, $0xb8;
	[tilespmem:$0x10100] =	vst v63  }
0x43c: {  	s9 =	simm.s32 $0xB900  }
0x43d: {  	[tilespmem:s9], [sflag:$0x1] =	stream.indirect_vreg.gather [hbm4b:s3+s2], $0x80, v3, vm0, $0xb8;
	[tilespmem:$0x10100] =	vst v63  }
0x43e: {  	v3 =	vld [tilespmem:$0xC0];
	_ =	sdelay $0x4  }
0x43f: {  	v28 =	vshll.u32 v3, $0x1  }
0x440: {  	v3 =	vand.u32 $0x7, v3;
	v4 =	vand.u32 $0xFFFFFFF0, v28  }
0x441: {  	v3 =	vor.u32 v3, v4  }
0x442: {  	v4 =	vperm.xlane v3, v0;
	_ =	sdelay $0x1  }
0x443: {  	v3 =	vperm.xlane v3, v2;
	v4 =	vadd.s32 v1, v4;
	_ =	sdelay $0x1  }
0x444: {  	v3 =	vadd.s32 v1, v3;
	_ =	sdelay $0x1  }
0x445: {  	s18 =	simm.s32 $0xC100  }
0x446: {  	[tilespmem:s18], [sflag:$0x1] =	stream.indirect_vreg.gather [hbm4b:s3+s2], $0x80, v4, vm0, $0xb8;
	[tilespmem:$0x10100] =	vst v63  }
0x447: {  	s11 =	simm.s32 $0xC900  }
0x448: {  	[tilespmem:s11], [sflag:$0x1] =	stream.indirect_vreg.gather [hbm4b:s3+s2], $0x80, v3, vm0, $0xb8;
	[tilespmem:$0x10100] =	vst v63  }
0x449: {  	v3 =	vld [tilespmem:$0xD0];
	_ =	sdelay $0x4  }
0x44a: {  	v29 =	vshll.u32 v3, $0x1  }
0x44b: {  	v3 =	vand.u32 $0x7, v3;
	v4 =	vand.u32 $0xFFFFFFF0, v29  }
0x44c: {  	v3 =	vor.u32 v3, v4  }
0x44d: {  	v4 =	vperm.xlane v3, v0;
	_ =	sdelay $0x1  }
0x44e: {  	v3 =	vperm.xlane v3, v2;
	v4 =	vadd.s32 v1, v4;
	_ =	sdelay $0x1  }
0x44f: {  	v3 =	vadd.s32 v1, v3;
	_ =	sdelay $0x1  }
0x450: {  	s0 =	simm.s32 $0xD100  }
0x451: {  	[tilespmem:s0], [sflag:$0x1] =	stream.indirect_vreg.gather [hbm4b:s3+s2], $0x80, v4, vm0, $0xb8;
	[tilespmem:$0x10100] =	vst v63  }
0x452: {  	s19 =	simm.s32 $0xD900  }
0x453: {  	[tilespmem:s19], [sflag:$0x1] =	stream.indirect_vreg.gather [hbm4b:s3+s2], $0x80, v3, vm0, $0xb8;
	[tilespmem:$0x10100] =	vst v63  }
0x454: {  	v3 =	vld [tilespmem:$0xE0];
	_ =	sdelay $0x4  }
0x455: {  	v30 =	vshll.u32 v3, $0x1  }
0x456: {  	v3 =	vand.u32 $0x7, v3;
	v4 =	vand.u32 $0xFFFFFFF0, v30  }
0x457: {  	v3 =	vor.u32 v3, v4  }
0x458: {  	v4 =	vperm.xlane v3, v0;
	_ =	sdelay $0x1  }
0x459: {  	v3 =	vperm.xlane v3, v2;
	v4 =	vadd.s32 v1, v4;
	_ =	sdelay $0x1  }
0x45a: {  	v3 =	vadd.s32 v1, v3;
	_ =	sdelay $0x1  }
0x45b: {  	s10 =	simm.s32 $0xE100  }
0x45c: {  	[tilespmem:s10], [sflag:$0x1] =	stream.indirect_vreg.gather [hbm4b:s3+s2], $0x80, v4, vm0, $0xb8;
	[tilespmem:$0x10100] =	vst v63  }
0x45d: {  	s14 =	simm.s32 $0xE900  }
0x45e: {  	[tilespmem:s14], [sflag:$0x1] =	stream.indirect_vreg.gather [hbm4b:s3+s2], $0x80, v3, vm0, $0xb8;
	[tilespmem:$0x10100] =	vst v63  }
0x45f: {  	v3 =	vld [tilespmem:$0xF0];
	_ =	sdelay $0x4  }
0x460: {  	v31 =	vshll.u32 v3, $0x1  }
0x461: {  	v3 =	vand.u32 $0x7, v3;
	v4 =	vand.u32 $0xFFFFFFF0, v31  }
0x462: {  	v3 =	vor.u32 v3, v4  }
0x463: {  	v4 =	vperm.xlane v3, v0;
	_ =	sdelay $0x1  }
0x464: {  	v3 =	vperm.xlane v3, v2;
	v4 =	vadd.s32 v1, v4;
	_ =	sdelay $0x1  }
0x465: {  	v3 =	vadd.s32 v1, v3;
	_ =	sdelay $0x1  }
0x466: {  	s1 =	simm.s32 $0xF100  }
0x467: {  	[tilespmem:s1], [sflag:$0x1] =	stream.indirect_vreg.gather [hbm4b:s3+s2], $0x80, v4, vm0, $0xb8;
	[tilespmem:$0x10100] =	vst v63  }
0x468: {  	s4 =	simm.s32 $0xF900  }
0x469: {  	[tilespmem:s4], [sflag:$0x1] =	stream.indirect_vreg.gather [hbm4b:s3+s2], $0x80, v3, vm0, $0xb8;
	[tilespmem:$0x10100] =	vst v63  }
0x46a: {  	_ =	swait.ge [sflag:s12], $0x10000  }
0x46b: {  	[sflag:s12] =	ssyncset.done $0x0  }
0x46c: {  	s4 =	rddreg [dreg:$0xd];
	[sflag:s12] =	ssyncadd.s32 $0xFFFF0000  }
0x46d: {  	[hbm4b:s4+s2] =	stream.linear.scatter [tilespmem:s6], [sflag:$0x2], $0x10000, $0x38;
	[tilespmem:$0x10100] =	vst v63  }
0x46e: {  	_ =	swait.ge [sflag:s5], $0x10000  }
0x46f: {  	[sflag:s5] =	ssyncset.done $0x0  }
0x470: {  	s14 =	rddreg [dreg:$0xe];
	[sflag:s5] =	ssyncadd.s32 $0xFFFF0000  }
0x471: {  	[tilespmem:s2], [sflag:$0x2] =	stream.linear.gather [hbm4b:s14+s2], $0x100, $0x38;
	[tilespmem:$0x10100] =	vst v63  }
0x472: {  	_ =	swait.ge [sflag:s5], $0x100  }
0x473: {  	[sflag:s5] =	ssyncset.done $0x0  }
0x474: {  	[sflag:s5] =	ssyncadd.s32 $0xFFFFFF00  }
0x475: {  	v3 =	vld [tilespmem:$0x0];
	_ =	sdelay $0x4  }
0x476: {  	v32 =	vshll.u32 v3, $0x1  }
0x477: {  	v3 =	vand.u32 $0x7, v3;
	v4 =	vand.u32 $0xFFFFFFF0, v32  }
0x478: {  	v3 =	vor.u32 v3, v4  }
0x479: {  	v4 =	vperm.xlane v3, v0;
	_ =	sdelay $0x1  }
0x47a: {  	v3 =	vperm.xlane v3, v2;
	v4 =	vadd.s32 v1, v4;
	_ =	sdelay $0x1  }
0x47b: {  	v3 =	vadd.s32 v1, v3;
	_ =	sdelay $0x2  }
0x47c: {  	[tilespmem:s6], [sflag:$0x1] =	stream.indirect_vreg.gather [hbm4b:s3+s2], $0x80, v4, vm0, $0xb8;
	[tilespmem:$0x10100] =	vst v63  }
0x47d: {  	s19 =	simm.s32 $0x900  }
0x47e: {  	[tilespmem:s19], [sflag:$0x1] =	stream.indirect_vreg.gather [hbm4b:s3+s2], $0x80, v3, vm0, $0xb8;
	[tilespmem:$0x10100] =	vst v63  }
0x47f: {  	v3 =	vld [tilespmem:$0x10];
	_ =	sdelay $0x4  }
0x480: {  	v33 =	vshll.u32 v3, $0x1  }
0x481: {  	v3 =	vand.u32 $0x7, v3;
	v4 =	vand.u32 $0xFFFFFFF0, v33  }
0x482: {  	v3 =	vor.u32 v3, v4  }
0x483: {  	v4 =	vperm.xlane v3, v0;
	_ =	sdelay $0x1  }
0x484: {  	v3 =	vperm.xlane v3, v2;
	v4 =	vadd.s32 v1, v4;
	_ =	sdelay $0x1  }
0x485: {  	v3 =	vadd.s32 v1, v3;
	_ =	sdelay $0x1  }
0x486: {  	s4 =	simm.s32 $0x1100  }
0x487: {  	[tilespmem:s4], [sflag:$0x1] =	stream.indirect_vreg.gather [hbm4b:s3+s2], $0x80, v4, vm0, $0xb8;
	[tilespmem:$0x10100] =	vst v63  }
0x488: {  	s13 =	simm.s32 $0x1900  }
0x489: {  	[tilespmem:s13], [sflag:$0x1] =	stream.indirect_vreg.gather [hbm4b:s3+s2], $0x80, v3, vm0, $0xb8;
	[tilespmem:$0x10100] =	vst v63  }
0x48a: {  	v3 =	vld [tilespmem:$0x20];
	_ =	sdelay $0x4  }
0x48b: {  	v34 =	vshll.u32 v3, $0x1  }
0x48c: {  	v3 =	vand.u32 $0x7, v3;
	v4 =	vand.u32 $0xFFFFFFF0, v34  }
0x48d: {  	v3 =	vor.u32 v3, v4  }
0x48e: {  	v4 =	vperm.xlane v3, v0;
	_ =	sdelay $0x1  }
0x48f: {  	v3 =	vperm.xlane v3, v2;
	v4 =	vadd.s32 v1, v4;
	_ =	sdelay $0x1  }
0x490: {  	v3 =	vadd.s32 v1, v3;
	_ =	sdelay $0x1  }
0x491: {  	s14 =	simm.s32 $0x2100  }
0x492: {  	[tilespmem:s14], [sflag:$0x1] =	stream.indirect_vreg.gather [hbm4b:s3+s2], $0x80, v4, vm0, $0xb8;
	[tilespmem:$0x10100] =	vst v63  }
0x493: {  	s16 =	simm.s32 $0x2900  }
0x494: {  	[tilespmem:s16], [sflag:$0x1] =	stream.indirect_vreg.gather [hbm4b:s3+s2], $0x80, v3, vm0, $0xb8;
	[tilespmem:$0x10100] =	vst v63  }
0x495: {  	v3 =	vld [tilespmem:$0x30];
	_ =	sdelay $0x4  }
0x496: {  	v35 =	vshll.u32 v3, $0x1  }
0x497: {  	v3 =	vand.u32 $0x7, v3;
	v4 =	vand.u32 $0xFFFFFFF0, v35  }
0x498: {  	v3 =	vor.u32 v3, v4  }
0x499: {  	v4 =	vperm.xlane v3, v0;
	_ =	sdelay $0x1  }
0x49a: {  	v3 =	vperm.xlane v3, v2;
	v4 =	vadd.s32 v1, v4;
	_ =	sdelay $0x1  }
0x49b: {  	v3 =	vadd.s32 v1, v3;
	_ =	sdelay $0x1  }
0x49c: {  	s16 =	simm.s32 $0x3100  }
0x49d: {  	[tilespmem:s16], [sflag:$0x1] =	stream.indirect_vreg.gather [hbm4b:s3+s2], $0x80, v4, vm0, $0xb8;
	[tilespmem:$0x10100] =	vst v63  }
0x49e: {  	s19 =	simm.s32 $0x3900  }
0x49f: {  	[tilespmem:s19], [sflag:$0x1] =	stream.indirect_vreg.gather [hbm4b:s3+s2], $0x80, v3, vm0, $0xb8;
	[tilespmem:$0x10100] =	vst v63  }
0x4a0: {  	v3 =	vld [tilespmem:$0x40];
	_ =	sdelay $0x4  }
0x4a1: {  	v36 =	vshll.u32 v3, $0x1  }
0x4a2: {  	v3 =	vand.u32 $0x7, v3;
	v4 =	vand.u32 $0xFFFFFFF0, v36  }
0x4a3: {  	v3 =	vor.u32 v3, v4  }
0x4a4: {  	v4 =	vperm.xlane v3, v0;
	_ =	sdelay $0x1  }
0x4a5: {  	v3 =	vperm.xlane v3, v2;
	v4 =	vadd.s32 v1, v4;
	_ =	sdelay $0x1  }
0x4a6: {  	v3 =	vadd.s32 v1, v3;
	_ =	sdelay $0x1  }
0x4a7: {  	s20 =	simm.s32 $0x4100  }
0x4a8: {  	[tilespmem:s20], [sflag:$0x1] =	stream.indirect_vreg.gather [hbm4b:s3+s2], $0x80, v4, vm0, $0xb8;
	[tilespmem:$0x10100] =	vst v63  }
0x4a9: {  	s21 =	simm.s32 $0x4900  }
0x4aa: {  	[tilespmem:s21], [sflag:$0x1] =	stream.indirect_vreg.gather [hbm4b:s3+s2], $0x80, v3, vm0, $0xb8;
	[tilespmem:$0x10100] =	vst v63  }
0x4ab: {  	v3 =	vld [tilespmem:$0x50];
	_ =	sdelay $0x4  }
0x4ac: {  	v37 =	vshll.u32 v3, $0x1  }
0x4ad: {  	v3 =	vand.u32 $0x7, v3;
	v4 =	vand.u32 $0xFFFFFFF0, v37  }
0x4ae: {  	v3 =	vor.u32 v3, v4  }
0x4af: {  	v4 =	vperm.xlane v3, v0;
	_ =	sdelay $0x1  }
0x4b0: {  	v3 =	vperm.xlane v3, v2;
	v4 =	vadd.s32 v1, v4;
	_ =	sdelay $0x1  }
0x4b1: {  	v3 =	vadd.s32 v1, v3;
	_ =	sdelay $0x1  }
0x4b2: {  	s22 =	simm.s32 $0x5100  }
0x4b3: {  	[tilespmem:s22], [sflag:$0x1] =	stream.indirect_vreg.gather [hbm4b:s3+s2], $0x80, v4, vm0, $0xb8;
	[tilespmem:$0x10100] =	vst v63  }
0x4b4: {  	s23 =	simm.s32 $0x5900  }
0x4b5: {  	[tilespmem:s23], [sflag:$0x1] =	stream.indirect_vreg.gather [hbm4b:s3+s2], $0x80, v3, vm0, $0xb8;
	[tilespmem:$0x10100] =	vst v63  }
0x4b6: {  	v3 =	vld [tilespmem:$0x60];
	_ =	sdelay $0x4  }
0x4b7: {  	v38 =	vshll.u32 v3, $0x1  }
0x4b8: {  	v3 =	vand.u32 $0x7, v3;
	v4 =	vand.u32 $0xFFFFFFF0, v38  }
0x4b9: {  	v3 =	vor.u32 v3, v4  }
0x4ba: {  	v4 =	vperm.xlane v3, v0;
	_ =	sdelay $0x1  }
0x4bb: {  	v3 =	vperm.xlane v3, v2;
	v4 =	vadd.s32 v1, v4;
	_ =	sdelay $0x1  }
0x4bc: {  	v3 =	vadd.s32 v1, v3;
	_ =	sdelay $0x1  }
0x4bd: {  	s24 =	simm.s32 $0x6100  }
0x4be: {  	[tilespmem:s24], [sflag:$0x1] =	stream.indirect_vreg.gather [hbm4b:s3+s2], $0x80, v4, vm0, $0xb8;
	[tilespmem:$0x10100] =	vst v63  }
0x4bf: {  	s25 =	simm.s32 $0x6900  }
0x4c0: {  	[tilespmem:s25], [sflag:$0x1] =	stream.indirect_vreg.gather [hbm4b:s3+s2], $0x80, v3, vm0, $0xb8;
	[tilespmem:$0x10100] =	vst v63  }
0x4c1: {  	v3 =	vld [tilespmem:$0x70];
	_ =	sdelay $0x4  }
0x4c2: {  	v39 =	vshll.u32 v3, $0x1  }
0x4c3: {  	v3 =	vand.u32 $0x7, v3;
	v4 =	vand.u32 $0xFFFFFFF0, v39  }
0x4c4: {  	v3 =	vor.u32 v3, v4  }
0x4c5: {  	v4 =	vperm.xlane v3, v0;
	_ =	sdelay $0x1  }
0x4c6: {  	v3 =	vperm.xlane v3, v2;
	v4 =	vadd.s32 v1, v4;
	_ =	sdelay $0x1  }
0x4c7: {  	v3 =	vadd.s32 v1, v3;
	_ =	sdelay $0x1  }
0x4c8: {  	s26 =	simm.s32 $0x7100  }
0x4c9: {  	[tilespmem:s26], [sflag:$0x1] =	stream.indirect_vreg.gather [hbm4b:s3+s2], $0x80, v4, vm0, $0xb8;
	[tilespmem:$0x10100] =	vst v63  }
0x4ca: {  	s28 =	simm.s32 $0x7900  }
0x4cb: {  	[tilespmem:s28], [sflag:$0x1] =	stream.indirect_vreg.gather [hbm4b:s3+s2], $0x80, v3, vm0, $0xb8;
	[tilespmem:$0x10100] =	vst v63  }
0x4cc: {  	v3 =	vld [tilespmem:$0x80];
	_ =	sdelay $0x4  }
0x4cd: {  	v40 =	vshll.u32 v3, $0x1  }
0x4ce: {  	v3 =	vand.u32 $0x7, v3;
	v4 =	vand.u32 $0xFFFFFFF0, v40  }
0x4cf: {  	v3 =	vor.u32 v3, v4  }
0x4d0: {  	v4 =	vperm.xlane v3, v0;
	_ =	sdelay $0x1  }
0x4d1: {  	v3 =	vperm.xlane v3, v2;
	v4 =	vadd.s32 v1, v4;
	_ =	sdelay $0x1  }
0x4d2: {  	v3 =	vadd.s32 v1, v3;
	_ =	sdelay $0x1  }
0x4d3: {  	s29 =	simm.s32 $0x8100  }
0x4d4: {  	[tilespmem:s29], [sflag:$0x1] =	stream.indirect_vreg.gather [hbm4b:s3+s2], $0x80, v4, vm0, $0xb8;
	[tilespmem:$0x10100] =	vst v63  }
0x4d5: {  	s30 =	simm.s32 $0x8900  }
0x4d6: {  	[tilespmem:s30], [sflag:$0x1] =	stream.indirect_vreg.gather [hbm4b:s3+s2], $0x80, v3, vm0, $0xb8;
	[tilespmem:$0x10100] =	vst v63  }
0x4d7: {  	v3 =	vld [tilespmem:$0x90];
	_ =	sdelay $0x4  }
0x4d8: {  	v41 =	vshll.u32 v3, $0x1  }
0x4d9: {  	v3 =	vand.u32 $0x7, v3;
	v4 =	vand.u32 $0xFFFFFFF0, v41  }
0x4da: {  	v3 =	vor.u32 v3, v4  }
0x4db: {  	v4 =	vperm.xlane v3, v0;
	_ =	sdelay $0x1  }
0x4dc: {  	v3 =	vperm.xlane v3, v2;
	v4 =	vadd.s32 v1, v4;
	_ =	sdelay $0x1  }
0x4dd: {  	v3 =	vadd.s32 v1, v3;
	_ =	sdelay $0x1  }
0x4de: {  	s31 =	simm.s32 $0x9100  }
0x4df: {  	[tilespmem:s31], [sflag:$0x1] =	stream.indirect_vreg.gather [hbm4b:s3+s2], $0x80, v4, vm0, $0xb8;
	[tilespmem:$0x10100] =	vst v63  }
0x4e0: {  	s7 =	simm.s32 $0x9900  }
0x4e1: {  	[tilespmem:s7], [sflag:$0x1] =	stream.indirect_vreg.gather [hbm4b:s3+s2], $0x80, v3, vm0, $0xb8;
	[tilespmem:$0x10100] =	vst v63  }
0x4e2: {  	v3 =	vld [tilespmem:$0xA0];
	_ =	sdelay $0x4  }
0x4e3: {  	v42 =	vshll.u32 v3, $0x1  }
0x4e4: {  	v3 =	vand.u32 $0x7, v3;
	v4 =	vand.u32 $0xFFFFFFF0, v42  }
0x4e5: {  	v3 =	vor.u32 v3, v4  }
0x4e6: {  	v4 =	vperm.xlane v3, v0;
	_ =	sdelay $0x1  }
0x4e7: {  	v3 =	vperm.xlane v3, v2;
	v4 =	vadd.s32 v1, v4;
	_ =	sdelay $0x1  }
0x4e8: {  	v3 =	vadd.s32 v1, v3;
	_ =	sdelay $0x1  }
0x4e9: {  	s8 =	simm.s32 $0xA100  }
0x4ea: {  	[tilespmem:s8], [sflag:$0x1] =	stream.indirect_vreg.gather [hbm4b:s3+s2], $0x80, v4, vm0, $0xb8;
	[tilespmem:$0x10100] =	vst v63  }
0x4eb: {  	s15 =	simm.s32 $0xA900  }
0x4ec: {  	[tilespmem:s15], [sflag:$0x1] =	stream.indirect_vreg.gather [hbm4b:s3+s2], $0x80, v3, vm0, $0xb8;
	[tilespmem:$0x10100] =	vst v63  }
0x4ed: {  	v3 =	vld [tilespmem:$0xB0];
	_ =	sdelay $0x4  }
0x4ee: {  	v43 =	vshll.u32 v3, $0x1  }
0x4ef: {  	v3 =	vand.u32 $0x7, v3;
	v4 =	vand.u32 $0xFFFFFFF0, v43  }
0x4f0: {  	v3 =	vor.u32 v3, v4  }
0x4f1: {  	v4 =	vperm.xlane v3, v0;
	_ =	sdelay $0x1  }
0x4f2: {  	v3 =	vperm.xlane v3, v2;
	v4 =	vadd.s32 v1, v4;
	_ =	sdelay $0x1  }
0x4f3: {  	v3 =	vadd.s32 v1, v3;
	_ =	sdelay $0x1  }
0x4f4: {  	s17 =	simm.s32 $0xB100  }
0x4f5: {  	[tilespmem:s17], [sflag:$0x1] =	stream.indirect_vreg.gather [hbm4b:s3+s2], $0x80, v4, vm0, $0xb8;
	[tilespmem:$0x10100] =	vst v63  }
0x4f6: {  	s9 =	simm.s32 $0xB900  }
0x4f7: {  	[tilespmem:s9], [sflag:$0x1] =	stream.indirect_vreg.gather [hbm4b:s3+s2], $0x80, v3, vm0, $0xb8;
	[tilespmem:$0x10100] =	vst v63  }
0x4f8: {  	v3 =	vld [tilespmem:$0xC0];
	_ =	sdelay $0x4  }
0x4f9: {  	v44 =	vshll.u32 v3, $0x1  }
0x4fa: {  	v3 =	vand.u32 $0x7, v3;
	v4 =	vand.u32 $0xFFFFFFF0, v44  }
0x4fb: {  	v3 =	vor.u32 v3, v4  }
0x4fc: {  	v4 =	vperm.xlane v3, v0;
	_ =	sdelay $0x1  }
0x4fd: {  	v3 =	vperm.xlane v3, v2;
	v4 =	vadd.s32 v1, v4;
	_ =	sdelay $0x1  }
0x4fe: {  	v3 =	vadd.s32 v1, v3;
	_ =	sdelay $0x1  }
0x4ff: {  	s18 =	simm.s32 $0xC100  }
0x500: {  	[tilespmem:s18], [sflag:$0x1] =	stream.indirect_vreg.gather [hbm4b:s3+s2], $0x80, v4, vm0, $0xb8;
	[tilespmem:$0x10100] =	vst v63  }
0x501: {  	s30 =	simm.s32 $0xC900  }
0x502: {  	[tilespmem:s30], [sflag:$0x1] =	stream.indirect_vreg.gather [hbm4b:s3+s2], $0x80, v3, vm0, $0xb8;
	[tilespmem:$0x10100] =	vst v63  }
0x503: {  	v3 =	vld [tilespmem:$0xD0];
	_ =	sdelay $0x4  }
0x504: {  	v45 =	vshll.u32 v3, $0x1  }
0x505: {  	v3 =	vand.u32 $0x7, v3;
	v4 =	vand.u32 $0xFFFFFFF0, v45  }
0x506: {  	v3 =	vor.u32 v3, v4  }
0x507: {  	v4 =	vperm.xlane v3, v0;
	_ =	sdelay $0x1  }
0x508: {  	v3 =	vperm.xlane v3, v2;
	v4 =	vadd.s32 v1, v4;
	_ =	sdelay $0x1  }
0x509: {  	v3 =	vadd.s32 v1, v3;
	_ =	sdelay $0x1  }
0x50a: {  	s11 =	simm.s32 $0xD100  }
0x50b: {  	[tilespmem:s11], [sflag:$0x1] =	stream.indirect_vreg.gather [hbm4b:s3+s2], $0x80, v4, vm0, $0xb8;
	[tilespmem:$0x10100] =	vst v63  }
0x50c: {  	s31 =	simm.s32 $0xD900  }
0x50d: {  	[tilespmem:s31], [sflag:$0x1] =	stream.indirect_vreg.gather [hbm4b:s3+s2], $0x80, v3, vm0, $0xb8;
	[tilespmem:$0x10100] =	vst v63  }
0x50e: {  	v3 =	vld [tilespmem:$0xE0];
	_ =	sdelay $0x4  }
0x50f: {  	v46 =	vshll.u32 v3, $0x1  }
0x510: {  	v3 =	vand.u32 $0x7, v3;
	v4 =	vand.u32 $0xFFFFFFF0, v46  }
0x511: {  	v3 =	vor.u32 v3, v4  }
0x512: {  	v4 =	vperm.xlane v3, v0;
	_ =	sdelay $0x1  }
0x513: {  	v3 =	vperm.xlane v3, v2;
	v4 =	vadd.s32 v1, v4;
	_ =	sdelay $0x1  }
0x514: {  	v3 =	vadd.s32 v1, v3;
	_ =	sdelay $0x1  }
0x515: {  	s10 =	simm.s32 $0xE100  }
0x516: {  	[tilespmem:s10], [sflag:$0x1] =	stream.indirect_vreg.gather [hbm4b:s3+s2], $0x80, v4, vm0, $0xb8;
	[tilespmem:$0x10100] =	vst v63  }
0x517: {  	s11 =	simm.s32 $0xE900  }
0x518: {  	[tilespmem:s11], [sflag:$0x1] =	stream.indirect_vreg.gather [hbm4b:s3+s2], $0x80, v3, vm0, $0xb8;
	[tilespmem:$0x10100] =	vst v63  }
0x519: {  	v3 =	vld [tilespmem:$0xF0];
	_ =	sdelay $0x4  }
0x51a: {  	v47 =	vshll.u32 v3, $0x1  }
0x51b: {  	v3 =	vand.u32 $0x7, v3;
	v4 =	vand.u32 $0xFFFFFFF0, v47  }
0x51c: {  	v3 =	vor.u32 v3, v4  }
0x51d: {  	v4 =	vperm.xlane v3, v0;
	_ =	sdelay $0x1  }
0x51e: {  	v3 =	vperm.xlane v3, v2;
	v4 =	vadd.s32 v1, v4;
	_ =	sdelay $0x1  }
0x51f: {  	v3 =	vadd.s32 v1, v3;
	_ =	sdelay $0x1  }
0x520: {  	s1 =	simm.s32 $0xF100  }
0x521: {  	[tilespmem:s1], [sflag:$0x1] =	stream.indirect_vreg.gather [hbm4b:s3+s2], $0x80, v4, vm0, $0xb8;
	[tilespmem:$0x10100] =	vst v63  }
0x522: {  	s13 =	simm.s32 $0xF900  }
0x523: {  	[tilespmem:s13], [sflag:$0x1] =	stream.indirect_vreg.gather [hbm4b:s3+s2], $0x80, v3, vm0, $0xb8;
	[tilespmem:$0x10100] =	vst v63  }
0x524: {  	_ =	swait.ge [sflag:s12], $0x10000  }
0x525: {  	[sflag:s12] =	ssyncset.done $0x0  }
0x526: {  	s13 =	rddreg [dreg:$0xf];
	[sflag:s12] =	ssyncadd.s32 $0xFFFF0000  }
0x527: {  	[hbm4b:s13+s2] =	stream.linear.scatter [tilespmem:s6], [sflag:$0x2], $0x10000, $0x38;
	[tilespmem:$0x10100] =	vst v63  }
0x528: {  	_ =	swait.ge [sflag:s5], $0x10000  }
0x529: {  	[sflag:s5] =	ssyncset.done $0x0  }
0x52a: {  	s13 =	rddreg [dreg:$0x10];
	[sflag:s5] =	ssyncadd.s32 $0xFFFF0000  }
0x52b: {  	[tilespmem:s2], [sflag:$0x2] =	stream.linear.gather [hbm4b:s13+s2], $0x100, $0x38;
	[tilespmem:$0x10100] =	vst v63  }
0x52c: {  	_ =	swait.ge [sflag:s5], $0x100  }
0x52d: {  	[sflag:s5] =	ssyncset.done $0x0  }
0x52e: {  	[sflag:s5] =	ssyncadd.s32 $0xFFFFFF00  }
0x52f: {  	v3 =	vld [tilespmem:$0x0];
	_ =	sdelay $0x4  }
0x530: {  	v48 =	vshll.u32 v3, $0x1  }
0x531: {  	v3 =	vand.u32 $0x7, v3;
	v4 =	vand.u32 $0xFFFFFFF0, v48  }
0x532: {  	v3 =	vor.u32 v3, v4  }
0x533: {  	v4 =	vperm.xlane v3, v0;
	_ =	sdelay $0x1  }
0x534: {  	v3 =	vperm.xlane v3, v2;
	v4 =	vadd.s32 v1, v4;
	_ =	sdelay $0x1  }
0x535: {  	v3 =	vadd.s32 v1, v3;
	_ =	sdelay $0x2  }
0x536: {  	[tilespmem:s6], [sflag:$0x1] =	stream.indirect_vreg.gather [hbm4b:s3+s2], $0x80, v4, vm0, $0xb8;
	[tilespmem:$0x10100] =	vst v63  }
0x537: {  	s13 =	simm.s32 $0x900  }
0x538: {  	[tilespmem:s13], [sflag:$0x1] =	stream.indirect_vreg.gather [hbm4b:s3+s2], $0x80, v3, vm0, $0xb8;
	[tilespmem:$0x10100] =	vst v63  }
0x539: {  	v3 =	vld [tilespmem:$0x10];
	_ =	sdelay $0x4  }
0x53a: {  	v49 =	vshll.u32 v3, $0x1  }
0x53b: {  	v3 =	vand.u32 $0x7, v3;
	v4 =	vand.u32 $0xFFFFFFF0, v49  }
0x53c: {  	v3 =	vor.u32 v3, v4  }
0x53d: {  	v4 =	vperm.xlane v3, v0;
	_ =	sdelay $0x1  }
0x53e: {  	v3 =	vperm.xlane v3, v2;
	v4 =	vadd.s32 v1, v4;
	_ =	sdelay $0x1  }
0x53f: {  	v3 =	vadd.s32 v1, v3;
	_ =	sdelay $0x1  }
0x540: {  	s13 =	simm.s32 $0x1100  }
0x541: {  	[tilespmem:s13], [sflag:$0x1] =	stream.indirect_vreg.gather [hbm4b:s3+s2], $0x80, v4, vm0, $0xb8;
	[tilespmem:$0x10100] =	vst v63  }
0x542: {  	s13 =	simm.s32 $0x1900  }
0x543: {  	[tilespmem:s13], [sflag:$0x1] =	stream.indirect_vreg.gather [hbm4b:s3+s2], $0x80, v3, vm0, $0xb8;
	[tilespmem:$0x10100] =	vst v63  }
0x544: {  	v3 =	vld [tilespmem:$0x20];
	_ =	sdelay $0x4  }
0x545: {  	v50 =	vshll.u32 v3, $0x1  }
0x546: {  	v3 =	vand.u32 $0x7, v3;
	v4 =	vand.u32 $0xFFFFFFF0, v50  }
0x547: {  	v3 =	vor.u32 v3, v4  }
0x548: {  	v4 =	vperm.xlane v3, v0;
	_ =	sdelay $0x1  }
0x549: {  	v3 =	vperm.xlane v3, v2;
	v4 =	vadd.s32 v1, v4;
	_ =	sdelay $0x1  }
0x54a: {  	v3 =	vadd.s32 v1, v3;
	_ =	sdelay $0x1  }
0x54b: {  	s13 =	simm.s32 $0x2100  }
0x54c: {  	[tilespmem:s13], [sflag:$0x1] =	stream.indirect_vreg.gather [hbm4b:s3+s2], $0x80, v4, vm0, $0xb8;
	[tilespmem:$0x10100] =	vst v63  }
0x54d: {  	s0 =	simm.s32 $0x2900  }
0x54e: {  	[tilespmem:s0], [sflag:$0x1] =	stream.indirect_vreg.gather [hbm4b:s3+s2], $0x80, v3, vm0, $0xb8;
	[tilespmem:$0x10100] =	vst v63  }
0x54f: {  	v3 =	vld [tilespmem:$0x30];
	_ =	sdelay $0x4  }
0x550: {  	v51 =	vshll.u32 v3, $0x1  }
0x551: {  	v3 =	vand.u32 $0x7, v3;
	v4 =	vand.u32 $0xFFFFFFF0, v51  }
0x552: {  	v3 =	vor.u32 v3, v4  }
0x553: {  	v4 =	vperm.xlane v3, v0;
	_ =	sdelay $0x1  }
0x554: {  	v3 =	vperm.xlane v3, v2;
	v4 =	vadd.s32 v1, v4;
	_ =	sdelay $0x1  }
0x555: {  	v3 =	vadd.s32 v1, v3;
	_ =	sdelay $0x1  }
0x556: {  	s13 =	simm.s32 $0x3100  }
0x557: {  	[tilespmem:s13], [sflag:$0x1] =	stream.indirect_vreg.gather [hbm4b:s3+s2], $0x80, v4, vm0, $0xb8;
	[tilespmem:$0x10100] =	vst v63  }
0x558: {  	s13 =	simm.s32 $0x3900  }
0x559: {  	[tilespmem:s13], [sflag:$0x1] =	stream.indirect_vreg.gather [hbm4b:s3+s2], $0x80, v3, vm0, $0xb8;
	[tilespmem:$0x10100] =	vst v63  }
0x55a: {  	v3 =	vld [tilespmem:$0x40];
	_ =	sdelay $0x4  }
0x55b: {  	v52 =	vshll.u32 v3, $0x1  }
0x55c: {  	v3 =	vand.u32 $0x7, v3;
	v4 =	vand.u32 $0xFFFFFFF0, v52  }
0x55d: {  	v3 =	vor.u32 v3, v4  }
0x55e: {  	v4 =	vperm.xlane v3, v0;
	_ =	sdelay $0x1  }
0x55f: {  	v3 =	vperm.xlane v3, v2;
	v4 =	vadd.s32 v1, v4;
	_ =	sdelay $0x1  }
0x560: {  	v3 =	vadd.s32 v1, v3;
	_ =	sdelay $0x1  }
0x561: {  	s16 =	simm.s32 $0x4100  }
0x562: {  	[tilespmem:s16], [sflag:$0x1] =	stream.indirect_vreg.gather [hbm4b:s3+s2], $0x80, v4, vm0, $0xb8;
	[tilespmem:$0x10100] =	vst v63  }
0x563: {  	s19 =	simm.s32 $0x4900  }
0x564: {  	[tilespmem:s19], [sflag:$0x1] =	stream.indirect_vreg.gather [hbm4b:s3+s2], $0x80, v3, vm0, $0xb8;
	[tilespmem:$0x10100] =	vst v63  }
0x565: {  	v3 =	vld [tilespmem:$0x50];
	_ =	sdelay $0x4  }
0x566: {  	v53 =	vshll.u32 v3, $0x1  }
0x567: {  	v3 =	vand.u32 $0x7, v3;
	v4 =	vand.u32 $0xFFFFFFF0, v53  }
0x568: {  	v3 =	vor.u32 v3, v4  }
0x569: {  	v4 =	vperm.xlane v3, v0;
	_ =	sdelay $0x1  }
0x56a: {  	v3 =	vperm.xlane v3, v2;
	v4 =	vadd.s32 v1, v4;
	_ =	sdelay $0x1  }
0x56b: {  	v3 =	vadd.s32 v1, v3;
	_ =	sdelay $0x1  }
0x56c: {  	s20 =	simm.s32 $0x5100  }
0x56d: {  	[tilespmem:s20], [sflag:$0x1] =	stream.indirect_vreg.gather [hbm4b:s3+s2], $0x80, v4, vm0, $0xb8;
	[tilespmem:$0x10100] =	vst v63  }
0x56e: {  	s21 =	simm.s32 $0x5900  }
0x56f: {  	[tilespmem:s21], [sflag:$0x1] =	stream.indirect_vreg.gather [hbm4b:s3+s2], $0x80, v3, vm0, $0xb8;
	[tilespmem:$0x10100] =	vst v63  }
0x570: {  	v3 =	vld [tilespmem:$0x60];
	_ =	sdelay $0x4  }
0x571: {  	v54 =	vshll.u32 v3, $0x1  }
0x572: {  	v3 =	vand.u32 $0x7, v3;
	v4 =	vand.u32 $0xFFFFFFF0, v54  }
0x573: {  	v3 =	vor.u32 v3, v4  }
0x574: {  	v4 =	vperm.xlane v3, v0;
	_ =	sdelay $0x1  }
0x575: {  	v3 =	vperm.xlane v3, v2;
	v4 =	vadd.s32 v1, v4;
	_ =	sdelay $0x1  }
0x576: {  	v3 =	vadd.s32 v1, v3;
	_ =	sdelay $0x1  }
0x577: {  	s22 =	simm.s32 $0x6100  }
0x578: {  	[tilespmem:s22], [sflag:$0x1] =	stream.indirect_vreg.gather [hbm4b:s3+s2], $0x80, v4, vm0, $0xb8;
	[tilespmem:$0x10100] =	vst v63  }
0x579: {  	s23 =	simm.s32 $0x6900  }
0x57a: {  	[tilespmem:s23], [sflag:$0x1] =	stream.indirect_vreg.gather [hbm4b:s3+s2], $0x80, v3, vm0, $0xb8;
	[tilespmem:$0x10100] =	vst v63  }
0x57b: {  	v3 =	vld [tilespmem:$0x70];
	_ =	sdelay $0x4  }
0x57c: {  	v55 =	vshll.u32 v3, $0x1  }
0x57d: {  	v3 =	vand.u32 $0x7, v3;
	v4 =	vand.u32 $0xFFFFFFF0, v55  }
0x57e: {  	v3 =	vor.u32 v3, v4  }
0x57f: {  	v4 =	vperm.xlane v3, v0;
	_ =	sdelay $0x1  }
0x580: {  	v3 =	vperm.xlane v3, v2;
	v4 =	vadd.s32 v1, v4;
	_ =	sdelay $0x1  }
0x581: {  	v3 =	vadd.s32 v1, v3;
	_ =	sdelay $0x1  }
0x582: {  	s24 =	simm.s32 $0x7100  }
0x583: {  	[tilespmem:s24], [sflag:$0x1] =	stream.indirect_vreg.gather [hbm4b:s3+s2], $0x80, v4, vm0, $0xb8;
	[tilespmem:$0x10100] =	vst v63  }
0x584: {  	s25 =	simm.s32 $0x7900  }
0x585: {  	[tilespmem:s25], [sflag:$0x1] =	stream.indirect_vreg.gather [hbm4b:s3+s2], $0x80, v3, vm0, $0xb8;
	[tilespmem:$0x10100] =	vst v63  }
0x586: {  	v3 =	vld [tilespmem:$0x80];
	_ =	sdelay $0x4  }
0x587: {  	v56 =	vshll.u32 v3, $0x1  }
0x588: {  	v3 =	vand.u32 $0x7, v3;
	v4 =	vand.u32 $0xFFFFFFF0, v56  }
0x589: {  	v3 =	vor.u32 v3, v4  }
0x58a: {  	v4 =	vperm.xlane v3, v0;
	_ =	sdelay $0x1  }
0x58b: {  	v3 =	vperm.xlane v3, v2;
	v4 =	vadd.s32 v1, v4;
	_ =	sdelay $0x1  }
0x58c: {  	v3 =	vadd.s32 v1, v3;
	_ =	sdelay $0x1  }
0x58d: {  	s26 =	simm.s32 $0x8100  }
0x58e: {  	[tilespmem:s26], [sflag:$0x1] =	stream.indirect_vreg.gather [hbm4b:s3+s2], $0x80, v4, vm0, $0xb8;
	[tilespmem:$0x10100] =	vst v63  }
0x58f: {  	s28 =	simm.s32 $0x8900  }
0x590: {  	[tilespmem:s28], [sflag:$0x1] =	stream.indirect_vreg.gather [hbm4b:s3+s2], $0x80, v3, vm0, $0xb8;
	[tilespmem:$0x10100] =	vst v63  }
0x591: {  	v3 =	vld [tilespmem:$0x90];
	_ =	sdelay $0x4  }
0x592: {  	v57 =	vshll.u32 v3, $0x1  }
0x593: {  	v3 =	vand.u32 $0x7, v3;
	v4 =	vand.u32 $0xFFFFFFF0, v57  }
0x594: {  	v3 =	vor.u32 v3, v4  }
0x595: {  	v4 =	vperm.xlane v3, v0;
	_ =	sdelay $0x1  }
0x596: {  	v3 =	vperm.xlane v3, v2;
	v4 =	vadd.s32 v1, v4;
	_ =	sdelay $0x1  }
0x597: {  	v3 =	vadd.s32 v1, v3;
	_ =	sdelay $0x1  }
0x598: {  	s29 =	simm.s32 $0x9100  }
0x599: {  	[tilespmem:s29], [sflag:$0x1] =	stream.indirect_vreg.gather [hbm4b:s3+s2], $0x80, v4, vm0, $0xb8;
	[tilespmem:$0x10100] =	vst v63  }
0x59a: {  	s4 =	simm.s32 $0x9900  }
0x59b: {  	[tilespmem:s4], [sflag:$0x1] =	stream.indirect_vreg.gather [hbm4b:s3+s2], $0x80, v3, vm0, $0xb8;
	[tilespmem:$0x10100] =	vst v63  }
0x59c: {  	v3 =	vld [tilespmem:$0xA0];
	_ =	sdelay $0x4  }
0x59d: {  	v58 =	vshll.u32 v3, $0x1  }
0x59e: {  	v3 =	vand.u32 $0x7, v3;
	v4 =	vand.u32 $0xFFFFFFF0, v58  }
0x59f: {  	v3 =	vor.u32 v3, v4  }
0x5a0: {  	v4 =	vperm.xlane v3, v0;
	_ =	sdelay $0x1  }
0x5a1: {  	v3 =	vperm.xlane v3, v2;
	v4 =	vadd.s32 v1, v4;
	_ =	sdelay $0x1  }
0x5a2: {  	v3 =	vadd.s32 v1, v3;
	_ =	sdelay $0x1  }
0x5a3: {  	s7 =	simm.s32 $0xA100  }
0x5a4: {  	[tilespmem:s7], [sflag:$0x1] =	stream.indirect_vreg.gather [hbm4b:s3+s2], $0x80, v4, vm0, $0xb8;
	[tilespmem:$0x10100] =	vst v63  }
0x5a5: {  	s8 =	simm.s32 $0xA900  }
0x5a6: {  	[tilespmem:s8], [sflag:$0x1] =	stream.indirect_vreg.gather [hbm4b:s3+s2], $0x80, v3, vm0, $0xb8;
	[tilespmem:$0x10100] =	vst v63  }
0x5a7: {  	v3 =	vld [tilespmem:$0xB0];
	_ =	sdelay $0x4  }
0x5a8: {  	v59 =	vshll.u32 v3, $0x1  }
0x5a9: {  	v3 =	vand.u32 $0x7, v3;
	v4 =	vand.u32 $0xFFFFFFF0, v59  }
0x5aa: {  	v3 =	vor.u32 v3, v4  }
0x5ab: {  	v4 =	vperm.xlane v3, v0;
	_ =	sdelay $0x1  }
0x5ac: {  	v3 =	vperm.xlane v3, v2;
	v4 =	vadd.s32 v1, v4;
	_ =	sdelay $0x1  }
0x5ad: {  	v3 =	vadd.s32 v1, v3;
	_ =	sdelay $0x1  }
0x5ae: {  	s15 =	simm.s32 $0xB100  }
0x5af: {  	[tilespmem:s15], [sflag:$0x1] =	stream.indirect_vreg.gather [hbm4b:s3+s2], $0x80, v4, vm0, $0xb8;
	[tilespmem:$0x10100] =	vst v63  }
0x5b0: {  	s14 =	simm.s32 $0xB900  }
0x5b1: {  	[tilespmem:s14], [sflag:$0x1] =	stream.indirect_vreg.gather [hbm4b:s3+s2], $0x80, v3, vm0, $0xb8;
	[tilespmem:$0x10100] =	vst v63  }
0x5b2: {  	v3 =	vld [tilespmem:$0xC0];
	_ =	sdelay $0x4  }
0x5b3: {  	v60 =	vshll.u32 v3, $0x1  }
0x5b4: {  	v3 =	vand.u32 $0x7, v3;
	v4 =	vand.u32 $0xFFFFFFF0, v60  }
0x5b5: {  	v3 =	vor.u32 v3, v4  }
0x5b6: {  	v4 =	vperm.xlane v3, v0;
	_ =	sdelay $0x1  }
0x5b7: {  	v3 =	vperm.xlane v3, v2;
	v4 =	vadd.s32 v1, v4;
	_ =	sdelay $0x1  }
0x5b8: {  	v3 =	vadd.s32 v1, v3;
	_ =	sdelay $0x1  }
0x5b9: {  	s17 =	simm.s32 $0xC100  }
0x5ba: {  	[tilespmem:s17], [sflag:$0x1] =	stream.indirect_vreg.gather [hbm4b:s3+s2], $0x80, v4, vm0, $0xb8;
	[tilespmem:$0x10100] =	vst v63  }
0x5bb: {  	s30 =	simm.s32 $0xC900  }
0x5bc: {  	[tilespmem:s30], [sflag:$0x1] =	stream.indirect_vreg.gather [hbm4b:s3+s2], $0x80, v3, vm0, $0xb8;
	[tilespmem:$0x10100] =	vst v63  }
0x5bd: {  	v3 =	vld [tilespmem:$0xD0];
	_ =	sdelay $0x4  }
0x5be: {  	v61 =	vshll.u32 v3, $0x1  }
0x5bf: {  	v3 =	vand.u32 $0x7, v3;
	v4 =	vand.u32 $0xFFFFFFF0, v61  }
0x5c0: {  	v3 =	vor.u32 v3, v4  }
0x5c1: {  	v4 =	vperm.xlane v3, v0;
	_ =	sdelay $0x1  }
0x5c2: {  	v3 =	vperm.xlane v3, v2;
	v4 =	vadd.s32 v1, v4;
	_ =	sdelay $0x1  }
0x5c3: {  	v3 =	vadd.s32 v1, v3;
	_ =	sdelay $0x1  }
0x5c4: {  	s9 =	simm.s32 $0xD100  }
0x5c5: {  	[tilespmem:s9], [sflag:$0x1] =	stream.indirect_vreg.gather [hbm4b:s3+s2], $0x80, v4, vm0, $0xb8;
	[tilespmem:$0x10100] =	vst v63  }
0x5c6: {  	s31 =	simm.s32 $0xD900  }
0x5c7: {  	[tilespmem:s31], [sflag:$0x1] =	stream.indirect_vreg.gather [hbm4b:s3+s2], $0x80, v3, vm0, $0xb8;
	[tilespmem:$0x10100] =	vst v63  }
0x5c8: {  	v3 =	vld [tilespmem:$0xE0];
	_ =	sdelay $0x4  }
0x5c9: {  	v62 =	vshll.u32 v3, $0x1  }
0x5ca: {  	v3 =	vand.u32 $0x7, v3;
	v4 =	vand.u32 $0xFFFFFFF0, v62  }
0x5cb: {  	v3 =	vor.u32 v3, v4  }
0x5cc: {  	v4 =	vperm.xlane v3, v0;
	_ =	sdelay $0x1  }
0x5cd: {  	v3 =	vperm.xlane v3, v2;
	v4 =	vadd.s32 v1, v4;
	_ =	sdelay $0x1  }
0x5ce: {  	v3 =	vadd.s32 v1, v3;
	_ =	sdelay $0x1  }
0x5cf: {  	s18 =	simm.s32 $0xE100  }
0x5d0: {  	[tilespmem:s18], [sflag:$0x1] =	stream.indirect_vreg.gather [hbm4b:s3+s2], $0x80, v4, vm0, $0xb8;
	[tilespmem:$0x10100] =	vst v63  }
0x5d1: {  	s10 =	simm.s32 $0xE900  }
0x5d2: {  	[tilespmem:s10], [sflag:$0x1] =	stream.indirect_vreg.gather [hbm4b:s3+s2], $0x80, v3, vm0, $0xb8;
	[tilespmem:$0x10100] =	vst v63  }
0x5d3: {  	v3 =	vld [tilespmem:$0xF0];
	_ =	sdelay $0x4  }
0x5d4: {  	v63 =	vshll.u32 v3, $0x1  }
0x5d5: {  	v3 =	vand.u32 $0x7, v3;
	v4 =	vand.u32 $0xFFFFFFF0, v63  }
0x5d6: {  	v3 =	vor.u32 v3, v4  }
0x5d7: {  	v4 =	vperm.xlane v3, v0;
	_ =	sdelay $0x1  }
0x5d8: {  	v3 =	vperm.xlane v3, v2;
	v4 =	vadd.s32 v1, v4;
	_ =	sdelay $0x1  }
0x5d9: {  	v3 =	vadd.s32 v1, v3;
	_ =	sdelay $0x1  }
0x5da: {  	s11 =	simm.s32 $0xF100  }
0x5db: {  	[tilespmem:s11], [sflag:$0x1] =	stream.indirect_vreg.gather [hbm4b:s3+s2], $0x80, v4, vm0, $0xb8;
	[tilespmem:$0x10100] =	vst v63  }
0x5dc: {  	s1 =	simm.s32 $0xF900  }
0x5dd: {  	[tilespmem:s1], [sflag:$0x1] =	stream.indirect_vreg.gather [hbm4b:s3+s2], $0x80, v3, vm0, $0xb8;
	[tilespmem:$0x10100] =	vst v63  }
0x5de: {  	s0 =	rddreg [dreg:$0x12];
	_ =	swait.ge [sflag:s12], $0x10000  }
0x5df: {  	p0 =	sne.s32 s0, $0x1;
	[sflag:s12] =	ssyncset.done $0x0  }
.Ltmp0:
0x5e0: {  	s31 =	rddreg [dreg:$0x11];
	[sflag:s12] =	ssyncadd.s32 $0xFFFF0000;
	(pc) =	sbr.rel @p0 .LBB2_1-.Ltmp0, $4  }
0x5e1: {  	[hbm4b:s31+s2] =	stream.linear.scatter [tilespmem:s6], [sflag:$0x2], $0x10000, $0x38;
	[tilespmem:$0x10100] =	vst v63  }
0x5e2: {  	_ =	swait.ge [sflag:s5], $0x10000  }
0x5e3: {  	[sflag:s5] =	ssyncset.done $0x0  }
0x5e4: {  	s0 =	sadd.s32 $0xFFFFFFFF, s0;
	[sflag:s5] =	ssyncadd.s32 $0xFFFF0000  }
0x5e5: {  	_ =	sfence.sel $0x180000  }
0x5e6: {  	[bflag:$0x0] =	sbarrier.arrive $0xFFFF  }
0x5e7: {  	_ =	strace $0x9000004A  }
0x5e8: {  	s0 =	stileid.u32;
	[bflag:$0x2] =	sbarrier.arrive $0xFFFF  }
0x5e9: {  	p0 =	sne.s32 s0, $0x0;
	s0 =	rddreg [dreg:$0x1]  }
0x5ea: {  	s0 =	sadd.s32 @!p0 $0x100000, s0  }
0x5eb: {  	[sflag:s0] =	ssyncadd.tile.s32 @!p0 $0x1;
	_ =	shalt  }
.Lfunc_end2:
_tile_overlayer_lowered:
.L_overlay_start_2:
0x5ec: {  	(tag) =	ssettag $0x2  }
0x5ed: {  	s0 =	rddreg [dreg:$0x0];
	s2 =	stileid.u32  }
0x5ee: {  	s1 =	rddreg [dreg:$0x1];
	p0 =	sne.s32 s2, $0x0  }
0x5ef: {  	s3 =	rddreg [dreg:$0x2];
	[bflag:$0x3] =	sbarrier.arrive $0xFFFF;
	s2 =	simm.s32 @!p0 $0x1C02  }
0x5f0: {  	[timem:s3], [sflag:s2] =	dma.local @!p0 [hbm:s0], s1  }
0x5f1: {  	s0 =	simm.s32 @!p0 $0x2  }
0x5f2: {  	_ =	swait.ge @!p0 [sflag:s0], s1  }
0x5f3: {  	s1 =	ssub.s32 @!p0 $0x0, s1;
	[sflag:s0] =	ssyncset.done @!p0 $0x0  }
0x5f4: {  	[sflag:s0] =	ssyncadd.s32 @!p0 s1  }
0x5f5: {  	[bflag:$0x3] =	sbarrier.arrive $0xFFFF  }
0x5f6: {  	_ =	shalt  }

// kernel: kernel.24.cloned.1.call-start
scs
__scs_entry_jumppad:
0x0: {  	(pc) =	sbr.rel $0x88, $3  }
0x1: {  	(tag) =	ssettag $0x0;
	lr =	simm.s32 $0x1  }
0x2: {  	[smem:$0x3F79] =	sst lr;
	_ =	strace $0xD0000000  }
0x3: {  	_ = 	snop  }
0x4: {  	_ = 	snop  }
0x5: {  	_ = 	snop  }
0x6: {  	_ = 	snop  }
0x7: {  	_ = 	snop  }
__scs_overlays_trampoline_lowered:
0x8: {  	[smem:$0x3F88] =	sst s0  }
0x9: {  	[smem:$0x3F89] =	sst s1  }
0xa: {  	[smem:$0x3F8A] =	sst s2  }
0xb: {  	[smem:$0x3F8B] =	sst s3  }
0xc: {  	[smem:$0x3F8C] =	sst s4  }
0xd: {  	[smem:$0x3F8D] =	sst s5  }
0xe: {  	[smem:$0x3F8E] =	sst s6  }
0xf: {  	[smem:$0x3F8F] =	sst s7  }
0x10: {  	[smem:$0x3F90] =	sst s8  }
0x11: {  	[smem:$0x3F91] =	sst s9;
	s0 =	simm.s32 @!p0 $0x0  }
0x12: {  	s1 =	sld [smem:$0x3F77];
	s0 =	simm.s32 @p0 $0x1  }
0x13: {  	[smem:$0x3F92] =	sst s0;
	s0 =	simm.s32 @!p1 $0x0  }
0x14: {  	s2 =	sld [smem:$0x3F76];
	s0 =	simm.s32 @p1 $0x1  }
0x15: {  	[smem:$0x3F93] =	sst s0;
	s0 =	simm.s32 @!p2 $0x0  }
0x16: {  	s3 =	sld [smem:$0x3FDB];
	s0 =	simm.s32 @p2 $0x1  }
0x17: {  	s4 =	simm.s32 $0x1BF5;
	[smem:$0x3F95] =	sst s0  }
0x18: {  	s0 =	sld [smem:$0x3F78];
	_ =	swait.ge [sflag:s4], $0x0  }
0x19: {  	s7 =	sld [smem:$0x3F79]  }
0x1a: {  	s8 =	sadd.s32 $0xFFFFE003, lr  }
0x1b: {  	s9 =	sadd.s32 $0xFFFFFEF7, lr;
	s5 =	simm.s32 $0xFFFFFFFF;
	p2 =	slt.u32 s8, $0xFFFFF086  }
0x1c: {  	p1 =	slt.u32 s9, $0xF7A;
	s5 =	simm.s32 @!p2 $0x0  }
0x1d: {  	s5 =	simm.s32 @p1 $0x1;
	p0 =	seq.s32 s7, s2  }
0x1e: {  	s7 =	smul.u32 @!p0 $0xF7A, s2;
	p2 =	seq.s32 @!p0 s5, $0x0  }
0x1f: {  	s9 =	smul.u32 $0xF7A, s1;
	s8 =	simm.s32 @!p0 $0x1BF5;
	p2 =	por !p2, p0  }
0x20: {  	[sflag:s8] =	ssyncset.s32 @!p0 $0xFFFFF086;
	s6 =	sadd.s32 @!p0 s3, s7;
	s7 =	simm.s32 @!p0 $0x108  }
0x21: {  	s3 =	sadd.s32 s3, s9;
	s6 =	sadd.s32 @!p0 $0x88, s6;
	s7 =	simm.s32 @p2 $0x1082  }
0x22: {  	[simem:s7], [sflag:s8] =	dma.local @!p0 [hbm:s6], $0xF7A  }
0x23: {  	s9 =	sor.u32 $0xD0000000, s2;
	s6 =	simm.s32 $0x108;
	_ =	swait.ge @!p0 [sflag:s8], $0x0  }
0x24: {  	s3 =	sadd.s32 $0x88, s3;
	s6 =	simm.s32 @!p1 $0x1082;
	[sflag:s4] =	ssyncset.s32 $0xFFFFF086  }
0x25: {  	[simem:s6], [sflag:s4] =	dma.local [hbm:s3], $0xF7A  }
0x26: {  	[smem:$0x3F79] =	sst s1;
	(tag) =	ssettag s2;
	_ =	strace s9  }
0x27: {  	s1 =	sld [smem:$0x3F89]  }
0x28: {  	s2 =	sld [smem:$0x3F8A]  }
0x29: {  	s4 =	sld [smem:$0x3F8C]  }
0x2a: {  	p0 =	seq.s32 s5, $0x0;
	s5 =	sld [smem:$0x3F8D]  }
0x2b: {  	s6 =	sld [smem:$0x3F8E]  }
0x2c: {  	s7 =	sld [smem:$0x3F8F]  }
0x2d: {  	s3 =	simm.s32 $0x108;
	s8 =	sld [smem:$0x3F90]  }
0x2e: {  	s3 =	simm.s32 @!p0 $0x1082;
	s9 =	sld [smem:$0x3F91]  }
0x2f: {  	lr =	sadd.s32 s0, s3;
	s0 =	sld [smem:$0x3F88]  }
0x30: {  	s3 =	sld [smem:$0x3F8B]  }
0x31: {  	[smem:$0x3F94] =	sst s10  }
0x32: {  	s10 =	sld [smem:$0x3F92];
	_ =	sdelay $0x3  }
0x33: {  	p0 =	seq.s32 s10, $0x1;
	s10 =	sld [smem:$0x3F94];
	_ =	sdelay $0x3  }
0x34: {  	[smem:$0x3F94] =	sst s10  }
0x35: {  	s10 =	sld [smem:$0x3F93];
	_ =	sdelay $0x3  }
0x36: {  	p1 =	seq.s32 s10, $0x1;
	s10 =	sld [smem:$0x3F94];
	_ =	sdelay $0x3  }
0x37: {  	[smem:$0x3F94] =	sst s10  }
0x38: {  	s10 =	sld [smem:$0x3F95]  }
0x39: {  	_ = 	snop;
	(pc) =	sbr.ind lr, $3  }
0x3a: {  	_ = 	snop  }
0x3b: {  	_ = 	snop  }
0x3c: {  	p2 =	seq.s32 s10, $0x1;
	s10 =	sld [smem:$0x3F94]  }
0x3d: {  	_ =	shalt  }
0x3e: {  	_ =	shalt  }
0x3f: {  	_ =	shalt  }
0x40: {  	_ =	shalt  }
0x41: {  	_ =	shalt  }
0x42: {  	_ =	shalt  }
0x43: {  	_ =	shalt  }
0x44: {  	_ =	shalt  }
0x45: {  	_ =	shalt  }
0x46: {  	_ =	shalt  }
0x47: {  	_ =	shalt  }
0x48: {  	_ =	shalt  }
0x49: {  	_ =	shalt  }
0x4a: {  	_ =	shalt  }
0x4b: {  	_ =	shalt  }
0x4c: {  	_ =	shalt  }
0x4d: {  	_ =	shalt  }
0x4e: {  	_ =	shalt  }
0x4f: {  	_ =	shalt  }
0x50: {  	_ =	shalt  }
0x51: {  	_ =	shalt  }
0x52: {  	_ =	shalt  }
0x53: {  	_ =	shalt  }
0x54: {  	_ =	shalt  }
0x55: {  	_ =	shalt  }
0x56: {  	_ =	shalt  }
0x57: {  	_ =	shalt  }
0x58: {  	_ =	shalt  }
0x59: {  	_ =	shalt  }
0x5a: {  	_ =	shalt  }
0x5b: {  	_ =	shalt  }
0x5c: {  	_ =	shalt  }
0x5d: {  	_ =	shalt  }
0x5e: {  	_ =	shalt  }
0x5f: {  	_ =	shalt  }
0x60: {  	_ =	shalt  }
0x61: {  	_ =	shalt  }
0x62: {  	_ =	shalt  }
0x63: {  	_ =	shalt  }
0x64: {  	_ =	shalt  }
0x65: {  	_ =	shalt  }
0x66: {  	_ =	shalt  }
0x67: {  	_ =	shalt  }
0x68: {  	_ =	shalt  }
0x69: {  	_ =	shalt  }
0x6a: {  	_ =	shalt  }
0x6b: {  	_ =	shalt  }
0x6c: {  	_ =	shalt  }
0x6d: {  	_ =	shalt  }
0x6e: {  	_ =	shalt  }
0x6f: {  	_ =	shalt  }
0x70: {  	_ =	shalt  }
0x71: {  	_ =	shalt  }
0x72: {  	_ =	shalt  }
0x73: {  	_ =	shalt  }
0x74: {  	_ =	shalt  }
0x75: {  	_ =	shalt  }
0x76: {  	_ =	shalt  }
0x77: {  	_ =	shalt  }
0x78: {  	_ =	shalt  }
0x79: {  	_ =	shalt  }
0x7a: {  	_ =	shalt  }
0x7b: {  	_ =	shalt  }
0x7c: {  	_ =	shalt  }
0x7d: {  	_ =	shalt  }
0x7e: {  	_ =	shalt  }
0x7f: {  	_ =	shalt  }
0x80: {  	_ =	shalt  }
0x81: {  	_ =	shalt  }
0x82: {  	_ =	shalt  }
0x83: {  	_ =	shalt  }
0x84: {  	_ =	shalt  }
0x85: {  	_ =	shalt  }
0x86: {  	_ =	shalt  }
0x87: {  	_ =	shalt  }
.Lfunc_end0:
.L_simem_size_0:
called_computation.2_lowered:
.L_overlay_start_0:
0x88: {  	s2 =	sld [smem:$0x3FD9]  }
0x89: {  	s3 =	sld [smem:$0x3FFE];
	_ =	sdelay $0x1  }
0x8a: {  	s1 =	srdreg.scid  }
0x8b: {  	s0 =	sand.u32 $0x1, s1  }
0x8c: {  	s17 =	sshll.u32 s0, $0xA;
	s2 =	sadd.s32 s3, s2  }
0x8d: {  	s2 =	sadd.s32 s2, s17  }
0x8e: {  	[smem:$0x3FA0] =	sst s2  }
0x8f: {  	_ = 	snop  }
0x90: {  	s2 =	sld [smem:$0x3FD0];
	(tm) =	ssettm $0x1  }
0x91: {  	s18 =	sld [smem:$0x3FFB];
	_ =	sdelay $0x3  }
0x92: {  	_ =	strace s18  }
0x93: {  	s3 =	sld [smem:$0x3FFC];
	_ =	sdelay $0x3  }
0x94: {  	_ =	strace s3  }
0x95: {  	s3 =	sld [smem:$0x3FFD];
	_ =	sdelay $0x3  }
0x96: {  	_ =	strace s3  }
0x97: {  	_ =	strace $0x8FFFFFFF  }
0x98: {  	s19 =	sld [smem:$0x3FDB];
	_ =	sdelay $0x1  }
0x99: {  	s4 =	simm.s32 $_scs_section_size  }
0x9a: {  	s5 =	simm.s32 $_size__tile_overlayer_lowered;
	s6 =	simm.s32 $_tile_overlayer_lowered  }
0x9b: {  	s22 =	simm.s32 $0x1BFF;
	s21 =	sshll.u32 s6, $0x1;
	s3 =	sadd.s32 s4, s19  }
0x9c: {  	s7 =	simm.s32 $0x0;
	s20 =	sshll.u32 s5, $0x1;
	s5 =	sadd.s32 s21, s3  }
0x9d: {  	[timem:s7], [sflag:s22] =	dma.local [hbm:s5], s20  }
0x9e: {  	_ =	swait.ge [sflag:s22], s20  }
0x9f: {  	s4 =	ssub.s32 $0x0, s20;
	[sflag:s22] =	ssyncset.done $0x0  }
0xa0: {  	[sflag:s22] =	ssyncadd.s32 s4;
	_ =	sdelay $0x1  }
0xa1: {  	s23 =	simm.s32 $0x1B8B  }
0xa2: {  	_ =	swait.ge [sflag:s23], $0x1  }
0xa3: {  	[sflag:s23] =	ssyncset.done $0x0  }
0xa4: {  	s25 =	simm.s32 $0x1B8E;
	s24 =	sld [smem:$0x3FFE];
	[sflag:s23] =	ssyncadd.s32 $0xFFFFFFFF  }
0xa5: {  	s26 =	simm.s32 $execute0_lowered;
	[smem:$0x3FD2] =	sst s25  }
0xa6: {  	s5 =	sshll.u32 s26, $0x1;
	_ =	strace $0x8000004C;
	[dreg:$0x1] =	wrdreg $0xFFFFFFFF  }
0xa7: {  	s28 =	simm.s32 $_size_execute0_lowered;
	s3 =	sadd.s32 s3, s5;
	[dreg:$0x0] =	wrdreg $0x0  }
0xa8: {  	s5 =	sshll.u32 s28, $0x1;
	[dreg:$0x2] =	wrdreg s3  }
0xa9: {  	[dreg:$0x3] =	wrdreg s5  }
0xaa: {  	[dreg:$0x4] =	wrdreg $0xC0  }
0xab: {  	_ =	task [dreg:s7], $0x5FFFF  }
0xac: {  	[dreg:$0x1] =	wrdreg $0xFFFFFFFF  }
0xad: {  	[dreg:$0x0] =	wrdreg $0x60  }
0xae: {  	[dreg:$0x2] =	wrdreg s2  }
0xaf: {  	[dreg:$0x3] =	wrdreg s24  }
0xb0: {  	[dreg:$0x4] =	wrdreg $0x9  }
0xb1: {  	_ =	task.clear_ibuf [dreg:s7], $0x5FFFF;
	_ =	strace $0x9000004C  }
0xb2: {  	s29 =	simm.s32 $0x9;
	_ =	strace $0x8000004E  }
0xb3: {  	_ =	swait.ge [sflag:s29], $0x1  }
0xb4: {  	[sflag:s29] =	ssyncadd.s32 $0xFFFFFFFF  }
0xb5: {  	_ =	strace $0x9000004E  }
0xb6: {  	_ =	sfence  }
0xb7: {  	s30 =	sld [smem:$0x0];
	_ =	sdelay $0x2  }
0xb8: {  	s31 =	sshll.u32 s1, $0xD;
	s1 =	sshrl.u32 s1, $0x2  }
0xb9: {  	s3 =	sand.u32 $0x4000, s31;
	s1 =	sadd.s32 s1, s30  }
0xba: {  	s0 =	sor.u32 s3, s0;
	s1 =	sshll.u32 s1, $0x11  }
0xbb: {  	s0 =	sor.u32 s1, s0  }
0xbc: {  	s0 =	sadd.s32 $0x8F2B, s0  }
0xbd: {  	[sflag:s0] =	ssyncadd.remote.s32 $0x1  }
0xbe: {  	_ =	sfence.sel $0xFFFF  }
0xbf: {  	[dreg:$0x0] =	wrdreg $0xFFFFFFFF;
	(pc) =	sbr.abs _section_cstart, $3  }
0xc0: {  	[dreg:$0x1] =	wrdreg $0xFFFFFFFF  }
0xc1: {  	_ =	task.clear_ibuf [dreg:s7], $0x2FFFF;
	_ =	strace $0x9FFFFFFF  }
0xc2: {  	(tm) =	ssettm $0x7FFFFFFF  }
0xc3: {  	_ =	shalt  }
tec
execute0_lowered:
.L_overlay_start_1:
0x0: {  	(tag) =	ssettag $0x1  }
0x1: {  	s1 =	rddreg [dreg:$0x0]  }
0x2: {  	s4 =	rddreg [dreg:$0x1]  }
0x3: {  	s0 =	rddreg [dreg:$0x2];
	s3 =	simm.s32 $0x0;
	s5 =	srdreg.scid  }
0x4: {  	s2 =	stileid.u32;
	s13 =	simm.s32 $0x880;
	s14 =	simm.s32 $0x1080  }
0x5: {  	s15 =	simm.s32 $0x1880;
	s16 =	simm.s32 $0x2080;
	s17 =	simm.s32 $0x2880  }
0x6: {  	s18 =	simm.s32 $0x3080;
	s19 =	simm.s32 $0x3880;
	s20 =	simm.s32 $0x4080  }
0x7: {  	s21 =	simm.s32 $0x4880;
	s22 =	simm.s32 $0x5080;
	s23 =	simm.s32 $0x5880  }
0x8: {  	s24 =	simm.s32 $0x6080;
	s28 =	simm.s32 $0x7880;
	s29 =	simm.s32 $0x1  }
0x9: {  	[smem:$0x7FF] =	sst s3;
	s5 =	sand.u32 $0x1, s5;
	s6 =	sshll.u32 s2, $0x1  }
0xa: {  	s8 =	sadd.s32 $0x5D800, s4;
	s6 =	sor.u32 s5, s6;
	s5 =	ssub.s32 $0x2, s5  }
0xb: {  	s9 =	sadd.s32 $0xA9000, s4;
	s7 =	smul.u32 $0x180, s6;
	s25 =	sshrl.u32 s5, $0x1  }
0xc: {  	_ =	strace $0x8000004D;
	s6 =	smul.u32 $0x3000, s6;
	s10 =	ssub.s32 s5, s25  }
0xd: {  	s25 =	simm.s32 $0x6880;
	s26 =	sshrl.u32 s7, $0x3;
	s11 =	sadd.s32 $0x80, s7  }
0xe: {  	s5 =	sadd.s32 s9, s6;
	s12 =	sadd.s32 $0x100, s7;
	s10 =	smax.u32 s10, $0x1  }
0xf: {  	s4 =	sadd.s32 s8, s26;
	s30 =	sshrl.u32 s11, $0x3;
	s11 =	sshll.u32 s11, $0x5  }
0x10: {  	v2 =	vlaneseq.u32;
	s31 =	sshrl.u32 s12, $0x3;
	s12 =	sshll.u32 s12, $0x5;
	s26 =	simm.s32 $0x7080  }
0x11: {  	vm0 =	vmmov $0xffff;
	v1 =	vshrl.u32 v2, $0x3;
	s6 =	sadd.s32 s8, s30;
	s7 =	sadd.s32 s9, s11;
	s8 =	sadd.s32 s8, s31  }
0x12: {  	v0 =	vand.u32 $0x7, v2;
	v2 =	vor.u32 $0x8, v2;
	v1 =	vmul.u32 $0x8, v1;
	s9 =	sadd.s32 s9, s12;
	s11 =	simm.s32 $0x2;
	s12 =	simm.s32 $0x80  }
.LBB2_1:
0x13: {  	[tilespmem:s3], [sflag:$0x2] =	stream.linear.gather [hbm4b:s4+s3], $0x80, $0x38;
	[tilespmem:$0x8080] =	vst v63  }
0x14: {  	_ =	swait.ge [sflag:s11], $0x80  }
0x15: {  	[sflag:s11] =	ssyncset.done $0x0  }
0x16: {  	[sflag:s11] =	ssyncadd.s32 $0xFFFFFF80  }
0x17: {  	v3 =	vld [tilespmem:$0x0];
	_ =	sdelay $0x4  }
0x18: {  	v4 =	vshll.u32 v3, $0x1  }
0x19: {  	v3 =	vand.u32 $0x7, v3;
	v4 =	vand.u32 $0xFFFFFFF0, v4  }
0x1a: {  	v3 =	vor.u32 v3, v4  }
0x1b: {  	v4 =	vperm.xlane v3, v0;
	_ =	sdelay $0x1  }
0x1c: {  	v3 =	vperm.xlane v3, v2;
	v4 =	vadd.s32 v1, v4;
	_ =	sdelay $0x1  }
0x1d: {  	v3 =	vadd.s32 v1, v3;
	_ =	sdelay $0x2  }
0x1e: {  	[tilespmem:s12], [sflag:$0x1] =	stream.indirect_vreg.gather [hbm4b:s1+s3], $0x80, v4, vm0, $0xb8;
	[tilespmem:$0x8080] =	vst v63  }
0x1f: {  	_ = 	snop  }
0x20: {  	[tilespmem:s13], [sflag:$0x1] =	stream.indirect_vreg.gather [hbm4b:s1+s3], $0x80, v3, vm0, $0xb8;
	[tilespmem:$0x8080] =	vst v63  }
0x21: {  	v3 =	vld [tilespmem:$0x10];
	_ =	sdelay $0x4  }
0x22: {  	v41 =	vshll.u32 v3, $0x1  }
0x23: {  	v3 =	vand.u32 $0x7, v3;
	v4 =	vand.u32 $0xFFFFFFF0, v41  }
0x24: {  	v3 =	vor.u32 v3, v4  }
0x25: {  	v4 =	vperm.xlane v3, v0;
	_ =	sdelay $0x1  }
0x26: {  	v3 =	vperm.xlane v3, v2;
	v4 =	vadd.s32 v1, v4;
	_ =	sdelay $0x1  }
0x27: {  	v3 =	vadd.s32 v1, v3;
	_ =	sdelay $0x2  }
0x28: {  	[tilespmem:s14], [sflag:$0x1] =	stream.indirect_vreg.gather [hbm4b:s1+s3], $0x80, v4, vm0, $0xb8;
	[tilespmem:$0x8080] =	vst v63  }
0x29: {  	_ = 	snop  }
0x2a: {  	[tilespmem:s15], [sflag:$0x1] =	stream.indirect_vreg.gather [hbm4b:s1+s3], $0x80, v3, vm0, $0xb8;
	[tilespmem:$0x8080] =	vst v63  }
0x2b: {  	v3 =	vld [tilespmem:$0x20];
	_ =	sdelay $0x4  }
0x2c: {  	v42 =	vshll.u32 v3, $0x1  }
0x2d: {  	v3 =	vand.u32 $0x7, v3;
	v4 =	vand.u32 $0xFFFFFFF0, v42  }
0x2e: {  	v3 =	vor.u32 v3, v4  }
0x2f: {  	v4 =	vperm.xlane v3, v0;
	_ =	sdelay $0x1  }
0x30: {  	v3 =	vperm.xlane v3, v2;
	v4 =	vadd.s32 v1, v4;
	_ =	sdelay $0x1  }
0x31: {  	v3 =	vadd.s32 v1, v3;
	_ =	sdelay $0x2  }
0x32: {  	[tilespmem:s16], [sflag:$0x1] =	stream.indirect_vreg.gather [hbm4b:s1+s3], $0x80, v4, vm0, $0xb8;
	[tilespmem:$0x8080] =	vst v63  }
0x33: {  	_ = 	snop  }
0x34: {  	[tilespmem:s17], [sflag:$0x1] =	stream.indirect_vreg.gather [hbm4b:s1+s3], $0x80, v3, vm0, $0xb8;
	[tilespmem:$0x8080] =	vst v63  }
0x35: {  	v3 =	vld [tilespmem:$0x30];
	_ =	sdelay $0x4  }
0x36: {  	v43 =	vshll.u32 v3, $0x1  }
0x37: {  	v3 =	vand.u32 $0x7, v3;
	v4 =	vand.u32 $0xFFFFFFF0, v43  }
0x38: {  	v3 =	vor.u32 v3, v4  }
0x39: {  	v4 =	vperm.xlane v3, v0;
	_ =	sdelay $0x1  }
0x3a: {  	v3 =	vperm.xlane v3, v2;
	v4 =	vadd.s32 v1, v4;
	_ =	sdelay $0x1  }
0x3b: {  	v3 =	vadd.s32 v1, v3;
	_ =	sdelay $0x2  }
0x3c: {  	[tilespmem:s18], [sflag:$0x1] =	stream.indirect_vreg.gather [hbm4b:s1+s3], $0x80, v4, vm0, $0xb8;
	[tilespmem:$0x8080] =	vst v63  }
0x3d: {  	_ = 	snop  }
0x3e: {  	[tilespmem:s19], [sflag:$0x1] =	stream.indirect_vreg.gather [hbm4b:s1+s3], $0x80, v3, vm0, $0xb8;
	[tilespmem:$0x8080] =	vst v63  }
0x3f: {  	v3 =	vld [tilespmem:$0x40];
	_ =	sdelay $0x4  }
0x40: {  	v44 =	vshll.u32 v3, $0x1  }
0x41: {  	v3 =	vand.u32 $0x7, v3;
	v4 =	vand.u32 $0xFFFFFFF0, v44  }
0x42: {  	v3 =	vor.u32 v3, v4  }
0x43: {  	v4 =	vperm.xlane v3, v0;
	_ =	sdelay $0x1  }
0x44: {  	v3 =	vperm.xlane v3, v2;
	v4 =	vadd.s32 v1, v4;
	_ =	sdelay $0x1  }
0x45: {  	v3 =	vadd.s32 v1, v3;
	_ =	sdelay $0x2  }
0x46: {  	[tilespmem:s20], [sflag:$0x1] =	stream.indirect_vreg.gather [hbm4b:s1+s3], $0x80, v4, vm0, $0xb8;
	[tilespmem:$0x8080] =	vst v63  }
0x47: {  	_ = 	snop  }
0x48: {  	[tilespmem:s21], [sflag:$0x1] =	stream.indirect_vreg.gather [hbm4b:s1+s3], $0x80, v3, vm0, $0xb8;
	[tilespmem:$0x8080] =	vst v63  }
0x49: {  	v3 =	vld [tilespmem:$0x50];
	_ =	sdelay $0x4  }
0x4a: {  	v45 =	vshll.u32 v3, $0x1  }
0x4b: {  	v3 =	vand.u32 $0x7, v3;
	v4 =	vand.u32 $0xFFFFFFF0, v45  }
0x4c: {  	v3 =	vor.u32 v3, v4  }
0x4d: {  	v4 =	vperm.xlane v3, v0;
	_ =	sdelay $0x1  }
0x4e: {  	v3 =	vperm.xlane v3, v2;
	v4 =	vadd.s32 v1, v4;
	_ =	sdelay $0x1  }
0x4f: {  	v3 =	vadd.s32 v1, v3;
	_ =	sdelay $0x2  }
0x50: {  	[tilespmem:s22], [sflag:$0x1] =	stream.indirect_vreg.gather [hbm4b:s1+s3], $0x80, v4, vm0, $0xb8;
	[tilespmem:$0x8080] =	vst v63  }
0x51: {  	_ = 	snop  }
0x52: {  	[tilespmem:s23], [sflag:$0x1] =	stream.indirect_vreg.gather [hbm4b:s1+s3], $0x80, v3, vm0, $0xb8;
	[tilespmem:$0x8080] =	vst v63  }
0x53: {  	v3 =	vld [tilespmem:$0x60];
	_ =	sdelay $0x4  }
0x54: {  	v46 =	vshll.u32 v3, $0x1  }
0x55: {  	v3 =	vand.u32 $0x7, v3;
	v4 =	vand.u32 $0xFFFFFFF0, v46  }
0x56: {  	v3 =	vor.u32 v3, v4  }
0x57: {  	v4 =	vperm.xlane v3, v0;
	_ =	sdelay $0x1  }
0x58: {  	v3 =	vperm.xlane v3, v2;
	v4 =	vadd.s32 v1, v4;
	_ =	sdelay $0x1  }
0x59: {  	v3 =	vadd.s32 v1, v3;
	_ =	sdelay $0x2  }
0x5a: {  	[tilespmem:s24], [sflag:$0x1] =	stream.indirect_vreg.gather [hbm4b:s1+s3], $0x80, v4, vm0, $0xb8;
	[tilespmem:$0x8080] =	vst v63  }
0x5b: {  	_ = 	snop  }
0x5c: {  	[tilespmem:s25], [sflag:$0x1] =	stream.indirect_vreg.gather [hbm4b:s1+s3], $0x80, v3, vm0, $0xb8;
	[tilespmem:$0x8080] =	vst v63  }
0x5d: {  	v3 =	vld [tilespmem:$0x70];
	_ =	sdelay $0x4  }
0x5e: {  	v47 =	vshll.u32 v3, $0x1  }
0x5f: {  	v3 =	vand.u32 $0x7, v3;
	v4 =	vand.u32 $0xFFFFFFF0, v47  }
0x60: {  	v3 =	vor.u32 v3, v4  }
0x61: {  	v4 =	vperm.xlane v3, v0;
	_ =	sdelay $0x1  }
0x62: {  	v3 =	vperm.xlane v3, v2;
	v4 =	vadd.s32 v1, v4;
	_ =	sdelay $0x1  }
0x63: {  	v3 =	vadd.s32 v1, v3;
	_ =	sdelay $0x2  }
0x64: {  	[tilespmem:s26], [sflag:$0x1] =	stream.indirect_vreg.gather [hbm4b:s1+s3], $0x80, v4, vm0, $0xb8;
	[tilespmem:$0x8080] =	vst v63  }
0x65: {  	_ = 	snop  }
0x66: {  	[tilespmem:s28], [sflag:$0x1] =	stream.indirect_vreg.gather [hbm4b:s1+s3], $0x80, v3, vm0, $0xb8;
	[tilespmem:$0x8080] =	vst v63  }
0x67: {  	_ =	swait.ge [sflag:s29], $0x8000  }
0x68: {  	[sflag:s29] =	ssyncset.done $0x0  }
0x69: {  	[sflag:s29] =	ssyncadd.s32 $0xFFFF8000  }
0x6a: {  	[hbm4b:s5+s3] =	stream.linear.scatter [tilespmem:s12], [sflag:$0x2], $0x8000, $0x38;
	[tilespmem:$0x8080] =	vst v63  }
0x6b: {  	_ =	swait.ge [sflag:s11], $0x8000  }
0x6c: {  	[sflag:s11] =	ssyncset.done $0x0  }
0x6d: {  	[sflag:s11] =	ssyncadd.s32 $0xFFFF8000  }
0x6e: {  	[tilespmem:s3], [sflag:$0x2] =	stream.linear.gather [hbm4b:s6+s3], $0x80, $0x38;
	[tilespmem:$0x8080] =	vst v63  }
0x6f: {  	_ =	swait.ge [sflag:s11], $0x80  }
0x70: {  	[sflag:s11] =	ssyncset.done $0x0  }
0x71: {  	[sflag:s11] =	ssyncadd.s32 $0xFFFFFF80  }
0x72: {  	v3 =	vld [tilespmem:$0x0];
	_ =	sdelay $0x4  }
0x73: {  	v48 =	vshll.u32 v3, $0x1  }
0x74: {  	v3 =	vand.u32 $0x7, v3;
	v4 =	vand.u32 $0xFFFFFFF0, v48  }
0x75: {  	v3 =	vor.u32 v3, v4  }
0x76: {  	v4 =	vperm.xlane v3, v0;
	_ =	sdelay $0x1  }
0x77: {  	v3 =	vperm.xlane v3, v2;
	v4 =	vadd.s32 v1, v4;
	_ =	sdelay $0x1  }
0x78: {  	v3 =	vadd.s32 v1, v3;
	_ =	sdelay $0x2  }
0x79: {  	[tilespmem:s12], [sflag:$0x1] =	stream.indirect_vreg.gather [hbm4b:s1+s3], $0x80, v4, vm0, $0xb8;
	[tilespmem:$0x8080] =	vst v63  }
0x7a: {  	_ = 	snop  }
0x7b: {  	[tilespmem:s13], [sflag:$0x1] =	stream.indirect_vreg.gather [hbm4b:s1+s3], $0x80, v3, vm0, $0xb8;
	[tilespmem:$0x8080] =	vst v63  }
0x7c: {  	v3 =	vld [tilespmem:$0x10];
	_ =	sdelay $0x4  }
0x7d: {  	v49 =	vshll.u32 v3, $0x1  }
0x7e: {  	v3 =	vand.u32 $0x7, v3;
	v4 =	vand.u32 $0xFFFFFFF0, v49  }
0x7f: {  	v3 =	vor.u32 v3, v4  }
0x80: {  	v4 =	vperm.xlane v3, v0;
	_ =	sdelay $0x1  }
0x81: {  	v3 =	vperm.xlane v3, v2;
	v4 =	vadd.s32 v1, v4;
	_ =	sdelay $0x1  }
0x82: {  	v3 =	vadd.s32 v1, v3;
	_ =	sdelay $0x2  }
0x83: {  	[tilespmem:s14], [sflag:$0x1] =	stream.indirect_vreg.gather [hbm4b:s1+s3], $0x80, v4, vm0, $0xb8;
	[tilespmem:$0x8080] =	vst v63  }
0x84: {  	_ = 	snop  }
0x85: {  	[tilespmem:s15], [sflag:$0x1] =	stream.indirect_vreg.gather [hbm4b:s1+s3], $0x80, v3, vm0, $0xb8;
	[tilespmem:$0x8080] =	vst v63  }
0x86: {  	v3 =	vld [tilespmem:$0x20];
	_ =	sdelay $0x4  }
0x87: {  	v50 =	vshll.u32 v3, $0x1  }
0x88: {  	v3 =	vand.u32 $0x7, v3;
	v4 =	vand.u32 $0xFFFFFFF0, v50  }
0x89: {  	v3 =	vor.u32 v3, v4  }
0x8a: {  	v4 =	vperm.xlane v3, v0;
	_ =	sdelay $0x1  }
0x8b: {  	v3 =	vperm.xlane v3, v2;
	v4 =	vadd.s32 v1, v4;
	_ =	sdelay $0x1  }
0x8c: {  	v3 =	vadd.s32 v1, v3;
	_ =	sdelay $0x2  }
0x8d: {  	[tilespmem:s16], [sflag:$0x1] =	stream.indirect_vreg.gather [hbm4b:s1+s3], $0x80, v4, vm0, $0xb8;
	[tilespmem:$0x8080] =	vst v63  }
0x8e: {  	_ = 	snop  }
0x8f: {  	[tilespmem:s17], [sflag:$0x1] =	stream.indirect_vreg.gather [hbm4b:s1+s3], $0x80, v3, vm0, $0xb8;
	[tilespmem:$0x8080] =	vst v63  }
0x90: {  	v3 =	vld [tilespmem:$0x30];
	_ =	sdelay $0x4  }
0x91: {  	v51 =	vshll.u32 v3, $0x1  }
0x92: {  	v3 =	vand.u32 $0x7, v3;
	v4 =	vand.u32 $0xFFFFFFF0, v51  }
0x93: {  	v3 =	vor.u32 v3, v4  }
0x94: {  	v4 =	vperm.xlane v3, v0;
	_ =	sdelay $0x1  }
0x95: {  	v3 =	vperm.xlane v3, v2;
	v4 =	vadd.s32 v1, v4;
	_ =	sdelay $0x1  }
0x96: {  	v3 =	vadd.s32 v1, v3;
	_ =	sdelay $0x2  }
0x97: {  	[tilespmem:s18], [sflag:$0x1] =	stream.indirect_vreg.gather [hbm4b:s1+s3], $0x80, v4, vm0, $0xb8;
	[tilespmem:$0x8080] =	vst v63  }
0x98: {  	_ = 	snop  }
0x99: {  	[tilespmem:s19], [sflag:$0x1] =	stream.indirect_vreg.gather [hbm4b:s1+s3], $0x80, v3, vm0, $0xb8;
	[tilespmem:$0x8080] =	vst v63  }
0x9a: {  	v3 =	vld [tilespmem:$0x40];
	_ =	sdelay $0x4  }
0x9b: {  	v52 =	vshll.u32 v3, $0x1  }
0x9c: {  	v3 =	vand.u32 $0x7, v3;
	v4 =	vand.u32 $0xFFFFFFF0, v52  }
0x9d: {  	v3 =	vor.u32 v3, v4  }
0x9e: {  	v4 =	vperm.xlane v3, v0;
	_ =	sdelay $0x1  }
0x9f: {  	v3 =	vperm.xlane v3, v2;
	v4 =	vadd.s32 v1, v4;
	_ =	sdelay $0x1  }
0xa0: {  	v3 =	vadd.s32 v1, v3;
	_ =	sdelay $0x2  }
0xa1: {  	[tilespmem:s20], [sflag:$0x1] =	stream.indirect_vreg.gather [hbm4b:s1+s3], $0x80, v4, vm0, $0xb8;
	[tilespmem:$0x8080] =	vst v63  }
0xa2: {  	_ = 	snop  }
0xa3: {  	[tilespmem:s21], [sflag:$0x1] =	stream.indirect_vreg.gather [hbm4b:s1+s3], $0x80, v3, vm0, $0xb8;
	[tilespmem:$0x8080] =	vst v63  }
0xa4: {  	v3 =	vld [tilespmem:$0x50];
	_ =	sdelay $0x4  }
0xa5: {  	v53 =	vshll.u32 v3, $0x1  }
0xa6: {  	v3 =	vand.u32 $0x7, v3;
	v4 =	vand.u32 $0xFFFFFFF0, v53  }
0xa7: {  	v3 =	vor.u32 v3, v4  }
0xa8: {  	v4 =	vperm.xlane v3, v0;
	_ =	sdelay $0x1  }
0xa9: {  	v3 =	vperm.xlane v3, v2;
	v4 =	vadd.s32 v1, v4;
	_ =	sdelay $0x1  }
0xaa: {  	v3 =	vadd.s32 v1, v3;
	_ =	sdelay $0x2  }
0xab: {  	[tilespmem:s22], [sflag:$0x1] =	stream.indirect_vreg.gather [hbm4b:s1+s3], $0x80, v4, vm0, $0xb8;
	[tilespmem:$0x8080] =	vst v63  }
0xac: {  	_ = 	snop  }
0xad: {  	[tilespmem:s23], [sflag:$0x1] =	stream.indirect_vreg.gather [hbm4b:s1+s3], $0x80, v3, vm0, $0xb8;
	[tilespmem:$0x8080] =	vst v63  }
0xae: {  	v3 =	vld [tilespmem:$0x60];
	_ =	sdelay $0x4  }
0xaf: {  	v54 =	vshll.u32 v3, $0x1  }
0xb0: {  	v3 =	vand.u32 $0x7, v3;
	v4 =	vand.u32 $0xFFFFFFF0, v54  }
0xb1: {  	v3 =	vor.u32 v3, v4  }
0xb2: {  	v4 =	vperm.xlane v3, v0;
	_ =	sdelay $0x1  }
0xb3: {  	v3 =	vperm.xlane v3, v2;
	v4 =	vadd.s32 v1, v4;
	_ =	sdelay $0x1  }
0xb4: {  	v3 =	vadd.s32 v1, v3;
	_ =	sdelay $0x2  }
0xb5: {  	[tilespmem:s24], [sflag:$0x1] =	stream.indirect_vreg.gather [hbm4b:s1+s3], $0x80, v4, vm0, $0xb8;
	[tilespmem:$0x8080] =	vst v63  }
0xb6: {  	_ = 	snop  }
0xb7: {  	[tilespmem:s25], [sflag:$0x1] =	stream.indirect_vreg.gather [hbm4b:s1+s3], $0x80, v3, vm0, $0xb8;
	[tilespmem:$0x8080] =	vst v63  }
0xb8: {  	v3 =	vld [tilespmem:$0x70];
	_ =	sdelay $0x4  }
0xb9: {  	v55 =	vshll.u32 v3, $0x1  }
0xba: {  	v3 =	vand.u32 $0x7, v3;
	v4 =	vand.u32 $0xFFFFFFF0, v55  }
0xbb: {  	v3 =	vor.u32 v3, v4  }
0xbc: {  	v4 =	vperm.xlane v3, v0;
	_ =	sdelay $0x1  }
0xbd: {  	v3 =	vperm.xlane v3, v2;
	v4 =	vadd.s32 v1, v4;
	_ =	sdelay $0x1  }
0xbe: {  	v3 =	vadd.s32 v1, v3;
	_ =	sdelay $0x2  }
0xbf: {  	[tilespmem:s26], [sflag:$0x1] =	stream.indirect_vreg.gather [hbm4b:s1+s3], $0x80, v4, vm0, $0xb8;
	[tilespmem:$0x8080] =	vst v63  }
0xc0: {  	_ = 	snop  }
0xc1: {  	[tilespmem:s28], [sflag:$0x1] =	stream.indirect_vreg.gather [hbm4b:s1+s3], $0x80, v3, vm0, $0xb8;
	[tilespmem:$0x8080] =	vst v63  }
0xc2: {  	_ =	swait.ge [sflag:s29], $0x8000  }
0xc3: {  	[sflag:s29] =	ssyncset.done $0x0  }
0xc4: {  	[sflag:s29] =	ssyncadd.s32 $0xFFFF8000  }
0xc5: {  	[hbm4b:s7+s3] =	stream.linear.scatter [tilespmem:s12], [sflag:$0x2], $0x8000, $0x38;
	[tilespmem:$0x8080] =	vst v63  }
0xc6: {  	_ =	swait.ge [sflag:s11], $0x8000  }
0xc7: {  	[sflag:s11] =	ssyncset.done $0x0  }
0xc8: {  	[sflag:s11] =	ssyncadd.s32 $0xFFFF8000  }
0xc9: {  	[tilespmem:s3], [sflag:$0x2] =	stream.linear.gather [hbm4b:s8+s3], $0x80, $0x38;
	[tilespmem:$0x8080] =	vst v63  }
0xca: {  	_ =	swait.ge [sflag:s11], $0x80  }
0xcb: {  	[sflag:s11] =	ssyncset.done $0x0  }
0xcc: {  	[sflag:s11] =	ssyncadd.s32 $0xFFFFFF80  }
0xcd: {  	v3 =	vld [tilespmem:$0x0];
	_ =	sdelay $0x4  }
0xce: {  	v56 =	vshll.u32 v3, $0x1  }
0xcf: {  	v3 =	vand.u32 $0x7, v3;
	v4 =	vand.u32 $0xFFFFFFF0, v56  }
0xd0: {  	v3 =	vor.u32 v3, v4  }
0xd1: {  	v4 =	vperm.xlane v3, v0;
	_ =	sdelay $0x1  }
0xd2: {  	v3 =	vperm.xlane v3, v2;
	v4 =	vadd.s32 v1, v4;
	_ =	sdelay $0x1  }
0xd3: {  	v3 =	vadd.s32 v1, v3;
	_ =	sdelay $0x2  }
0xd4: {  	[tilespmem:s12], [sflag:$0x1] =	stream.indirect_vreg.gather [hbm4b:s1+s3], $0x80, v4, vm0, $0xb8;
	[tilespmem:$0x8080] =	vst v63  }
0xd5: {  	_ = 	snop  }
0xd6: {  	[tilespmem:s13], [sflag:$0x1] =	stream.indirect_vreg.gather [hbm4b:s1+s3], $0x80, v3, vm0, $0xb8;
	[tilespmem:$0x8080] =	vst v63  }
0xd7: {  	v3 =	vld [tilespmem:$0x10];
	_ =	sdelay $0x4  }
0xd8: {  	v57 =	vshll.u32 v3, $0x1  }
0xd9: {  	v3 =	vand.u32 $0x7, v3;
	v4 =	vand.u32 $0xFFFFFFF0, v57  }
0xda: {  	v3 =	vor.u32 v3, v4  }
0xdb: {  	v4 =	vperm.xlane v3, v0;
	_ =	sdelay $0x1  }
0xdc: {  	v3 =	vperm.xlane v3, v2;
	v4 =	vadd.s32 v1, v4;
	_ =	sdelay $0x1  }
0xdd: {  	v3 =	vadd.s32 v1, v3;
	_ =	sdelay $0x2  }
0xde: {  	[tilespmem:s14], [sflag:$0x1] =	stream.indirect_vreg.gather [hbm4b:s1+s3], $0x80, v4, vm0, $0xb8;
	[tilespmem:$0x8080] =	vst v63  }
0xdf: {  	_ = 	snop  }
0xe0: {  	[tilespmem:s15], [sflag:$0x1] =	stream.indirect_vreg.gather [hbm4b:s1+s3], $0x80, v3, vm0, $0xb8;
	[tilespmem:$0x8080] =	vst v63  }
0xe1: {  	v3 =	vld [tilespmem:$0x20];
	_ =	sdelay $0x4  }
0xe2: {  	v58 =	vshll.u32 v3, $0x1  }
0xe3: {  	v3 =	vand.u32 $0x7, v3;
	v4 =	vand.u32 $0xFFFFFFF0, v58  }
0xe4: {  	v3 =	vor.u32 v3, v4  }
0xe5: {  	v4 =	vperm.xlane v3, v0;
	_ =	sdelay $0x1  }
0xe6: {  	v3 =	vperm.xlane v3, v2;
	v4 =	vadd.s32 v1, v4;
	_ =	sdelay $0x1  }
0xe7: {  	v3 =	vadd.s32 v1, v3;
	_ =	sdelay $0x2  }
0xe8: {  	[tilespmem:s16], [sflag:$0x1] =	stream.indirect_vreg.gather [hbm4b:s1+s3], $0x80, v4, vm0, $0xb8;
	[tilespmem:$0x8080] =	vst v63  }
0xe9: {  	_ = 	snop  }
0xea: {  	[tilespmem:s17], [sflag:$0x1] =	stream.indirect_vreg.gather [hbm4b:s1+s3], $0x80, v3, vm0, $0xb8;
	[tilespmem:$0x8080] =	vst v63  }
0xeb: {  	v3 =	vld [tilespmem:$0x30];
	_ =	sdelay $0x4  }
0xec: {  	v59 =	vshll.u32 v3, $0x1  }
0xed: {  	v3 =	vand.u32 $0x7, v3;
	v4 =	vand.u32 $0xFFFFFFF0, v59  }
0xee: {  	v3 =	vor.u32 v3, v4  }
0xef: {  	v4 =	vperm.xlane v3, v0;
	_ =	sdelay $0x1  }
0xf0: {  	v3 =	vperm.xlane v3, v2;
	v4 =	vadd.s32 v1, v4;
	_ =	sdelay $0x1  }
0xf1: {  	v3 =	vadd.s32 v1, v3;
	_ =	sdelay $0x2  }
0xf2: {  	[tilespmem:s18], [sflag:$0x1] =	stream.indirect_vreg.gather [hbm4b:s1+s3], $0x80, v4, vm0, $0xb8;
	[tilespmem:$0x8080] =	vst v63  }
0xf3: {  	_ = 	snop  }
0xf4: {  	[tilespmem:s19], [sflag:$0x1] =	stream.indirect_vreg.gather [hbm4b:s1+s3], $0x80, v3, vm0, $0xb8;
	[tilespmem:$0x8080] =	vst v63  }
0xf5: {  	v3 =	vld [tilespmem:$0x40];
	_ =	sdelay $0x4  }
0xf6: {  	v60 =	vshll.u32 v3, $0x1  }
0xf7: {  	v3 =	vand.u32 $0x7, v3;
	v4 =	vand.u32 $0xFFFFFFF0, v60  }
0xf8: {  	v3 =	vor.u32 v3, v4  }
0xf9: {  	v4 =	vperm.xlane v3, v0;
	_ =	sdelay $0x1  }
0xfa: {  	v3 =	vperm.xlane v3, v2;
	v4 =	vadd.s32 v1, v4;
	_ =	sdelay $0x1  }
0xfb: {  	v3 =	vadd.s32 v1, v3;
	_ =	sdelay $0x2  }
0xfc: {  	[tilespmem:s20], [sflag:$0x1] =	stream.indirect_vreg.gather [hbm4b:s1+s3], $0x80, v4, vm0, $0xb8;
	[tilespmem:$0x8080] =	vst v63  }
0xfd: {  	_ = 	snop  }
0xfe: {  	[tilespmem:s21], [sflag:$0x1] =	stream.indirect_vreg.gather [hbm4b:s1+s3], $0x80, v3, vm0, $0xb8;
	[tilespmem:$0x8080] =	vst v63  }
0xff: {  	v3 =	vld [tilespmem:$0x50];
	_ =	sdelay $0x4  }
0x100: {  	v61 =	vshll.u32 v3, $0x1  }
0x101: {  	v3 =	vand.u32 $0x7, v3;
	v4 =	vand.u32 $0xFFFFFFF0, v61  }
0x102: {  	v3 =	vor.u32 v3, v4  }
0x103: {  	v4 =	vperm.xlane v3, v0;
	_ =	sdelay $0x1  }
0x104: {  	v3 =	vperm.xlane v3, v2;
	v4 =	vadd.s32 v1, v4;
	_ =	sdelay $0x1  }
0x105: {  	v3 =	vadd.s32 v1, v3;
	_ =	sdelay $0x2  }
0x106: {  	[tilespmem:s22], [sflag:$0x1] =	stream.indirect_vreg.gather [hbm4b:s1+s3], $0x80, v4, vm0, $0xb8;
	[tilespmem:$0x8080] =	vst v63  }
0x107: {  	_ = 	snop  }
0x108: {  	[tilespmem:s23], [sflag:$0x1] =	stream.indirect_vreg.gather [hbm4b:s1+s3], $0x80, v3, vm0, $0xb8;
	[tilespmem:$0x8080] =	vst v63  }
0x109: {  	v3 =	vld [tilespmem:$0x60];
	_ =	sdelay $0x4  }
0x10a: {  	v62 =	vshll.u32 v3, $0x1  }
0x10b: {  	v3 =	vand.u32 $0x7, v3;
	v4 =	vand.u32 $0xFFFFFFF0, v62  }
0x10c: {  	v3 =	vor.u32 v3, v4  }
0x10d: {  	v4 =	vperm.xlane v3, v0;
	_ =	sdelay $0x1  }
0x10e: {  	v3 =	vperm.xlane v3, v2;
	v4 =	vadd.s32 v1, v4;
	_ =	sdelay $0x1  }
0x10f: {  	v3 =	vadd.s32 v1, v3;
	_ =	sdelay $0x2  }
0x110: {  	[tilespmem:s24], [sflag:$0x1] =	stream.indirect_vreg.gather [hbm4b:s1+s3], $0x80, v4, vm0, $0xb8;
	[tilespmem:$0x8080] =	vst v63  }
0x111: {  	_ = 	snop  }
0x112: {  	[tilespmem:s25], [sflag:$0x1] =	stream.indirect_vreg.gather [hbm4b:s1+s3], $0x80, v3, vm0, $0xb8;
	[tilespmem:$0x8080] =	vst v63  }
0x113: {  	v3 =	vld [tilespmem:$0x70];
	_ =	sdelay $0x4  }
0x114: {  	v63 =	vshll.u32 v3, $0x1  }
0x115: {  	v3 =	vand.u32 $0x7, v3;
	v4 =	vand.u32 $0xFFFFFFF0, v63  }
0x116: {  	v3 =	vor.u32 v3, v4  }
0x117: {  	v4 =	vperm.xlane v3, v0;
	_ =	sdelay $0x1  }
0x118: {  	v3 =	vperm.xlane v3, v2;
	v4 =	vadd.s32 v1, v4;
	_ =	sdelay $0x1  }
0x119: {  	v3 =	vadd.s32 v1, v3;
	_ =	sdelay $0x2  }
0x11a: {  	[tilespmem:s26], [sflag:$0x1] =	stream.indirect_vreg.gather [hbm4b:s1+s3], $0x80, v4, vm0, $0xb8;
	[tilespmem:$0x8080] =	vst v63  }
0x11b: {  	_ = 	snop  }
0x11c: {  	[tilespmem:s28], [sflag:$0x1] =	stream.indirect_vreg.gather [hbm4b:s1+s3], $0x80, v3, vm0, $0xb8;
	[tilespmem:$0x8080] =	vst v63  }
0x11d: {  	_ =	swait.ge [sflag:s29], $0x8000  }
0x11e: {  	p0 =	sne.s32 s10, $0x1;
	[sflag:s29] =	ssyncset.done $0x0  }
.Ltmp0:
0x11f: {  	[sflag:s29] =	ssyncadd.s32 $0xFFFF8000;
	(pc) =	sbr.rel @p0 .LBB2_1-.Ltmp0, $4  }
0x120: {  	[hbm4b:s9+s3] =	stream.linear.scatter [tilespmem:s12], [sflag:$0x2], $0x8000, $0x38;
	[tilespmem:$0x8080] =	vst v63  }
0x121: {  	_ =	swait.ge [sflag:s11], $0x8000  }
0x122: {  	[sflag:s11] =	ssyncset.done $0x0  }
0x123: {  	s10 =	sadd.s32 $0xFFFFFFFF, s10;
	[sflag:s11] =	ssyncadd.s32 $0xFFFF8000  }
0x124: {  	_ =	sfence.sel $0x180000  }
0x125: {  	[bflag:$0x0] =	sbarrier.arrive $0xFFFF  }
0x126: {  	p0 =	sne.s32 s2, $0x0;
	_ =	strace $0x9000004D  }
0x127: {  	s0 =	sadd.s32 @!p0 $0x100000, s0;
	[bflag:$0x2] =	sbarrier.arrive $0xFFFF  }
0x128: {  	[sflag:s0] =	ssyncadd.tile.s32 @!p0 $0x1;
	_ =	shalt  }
.Lfunc_end2:
_tile_overlayer_lowered:
.L_overlay_start_2:
0x129: {  	(tag) =	ssettag $0x2  }
0x12a: {  	s0 =	rddreg [dreg:$0x0];
	s2 =	stileid.u32  }
0x12b: {  	s1 =	rddreg [dreg:$0x1];
	p0 =	sne.s32 s2, $0x0  }
0x12c: {  	s3 =	rddreg [dreg:$0x2];
	[bflag:$0x3] =	sbarrier.arrive $0xFFFF;
	s2 =	simm.s32 @!p0 $0x1C02  }
0x12d: {  	[timem:s3], [sflag:s2] =	dma.local @!p0 [hbm:s0], s1  }
0x12e: {  	s0 =	simm.s32 @!p0 $0x2  }
0x12f: {  	_ =	swait.ge @!p0 [sflag:s0], s1  }
0x130: {  	s1 =	ssub.s32 @!p0 $0x0, s1;
	[sflag:s0] =	ssyncset.done @!p0 $0x0  }
0x131: {  	[sflag:s0] =	ssyncadd.s32 @!p0 s1  }
0x132: {  	[bflag:$0x3] =	sbarrier.arrive $0xFFFF  }
0x133: {  	_ =	shalt  }

// kernel: kernel.27.cloned.1.call-start
scs
__scs_entry_jumppad:
0x0: {  	(pc) =	sbr.rel $0x88, $3  }
0x1: {  	(tag) =	ssettag $0x0;
	lr =	simm.s32 $0x1  }
0x2: {  	[smem:$0x3F79] =	sst lr;
	_ =	strace $0xD0000000  }
0x3: {  	_ = 	snop  }
0x4: {  	_ = 	snop  }
0x5: {  	_ = 	snop  }
0x6: {  	_ = 	snop  }
0x7: {  	_ = 	snop  }
__scs_overlays_trampoline_lowered:
0x8: {  	[smem:$0x3F88] =	sst s0  }
0x9: {  	[smem:$0x3F89] =	sst s1  }
0xa: {  	[smem:$0x3F8A] =	sst s2  }
0xb: {  	[smem:$0x3F8B] =	sst s3  }
0xc: {  	[smem:$0x3F8C] =	sst s4  }
0xd: {  	[smem:$0x3F8D] =	sst s5  }
0xe: {  	[smem:$0x3F8E] =	sst s6  }
0xf: {  	[smem:$0x3F8F] =	sst s7  }
0x10: {  	[smem:$0x3F90] =	sst s8  }
0x11: {  	[smem:$0x3F91] =	sst s9;
	s0 =	simm.s32 @!p0 $0x0  }
0x12: {  	s1 =	sld [smem:$0x3F77];
	s0 =	simm.s32 @p0 $0x1  }
0x13: {  	[smem:$0x3F92] =	sst s0;
	s0 =	simm.s32 @!p1 $0x0  }
0x14: {  	s2 =	sld [smem:$0x3F76];
	s0 =	simm.s32 @p1 $0x1  }
0x15: {  	[smem:$0x3F93] =	sst s0;
	s0 =	simm.s32 @!p2 $0x0  }
0x16: {  	s3 =	sld [smem:$0x3FDB];
	s0 =	simm.s32 @p2 $0x1  }
0x17: {  	s4 =	simm.s32 $0x1BF5;
	[smem:$0x3F95] =	sst s0  }
0x18: {  	s0 =	sld [smem:$0x3F78];
	_ =	swait.ge [sflag:s4], $0x0  }
0x19: {  	s7 =	sld [smem:$0x3F79]  }
0x1a: {  	s8 =	sadd.s32 $0xFFFFE003, lr  }
0x1b: {  	s9 =	sadd.s32 $0xFFFFFEF7, lr;
	s5 =	simm.s32 $0xFFFFFFFF;
	p2 =	slt.u32 s8, $0xFFFFF086  }
0x1c: {  	p1 =	slt.u32 s9, $0xF7A;
	s5 =	simm.s32 @!p2 $0x0  }
0x1d: {  	s5 =	simm.s32 @p1 $0x1;
	p0 =	seq.s32 s7, s2  }
0x1e: {  	s7 =	smul.u32 @!p0 $0xF7A, s2;
	p2 =	seq.s32 @!p0 s5, $0x0  }
0x1f: {  	s9 =	smul.u32 $0xF7A, s1;
	s8 =	simm.s32 @!p0 $0x1BF5;
	p2 =	por !p2, p0  }
0x20: {  	[sflag:s8] =	ssyncset.s32 @!p0 $0xFFFFF086;
	s6 =	sadd.s32 @!p0 s3, s7;
	s7 =	simm.s32 @!p0 $0x108  }
0x21: {  	s3 =	sadd.s32 s3, s9;
	s6 =	sadd.s32 @!p0 $0x88, s6;
	s7 =	simm.s32 @p2 $0x1082  }
0x22: {  	[simem:s7], [sflag:s8] =	dma.local @!p0 [hbm:s6], $0xF7A  }
0x23: {  	s9 =	sor.u32 $0xD0000000, s2;
	s6 =	simm.s32 $0x108;
	_ =	swait.ge @!p0 [sflag:s8], $0x0  }
0x24: {  	s3 =	sadd.s32 $0x88, s3;
	s6 =	simm.s32 @!p1 $0x1082;
	[sflag:s4] =	ssyncset.s32 $0xFFFFF086  }
0x25: {  	[simem:s6], [sflag:s4] =	dma.local [hbm:s3], $0xF7A  }
0x26: {  	[smem:$0x3F79] =	sst s1;
	(tag) =	ssettag s2;
	_ =	strace s9  }
0x27: {  	s1 =	sld [smem:$0x3F89]  }
0x28: {  	s2 =	sld [smem:$0x3F8A]  }
0x29: {  	s4 =	sld [smem:$0x3F8C]  }
0x2a: {  	p0 =	seq.s32 s5, $0x0;
	s5 =	sld [smem:$0x3F8D]  }
0x2b: {  	s6 =	sld [smem:$0x3F8E]  }
0x2c: {  	s7 =	sld [smem:$0x3F8F]  }
0x2d: {  	s3 =	simm.s32 $0x108;
	s8 =	sld [smem:$0x3F90]  }
0x2e: {  	s3 =	simm.s32 @!p0 $0x1082;
	s9 =	sld [smem:$0x3F91]  }
0x2f: {  	lr =	sadd.s32 s0, s3;
	s0 =	sld [smem:$0x3F88]  }
0x30: {  	s3 =	sld [smem:$0x3F8B]  }
0x31: {  	[smem:$0x3F94] =	sst s10  }
0x32: {  	s10 =	sld [smem:$0x3F92];
	_ =	sdelay $0x3  }
0x33: {  	p0 =	seq.s32 s10, $0x1;
	s10 =	sld [smem:$0x3F94];
	_ =	sdelay $0x3  }
0x34: {  	[smem:$0x3F94] =	sst s10  }
0x35: {  	s10 =	sld [smem:$0x3F93];
	_ =	sdelay $0x3  }
0x36: {  	p1 =	seq.s32 s10, $0x1;
	s10 =	sld [smem:$0x3F94];
	_ =	sdelay $0x3  }
0x37: {  	[smem:$0x3F94] =	sst s10  }
0x38: {  	s10 =	sld [smem:$0x3F95]  }
0x39: {  	_ = 	snop;
	(pc) =	sbr.ind lr, $3  }
0x3a: {  	_ = 	snop  }
0x3b: {  	_ = 	snop  }
0x3c: {  	p2 =	seq.s32 s10, $0x1;
	s10 =	sld [smem:$0x3F94]  }
0x3d: {  	_ =	shalt  }
0x3e: {  	_ =	shalt  }
0x3f: {  	_ =	shalt  }
0x40: {  	_ =	shalt  }
0x41: {  	_ =	shalt  }
0x42: {  	_ =	shalt  }
0x43: {  	_ =	shalt  }
0x44: {  	_ =	shalt  }
0x45: {  	_ =	shalt  }
0x46: {  	_ =	shalt  }
0x47: {  	_ =	shalt  }
0x48: {  	_ =	shalt  }
0x49: {  	_ =	shalt  }
0x4a: {  	_ =	shalt  }
0x4b: {  	_ =	shalt  }
0x4c: {  	_ =	shalt  }
0x4d: {  	_ =	shalt  }
0x4e: {  	_ =	shalt  }
0x4f: {  	_ =	shalt  }
0x50: {  	_ =	shalt  }
0x51: {  	_ =	shalt  }
0x52: {  	_ =	shalt  }
0x53: {  	_ =	shalt  }
0x54: {  	_ =	shalt  }
0x55: {  	_ =	shalt  }
0x56: {  	_ =	shalt  }
0x57: {  	_ =	shalt  }
0x58: {  	_ =	shalt  }
0x59: {  	_ =	shalt  }
0x5a: {  	_ =	shalt  }
0x5b: {  	_ =	shalt  }
0x5c: {  	_ =	shalt  }
0x5d: {  	_ =	shalt  }
0x5e: {  	_ =	shalt  }
0x5f: {  	_ =	shalt  }
0x60: {  	_ =	shalt  }
0x61: {  	_ =	shalt  }
0x62: {  	_ =	shalt  }
0x63: {  	_ =	shalt  }
0x64: {  	_ =	shalt  }
0x65: {  	_ =	shalt  }
0x66: {  	_ =	shalt  }
0x67: {  	_ =	shalt  }
0x68: {  	_ =	shalt  }
0x69: {  	_ =	shalt  }
0x6a: {  	_ =	shalt  }
0x6b: {  	_ =	shalt  }
0x6c: {  	_ =	shalt  }
0x6d: {  	_ =	shalt  }
0x6e: {  	_ =	shalt  }
0x6f: {  	_ =	shalt  }
0x70: {  	_ =	shalt  }
0x71: {  	_ =	shalt  }
0x72: {  	_ =	shalt  }
0x73: {  	_ =	shalt  }
0x74: {  	_ =	shalt  }
0x75: {  	_ =	shalt  }
0x76: {  	_ =	shalt  }
0x77: {  	_ =	shalt  }
0x78: {  	_ =	shalt  }
0x79: {  	_ =	shalt  }
0x7a: {  	_ =	shalt  }
0x7b: {  	_ =	shalt  }
0x7c: {  	_ =	shalt  }
0x7d: {  	_ =	shalt  }
0x7e: {  	_ =	shalt  }
0x7f: {  	_ =	shalt  }
0x80: {  	_ =	shalt  }
0x81: {  	_ =	shalt  }
0x82: {  	_ =	shalt  }
0x83: {  	_ =	shalt  }
0x84: {  	_ =	shalt  }
0x85: {  	_ =	shalt  }
0x86: {  	_ =	shalt  }
0x87: {  	_ =	shalt  }
.Lfunc_end0:
.L_simem_size_0:
called_computation.3_lowered:
.L_overlay_start_0:
0x88: {  	s2 =	sld [smem:$0x3FD9]  }
0x89: {  	s3 =	sld [smem:$0x3FFE];
	_ =	sdelay $0x1  }
0x8a: {  	s1 =	srdreg.scid  }
0x8b: {  	s0 =	sand.u32 $0x1, s1  }
0x8c: {  	s16 =	sshll.u32 s0, $0xA;
	s2 =	sadd.s32 s3, s2  }
0x8d: {  	s2 =	sadd.s32 s2, s16  }
0x8e: {  	[smem:$0x3FA0] =	sst s2  }
0x8f: {  	_ = 	snop  }
0x90: {  	(tm) =	ssettm $0x1  }
0x91: {  	s17 =	sld [smem:$0x3FFB];
	_ =	sdelay $0x3  }
0x92: {  	_ =	strace s17  }
0x93: {  	s2 =	sld [smem:$0x3FFC];
	_ =	sdelay $0x3  }
0x94: {  	_ =	strace s2  }
0x95: {  	s2 =	sld [smem:$0x3FFD];
	_ =	sdelay $0x3  }
0x96: {  	_ =	strace s2  }
0x97: {  	_ =	strace $0x8FFFFFFF  }
0x98: {  	s18 =	sld [smem:$0x3FDB];
	_ =	sdelay $0x1  }
0x99: {  	s19 =	simm.s32 $_scs_section_size  }
0x9a: {  	s4 =	simm.s32 $_size__tile_overlayer_lowered;
	s5 =	simm.s32 $_tile_overlayer_lowered  }
0x9b: {  	s22 =	simm.s32 $0x1BFF;
	s21 =	sshll.u32 s5, $0x1;
	s2 =	sadd.s32 s19, s18  }
0x9c: {  	s6 =	simm.s32 $0x0;
	s20 =	sshll.u32 s4, $0x1;
	s4 =	sadd.s32 s21, s2  }
0x9d: {  	[timem:s6], [sflag:s22] =	dma.local [hbm:s4], s20  }
0x9e: {  	_ =	swait.ge [sflag:s22], s20  }
0x9f: {  	s3 =	ssub.s32 $0x0, s20;
	[sflag:s22] =	ssyncset.done $0x0  }
0xa0: {  	[sflag:s22] =	ssyncadd.s32 s3;
	_ =	sdelay $0x1  }
0xa1: {  	s23 =	simm.s32 $0x1B8B  }
0xa2: {  	_ =	swait.ge [sflag:s23], $0x1  }
0xa3: {  	[sflag:s23] =	ssyncset.done $0x0  }
0xa4: {  	s25 =	simm.s32 $0x1B8E;
	s24 =	sld [smem:$0x3FFE];
	[sflag:s23] =	ssyncadd.s32 $0xFFFFFFFF  }
0xa5: {  	s26 =	simm.s32 $execute0_lowered;
	[smem:$0x3FD2] =	sst s25  }
0xa6: {  	s4 =	sshll.u32 s26, $0x1;
	_ =	strace $0x8000004F;
	[dreg:$0x1] =	wrdreg $0xFFFFFFFF  }
0xa7: {  	s28 =	simm.s32 $_size_execute0_lowered;
	s2 =	sadd.s32 s2, s4;
	[dreg:$0x0] =	wrdreg $0x0  }
0xa8: {  	s4 =	sshll.u32 s28, $0x1;
	[dreg:$0x2] =	wrdreg s2  }
0xa9: {  	[dreg:$0x3] =	wrdreg s4  }
0xaa: {  	[dreg:$0x4] =	wrdreg $0xC0  }
0xab: {  	_ =	task [dreg:s6], $0x5FFFF  }
0xac: {  	[dreg:$0x1] =	wrdreg $0xFFFFFFFF  }
0xad: {  	[dreg:$0x0] =	wrdreg $0x60  }
0xae: {  	[dreg:$0x2] =	wrdreg s24  }
0xaf: {  	[dreg:$0x3] =	wrdreg $0x9  }
0xb0: {  	_ =	task.clear_ibuf [dreg:s6], $0x4FFFF;
	_ =	strace $0x9000004F  }
0xb1: {  	s29 =	simm.s32 $0x9;
	_ =	strace $0x80000051  }
0xb2: {  	_ =	swait.ge [sflag:s29], $0x1  }
0xb3: {  	[sflag:s29] =	ssyncadd.s32 $0xFFFFFFFF  }
0xb4: {  	_ =	strace $0x90000051  }
0xb5: {  	_ =	sfence  }
0xb6: {  	s30 =	sld [smem:$0x0];
	_ =	sdelay $0x2  }
0xb7: {  	s31 =	sshll.u32 s1, $0xD;
	s1 =	sshrl.u32 s1, $0x2  }
0xb8: {  	s3 =	sand.u32 $0x4000, s31;
	s1 =	sadd.s32 s1, s30  }
0xb9: {  	s0 =	sor.u32 s3, s0;
	s1 =	sshll.u32 s1, $0x11  }
0xba: {  	s0 =	sor.u32 s1, s0  }
0xbb: {  	s0 =	sadd.s32 $0x8F2B, s0  }
0xbc: {  	[sflag:s0] =	ssyncadd.remote.s32 $0x1  }
0xbd: {  	_ =	sfence.sel $0xFFFF  }
0xbe: {  	[dreg:$0x0] =	wrdreg $0xFFFFFFFF;
	(pc) =	sbr.abs _section_cstart, $3  }
0xbf: {  	[dreg:$0x1] =	wrdreg $0xFFFFFFFF  }
0xc0: {  	_ =	task.clear_ibuf [dreg:s6], $0x2FFFF;
	_ =	strace $0x9FFFFFFF  }
0xc1: {  	(tm) =	ssettm $0x7FFFFFFF  }
tec
execute0_lowered:
.L_overlay_start_1:
0x0: {  	(tag) =	ssettag $0x1  }
0x1: {  	s1 =	srdreg.scid;
	s0 =	stileid.u32  }
0x2: {  	s12 =	sand.u32 $0x1, s1;
	s28 =	sshll.u32 s0, $0x1  }
0x3: {  	s8 =	sor.u32 s12, s28  }
0x4: {  	s9 =	rddreg [dreg:$0x0];
	s11 =	smul.u32 $0x600, s8  }
0x5: {  	s2 =	simm.s32 $0x0;
	s1 =	rddreg [dreg:$0x1]  }
0x6: {  	[smem:$0x7FF] =	sst s2;
	s13 =	sadd.s32 $0x58C00, s9;
	s3 =	sshrl.u32 s11, $0x3  }
0x7: {  	_ =	strace $0x80000050;
	s4 =	sadd.s32 s13, s3;
	s3 =	simm.s32 $0x2  }
0x8: {  	[tilespmem:s2], [sflag:$0x2] =	stream.linear.gather [hbm4b:s4+s2], $0x200, $0x38;
	[tilespmem:$0x10200] =	vst v63  }
0x9: {  	_ =	swait.ge [sflag:s3], $0x200  }
0xa: {  	s6 =	simm.s32 $0x200;
	[sflag:s3] =	ssyncset.done $0x0  }
0xb: {  	s7 =	simm.s32 $0x1;
	s5 =	sadd.s32 $0x8800, s9;
	[sflag:s3] =	ssyncadd.s32 $0xFFFFFE00  }
0xc: {  	[tilespmem:s6], [sflag:$0x1] =	stream.indirect.gather [hbm4b:s5+s6], $0x80, s2, s6, $0xb8;
	[tilespmem:$0x10200] =	vst v63  }
0xd: {  	s8 =	smul.u32 $0x6000, s8;
	_ =	swait.ge [sflag:s7], $0x10000  }
0xe: {  	s14 =	sadd.s32 $0xA9000, s9;
	[sflag:s7] =	ssyncset.done $0x0  }
0xf: {  	s8 =	sadd.s32 s14, s8;
	[sflag:s7] =	ssyncadd.s32 $0xFFFF0000  }
0x10: {  	[hbm4b:s8+s2] =	stream.linear.scatter [tilespmem:s6], [sflag:$0x2], $0x10000, $0x38;
	[tilespmem:$0x10200] =	vst v63  }
0x11: {  	s10 =	sadd.s32 $0x200, s11;
	_ =	swait.ge [sflag:s3], $0x10000  }
0x12: {  	s29 =	sshrl.u32 s10, $0x3;
	[sflag:s3] =	ssyncset.done $0x0  }
0x13: {  	s9 =	sadd.s32 s13, s29;
	[sflag:s3] =	ssyncadd.s32 $0xFFFF0000  }
0x14: {  	[tilespmem:s2], [sflag:$0x2] =	stream.linear.gather [hbm4b:s9+s2], $0x200, $0x38;
	[tilespmem:$0x10200] =	vst v63  }
0x15: {  	_ =	swait.ge [sflag:s3], $0x200  }
0x16: {  	[sflag:s3] =	ssyncset.done $0x0  }
0x17: {  	[sflag:s3] =	ssyncadd.s32 $0xFFFFFE00  }
0x18: {  	[tilespmem:s6], [sflag:$0x1] =	stream.indirect.gather [hbm4b:s5+s6], $0x80, s2, s6, $0xb8;
	[tilespmem:$0x10200] =	vst v63  }
0x19: {  	_ =	swait.ge [sflag:s7], $0x10000  }
0x1a: {  	s10 =	sshll.u32 s10, $0x4;
	[sflag:s7] =	ssyncset.done $0x0  }
0x1b: {  	s10 =	sadd.s32 s14, s10;
	[sflag:s7] =	ssyncadd.s32 $0xFFFF0000  }
0x1c: {  	[hbm4b:s10+s2] =	stream.linear.scatter [tilespmem:s6], [sflag:$0x2], $0x10000, $0x38;
	[tilespmem:$0x10200] =	vst v63  }
0x1d: {  	s15 =	sadd.s32 $0x400, s11;
	_ =	swait.ge [sflag:s3], $0x10000  }
0x1e: {  	s11 =	sshrl.u32 s15, $0x3;
	[sflag:s3] =	ssyncset.done $0x0  }
0x1f: {  	s12 =	ssub.s32 $0x2, s12;
	s11 =	sadd.s32 s13, s11;
	[sflag:s3] =	ssyncadd.s32 $0xFFFF0000  }
0x20: {  	[tilespmem:s2], [sflag:$0x2] =	stream.linear.gather [hbm4b:s11+s2], $0x200, $0x38;
	[tilespmem:$0x10200] =	vst v63  }
0x21: {  	s30 =	sshrl.u32 s12, $0x1;
	_ =	swait.ge [sflag:s3], $0x200  }
0x22: {  	s13 =	ssub.s32 s12, s30;
	[sflag:s3] =	ssyncset.done $0x0  }
0x23: {  	s13 =	smax.u32 s13, $0x1;
	[sflag:s3] =	ssyncadd.s32 $0xFFFFFE00  }
0x24: {  	[tilespmem:s6], [sflag:$0x1] =	stream.indirect.gather [hbm4b:s5+s6], $0x80, s2, s6, $0xb8;
	[tilespmem:$0x10200] =	vst v63  }
0x25: {  	p0 =	sne.s32 s13, $0x1;
	_ =	swait.ge [sflag:s7], $0x10000  }
.Ltmp0:
0x26: {  	s31 =	sshll.u32 s15, $0x4;
	[sflag:s7] =	ssyncset.done $0x0;
	(pc) =	sbr.rel @!p0 .LBB2_2-.Ltmp0, $4  }
0x27: {  	s12 =	sadd.s32 s14, s31;
	[sflag:s7] =	ssyncadd.s32 $0xFFFF0000  }
0x28: {  	[hbm4b:s12+s2] =	stream.linear.scatter [tilespmem:s6], [sflag:$0x2], $0x10000, $0x38;
	[tilespmem:$0x10200] =	vst v63  }
0x29: {  	_ =	swait.ge [sflag:s3], $0x10000  }
0x2a: {  	s13 =	sadd.s32 $0xFFFFFFFF, s13;
	[sflag:s3] =	ssyncset.done $0x0  }
.LBB2_1:
0x2b: {  	p0 =	sne.s32 s13, $0x1;
	s13 =	sadd.s32 $0xFFFFFFFF, s13;
	[sflag:s3] =	ssyncadd.s32 $0xFFFF0000  }
0x2c: {  	[tilespmem:s2], [sflag:$0x2] =	stream.linear.gather [hbm4b:s4+s2], $0x200, $0x38;
	[tilespmem:$0x10200] =	vst v63  }
0x2d: {  	_ =	swait.ge [sflag:s3], $0x200  }
0x2e: {  	[sflag:s3] =	ssyncset.done $0x0  }
0x2f: {  	[sflag:s3] =	ssyncadd.s32 $0xFFFFFE00  }
0x30: {  	[tilespmem:s6], [sflag:$0x1] =	stream.indirect.gather [hbm4b:s5+s6], $0x80, s2, s6, $0xb8;
	[tilespmem:$0x10200] =	vst v63  }
0x31: {  	_ =	swait.ge [sflag:s7], $0x10000  }
0x32: {  	[sflag:s7] =	ssyncset.done $0x0  }
0x33: {  	[sflag:s7] =	ssyncadd.s32 $0xFFFF0000  }
0x34: {  	[hbm4b:s8+s2] =	stream.linear.scatter [tilespmem:s6], [sflag:$0x2], $0x10000, $0x38;
	[tilespmem:$0x10200] =	vst v63  }
0x35: {  	_ =	swait.ge [sflag:s3], $0x10000  }
0x36: {  	[sflag:s3] =	ssyncset.done $0x0  }
0x37: {  	[sflag:s3] =	ssyncadd.s32 $0xFFFF0000  }
0x38: {  	[tilespmem:s2], [sflag:$0x2] =	stream.linear.gather [hbm4b:s9+s2], $0x200, $0x38;
	[tilespmem:$0x10200] =	vst v63  }
0x39: {  	_ =	swait.ge [sflag:s3], $0x200  }
0x3a: {  	[sflag:s3] =	ssyncset.done $0x0  }
0x3b: {  	[sflag:s3] =	ssyncadd.s32 $0xFFFFFE00  }
0x3c: {  	[tilespmem:s6], [sflag:$0x1] =	stream.indirect.gather [hbm4b:s5+s6], $0x80, s2, s6, $0xb8;
	[tilespmem:$0x10200] =	vst v63  }
0x3d: {  	_ =	swait.ge [sflag:s7], $0x10000  }
0x3e: {  	[sflag:s7] =	ssyncset.done $0x0  }
0x3f: {  	[sflag:s7] =	ssyncadd.s32 $0xFFFF0000  }
0x40: {  	[hbm4b:s10+s2] =	stream.linear.scatter [tilespmem:s6], [sflag:$0x2], $0x10000, $0x38;
	[tilespmem:$0x10200] =	vst v63  }
0x41: {  	_ =	swait.ge [sflag:s3], $0x10000  }
0x42: {  	[sflag:s3] =	ssyncset.done $0x0  }
0x43: {  	[sflag:s3] =	ssyncadd.s32 $0xFFFF0000  }
0x44: {  	[tilespmem:s2], [sflag:$0x2] =	stream.linear.gather [hbm4b:s11+s2], $0x200, $0x38;
	[tilespmem:$0x10200] =	vst v63  }
0x45: {  	_ =	swait.ge [sflag:s3], $0x200  }
0x46: {  	[sflag:s3] =	ssyncset.done $0x0  }
0x47: {  	[sflag:s3] =	ssyncadd.s32 $0xFFFFFE00  }
0x48: {  	[tilespmem:s6], [sflag:$0x1] =	stream.indirect.gather [hbm4b:s5+s6], $0x80, s2, s6, $0xb8;
	[tilespmem:$0x10200] =	vst v63  }
0x49: {  	_ =	swait.ge [sflag:s7], $0x10000  }
.Ltmp1:
0x4a: {  	[sflag:s7] =	ssyncset.done $0x0;
	(pc) =	sbr.rel @p0 .LBB2_1-.Ltmp1, $4  }
0x4b: {  	[sflag:s7] =	ssyncadd.s32 $0xFFFF0000  }
0x4c: {  	[hbm4b:s12+s2] =	stream.linear.scatter [tilespmem:s6], [sflag:$0x2], $0x10000, $0x38;
	[tilespmem:$0x10200] =	vst v63  }
0x4d: {  	_ =	swait.ge [sflag:s3], $0x10000  }
0x4e: {  	[sflag:s3] =	ssyncset.done $0x0  }
.LBB2_2:
0x4f: {  	[sflag:s3] =	ssyncadd.s32 $0xFFFF0000  }
0x50: {  	_ =	sfence.sel $0x180000  }
0x51: {  	[bflag:$0x0] =	sbarrier.arrive $0xFFFF  }
0x52: {  	p0 =	sne.s32 s0, $0x0;
	_ =	strace $0x90000050  }
0x53: {  	s0 =	sadd.s32 @!p0 $0x100000, s1;
	[bflag:$0x2] =	sbarrier.arrive $0xFFFF  }
0x54: {  	[sflag:s0] =	ssyncadd.tile.s32 @!p0 $0x1;
	_ =	shalt  }
.Lfunc_end2:
_tile_overlayer_lowered:
.L_overlay_start_2:
0x55: {  	(tag) =	ssettag $0x2  }
0x56: {  	s0 =	rddreg [dreg:$0x0];
	s2 =	stileid.u32  }
0x57: {  	s1 =	rddreg [dreg:$0x1];
	p0 =	sne.s32 s2, $0x0  }
0x58: {  	s3 =	rddreg [dreg:$0x2];
	[bflag:$0x3] =	sbarrier.arrive $0xFFFF;
	s2 =	simm.s32 @!p0 $0x1C02  }
0x59: {  	[timem:s3], [sflag:s2] =	dma.local @!p0 [hbm:s0], s1  }
0x5a: {  	s0 =	simm.s32 @!p0 $0x2  }
0x5b: {  	_ =	swait.ge @!p0 [sflag:s0], s1  }
0x5c: {  	s1 =	ssub.s32 @!p0 $0x0, s1;
	[sflag:s0] =	ssyncset.done @!p0 $0x0  }
0x5d: {  	[sflag:s0] =	ssyncadd.s32 @!p0 s1  }
0x5e: {  	[bflag:$0x3] =	sbarrier.arrive $0xFFFF  }
0x5f: {  	_ =	shalt  }

</sc_bundles>
